<compile_context>
chip_gen: v7x
topology: tpu7x:2x2x1
jax: 0.10.2.dev20260603
libtpu: 0.0.44.dev20260713+nightly
codegen_flags: <defaults>
</compile_context>

<pallas_src>
import functools

import jax
import jax.numpy as jnp
from jax import lax
from jax.experimental import pallas as pl
from jax.experimental.pallas import tpu as pltpu
from jax.experimental.pallas import tpu_sc as plsc

NUM_CORES = 2
NUM_SUBCORES = 16
LANES = 16
NUM_WORKERS = NUM_CORES * NUM_SUBCORES

BATCH = 16384
EMBED = 32
PACK = 128 // EMBED
B_PER_W = BATCH // NUM_WORKERS
CHUNK = 128
ID_ROWS = B_PER_W // CHUNK
HALF = B_PER_W // 2
HROWS = HALF // CHUNK


def _mf_body(uids_hbm, mids_hbm, ustage_hbm, mstage_hbm, out_hbm,
             uidv, midv, uix, mix, urows, mrows, outv, sem_u, sem_m):
  wid = lax.axis_index("s") * NUM_CORES + lax.axis_index("c")

  pltpu.sync_copy(uids_hbm.at[pl.ds(wid * ID_ROWS, ID_ROWS)], uidv)
  pltpu.sync_copy(mids_hbm.at[pl.ds(wid * ID_ROWS, ID_ROWS)], midv)

  def mkidx(r, _):
    for cc in range(CHUNK // LANES):
      col = cc * LANES
      uv = uidv[r, pl.ds(col, LANES)]
      mv = midv[r, pl.ds(col, LANES)]
      uix[r, pl.ds(col, LANES)] = ((uv >> 9) << 7) | (uv & 127)
      mix[r, pl.ds(col, LANES)] = ((mv >> 9) << 7) | (mv & 127)
    return 0

  lax.fori_loop(0, ID_ROWS, mkidx, 0)

  lane = lax.iota(jnp.int32, LANES)

  def run_pass(p, _):
    for rr in range(HROWS):
      pltpu.async_copy(
          ustage_hbm.at[uix.at[p * HROWS + rr]],
          urows.at[pl.ds(rr * CHUNK, CHUNK)], sem_u)
      pltpu.async_copy(
          mstage_hbm.at[mix.at[p * HROWS + rr]],
          mrows.at[pl.ds(rr * CHUNK, CHUNK)], sem_m)
    pltpu.make_async_copy(
        ustage_hbm.at[pl.ds(0, HALF)], urows, sem_u).wait()
    pltpu.make_async_copy(
        mstage_hbm.at[pl.ds(0, HALF)], mrows, sem_m).wait()

    def dot(g, _):
      b = p * HALF + g * LANES
      row = b // CHUNK
      col = b % CHUNK
      uvec = uidv[row, pl.ds(col, LANES)]
      mvec = midv[row, pl.ds(col, LANES)]
      acc = jnp.zeros((LANES,), jnp.float32)
      for k in range(LANES):
        e = g * LANES + k
        us = ((uvec[k] >> 7) & 3) * EMBED
        ms = ((mvec[k] >> 7) & 3) * EMBED
        u0 = urows[e, pl.ds(us, LANES)]
        u1 = urows[e, pl.ds(us + LANES, LANES)]
        m0 = mrows[e, pl.ds(ms, LANES)]
        m1 = mrows[e, pl.ds(ms + LANES, LANES)]
        s = u0 * m0 + u1 * m1
        tot = jnp.sum(s)
        acc = acc + jnp.where(lane == k, tot, jnp.float32(0))
      outv[pl.ds(b, LANES)] = acc
      return 0

    lax.fori_loop(0, HALF // LANES, dot, 0)
    return 0

  lax.fori_loop(0, 2, run_pass, 0)

  pltpu.sync_copy(outv, out_hbm.at[pl.ds(wid * B_PER_W, B_PER_W)])


RCW = 65536
QW = RCW // PACK


def _relayout_block(tab_ref, out_ref):
  x = tab_ref[...]
  for g in range(RCW // 512):
    base = g * 512
    y = jnp.concatenate(
        [x[:, base + a * 128:base + (a + 1) * 128] for a in range(PACK)],
        axis=0)
    out_ref[pl.ds(g * 128, 128), :] = jnp.transpose(y, (1, 0))


def _relayout(tab_t):
  n = tab_t.shape[1]
  grid = (n + RCW - 1) // RCW
  return pl.pallas_call(
      _relayout_block,
      grid=(grid,),
      in_specs=[pl.BlockSpec((EMBED, RCW), lambda i: (0, i))],
      out_specs=pl.BlockSpec((QW, 128), lambda i: (i, 0)),
      out_shape=jax.ShapeDtypeStruct((grid * QW, 128), jnp.float32),
  )(tab_t)


@jax.jit
def _mf(user_ids, movie_ids, user_table, movie_table):
  kern = pl.kernel(
      _mf_body,
      out_type=jax.ShapeDtypeStruct((BATCH,), jnp.float32),
      mesh=plsc.VectorSubcoreMesh(core_axis_name="c", subcore_axis_name="s"),
      scratch_types=[
          pltpu.VMEM((ID_ROWS, CHUNK), jnp.int32),
          pltpu.VMEM((ID_ROWS, CHUNK), jnp.int32),
          pltpu.VMEM((ID_ROWS, CHUNK), jnp.int32),
          pltpu.VMEM((ID_ROWS, CHUNK), jnp.int32),
          pltpu.VMEM((HALF, 128), jnp.float32),
          pltpu.VMEM((HALF, 128), jnp.float32),
          pltpu.VMEM((B_PER_W,), jnp.float32),
          pltpu.SemaphoreType.DMA,
          pltpu.SemaphoreType.DMA,
      ],
      compiler_params=pltpu.CompilerParams(needs_layout_passes=False),
  )
  uids = user_ids.astype(jnp.int32).reshape(BATCH // CHUNK, CHUNK)
  mids = movie_ids.astype(jnp.int32).reshape(BATCH // CHUNK, CHUNK)
  ustage = _relayout(jnp.swapaxes(user_table, 0, 1))
  mstage = _relayout(jnp.swapaxes(movie_table, 0, 1))
  return kern(uids, mids, ustage, mstage)


def kernel(user_ids, movie_ids, user_table, movie_table):
  return _mf(user_ids, movie_ids, user_table, movie_table)

# --- scband reference (transcript-rebuilt; emitter-appended) ---
"""Pipeline reference for scband-mf-44616120270970 (READ-ONLY COPY).

The authoritative reference and input builder live on the scoring server;
editing this copy changes nothing except your own understanding.
"""

import jax, jax.numpy as jnp
import numpy as np

NUM_USERS = 1000000
NUM_MOVIES = 100000
EMBED_DIM = 32
BATCH = 16384

def setup_inputs(seed: int = 0) -> dict:
    key = jax.random.key(seed)
    k1, k2, k3, k4 = jax.random.split(key, 4)
    user_ids = jax.random.randint(k1, (BATCH,), 0, NUM_USERS, dtype=jnp.int64 if jax.config.jax_enable_x64 else jnp.int32)
    movie_ids = jax.random.randint(k2, (BATCH,), 0, NUM_MOVIES, dtype=jnp.int64 if jax.config.jax_enable_x64 else jnp.int32)
    user_table = jax.random.normal(k3, (NUM_USERS, EMBED_DIM), dtype=jnp.float32) * 0.01
    movie_table = jax.random.normal(k4, (NUM_MOVIES, EMBED_DIM), dtype=jnp.float32) * 0.01
    return {"user_ids": user_ids, "movie_ids": movie_ids, "user_table": user_table, "movie_table": movie_table}

def reference(user_ids, movie_ids, user_table, movie_table):
    user_emb = jnp.take(user_table, user_ids, axis=0)
    movie_emb = jnp.take(movie_table, movie_ids, axis=0)
    output = jnp.sum(user_emb * movie_emb, axis=1)
    return output

if __name__ == "__main__":
    import jax
    _d = setup_inputs()
    print(jax.jit(kernel)(*tuple(_d.values())))

</pallas_src>

<mosaic_0001>
#map = affine_map<(d0, d1) -> (0, 0)>
#map1 = affine_map<(d0, d1) -> (0)>
module attributes {stable_mosaic.version = 14 : i64} {
  func.func @_mf_body(%arg0: i32, %arg1: i32, %arg2: memref<128x128xi32, #tpu.memory_space<hbm>>, %arg3: memref<128x128xi32, #tpu.memory_space<hbm>>, %arg4: memref<262144x128xf32, #tpu.memory_space<hbm>>, %arg5: memref<32768x128xf32, #tpu.memory_space<hbm>>, %arg6: memref<16384xf32, #tpu.memory_space<hbm>>, %arg7: memref<4x128xi32, #tpu.memory_space<vmem>>, %arg8: memref<4x128xi32, #tpu.memory_space<vmem>>, %arg9: memref<4x128xi32, #tpu.memory_space<vmem>>, %arg10: memref<4x128xi32, #tpu.memory_space<vmem>>, %arg11: memref<256x128xf32, #tpu.memory_space<vmem>>, %arg12: memref<256x128xf32, #tpu.memory_space<vmem>>, %arg13: memref<512xf32, #tpu.memory_space<vmem>>, %arg14: memref<!tpu.dma_semaphore, #tpu.memory_space<semaphore_mem>>, %arg15: memref<!tpu.dma_semaphore, #tpu.memory_space<semaphore_mem>>) attributes {dimension_semantics = [#tpu.dimension_semantics<core_parallel>, #tpu.dimension_semantics<subcore_parallel>], iteration_bounds = array<i64: 2, 16>, scalar_prefetch = 0 : i64, scratch_operands = 9 : i64, tpu.core_type = #tpu.core_type<sc_vector_subcore>, window_params = [{transform_indices = #map}, {transform_indices = #map}, {transform_indices = #map}, {transform_indices = #map}, {transform_indices = #map1}]} {
    %mul3A = arith.constant 2 : i32
    %mul3A_0 = arith.muli %arg1, %mul3A : i32
    %add3A = arith.addi %mul3A_0, %arg0 : i32
    %mul3A_1 = arith.constant 4 : i32
    %mul3A_2 = arith.muli %add3A, %mul3A_1 : i32
    "tpu.region"() ({
      %run_scoped3A = tpu.sem_alloc : memref<!tpu.dma_semaphore, #tpu.memory_space<semaphore_mem>>
      %dma_start3A = arith.constant 0 : i32
      %dma_start3A_20 = tpu.memref_slice %arg2[%mul3A_2, %dma_start3A] : memref<128x128xi32, #tpu.memory_space<hbm>> -> memref<4x128xi32, #tpu.memory_space<hbm>>
      %dma_start3A_21 = arith.constant 0 : i32
      %dma_start3A_22 = tpu.memref_slice %arg2[%mul3A_2, %dma_start3A_21] : memref<128x128xi32, #tpu.memory_space<hbm>> -> memref<4x128xi32, #tpu.memory_space<hbm>>
      tpu.enqueue_dma source(%dma_start3A_22 : memref<4x128xi32, #tpu.memory_space<hbm>>) target(%arg7 : memref<4x128xi32, #tpu.memory_space<vmem>>) target_semaphore(%run_scoped3A : memref<!tpu.dma_semaphore, #tpu.memory_space<semaphore_mem>>)
      %dma_wait3A = arith.constant 0 : i32
      %dma_wait3A_23 = tpu.memref_slice %arg2[%mul3A_2, %dma_wait3A] : memref<128x128xi32, #tpu.memory_space<hbm>> -> memref<4x128xi32, #tpu.memory_space<hbm>>
      %dma_wait3A_24 = arith.constant 0 : i32
      %dma_wait3A_25 = tpu.memref_slice %arg2[%mul3A_2, %dma_wait3A_24] : memref<128x128xi32, #tpu.memory_space<hbm>> -> memref<4x128xi32, #tpu.memory_space<hbm>>
      tpu.wait_dma2 semaphore(%run_scoped3A : memref<!tpu.dma_semaphore, #tpu.memory_space<semaphore_mem>>) src(%dma_wait3A_25 : memref<4x128xi32, #tpu.memory_space<hbm>>) dst(%arg7 : memref<4x128xi32, #tpu.memory_space<vmem>>)
      tpu.yield
    }) : () -> ()
    %mul3A_3 = arith.constant 4 : i32
    %mul3A_4 = arith.muli %add3A, %mul3A_3 : i32
    "tpu.region"() ({
      %run_scoped3A = tpu.sem_alloc : memref<!tpu.dma_semaphore, #tpu.memory_space<semaphore_mem>>
      %dma_start3A = arith.constant 0 : i32
      %dma_start3A_20 = tpu.memref_slice %arg3[%mul3A_4, %dma_start3A] : memref<128x128xi32, #tpu.memory_space<hbm>> -> memref<4x128xi32, #tpu.memory_space<hbm>>
      %dma_start3A_21 = arith.constant 0 : i32
      %dma_start3A_22 = tpu.memref_slice %arg3[%mul3A_4, %dma_start3A_21] : memref<128x128xi32, #tpu.memory_space<hbm>> -> memref<4x128xi32, #tpu.memory_space<hbm>>
      tpu.enqueue_dma source(%dma_start3A_22 : memref<4x128xi32, #tpu.memory_space<hbm>>) target(%arg8 : memref<4x128xi32, #tpu.memory_space<vmem>>) target_semaphore(%run_scoped3A : memref<!tpu.dma_semaphore, #tpu.memory_space<semaphore_mem>>)
      %dma_wait3A = arith.constant 0 : i32
      %dma_wait3A_23 = tpu.memref_slice %arg3[%mul3A_4, %dma_wait3A] : memref<128x128xi32, #tpu.memory_space<hbm>> -> memref<4x128xi32, #tpu.memory_space<hbm>>
      %dma_wait3A_24 = arith.constant 0 : i32
      %dma_wait3A_25 = tpu.memref_slice %arg3[%mul3A_4, %dma_wait3A_24] : memref<128x128xi32, #tpu.memory_space<hbm>> -> memref<4x128xi32, #tpu.memory_space<hbm>>
      tpu.wait_dma2 semaphore(%run_scoped3A : memref<!tpu.dma_semaphore, #tpu.memory_space<semaphore_mem>>) src(%dma_wait3A_25 : memref<4x128xi32, #tpu.memory_space<hbm>>) dst(%arg8 : memref<4x128xi32, #tpu.memory_space<vmem>>)
      tpu.yield
    }) : () -> ()
    %scan3A = arith.constant 0 : i32
    %scan3A_5 = arith.constant 0 : i32
    %scan3A_6 = arith.constant 4 : i32
    %scan3A_7 = arith.addi %scan3A_5, %scan3A_6 : i32
    %scan3A_8 = arith.constant 1 : i32
    %scan3A_9 = scf.for %scan3A_20 = %scan3A_5 to %scan3A_7 step %scan3A_8 iter_args(%scan3A_21 = %scan3A) -> (i32)  : i32 {
      %get3A = arith.index_cast %scan3A_20 : i32 to index
      %get3A_22 = arith.constant 0 : index
      %get3A_23 = tpu.vector_load %arg7[%get3A, %get3A_22] {strides = array<i32>} : memref<4x128xi32, #tpu.memory_space<vmem>>, vector<16xi32>,
      %get3A_24 = arith.index_cast %scan3A_20 : i32 to index
      %get3A_25 = arith.constant 0 : index
      %get3A_26 = tpu.vector_load %arg8[%get3A_24, %get3A_25] {strides = array<i32>} : memref<4x128xi32, #tpu.memory_space<vmem>>, vector<16xi32>,
      %shift_right_arithmetic3A = arith.constant 9 : i32
      %shift_right_arithmetic3A_27 = vector.broadcast %shift_right_arithmetic3A : i32 to vector<16xi32>
      %shift_right_arithmetic3A_28 = arith.shrsi %get3A_23, %shift_right_arithmetic3A_27 : vector<16xi32>
      %shift_left3A = arith.constant 7 : i32
      %shift_left3A_29 = vector.broadcast %shift_left3A : i32 to vector<16xi32>
      %shift_left3A_30 = arith.shli %shift_right_arithmetic3A_28, %shift_left3A_29 : vector<16xi32>
      %and3A = arith.constant 127 : i32
      %and3A_31 = vector.broadcast %and3A : i32 to vector<16xi32>
      %and3A_32 = arith.andi %get3A_23, %and3A_31 : vector<16xi32>
      %or3A = arith.ori %shift_left3A_30, %and3A_32 : vector<16xi32>
      %swap3A = arith.index_cast %scan3A_20 : i32 to index
      %swap3A_33 = arith.constant 0 : index
      %swap3A_34 = tpu.vector_load %arg9[%swap3A, %swap3A_33] {strides = array<i32>} : memref<4x128xi32, #tpu.memory_space<vmem>>, vector<16xi32>,
      tpu.vector_store %arg9[%swap3A, %swap3A_33], %or3A {strides = array<i32>} : memref<4x128xi32, #tpu.memory_space<vmem>>, vector<16xi32>,
      %shift_right_arithmetic3A_35 = arith.constant 9 : i32
      %shift_right_arithmetic3A_36 = vector.broadcast %shift_right_arithmetic3A_35 : i32 to vector<16xi32>
      %shift_right_arithmetic3A_37 = arith.shrsi %get3A_26, %shift_right_arithmetic3A_36 : vector<16xi32>
      %shift_left3A_38 = arith.constant 7 : i32
      %shift_left3A_39 = vector.broadcast %shift_left3A_38 : i32 to vector<16xi32>
      %shift_left3A_40 = arith.shli %shift_right_arithmetic3A_37, %shift_left3A_39 : vector<16xi32>
      %and3A_41 = arith.constant 127 : i32
      %and3A_42 = vector.broadcast %and3A_41 : i32 to vector<16xi32>
      %and3A_43 = arith.andi %get3A_26, %and3A_42 : vector<16xi32>
      %or3A_44 = arith.ori %shift_left3A_40, %and3A_43 : vector<16xi32>
      %swap3A_45 = arith.index_cast %scan3A_20 : i32 to index
      %swap3A_46 = arith.constant 0 : index
      %swap3A_47 = tpu.vector_load %arg10[%swap3A_45, %swap3A_46] {strides = array<i32>} : memref<4x128xi32, #tpu.memory_space<vmem>>, vector<16xi32>,
      tpu.vector_store %arg10[%swap3A_45, %swap3A_46], %or3A_44 {strides = array<i32>} : memref<4x128xi32, #tpu.memory_space<vmem>>, vector<16xi32>,
      %get3A_48 = arith.index_cast %scan3A_20 : i32 to index
      %get3A_49 = arith.constant 16 : index
      %get3A_50 = tpu.vector_load %arg7[%get3A_48, %get3A_49] {strides = array<i32>} : memref<4x128xi32, #tpu.memory_space<vmem>>, vector<16xi32>,
      %get3A_51 = arith.index_cast %scan3A_20 : i32 to index
      %get3A_52 = arith.constant 16 : index
      %get3A_53 = tpu.vector_load %arg8[%get3A_51, %get3A_52] {strides = array<i32>} : memref<4x128xi32, #tpu.memory_space<vmem>>, vector<16xi32>,
      %shift_right_arithmetic3A_54 = arith.constant 9 : i32
      %shift_right_arithmetic3A_55 = vector.broadcast %shift_right_arithmetic3A_54 : i32 to vector<16xi32>
      %shift_right_arithmetic3A_56 = arith.shrsi %get3A_50, %shift_right_arithmetic3A_55 : vector<16xi32>
      %shift_left3A_57 = arith.constant 7 : i32
      %shift_left3A_58 = vector.broadcast %shift_left3A_57 : i32 to vector<16xi32>
      %shift_left3A_59 = arith.shli %shift_right_arithmetic3A_56, %shift_left3A_58 : vector<16xi32>
      %and3A_60 = arith.constant 127 : i32
      %and3A_61 = vector.broadcast %and3A_60 : i32 to vector<16xi32>
      %and3A_62 = arith.andi %get3A_50, %and3A_61 : vector<16xi32>
      %or3A_63 = arith.ori %shift_left3A_59, %and3A_62 : vector<16xi32>
      %swap3A_64 = arith.index_cast %scan3A_20 : i32 to index
      %swap3A_65 = arith.constant 16 : index
      %swap3A_66 = tpu.vector_load %arg9[%swap3A_64, %swap3A_65] {strides = array<i32>} : memref<4x128xi32, #tpu.memory_space<vmem>>, vector<16xi32>,
      tpu.vector_store %arg9[%swap3A_64, %swap3A_65], %or3A_63 {strides = array<i32>} : memref<4x128xi32, #tpu.memory_space<vmem>>, vector<16xi32>,
      %shift_right_arithmetic3A_67 = arith.constant 9 : i32
      %shift_right_arithmetic3A_68 = vector.broadcast %shift_right_arithmetic3A_67 : i32 to vector<16xi32>
      %shift_right_arithmetic3A_69 = arith.shrsi %get3A_53, %shift_right_arithmetic3A_68 : vector<16xi32>
      %shift_left3A_70 = arith.constant 7 : i32
      %shift_left3A_71 = vector.broadcast %shift_left3A_70 : i32 to vector<16xi32>
      %shift_left3A_72 = arith.shli %shift_right_arithmetic3A_69, %shift_left3A_71 : vector<16xi32>
      %and3A_73 = arith.constant 127 : i32
      %and3A_74 = vector.broadcast %and3A_73 : i32 to vector<16xi32>
      %and3A_75 = arith.andi %get3A_53, %and3A_74 : vector<16xi32>
      %or3A_76 = arith.ori %shift_left3A_72, %and3A_75 : vector<16xi32>
      %swap3A_77 = arith.index_cast %scan3A_20 : i32 to index
      %swap3A_78 = arith.constant 16 : index
      %swap3A_79 = tpu.vector_load %arg10[%swap3A_77, %swap3A_78] {strides = array<i32>} : memref<4x128xi32, #tpu.memory_space<vmem>>, vector<16xi32>,
      tpu.vector_store %arg10[%swap3A_77, %swap3A_78], %or3A_76 {strides = array<i32>} : memref<4x128xi32, #tpu.memory_space<vmem>>, vector<16xi32>,
      %get3A_80 = arith.index_cast %scan3A_20 : i32 to index
      %get3A_81 = arith.constant 32 : index
      %get3A_82 = tpu.vector_load %arg7[%get3A_80, %get3A_81] {strides = array<i32>} : memref<4x128xi32, #tpu.memory_space<vmem>>, vector<16xi32>,
      %get3A_83 = arith.index_cast %scan3A_20 : i32 to index
      %get3A_84 = arith.constant 32 : index
      %get3A_85 = tpu.vector_load %arg8[%get3A_83, %get3A_84] {strides = array<i32>} : memref<4x128xi32, #tpu.memory_space<vmem>>, vector<16xi32>,
      %shift_right_arithmetic3A_86 = arith.constant 9 : i32
      %shift_right_arithmetic3A_87 = vector.broadcast %shift_right_arithmetic3A_86 : i32 to vector<16xi32>
      %shift_right_arithmetic3A_88 = arith.shrsi %get3A_82, %shift_right_arithmetic3A_87 : vector<16xi32>
      %shift_left3A_89 = arith.constant 7 : i32
      %shift_left3A_90 = vector.broadcast %shift_left3A_89 : i32 to vector<16xi32>
      %shift_left3A_91 = arith.shli %shift_right_arithmetic3A_88, %shift_left3A_90 : vector<16xi32>
      %and3A_92 = arith.constant 127 : i32
      %and3A_93 = vector.broadcast %and3A_92 : i32 to vector<16xi32>
      %and3A_94 = arith.andi %get3A_82, %and3A_93 : vector<16xi32>
      %or3A_95 = arith.ori %shift_left3A_91, %and3A_94 : vector<16xi32>
      %swap3A_96 = arith.index_cast %scan3A_20 : i32 to index
      %swap3A_97 = arith.constant 32 : index
      %swap3A_98 = tpu.vector_load %arg9[%swap3A_96, %swap3A_97] {strides = array<i32>} : memref<4x128xi32, #tpu.memory_space<vmem>>, vector<16xi32>,
      tpu.vector_store %arg9[%swap3A_96, %swap3A_97], %or3A_95 {strides = array<i32>} : memref<4x128xi32, #tpu.memory_space<vmem>>, vector<16xi32>,
      %shift_right_arithmetic3A_99 = arith.constant 9 : i32
      %shift_right_arithmetic3A_100 = vector.broadcast %shift_right_arithmetic3A_99 : i32 to vector<16xi32>
      %shift_right_arithmetic3A_101 = arith.shrsi %get3A_85, %shift_right_arithmetic3A_100 : vector<16xi32>
      %shift_left3A_102 = arith.constant 7 : i32
      %shift_left3A_103 = vector.broadcast %shift_left3A_102 : i32 to vector<16xi32>
      %shift_left3A_104 = arith.shli %shift_right_arithmetic3A_101, %shift_left3A_103 : vector<16xi32>
      %and3A_105 = arith.constant 127 : i32
      %and3A_106 = vector.broadcast %and3A_105 : i32 to vector<16xi32>
      %and3A_107 = arith.andi %get3A_85, %and3A_106 : vector<16xi32>
      %or3A_108 = arith.ori %shift_left3A_104, %and3A_107 : vector<16xi32>
      %swap3A_109 = arith.index_cast %scan3A_20 : i32 to index
      %swap3A_110 = arith.constant 32 : index
      %swap3A_111 = tpu.vector_load %arg10[%swap3A_109, %swap3A_110] {strides = array<i32>} : memref<4x128xi32, #tpu.memory_space<vmem>>, vector<16xi32>,
      tpu.vector_store %arg10[%swap3A_109, %swap3A_110], %or3A_108 {strides = array<i32>} : memref<4x128xi32, #tpu.memory_space<vmem>>, vector<16xi32>,
      %get3A_112 = arith.index_cast %scan3A_20 : i32 to index
      %get3A_113 = arith.constant 48 : index
      %get3A_114 = tpu.vector_load %arg7[%get3A_112, %get3A_113] {strides = array<i32>} : memref<4x128xi32, #tpu.memory_space<vmem>>, vector<16xi32>,
      %get3A_115 = arith.index_cast %scan3A_20 : i32 to index
      %get3A_116 = arith.constant 48 : index
      %get3A_117 = tpu.vector_load %arg8[%get3A_115, %get3A_116] {strides = array<i32>} : memref<4x128xi32, #tpu.memory_space<vmem>>, vector<16xi32>,
      %shift_right_arithmetic3A_118 = arith.constant 9 : i32
      %shift_right_arithmetic3A_119 = vector.broadcast %shift_right_arithmetic3A_118 : i32 to vector<16xi32>
      %shift_right_arithmetic3A_120 = arith.shrsi %get3A_114, %shift_right_arithmetic3A_119 : vector<16xi32>
      %shift_left3A_121 = arith.constant 7 : i32
      %shift_left3A_122 = vector.broadcast %shift_left3A_121 : i32 to vector<16xi32>
      %shift_left3A_123 = arith.shli %shift_right_arithmetic3A_120, %shift_left3A_122 : vector<16xi32>
      %and3A_124 = arith.constant 127 : i32
      %and3A_125 = vector.broadcast %and3A_124 : i32 to vector<16xi32>
      %and3A_126 = arith.andi %get3A_114, %and3A_125 : vector<16xi32>
      %or3A_127 = arith.ori %shift_left3A_123, %and3A_126 : vector<16xi32>
      %swap3A_128 = arith.index_cast %scan3A_20 : i32 to index
      %swap3A_129 = arith.constant 48 : index
      %swap3A_130 = tpu.vector_load %arg9[%swap3A_128, %swap3A_129] {strides = array<i32>} : memref<4x128xi32, #tpu.memory_space<vmem>>, vector<16xi32>,
      tpu.vector_store %arg9[%swap3A_128, %swap3A_129], %or3A_127 {strides = array<i32>} : memref<4x128xi32, #tpu.memory_space<vmem>>, vector<16xi32>,
      %shift_right_arithmetic3A_131 = arith.constant 9 : i32
      %shift_right_arithmetic3A_132 = vector.broadcast %shift_right_arithmetic3A_131 : i32 to vector<16xi32>
      %shift_right_arithmetic3A_133 = arith.shrsi %get3A_117, %shift_right_arithmetic3A_132 : vector<16xi32>
      %shift_left3A_134 = arith.constant 7 : i32
      %shift_left3A_135 = vector.broadcast %shift_left3A_134 : i32 to vector<16xi32>
      %shift_left3A_136 = arith.shli %shift_right_arithmetic3A_133, %shift_left3A_135 : vector<16xi32>
      %and3A_137 = arith.constant 127 : i32
      %and3A_138 = vector.broadcast %and3A_137 : i32 to vector<16xi32>
      %and3A_139 = arith.andi %get3A_117, %and3A_138 : vector<16xi32>
      %or3A_140 = arith.ori %shift_left3A_136, %and3A_139 : vector<16xi32>
      %swap3A_141 = arith.index_cast %scan3A_20 : i32 to index
      %swap3A_142 = arith.constant 48 : index
      %swap3A_143 = tpu.vector_load %arg10[%swap3A_141, %swap3A_142] {strides = array<i32>} : memref<4x128xi32, #tpu.memory_space<vmem>>, vector<16xi32>,
      tpu.vector_store %arg10[%swap3A_141, %swap3A_142], %or3A_140 {strides = array<i32>} : memref<4x128xi32, #tpu.memory_space<vmem>>, vector<16xi32>,
      %get3A_144 = arith.index_cast %scan3A_20 : i32 to index
      %get3A_145 = arith.constant 64 : index
      %get3A_146 = tpu.vector_load %arg7[%get3A_144, %get3A_145] {strides = array<i32>} : memref<4x128xi32, #tpu.memory_space<vmem>>, vector<16xi32>,
      %get3A_147 = arith.index_cast %scan3A_20 : i32 to index
      %get3A_148 = arith.constant 64 : index
      %get3A_149 = tpu.vector_load %arg8[%get3A_147, %get3A_148] {strides = array<i32>} : memref<4x128xi32, #tpu.memory_space<vmem>>, vector<16xi32>,
      %shift_right_arithmetic3A_150 = arith.constant 9 : i32
      %shift_right_arithmetic3A_151 = vector.broadcast %shift_right_arithmetic3A_150 : i32 to vector<16xi32>
      %shift_right_arithmetic3A_152 = arith.shrsi %get3A_146, %shift_right_arithmetic3A_151 : vector<16xi32>
      %shift_left3A_153 = arith.constant 7 : i32
      %shift_left3A_154 = vector.broadcast %shift_left3A_153 : i32 to vector<16xi32>
      %shift_left3A_155 = arith.shli %shift_right_arithmetic3A_152, %shift_left3A_154 : vector<16xi32>
      %and3A_156 = arith.constant 127 : i32
      %and3A_157 = vector.broadcast %and3A_156 : i32 to vector<16xi32>
      %and3A_158 = arith.andi %get3A_146, %and3A_157 : vector<16xi32>
      %or3A_159 = arith.ori %shift_left3A_155, %and3A_158 : vector<16xi32>
      %swap3A_160 = arith.index_cast %scan3A_20 : i32 to index
      %swap3A_161 = arith.constant 64 : index
      %swap3A_162 = tpu.vector_load %arg9[%swap3A_160, %swap3A_161] {strides = array<i32>} : memref<4x128xi32, #tpu.memory_space<vmem>>, vector<16xi32>,
      tpu.vector_store %arg9[%swap3A_160, %swap3A_161], %or3A_159 {strides = array<i32>} : memref<4x128xi32, #tpu.memory_space<vmem>>, vector<16xi32>,
      %shift_right_arithmetic3A_163 = arith.constant 9 : i32
      %shift_right_arithmetic3A_164 = vector.broadcast %shift_right_arithmetic3A_163 : i32 to vector<16xi32>
      %shift_right_arithmetic3A_165 = arith.shrsi %get3A_149, %shift_right_arithmetic3A_164 : vector<16xi32>
      %shift_left3A_166 = arith.constant 7 : i32
      %shift_left3A_167 = vector.broadcast %shift_left3A_166 : i32 to vector<16xi32>
      %shift_left3A_168 = arith.shli %shift_right_arithmetic3A_165, %shift_left3A_167 : vector<16xi32>
      %and3A_169 = arith.constant 127 : i32
      %and3A_170 = vector.broadcast %and3A_169 : i32 to vector<16xi32>
      %and3A_171 = arith.andi %get3A_149, %and3A_170 : vector<16xi32>
      %or3A_172 = arith.ori %shift_left3A_168, %and3A_171 : vector<16xi32>
      %swap3A_173 = arith.index_cast %scan3A_20 : i32 to index
      %swap3A_174 = arith.constant 64 : index
      %swap3A_175 = tpu.vector_load %arg10[%swap3A_173, %swap3A_174] {strides = array<i32>} : memref<4x128xi32, #tpu.memory_space<vmem>>, vector<16xi32>,
      tpu.vector_store %arg10[%swap3A_173, %swap3A_174], %or3A_172 {strides = array<i32>} : memref<4x128xi32, #tpu.memory_space<vmem>>, vector<16xi32>,
      %get3A_176 = arith.index_cast %scan3A_20 : i32 to index
      %get3A_177 = arith.constant 80 : index
      %get3A_178 = tpu.vector_load %arg7[%get3A_176, %get3A_177] {strides = array<i32>} : memref<4x128xi32, #tpu.memory_space<vmem>>, vector<16xi32>,
      %get3A_179 = arith.index_cast %scan3A_20 : i32 to index
      %get3A_180 = arith.constant 80 : index
      %get3A_181 = tpu.vector_load %arg8[%get3A_179, %get3A_180] {strides = array<i32>} : memref<4x128xi32, #tpu.memory_space<vmem>>, vector<16xi32>,
      %shift_right_arithmetic3A_182 = arith.constant 9 : i32
      %shift_right_arithmetic3A_183 = vector.broadcast %shift_right_arithmetic3A_182 : i32 to vector<16xi32>
      %shift_right_arithmetic3A_184 = arith.shrsi %get3A_178, %shift_right_arithmetic3A_183 : vector<16xi32>
      %shift_left3A_185 = arith.constant 7 : i32
      %shift_left3A_186 = vector.broadcast %shift_left3A_185 : i32 to vector<16xi32>
      %shift_left3A_187 = arith.shli %shift_right_arithmetic3A_184, %shift_left3A_186 : vector<16xi32>
      %and3A_188 = arith.constant 127 : i32
      %and3A_189 = vector.broadcast %and3A_188 : i32 to vector<16xi32>
      %and3A_190 = arith.andi %get3A_178, %and3A_189 : vector<16xi32>
      %or3A_191 = arith.ori %shift_left3A_187, %and3A_190 : vector<16xi32>
      %swap3A_192 = arith.index_cast %scan3A_20 : i32 to index
      %swap3A_193 = arith.constant 80 : index
      %swap3A_194 = tpu.vector_load %arg9[%swap3A_192, %swap3A_193] {strides = array<i32>} : memref<4x128xi32, #tpu.memory_space<vmem>>, vector<16xi32>,
      tpu.vector_store %arg9[%swap3A_192, %swap3A_193], %or3A_191 {strides = array<i32>} : memref<4x128xi32, #tpu.memory_space<vmem>>, vector<16xi32>,
      %shift_right_arithmetic3A_195 = arith.constant 9 : i32
      %shift_right_arithmetic3A_196 = vector.broadcast %shift_right_arithmetic3A_195 : i32 to vector<16xi32>
      %shift_right_arithmetic3A_197 = arith.shrsi %get3A_181, %shift_right_arithmetic3A_196 : vector<16xi32>
      %shift_left3A_198 = arith.constant 7 : i32
      %shift_left3A_199 = vector.broadcast %shift_left3A_198 : i32 to vector<16xi32>
      %shift_left3A_200 = arith.shli %shift_right_arithmetic3A_197, %shift_left3A_199 : vector<16xi32>
      %and3A_201 = arith.constant 127 : i32
      %and3A_202 = vector.broadcast %and3A_201 : i32 to vector<16xi32>
      %and3A_203 = arith.andi %get3A_181, %and3A_202 : vector<16xi32>
      %or3A_204 = arith.ori %shift_left3A_200, %and3A_203 : vector<16xi32>
      %swap3A_205 = arith.index_cast %scan3A_20 : i32 to index
      %swap3A_206 = arith.constant 80 : index
      %swap3A_207 = tpu.vector_load %arg10[%swap3A_205, %swap3A_206] {strides = array<i32>} : memref<4x128xi32, #tpu.memory_space<vmem>>, vector<16xi32>,
      tpu.vector_store %arg10[%swap3A_205, %swap3A_206], %or3A_204 {strides = array<i32>} : memref<4x128xi32, #tpu.memory_space<vmem>>, vector<16xi32>,
      %get3A_208 = arith.index_cast %scan3A_20 : i32 to index
      %get3A_209 = arith.constant 96 : index
      %get3A_210 = tpu.vector_load %arg7[%get3A_208, %get3A_209] {strides = array<i32>} : memref<4x128xi32, #tpu.memory_space<vmem>>, vector<16xi32>,
      %get3A_211 = arith.index_cast %scan3A_20 : i32 to index
      %get3A_212 = arith.constant 96 : index
      %get3A_213 = tpu.vector_load %arg8[%get3A_211, %get3A_212] {strides = array<i32>} : memref<4x128xi32, #tpu.memory_space<vmem>>, vector<16xi32>,
      %shift_right_arithmetic3A_214 = arith.constant 9 : i32
      %shift_right_arithmetic3A_215 = vector.broadcast %shift_right_arithmetic3A_214 : i32 to vector<16xi32>
      %shift_right_arithmetic3A_216 = arith.shrsi %get3A_210, %shift_right_arithmetic3A_215 : vector<16xi32>
      %shift_left3A_217 = arith.constant 7 : i32
      %shift_left3A_218 = vector.broadcast %shift_left3A_217 : i32 to vector<16xi32>
      %shift_left3A_219 = arith.shli %shift_right_arithmetic3A_216, %shift_left3A_218 : vector<16xi32>
      %and3A_220 = arith.constant 127 : i32
      %and3A_221 = vector.broadcast %and3A_220 : i32 to vector<16xi32>
      %and3A_222 = arith.andi %get3A_210, %and3A_221 : vector<16xi32>
      %or3A_223 = arith.ori %shift_left3A_219, %and3A_222 : vector<16xi32>
      %swap3A_224 = arith.index_cast %scan3A_20 : i32 to index
      %swap3A_225 = arith.constant 96 : index
      %swap3A_226 = tpu.vector_load %arg9[%swap3A_224, %swap3A_225] {strides = array<i32>} : memref<4x128xi32, #tpu.memory_space<vmem>>, vector<16xi32>,
      tpu.vector_store %arg9[%swap3A_224, %swap3A_225], %or3A_223 {strides = array<i32>} : memref<4x128xi32, #tpu.memory_space<vmem>>, vector<16xi32>,
      %shift_right_arithmetic3A_227 = arith.constant 9 : i32
      %shift_right_arithmetic3A_228 = vector.broadcast %shift_right_arithmetic3A_227 : i32 to vector<16xi32>
      %shift_right_arithmetic3A_229 = arith.shrsi %get3A_213, %shift_right_arithmetic3A_228 : vector<16xi32>
      %shift_left3A_230 = arith.constant 7 : i32
      %shift_left3A_231 = vector.broadcast %shift_left3A_230 : i32 to vector<16xi32>
      %shift_left3A_232 = arith.shli %shift_right_arithmetic3A_229, %shift_left3A_231 : vector<16xi32>
      %and3A_233 = arith.constant 127 : i32
      %and3A_234 = vector.broadcast %and3A_233 : i32 to vector<16xi32>
      %and3A_235 = arith.andi %get3A_213, %and3A_234 : vector<16xi32>
      %or3A_236 = arith.ori %shift_left3A_232, %and3A_235 : vector<16xi32>
      %swap3A_237 = arith.index_cast %scan3A_20 : i32 to index
      %swap3A_238 = arith.constant 96 : index
      %swap3A_239 = tpu.vector_load %arg10[%swap3A_237, %swap3A_238] {strides = array<i32>} : memref<4x128xi32, #tpu.memory_space<vmem>>, vector<16xi32>,
      tpu.vector_store %arg10[%swap3A_237, %swap3A_238], %or3A_236 {strides = array<i32>} : memref<4x128xi32, #tpu.memory_space<vmem>>, vector<16xi32>,
      %get3A_240 = arith.index_cast %scan3A_20 : i32 to index
      %get3A_241 = arith.constant 112 : index
      %get3A_242 = tpu.vector_load %arg7[%get3A_240, %get3A_241] {strides = array<i32>} : memref<4x128xi32, #tpu.memory_space<vmem>>, vector<16xi32>,
      %get3A_243 = arith.index_cast %scan3A_20 : i32 to index
      %get3A_244 = arith.constant 112 : index
      %get3A_245 = tpu.vector_load %arg8[%get3A_243, %get3A_244] {strides = array<i32>} : memref<4x128xi32, #tpu.memory_space<vmem>>, vector<16xi32>,
      %shift_right_arithmetic3A_246 = arith.constant 9 : i32
      %shift_right_arithmetic3A_247 = vector.broadcast %shift_right_arithmetic3A_246 : i32 to vector<16xi32>
      %shift_right_arithmetic3A_248 = arith.shrsi %get3A_242, %shift_right_arithmetic3A_247 : vector<16xi32>
      %shift_left3A_249 = arith.constant 7 : i32
      %shift_left3A_250 = vector.broadcast %shift_left3A_249 : i32 to vector<16xi32>
      %shift_left3A_251 = arith.shli %shift_right_arithmetic3A_248, %shift_left3A_250 : vector<16xi32>
      %and3A_252 = arith.constant 127 : i32
      %and3A_253 = vector.broadcast %and3A_252 : i32 to vector<16xi32>
      %and3A_254 = arith.andi %get3A_242, %and3A_253 : vector<16xi32>
      %or3A_255 = arith.ori %shift_left3A_251, %and3A_254 : vector<16xi32>
      %swap3A_256 = arith.index_cast %scan3A_20 : i32 to index
      %swap3A_257 = arith.constant 112 : index
      %swap3A_258 = tpu.vector_load %arg9[%swap3A_256, %swap3A_257] {strides = array<i32>} : memref<4x128xi32, #tpu.memory_space<vmem>>, vector<16xi32>,
      tpu.vector_store %arg9[%swap3A_256, %swap3A_257], %or3A_255 {strides = array<i32>} : memref<4x128xi32, #tpu.memory_space<vmem>>, vector<16xi32>,
      %shift_right_arithmetic3A_259 = arith.constant 9 : i32
      %shift_right_arithmetic3A_260 = vector.broadcast %shift_right_arithmetic3A_259 : i32 to vector<16xi32>
      %shift_right_arithmetic3A_261 = arith.shrsi %get3A_245, %shift_right_arithmetic3A_260 : vector<16xi32>
      %shift_left3A_262 = arith.constant 7 : i32
      %shift_left3A_263 = vector.broadcast %shift_left3A_262 : i32 to vector<16xi32>
      %shift_left3A_264 = arith.shli %shift_right_arithmetic3A_261, %shift_left3A_263 : vector<16xi32>
      %and3A_265 = arith.constant 127 : i32
      %and3A_266 = vector.broadcast %and3A_265 : i32 to vector<16xi32>
      %and3A_267 = arith.andi %get3A_245, %and3A_266 : vector<16xi32>
      %or3A_268 = arith.ori %shift_left3A_264, %and3A_267 : vector<16xi32>
      %swap3A_269 = arith.index_cast %scan3A_20 : i32 to index
      %swap3A_270 = arith.constant 112 : index
      %swap3A_271 = tpu.vector_load %arg10[%swap3A_269, %swap3A_270] {strides = array<i32>} : memref<4x128xi32, #tpu.memory_space<vmem>>, vector<16xi32>,
      tpu.vector_store %arg10[%swap3A_269, %swap3A_270], %or3A_268 {strides = array<i32>} : memref<4x128xi32, #tpu.memory_space<vmem>>, vector<16xi32>,
      %scan3A_272 = arith.constant 0 : i32
      scf.yield %scan3A_272 : i32
    }
    %scan3A_10 = arith.constant 4 : i32
    %iota3A = tpu.iota {dimensions = array<i32: 0>} : vector<16xi32>
    %scan3A_11 = arith.constant 0 : i32
    %scan3A_12 = arith.constant 0 : i32
    %scan3A_13 = arith.constant 2 : i32
    %scan3A_14 = arith.addi %scan3A_12, %scan3A_13 : i32
    %scan3A_15 = arith.constant 1 : i32
    %scan3A_16 = scf.for %scan3A_20 = %scan3A_12 to %scan3A_14 step %scan3A_15 iter_args(%scan3A_21 = %scan3A_11) -> (i32)  : i32 {
      %mul3A_22 = arith.constant 2 : i32
      %mul3A_23 = arith.muli %scan3A_20, %mul3A_22 : i32
      %add3A_24 = arith.constant 0 : i32
      %add3A_25 = arith.addi %mul3A_23, %add3A_24 : i32
      %dma_start3A = arith.constant 0 : i32
      %dma_start3A_26 = arith.constant 0 : i32
      %dma_start3A_27 = tpu.memref_slice %arg11[%dma_start3A, %dma_start3A_26] : memref<256x128xf32, #tpu.memory_space<vmem>> -> memref<128x128xf32, #tpu.memory_space<vmem>>
      %dma_start3A_28 = arith.constant 0 : i32
      %dma_start3A_29 = tpu.memref_slice %arg9[%add3A_25, %dma_start3A_28] : memref<4x128xi32, #tpu.memory_space<vmem>> -> memref<1x128xi32, #tpu.memory_space<vmem>>
      %dma_start3A_30 = tpu.memref_squeeze %dma_start3A_29 : memref<1x128xi32, #tpu.memory_space<vmem>> -> memref<128xi32, #tpu.memory_space<vmem>>
      %dma_start3A_31 = arith.constant 0 : i32
      %dma_start3A_32 = arith.constant 0 : i32
      %dma_start3A_33 = tpu.memref_slice %arg4[%dma_start3A_31, %dma_start3A_32] : memref<262144x128xf32, #tpu.memory_space<hbm>> -> memref<262144x128xf32, #tpu.memory_space<hbm>>
      tpu.enqueue_indirect_dma source(%dma_start3A_33 : memref<262144x128xf32, #tpu.memory_space<hbm>>) target(%dma_start3A_27 : memref<128x128xf32, #tpu.memory_space<vmem>>) offsets(%dma_start3A_30 : memref<128xi32, #tpu.memory_space<vmem>>) semaphore(%arg14 : memref<!tpu.dma_semaphore, #tpu.memory_space<semaphore_mem>>)
      %mul3A_34 = arith.constant 2 : i32
      %mul3A_35 = arith.muli %scan3A_20, %mul3A_34 : i32
      %add3A_36 = arith.constant 0 : i32
      %add3A_37 = arith.addi %mul3A_35, %add3A_36 : i32
      %dma_start3A_38 = arith.constant 0 : i32
      %dma_start3A_39 = arith.constant 0 : i32
      %dma_start3A_40 = tpu.memref_slice %arg12[%dma_start3A_38, %dma_start3A_39] : memref<256x128xf32, #tpu.memory_space<vmem>> -> memref<128x128xf32, #tpu.memory_space<vmem>>
      %dma_start3A_41 = arith.constant 0 : i32
      %dma_start3A_42 = tpu.memref_slice %arg10[%add3A_37, %dma_start3A_41] : memref<4x128xi32, #tpu.memory_space<vmem>> -> memref<1x128xi32, #tpu.memory_space<vmem>>
      %dma_start3A_43 = tpu.memref_squeeze %dma_start3A_42 : memref<1x128xi32, #tpu.memory_space<vmem>> -> memref<128xi32, #tpu.memory_space<vmem>>
      %dma_start3A_44 = arith.constant 0 : i32
      %dma_start3A_45 = arith.constant 0 : i32
      %dma_start3A_46 = tpu.memref_slice %arg5[%dma_start3A_44, %dma_start3A_45] : memref<32768x128xf32, #tpu.memory_space<hbm>> -> memref<32768x128xf32, #tpu.memory_space<hbm>>
      tpu.enqueue_indirect_dma source(%dma_start3A_46 : memref<32768x128xf32, #tpu.memory_space<hbm>>) target(%dma_start3A_40 : memref<128x128xf32, #tpu.memory_space<vmem>>) offsets(%dma_start3A_43 : memref<128xi32, #tpu.memory_space<vmem>>) semaphore(%arg15 : memref<!tpu.dma_semaphore, #tpu.memory_space<semaphore_mem>>)
      %mul3A_47 = arith.constant 2 : i32
      %mul3A_48 = arith.muli %scan3A_20, %mul3A_47 : i32
      %add3A_49 = arith.constant 1 : i32
      %add3A_50 = arith.addi %mul3A_48, %add3A_49 : i32
      %dma_start3A_51 = arith.constant 128 : i32
      %dma_start3A_52 = arith.constant 0 : i32
      %dma_start3A_53 = tpu.memref_slice %arg11[%dma_start3A_51, %dma_start3A_52] : memref<256x128xf32, #tpu.memory_space<vmem>> -> memref<128x128xf32, #tpu.memory_space<vmem>>
      %dma_start3A_54 = arith.constant 0 : i32
      %dma_start3A_55 = tpu.memref_slice %arg9[%add3A_50, %dma_start3A_54] : memref<4x128xi32, #tpu.memory_space<vmem>> -> memref<1x128xi32, #tpu.memory_space<vmem>>
      %dma_start3A_56 = tpu.memref_squeeze %dma_start3A_55 : memref<1x128xi32, #tpu.memory_space<vmem>> -> memref<128xi32, #tpu.memory_space<vmem>>
      %dma_start3A_57 = arith.constant 0 : i32
      %dma_start3A_58 = arith.constant 0 : i32
      %dma_start3A_59 = tpu.memref_slice %arg4[%dma_start3A_57, %dma_start3A_58] : memref<262144x128xf32, #tpu.memory_space<hbm>> -> memref<262144x128xf32, #tpu.memory_space<hbm>>
      tpu.enqueue_indirect_dma source(%dma_start3A_59 : memref<262144x128xf32, #tpu.memory_space<hbm>>) target(%dma_start3A_53 : memref<128x128xf32, #tpu.memory_space<vmem>>) offsets(%dma_start3A_56 : memref<128xi32, #tpu.memory_space<vmem>>) semaphore(%arg14 : memref<!tpu.dma_semaphore, #tpu.memory_space<semaphore_mem>>)
      %mul3A_60 = arith.constant 2 : i32
      %mul3A_61 = arith.muli %scan3A_20, %mul3A_60 : i32
      %add3A_62 = arith.constant 1 : i32
      %add3A_63 = arith.addi %mul3A_61, %add3A_62 : i32
      %dma_start3A_64 = arith.constant 128 : i32
      %dma_start3A_65 = arith.constant 0 : i32
      %dma_start3A_66 = tpu.memref_slice %arg12[%dma_start3A_64, %dma_start3A_65] : memref<256x128xf32, #tpu.memory_space<vmem>> -> memref<128x128xf32, #tpu.memory_space<vmem>>
      %dma_start3A_67 = arith.constant 0 : i32
      %dma_start3A_68 = tpu.memref_slice %arg10[%add3A_63, %dma_start3A_67] : memref<4x128xi32, #tpu.memory_space<vmem>> -> memref<1x128xi32, #tpu.memory_space<vmem>>
      %dma_start3A_69 = tpu.memref_squeeze %dma_start3A_68 : memref<1x128xi32, #tpu.memory_space<vmem>> -> memref<128xi32, #tpu.memory_space<vmem>>
      %dma_start3A_70 = arith.constant 0 : i32
      %dma_start3A_71 = arith.constant 0 : i32
      %dma_start3A_72 = tpu.memref_slice %arg5[%dma_start3A_70, %dma_start3A_71] : memref<32768x128xf32, #tpu.memory_space<hbm>> -> memref<32768x128xf32, #tpu.memory_space<hbm>>
      tpu.enqueue_indirect_dma source(%dma_start3A_72 : memref<32768x128xf32, #tpu.memory_space<hbm>>) target(%dma_start3A_66 : memref<128x128xf32, #tpu.memory_space<vmem>>) offsets(%dma_start3A_69 : memref<128xi32, #tpu.memory_space<vmem>>) semaphore(%arg15 : memref<!tpu.dma_semaphore, #tpu.memory_space<semaphore_mem>>)
      %dma_wait3A = arith.constant 0 : i32
      %dma_wait3A_73 = arith.constant 0 : i32
      %dma_wait3A_74 = tpu.memref_slice %arg4[%dma_wait3A, %dma_wait3A_73] : memref<262144x128xf32, #tpu.memory_space<hbm>> -> memref<256x128xf32, #tpu.memory_space<hbm>>
      %dma_wait3A_75 = arith.constant 0 : i32
      %dma_wait3A_76 = arith.constant 0 : i32
      %dma_wait3A_77 = tpu.memref_slice %arg4[%dma_wait3A_75, %dma_wait3A_76] : memref<262144x128xf32, #tpu.memory_space<hbm>> -> memref<256x128xf32, #tpu.memory_space<hbm>>
      tpu.wait_dma2 semaphore(%arg14 : memref<!tpu.dma_semaphore, #tpu.memory_space<semaphore_mem>>) src(%dma_wait3A_77 : memref<256x128xf32, #tpu.memory_space<hbm>>) dst(%arg11 : memref<256x128xf32, #tpu.memory_space<vmem>>)
      %dma_wait3A_78 = arith.constant 0 : i32
      %dma_wait3A_79 = arith.constant 0 : i32
      %dma_wait3A_80 = tpu.memref_slice %arg5[%dma_wait3A_78, %dma_wait3A_79] : memref<32768x128xf32, #tpu.memory_space<hbm>> -> memref<256x128xf32, #tpu.memory_space<hbm>>
      %dma_wait3A_81 = arith.constant 0 : i32
      %dma_wait3A_82 = arith.constant 0 : i32
      %dma_wait3A_83 = tpu.memref_slice %arg5[%dma_wait3A_81, %dma_wait3A_82] : memref<32768x128xf32, #tpu.memory_space<hbm>> -> memref<256x128xf32, #tpu.memory_space<hbm>>
      tpu.wait_dma2 semaphore(%arg15 : memref<!tpu.dma_semaphore, #tpu.memory_space<semaphore_mem>>) src(%dma_wait3A_83 : memref<256x128xf32, #tpu.memory_space<hbm>>) dst(%arg12 : memref<256x128xf32, #tpu.memory_space<vmem>>)
      %scan3A_84 = arith.constant 0 : i32
      %scan3A_85 = arith.constant 0 : i32
      %scan3A_86 = arith.constant 16 : i32
      %scan3A_87 = arith.addi %scan3A_85, %scan3A_86 : i32
      %scan3A_88 = arith.constant 1 : i32
      %scan3A_89 = scf.for %scan3A_92 = %scan3A_85 to %scan3A_87 step %scan3A_88 iter_args(%scan3A_93 = %scan3A_84) -> (i32)  : i32 {
        %mul3A_94 = arith.constant 256 : i32
        %mul3A_95 = arith.muli %scan3A_20, %mul3A_94 : i32
        %mul3A_96 = arith.constant 16 : i32
        %mul3A_97 = arith.muli %scan3A_92, %mul3A_96 : i32
        %add3A_98 = arith.addi %mul3A_95, %mul3A_97 : i32
        %jit3A = arith.constant 128 : i32
        %div3A = arith.divsi %add3A_98, %jit3A : i32
        %sign3A = arith.constant 0 : i32
        %sign3A_99 = arith.cmpi sgt, %add3A_98, %sign3A : i32
        %sign3A_100 = arith.extui %sign3A_99 : i1 to i32
        %sign3A_101 = arith.constant 0 : i32
        %sign3A_102 = arith.cmpi slt, %add3A_98, %sign3A_101 : i32
        %sign3A_103 = arith.extui %sign3A_102 : i1 to i32
        %sign3A_104 = arith.subi %sign3A_100, %sign3A_103 : i32
        %sign3A_105 = arith.constant 0 : i32
        %sign3A_106 = arith.cmpi sgt, %jit3A, %sign3A_105 : i32
        %sign3A_107 = arith.extui %sign3A_106 : i1 to i32
        %sign3A_108 = arith.constant 0 : i32
        %sign3A_109 = arith.cmpi slt, %jit3A, %sign3A_108 : i32
        %sign3A_110 = arith.extui %sign3A_109 : i1 to i32
        %sign3A_111 = arith.subi %sign3A_107, %sign3A_110 : i32
        %ne3A = arith.cmpi ne, %sign3A_104, %sign3A_111 : i32
        %rem3A = arith.remsi %add3A_98, %jit3A : i32
        %ne3A_112 = arith.constant 0 : i32
        %ne3A_113 = arith.cmpi ne, %rem3A, %ne3A_112 : i32
        %and3A = arith.andi %ne3A, %ne3A_113 : i1
        %sub3A = arith.constant 1 : i32
        %sub3A_114 = arith.subi %div3A, %sub3A : i32
        %select_n3A = arith.select %and3A, %sub3A_114, %div3A : i32
        %jit3A_115 = arith.constant 128 : i32
        %eq3A = arith.constant 0 : i32
        %eq3A_116 = arith.cmpi eq, %jit3A_115, %eq3A : i32
        %jit3A_117 = arith.constant 1 : i32
        %select_n3A_118 = arith.select %eq3A_116, %jit3A_117, %jit3A_115 : i32
        %rem3A_119 = arith.remsi %add3A_98, %select_n3A_118 : i32
        %ne3A_120 = arith.constant 0 : i32
        %ne3A_121 = arith.cmpi ne, %rem3A_119, %ne3A_120 : i32
        %lt3A = arith.constant 0 : i32
        %lt3A_122 = arith.cmpi slt, %rem3A_119, %lt3A : i32
        %lt3A_123 = arith.constant 0 : i32
        %lt3A_124 = arith.cmpi slt, %select_n3A_118, %lt3A_123 : i32
        %ne3A_125 = arith.xori %lt3A_122, %lt3A_124 : i1
        %and3A_126 = arith.andi %ne3A_125, %ne3A_121 : i1
        %add3A_127 = arith.addi %rem3A_119, %select_n3A_118 : i32
        %select_n3A_128 = arith.select %and3A_126, %add3A_127, %rem3A_119 : i32
        %get3A = arith.index_cast %select_n3A : i32 to index
        %get3A_129 = arith.index_cast %select_n3A_128 : i32 to index
        %get3A_130 = tpu.vector_load %arg7[%get3A, %get3A_129] {strides = array<i32>} : memref<4x128xi32, #tpu.memory_space<vmem>>, vector<16xi32>,
        %get3A_131 = arith.index_cast %select_n3A : i32 to index
        %get3A_132 = arith.index_cast %select_n3A_128 : i32 to index
        %get3A_133 = tpu.vector_load %arg8[%get3A_131, %get3A_132] {strides = array<i32>} : memref<4x128xi32, #tpu.memory_space<vmem>>, vector<16xi32>,
        %broadcast_in_dim3A = arith.constant 0.000000e+00 : f32
        %broadcast_in_dim3A_134 = vector.broadcast %broadcast_in_dim3A : f32 to vector<16xf32>
        %mul3A_135 = arith.constant 16 : i32
        %mul3A_136 = arith.muli %scan3A_92, %mul3A_135 : i32
        %add3A_137 = arith.constant 0 : i32
        %add3A_138 = arith.addi %mul3A_136, %add3A_137 : i32
        %slice3A = vector.extract_strided_slice %get3A_130 {offsets = [0], sizes = [1], strides = [1]} : vector<16xi32> to vector<1xi32>
        %squeeze3A = vector.extract %slice3A[0] : i32 from vector<1xi32>
        %shift_right_arithmetic3A = arith.constant 7 : i32
        %shift_right_arithmetic3A_139 = arith.shrsi %squeeze3A, %shift_right_arithmetic3A : i32
        %and3A_140 = arith.constant 3 : i32
        %and3A_141 = arith.andi %shift_right_arithmetic3A_139, %and3A_140 : i32
        %mul3A_142 = arith.constant 32 : i32
        %mul3A_143 = arith.muli %and3A_141, %mul3A_142 : i32
        %slice3A_144 = vector.extract_strided_slice %get3A_133 {offsets = [0], sizes = [1], strides = [1]} : vector<16xi32> to vector<1xi32>
        %squeeze3A_145 = vector.extract %slice3A_144[0] : i32 from vector<1xi32>
        %shift_right_arithmetic3A_146 = arith.constant 7 : i32
        %shift_right_arithmetic3A_147 = arith.shrsi %squeeze3A_145, %shift_right_arithmetic3A_146 : i32
        %and3A_148 = arith.constant 3 : i32
        %and3A_149 = arith.andi %shift_right_arithmetic3A_147, %and3A_148 : i32
        %mul3A_150 = arith.constant 32 : i32
        %mul3A_151 = arith.muli %and3A_149, %mul3A_150 : i32
        %get3A_152 = arith.index_cast %add3A_138 : i32 to index
        %get3A_153 = arith.index_cast %mul3A_143 : i32 to index
        %get3A_154 = tpu.vector_load %arg11[%get3A_152, %get3A_153] {strides = array<i32>} : memref<256x128xf32, #tpu.memory_space<vmem>>, vector<16xf32>,
        %add3A_155 = arith.constant 16 : i32
        %add3A_156 = arith.addi %mul3A_143, %add3A_155 : i32
        %get3A_157 = arith.index_cast %add3A_138 : i32 to index
        %get3A_158 = arith.index_cast %add3A_156 : i32 to index
        %get3A_159 = tpu.vector_load %arg11[%get3A_157, %get3A_158] {strides = array<i32>} : memref<256x128xf32, #tpu.memory_space<vmem>>, vector<16xf32>,
        %get3A_160 = arith.index_cast %add3A_138 : i32 to index
        %get3A_161 = arith.index_cast %mul3A_151 : i32 to index
        %get3A_162 = tpu.vector_load %arg12[%get3A_160, %get3A_161] {strides = array<i32>} : memref<256x128xf32, #tpu.memory_space<vmem>>, vector<16xf32>,
        %add3A_163 = arith.constant 16 : i32
        %add3A_164 = arith.addi %mul3A_151, %add3A_163 : i32
        %get3A_165 = arith.index_cast %add3A_138 : i32 to index
        %get3A_166 = arith.index_cast %add3A_164 : i32 to index
        %get3A_167 = tpu.vector_load %arg12[%get3A_165, %get3A_166] {strides = array<i32>} : memref<256x128xf32, #tpu.memory_space<vmem>>, vector<16xf32>,
        %mul3A_168 = arith.mulf %get3A_154, %get3A_162 : vector<16xf32>
        %mul3A_169 = arith.mulf %get3A_159, %get3A_167 : vector<16xf32>
        %add3A_170 = arith.addf %mul3A_168, %mul3A_169 : vector<16xf32>
        %reduce_sum3A = arith.constant true
        %reduce_sum3A_171 = vector.broadcast %reduce_sum3A : i1 to vector<16xi1>
        %reduce_sum3A_172 = tpu.scan <sum>, %add3A_170 masked %reduce_sum3A_171 : vector<16xf32>, vector<16xi1> -> vector<16xf32>
        %reduce_sum3A_173 = vector.extract %reduce_sum3A_172[15] : f32 from vector<16xf32>
        %eq3A_174 = arith.constant 0 : i32
        %eq3A_175 = vector.broadcast %eq3A_174 : i32 to vector<16xi32>
        %eq3A_176 = arith.cmpi eq, %iota3A, %eq3A_175 : vector<16xi32>
        %jit3A_177 = arith.constant 0.000000e+00 : f32
        %broadcast_in_dim3A_178 = vector.broadcast %reduce_sum3A_173 : f32 to vector<16xf32>
        %broadcast_in_dim3A_179 = vector.broadcast %jit3A_177 : f32 to vector<16xf32>
        %select_n3A_180 = arith.select %eq3A_176, %broadcast_in_dim3A_178, %broadcast_in_dim3A_179 : vector<16xi1>, vector<16xf32>
        %add3A_181 = arith.addf %broadcast_in_dim3A_134, %select_n3A_180 : vector<16xf32>
        %mul3A_182 = arith.constant 16 : i32
        %mul3A_183 = arith.muli %scan3A_92, %mul3A_182 : i32
        %add3A_184 = arith.constant 1 : i32
        %add3A_185 = arith.addi %mul3A_183, %add3A_184 : i32
        %slice3A_186 = vector.extract_strided_slice %get3A_130 {offsets = [1], sizes = [1], strides = [1]} : vector<16xi32> to vector<1xi32>
        %squeeze3A_187 = vector.extract %slice3A_186[0] : i32 from vector<1xi32>
        %shift_right_arithmetic3A_188 = arith.constant 7 : i32
        %shift_right_arithmetic3A_189 = arith.shrsi %squeeze3A_187, %shift_right_arithmetic3A_188 : i32
        %and3A_190 = arith.constant 3 : i32
        %and3A_191 = arith.andi %shift_right_arithmetic3A_189, %and3A_190 : i32
        %mul3A_192 = arith.constant 32 : i32
        %mul3A_193 = arith.muli %and3A_191, %mul3A_192 : i32
        %slice3A_194 = vector.extract_strided_slice %get3A_133 {offsets = [1], sizes = [1], strides = [1]} : vector<16xi32> to vector<1xi32>
        %squeeze3A_195 = vector.extract %slice3A_194[0] : i32 from vector<1xi32>
        %shift_right_arithmetic3A_196 = arith.constant 7 : i32
        %shift_right_arithmetic3A_197 = arith.shrsi %squeeze3A_195, %shift_right_arithmetic3A_196 : i32
        %and3A_198 = arith.constant 3 : i32
        %and3A_199 = arith.andi %shift_right_arithmetic3A_197, %and3A_198 : i32
        %mul3A_200 = arith.constant 32 : i32
        %mul3A_201 = arith.muli %and3A_199, %mul3A_200 : i32
        %get3A_202 = arith.index_cast %add3A_185 : i32 to index
        %get3A_203 = arith.index_cast %mul3A_193 : i32 to index
        %get3A_204 = tpu.vector_load %arg11[%get3A_202, %get3A_203] {strides = array<i32>} : memref<256x128xf32, #tpu.memory_space<vmem>>, vector<16xf32>,
        %add3A_205 = arith.constant 16 : i32
        %add3A_206 = arith.addi %mul3A_193, %add3A_205 : i32
        %get3A_207 = arith.index_cast %add3A_185 : i32 to index
        %get3A_208 = arith.index_cast %add3A_206 : i32 to index
        %get3A_209 = tpu.vector_load %arg11[%get3A_207, %get3A_208] {strides = array<i32>} : memref<256x128xf32, #tpu.memory_space<vmem>>, vector<16xf32>,
        %get3A_210 = arith.index_cast %add3A_185 : i32 to index
        %get3A_211 = arith.index_cast %mul3A_201 : i32 to index
        %get3A_212 = tpu.vector_load %arg12[%get3A_210, %get3A_211] {strides = array<i32>} : memref<256x128xf32, #tpu.memory_space<vmem>>, vector<16xf32>,
        %add3A_213 = arith.constant 16 : i32
        %add3A_214 = arith.addi %mul3A_201, %add3A_213 : i32
        %get3A_215 = arith.index_cast %add3A_185 : i32 to index
        %get3A_216 = arith.index_cast %add3A_214 : i32 to index
        %get3A_217 = tpu.vector_load %arg12[%get3A_215, %get3A_216] {strides = array<i32>} : memref<256x128xf32, #tpu.memory_space<vmem>>, vector<16xf32>,
        %mul3A_218 = arith.mulf %get3A_204, %get3A_212 : vector<16xf32>
        %mul3A_219 = arith.mulf %get3A_209, %get3A_217 : vector<16xf32>
        %add3A_220 = arith.addf %mul3A_218, %mul3A_219 : vector<16xf32>
        %reduce_sum3A_221 = arith.constant true
        %reduce_sum3A_222 = vector.broadcast %reduce_sum3A_221 : i1 to vector<16xi1>
        %reduce_sum3A_223 = tpu.scan <sum>, %add3A_220 masked %reduce_sum3A_222 : vector<16xf32>, vector<16xi1> -> vector<16xf32>
        %reduce_sum3A_224 = vector.extract %reduce_sum3A_223[15] : f32 from vector<16xf32>
        %eq3A_225 = arith.constant 1 : i32
        %eq3A_226 = vector.broadcast %eq3A_225 : i32 to vector<16xi32>
        %eq3A_227 = arith.cmpi eq, %iota3A, %eq3A_226 : vector<16xi32>
        %jit3A_228 = arith.constant 0.000000e+00 : f32
        %broadcast_in_dim3A_229 = vector.broadcast %reduce_sum3A_224 : f32 to vector<16xf32>
        %broadcast_in_dim3A_230 = vector.broadcast %jit3A_228 : f32 to vector<16xf32>
        %select_n3A_231 = arith.select %eq3A_227, %broadcast_in_dim3A_229, %broadcast_in_dim3A_230 : vector<16xi1>, vector<16xf32>
        %add3A_232 = arith.addf %add3A_181, %select_n3A_231 : vector<16xf32>
        %mul3A_233 = arith.constant 16 : i32
        %mul3A_234 = arith.muli %scan3A_92, %mul3A_233 : i32
        %add3A_235 = arith.constant 2 : i32
        %add3A_236 = arith.addi %mul3A_234, %add3A_235 : i32
        %slice3A_237 = vector.extract_strided_slice %get3A_130 {offsets = [2], sizes = [1], strides = [1]} : vector<16xi32> to vector<1xi32>
        %squeeze3A_238 = vector.extract %slice3A_237[0] : i32 from vector<1xi32>
        %shift_right_arithmetic3A_239 = arith.constant 7 : i32
        %shift_right_arithmetic3A_240 = arith.shrsi %squeeze3A_238, %shift_right_arithmetic3A_239 : i32
        %and3A_241 = arith.constant 3 : i32
        %and3A_242 = arith.andi %shift_right_arithmetic3A_240, %and3A_241 : i32
        %mul3A_243 = arith.constant 32 : i32
        %mul3A_244 = arith.muli %and3A_242, %mul3A_243 : i32
        %slice3A_245 = vector.extract_strided_slice %get3A_133 {offsets = [2], sizes = [1], strides = [1]} : vector<16xi32> to vector<1xi32>
        %squeeze3A_246 = vector.extract %slice3A_245[0] : i32 from vector<1xi32>
        %shift_right_arithmetic3A_247 = arith.constant 7 : i32
        %shift_right_arithmetic3A_248 = arith.shrsi %squeeze3A_246, %shift_right_arithmetic3A_247 : i32
        %and3A_249 = arith.constant 3 : i32
        %and3A_250 = arith.andi %shift_right_arithmetic3A_248, %and3A_249 : i32
        %mul3A_251 = arith.constant 32 : i32
        %mul3A_252 = arith.muli %and3A_250, %mul3A_251 : i32
        %get3A_253 = arith.index_cast %add3A_236 : i32 to index
        %get3A_254 = arith.index_cast %mul3A_244 : i32 to index
        %get3A_255 = tpu.vector_load %arg11[%get3A_253, %get3A_254] {strides = array<i32>} : memref<256x128xf32, #tpu.memory_space<vmem>>, vector<16xf32>,
        %add3A_256 = arith.constant 16 : i32
        %add3A_257 = arith.addi %mul3A_244, %add3A_256 : i32
        %get3A_258 = arith.index_cast %add3A_236 : i32 to index
        %get3A_259 = arith.index_cast %add3A_257 : i32 to index
        %get3A_260 = tpu.vector_load %arg11[%get3A_258, %get3A_259] {strides = array<i32>} : memref<256x128xf32, #tpu.memory_space<vmem>>, vector<16xf32>,
        %get3A_261 = arith.index_cast %add3A_236 : i32 to index
        %get3A_262 = arith.index_cast %mul3A_252 : i32 to index
        %get3A_263 = tpu.vector_load %arg12[%get3A_261, %get3A_262] {strides = array<i32>} : memref<256x128xf32, #tpu.memory_space<vmem>>, vector<16xf32>,
        %add3A_264 = arith.constant 16 : i32
        %add3A_265 = arith.addi %mul3A_252, %add3A_264 : i32
        %get3A_266 = arith.index_cast %add3A_236 : i32 to index
        %get3A_267 = arith.index_cast %add3A_265 : i32 to index
        %get3A_268 = tpu.vector_load %arg12[%get3A_266, %get3A_267] {strides = array<i32>} : memref<256x128xf32, #tpu.memory_space<vmem>>, vector<16xf32>,
        %mul3A_269 = arith.mulf %get3A_255, %get3A_263 : vector<16xf32>
        %mul3A_270 = arith.mulf %get3A_260, %get3A_268 : vector<16xf32>
        %add3A_271 = arith.addf %mul3A_269, %mul3A_270 : vector<16xf32>
        %reduce_sum3A_272 = arith.constant true
        %reduce_sum3A_273 = vector.broadcast %reduce_sum3A_272 : i1 to vector<16xi1>
        %reduce_sum3A_274 = tpu.scan <sum>, %add3A_271 masked %reduce_sum3A_273 : vector<16xf32>, vector<16xi1> -> vector<16xf32>
        %reduce_sum3A_275 = vector.extract %reduce_sum3A_274[15] : f32 from vector<16xf32>
        %eq3A_276 = arith.constant 2 : i32
        %eq3A_277 = vector.broadcast %eq3A_276 : i32 to vector<16xi32>
        %eq3A_278 = arith.cmpi eq, %iota3A, %eq3A_277 : vector<16xi32>
        %jit3A_279 = arith.constant 0.000000e+00 : f32
        %broadcast_in_dim3A_280 = vector.broadcast %reduce_sum3A_275 : f32 to vector<16xf32>
        %broadcast_in_dim3A_281 = vector.broadcast %jit3A_279 : f32 to vector<16xf32>
        %select_n3A_282 = arith.select %eq3A_278, %broadcast_in_dim3A_280, %broadcast_in_dim3A_281 : vector<16xi1>, vector<16xf32>
        %add3A_283 = arith.addf %add3A_232, %select_n3A_282 : vector<16xf32>
        %mul3A_284 = arith.constant 16 : i32
        %mul3A_285 = arith.muli %scan3A_92, %mul3A_284 : i32
        %add3A_286 = arith.constant 3 : i32
        %add3A_287 = arith.addi %mul3A_285, %add3A_286 : i32
        %slice3A_288 = vector.extract_strided_slice %get3A_130 {offsets = [3], sizes = [1], strides = [1]} : vector<16xi32> to vector<1xi32>
        %squeeze3A_289 = vector.extract %slice3A_288[0] : i32 from vector<1xi32>
        %shift_right_arithmetic3A_290 = arith.constant 7 : i32
        %shift_right_arithmetic3A_291 = arith.shrsi %squeeze3A_289, %shift_right_arithmetic3A_290 : i32
        %and3A_292 = arith.constant 3 : i32
        %and3A_293 = arith.andi %shift_right_arithmetic3A_291, %and3A_292 : i32
        %mul3A_294 = arith.constant 32 : i32
        %mul3A_295 = arith.muli %and3A_293, %mul3A_294 : i32
        %slice3A_296 = vector.extract_strided_slice %get3A_133 {offsets = [3], sizes = [1], strides = [1]} : vector<16xi32> to vector<1xi32>
        %squeeze3A_297 = vector.extract %slice3A_296[0] : i32 from vector<1xi32>
        %shift_right_arithmetic3A_298 = arith.constant 7 : i32
        %shift_right_arithmetic3A_299 = arith.shrsi %squeeze3A_297, %shift_right_arithmetic3A_298 : i32
        %and3A_300 = arith.constant 3 : i32
        %and3A_301 = arith.andi %shift_right_arithmetic3A_299, %and3A_300 : i32
        %mul3A_302 = arith.constant 32 : i32
        %mul3A_303 = arith.muli %and3A_301, %mul3A_302 : i32
        %get3A_304 = arith.index_cast %add3A_287 : i32 to index
        %get3A_305 = arith.index_cast %mul3A_295 : i32 to index
        %get3A_306 = tpu.vector_load %arg11[%get3A_304, %get3A_305] {strides = array<i32>} : memref<256x128xf32, #tpu.memory_space<vmem>>, vector<16xf32>,
        %add3A_307 = arith.constant 16 : i32
        %add3A_308 = arith.addi %mul3A_295, %add3A_307 : i32
        %get3A_309 = arith.index_cast %add3A_287 : i32 to index
        %get3A_310 = arith.index_cast %add3A_308 : i32 to index
        %get3A_311 = tpu.vector_load %arg11[%get3A_309, %get3A_310] {strides = array<i32>} : memref<256x128xf32, #tpu.memory_space<vmem>>, vector<16xf32>,
        %get3A_312 = arith.index_cast %add3A_287 : i32 to index
        %get3A_313 = arith.index_cast %mul3A_303 : i32 to index
        %get3A_314 = tpu.vector_load %arg12[%get3A_312, %get3A_313] {strides = array<i32>} : memref<256x128xf32, #tpu.memory_space<vmem>>, vector<16xf32>,
        %add3A_315 = arith.constant 16 : i32
        %add3A_316 = arith.addi %mul3A_303, %add3A_315 : i32
        %get3A_317 = arith.index_cast %add3A_287 : i32 to index
        %get3A_318 = arith.index_cast %add3A_316 : i32 to index
        %get3A_319 = tpu.vector_load %arg12[%get3A_317, %get3A_318] {strides = array<i32>} : memref<256x128xf32, #tpu.memory_space<vmem>>, vector<16xf32>,
        %mul3A_320 = arith.mulf %get3A_306, %get3A_314 : vector<16xf32>
        %mul3A_321 = arith.mulf %get3A_311, %get3A_319 : vector<16xf32>
        %add3A_322 = arith.addf %mul3A_320, %mul3A_321 : vector<16xf32>
        %reduce_sum3A_323 = arith.constant true
        %reduce_sum3A_324 = vector.broadcast %reduce_sum3A_323 : i1 to vector<16xi1>
        %reduce_sum3A_325 = tpu.scan <sum>, %add3A_322 masked %reduce_sum3A_324 : vector<16xf32>, vector<16xi1> -> vector<16xf32>
        %reduce_sum3A_326 = vector.extract %reduce_sum3A_325[15] : f32 from vector<16xf32>
        %eq3A_327 = arith.constant 3 : i32
        %eq3A_328 = vector.broadcast %eq3A_327 : i32 to vector<16xi32>
        %eq3A_329 = arith.cmpi eq, %iota3A, %eq3A_328 : vector<16xi32>
        %jit3A_330 = arith.constant 0.000000e+00 : f32
        %broadcast_in_dim3A_331 = vector.broadcast %reduce_sum3A_326 : f32 to vector<16xf32>
        %broadcast_in_dim3A_332 = vector.broadcast %jit3A_330 : f32 to vector<16xf32>
        %select_n3A_333 = arith.select %eq3A_329, %broadcast_in_dim3A_331, %broadcast_in_dim3A_332 : vector<16xi1>, vector<16xf32>
        %add3A_334 = arith.addf %add3A_283, %select_n3A_333 : vector<16xf32>
        %mul3A_335 = arith.constant 16 : i32
        %mul3A_336 = arith.muli %scan3A_92, %mul3A_335 : i32
        %add3A_337 = arith.constant 4 : i32
        %add3A_338 = arith.addi %mul3A_336, %add3A_337 : i32
        %slice3A_339 = vector.extract_strided_slice %get3A_130 {offsets = [4], sizes = [1], strides = [1]} : vector<16xi32> to vector<1xi32>
        %squeeze3A_340 = vector.extract %slice3A_339[0] : i32 from vector<1xi32>
        %shift_right_arithmetic3A_341 = arith.constant 7 : i32
        %shift_right_arithmetic3A_342 = arith.shrsi %squeeze3A_340, %shift_right_arithmetic3A_341 : i32
        %and3A_343 = arith.constant 3 : i32
        %and3A_344 = arith.andi %shift_right_arithmetic3A_342, %and3A_343 : i32
        %mul3A_345 = arith.constant 32 : i32
        %mul3A_346 = arith.muli %and3A_344, %mul3A_345 : i32
        %slice3A_347 = vector.extract_strided_slice %get3A_133 {offsets = [4], sizes = [1], strides = [1]} : vector<16xi32> to vector<1xi32>
        %squeeze3A_348 = vector.extract %slice3A_347[0] : i32 from vector<1xi32>
        %shift_right_arithmetic3A_349 = arith.constant 7 : i32
        %shift_right_arithmetic3A_350 = arith.shrsi %squeeze3A_348, %shift_right_arithmetic3A_349 : i32
        %and3A_351 = arith.constant 3 : i32
        %and3A_352 = arith.andi %shift_right_arithmetic3A_350, %and3A_351 : i32
        %mul3A_353 = arith.constant 32 : i32
        %mul3A_354 = arith.muli %and3A_352, %mul3A_353 : i32
        %get3A_355 = arith.index_cast %add3A_338 : i32 to index
        %get3A_356 = arith.index_cast %mul3A_346 : i32 to index
        %get3A_357 = tpu.vector_load %arg11[%get3A_355, %get3A_356] {strides = array<i32>} : memref<256x128xf32, #tpu.memory_space<vmem>>, vector<16xf32>,
        %add3A_358 = arith.constant 16 : i32
        %add3A_359 = arith.addi %mul3A_346, %add3A_358 : i32
        %get3A_360 = arith.index_cast %add3A_338 : i32 to index
        %get3A_361 = arith.index_cast %add3A_359 : i32 to index
        %get3A_362 = tpu.vector_load %arg11[%get3A_360, %get3A_361] {strides = array<i32>} : memref<256x128xf32, #tpu.memory_space<vmem>>, vector<16xf32>,
        %get3A_363 = arith.index_cast %add3A_338 : i32 to index
        %get3A_364 = arith.index_cast %mul3A_354 : i32 to index
        %get3A_365 = tpu.vector_load %arg12[%get3A_363, %get3A_364] {strides = array<i32>} : memref<256x128xf32, #tpu.memory_space<vmem>>, vector<16xf32>,
        %add3A_366 = arith.constant 16 : i32
        %add3A_367 = arith.addi %mul3A_354, %add3A_366 : i32
        %get3A_368 = arith.index_cast %add3A_338 : i32 to index
        %get3A_369 = arith.index_cast %add3A_367 : i32 to index
        %get3A_370 = tpu.vector_load %arg12[%get3A_368, %get3A_369] {strides = array<i32>} : memref<256x128xf32, #tpu.memory_space<vmem>>, vector<16xf32>,
        %mul3A_371 = arith.mulf %get3A_357, %get3A_365 : vector<16xf32>
        %mul3A_372 = arith.mulf %get3A_362, %get3A_370 : vector<16xf32>
        %add3A_373 = arith.addf %mul3A_371, %mul3A_372 : vector<16xf32>
        %reduce_sum3A_374 = arith.constant true
        %reduce_sum3A_375 = vector.broadcast %reduce_sum3A_374 : i1 to vector<16xi1>
        %reduce_sum3A_376 = tpu.scan <sum>, %add3A_373 masked %reduce_sum3A_375 : vector<16xf32>, vector<16xi1> -> vector<16xf32>
        %reduce_sum3A_377 = vector.extract %reduce_sum3A_376[15] : f32 from vector<16xf32>
        %eq3A_378 = arith.constant 4 : i32
        %eq3A_379 = vector.broadcast %eq3A_378 : i32 to vector<16xi32>
        %eq3A_380 = arith.cmpi eq, %iota3A, %eq3A_379 : vector<16xi32>
        %jit3A_381 = arith.constant 0.000000e+00 : f32
        %broadcast_in_dim3A_382 = vector.broadcast %reduce_sum3A_377 : f32 to vector<16xf32>
        %broadcast_in_dim3A_383 = vector.broadcast %jit3A_381 : f32 to vector<16xf32>
        %select_n3A_384 = arith.select %eq3A_380, %broadcast_in_dim3A_382, %broadcast_in_dim3A_383 : vector<16xi1>, vector<16xf32>
        %add3A_385 = arith.addf %add3A_334, %select_n3A_384 : vector<16xf32>
        %mul3A_386 = arith.constant 16 : i32
        %mul3A_387 = arith.muli %scan3A_92, %mul3A_386 : i32
        %add3A_388 = arith.constant 5 : i32
        %add3A_389 = arith.addi %mul3A_387, %add3A_388 : i32
        %slice3A_390 = vector.extract_strided_slice %get3A_130 {offsets = [5], sizes = [1], strides = [1]} : vector<16xi32> to vector<1xi32>
        %squeeze3A_391 = vector.extract %slice3A_390[0] : i32 from vector<1xi32>
        %shift_right_arithmetic3A_392 = arith.constant 7 : i32
        %shift_right_arithmetic3A_393 = arith.shrsi %squeeze3A_391, %shift_right_arithmetic3A_392 : i32
        %and3A_394 = arith.constant 3 : i32
        %and3A_395 = arith.andi %shift_right_arithmetic3A_393, %and3A_394 : i32
        %mul3A_396 = arith.constant 32 : i32
        %mul3A_397 = arith.muli %and3A_395, %mul3A_396 : i32
        %slice3A_398 = vector.extract_strided_slice %get3A_133 {offsets = [5], sizes = [1], strides = [1]} : vector<16xi32> to vector<1xi32>
        %squeeze3A_399 = vector.extract %slice3A_398[0] : i32 from vector<1xi32>
        %shift_right_arithmetic3A_400 = arith.constant 7 : i32
        %shift_right_arithmetic3A_401 = arith.shrsi %squeeze3A_399, %shift_right_arithmetic3A_400 : i32
        %and3A_402 = arith.constant 3 : i32
        %and3A_403 = arith.andi %shift_right_arithmetic3A_401, %and3A_402 : i32
        %mul3A_404 = arith.constant 32 : i32
        %mul3A_405 = arith.muli %and3A_403, %mul3A_404 : i32
        %get3A_406 = arith.index_cast %add3A_389 : i32 to index
        %get3A_407 = arith.index_cast %mul3A_397 : i32 to index
        %get3A_408 = tpu.vector_load %arg11[%get3A_406, %get3A_407] {strides = array<i32>} : memref<256x128xf32, #tpu.memory_space<vmem>>, vector<16xf32>,
        %add3A_409 = arith.constant 16 : i32
        %add3A_410 = arith.addi %mul3A_397, %add3A_409 : i32
        %get3A_411 = arith.index_cast %add3A_389 : i32 to index
        %get3A_412 = arith.index_cast %add3A_410 : i32 to index
        %get3A_413 = tpu.vector_load %arg11[%get3A_411, %get3A_412] {strides = array<i32>} : memref<256x128xf32, #tpu.memory_space<vmem>>, vector<16xf32>,
        %get3A_414 = arith.index_cast %add3A_389 : i32 to index
        %get3A_415 = arith.index_cast %mul3A_405 : i32 to index
        %get3A_416 = tpu.vector_load %arg12[%get3A_414, %get3A_415] {strides = array<i32>} : memref<256x128xf32, #tpu.memory_space<vmem>>, vector<16xf32>,
        %add3A_417 = arith.constant 16 : i32
        %add3A_418 = arith.addi %mul3A_405, %add3A_417 : i32
        %get3A_419 = arith.index_cast %add3A_389 : i32 to index
        %get3A_420 = arith.index_cast %add3A_418 : i32 to index
        %get3A_421 = tpu.vector_load %arg12[%get3A_419, %get3A_420] {strides = array<i32>} : memref<256x128xf32, #tpu.memory_space<vmem>>, vector<16xf32>,
        %mul3A_422 = arith.mulf %get3A_408, %get3A_416 : vector<16xf32>
        %mul3A_423 = arith.mulf %get3A_413, %get3A_421 : vector<16xf32>
        %add3A_424 = arith.addf %mul3A_422, %mul3A_423 : vector<16xf32>
        %reduce_sum3A_425 = arith.constant true
        %reduce_sum3A_426 = vector.broadcast %reduce_sum3A_425 : i1 to vector<16xi1>
        %reduce_sum3A_427 = tpu.scan <sum>, %add3A_424 masked %reduce_sum3A_426 : vector<16xf32>, vector<16xi1> -> vector<16xf32>
        %reduce_sum3A_428 = vector.extract %reduce_sum3A_427[15] : f32 from vector<16xf32>
        %eq3A_429 = arith.constant 5 : i32
        %eq3A_430 = vector.broadcast %eq3A_429 : i32 to vector<16xi32>
        %eq3A_431 = arith.cmpi eq, %iota3A, %eq3A_430 : vector<16xi32>
        %jit3A_432 = arith.constant 0.000000e+00 : f32
        %broadcast_in_dim3A_433 = vector.broadcast %reduce_sum3A_428 : f32 to vector<16xf32>
        %broadcast_in_dim3A_434 = vector.broadcast %jit3A_432 : f32 to vector<16xf32>
        %select_n3A_435 = arith.select %eq3A_431, %broadcast_in_dim3A_433, %broadcast_in_dim3A_434 : vector<16xi1>, vector<16xf32>
        %add3A_436 = arith.addf %add3A_385, %select_n3A_435 : vector<16xf32>
        %mul3A_437 = arith.constant 16 : i32
        %mul3A_438 = arith.muli %scan3A_92, %mul3A_437 : i32
        %add3A_439 = arith.constant 6 : i32
        %add3A_440 = arith.addi %mul3A_438, %add3A_439 : i32
        %slice3A_441 = vector.extract_strided_slice %get3A_130 {offsets = [6], sizes = [1], strides = [1]} : vector<16xi32> to vector<1xi32>
        %squeeze3A_442 = vector.extract %slice3A_441[0] : i32 from vector<1xi32>
        %shift_right_arithmetic3A_443 = arith.constant 7 : i32
        %shift_right_arithmetic3A_444 = arith.shrsi %squeeze3A_442, %shift_right_arithmetic3A_443 : i32
        %and3A_445 = arith.constant 3 : i32
        %and3A_446 = arith.andi %shift_right_arithmetic3A_444, %and3A_445 : i32
        %mul3A_447 = arith.constant 32 : i32
        %mul3A_448 = arith.muli %and3A_446, %mul3A_447 : i32
        %slice3A_449 = vector.extract_strided_slice %get3A_133 {offsets = [6], sizes = [1], strides = [1]} : vector<16xi32> to vector<1xi32>
        %squeeze3A_450 = vector.extract %slice3A_449[0] : i32 from vector<1xi32>
        %shift_right_arithmetic3A_451 = arith.constant 7 : i32
        %shift_right_arithmetic3A_452 = arith.shrsi %squeeze3A_450, %shift_right_arithmetic3A_451 : i32
        %and3A_453 = arith.constant 3 : i32
        %and3A_454 = arith.andi %shift_right_arithmetic3A_452, %and3A_453 : i32
        %mul3A_455 = arith.constant 32 : i32
        %mul3A_456 = arith.muli %and3A_454, %mul3A_455 : i32
        %get3A_457 = arith.index_cast %add3A_440 : i32 to index
        %get3A_458 = arith.index_cast %mul3A_448 : i32 to index
        %get3A_459 = tpu.vector_load %arg11[%get3A_457, %get3A_458] {strides = array<i32>} : memref<256x128xf32, #tpu.memory_space<vmem>>, vector<16xf32>,
        %add3A_460 = arith.constant 16 : i32
        %add3A_461 = arith.addi %mul3A_448, %add3A_460 : i32
        %get3A_462 = arith.index_cast %add3A_440 : i32 to index
        %get3A_463 = arith.index_cast %add3A_461 : i32 to index
        %get3A_464 = tpu.vector_load %arg11[%get3A_462, %get3A_463] {strides = array<i32>} : memref<256x128xf32, #tpu.memory_space<vmem>>, vector<16xf32>,
        %get3A_465 = arith.index_cast %add3A_440 : i32 to index
        %get3A_466 = arith.index_cast %mul3A_456 : i32 to index
        %get3A_467 = tpu.vector_load %arg12[%get3A_465, %get3A_466] {strides = array<i32>} : memref<256x128xf32, #tpu.memory_space<vmem>>, vector<16xf32>,
        %add3A_468 = arith.constant 16 : i32
        %add3A_469 = arith.addi %mul3A_456, %add3A_468 : i32
        %get3A_470 = arith.index_cast %add3A_440 : i32 to index
        %get3A_471 = arith.index_cast %add3A_469 : i32 to index
        %get3A_472 = tpu.vector_load %arg12[%get3A_470, %get3A_471] {strides = array<i32>} : memref<256x128xf32, #tpu.memory_space<vmem>>, vector<16xf32>,
        %mul3A_473 = arith.mulf %get3A_459, %get3A_467 : vector<16xf32>
        %mul3A_474 = arith.mulf %get3A_464, %get3A_472 : vector<16xf32>
        %add3A_475 = arith.addf %mul3A_473, %mul3A_474 : vector<16xf32>
        %reduce_sum3A_476 = arith.constant true
        %reduce_sum3A_477 = vector.broadcast %reduce_sum3A_476 : i1 to vector<16xi1>
        %reduce_sum3A_478 = tpu.scan <sum>, %add3A_475 masked %reduce_sum3A_477 : vector<16xf32>, vector<16xi1> -> vector<16xf32>
        %reduce_sum3A_479 = vector.extract %reduce_sum3A_478[15] : f32 from vector<16xf32>
        %eq3A_480 = arith.constant 6 : i32
        %eq3A_481 = vector.broadcast %eq3A_480 : i32 to vector<16xi32>
        %eq3A_482 = arith.cmpi eq, %iota3A, %eq3A_481 : vector<16xi32>
        %jit3A_483 = arith.constant 0.000000e+00 : f32
        %broadcast_in_dim3A_484 = vector.broadcast %reduce_sum3A_479 : f32 to vector<16xf32>
        %broadcast_in_dim3A_485 = vector.broadcast %jit3A_483 : f32 to vector<16xf32>
        %select_n3A_486 = arith.select %eq3A_482, %broadcast_in_dim3A_484, %broadcast_in_dim3A_485 : vector<16xi1>, vector<16xf32>
        %add3A_487 = arith.addf %add3A_436, %select_n3A_486 : vector<16xf32>
        %mul3A_488 = arith.constant 16 : i32
        %mul3A_489 = arith.muli %scan3A_92, %mul3A_488 : i32
        %add3A_490 = arith.constant 7 : i32
        %add3A_491 = arith.addi %mul3A_489, %add3A_490 : i32
        %slice3A_492 = vector.extract_strided_slice %get3A_130 {offsets = [7], sizes = [1], strides = [1]} : vector<16xi32> to vector<1xi32>
        %squeeze3A_493 = vector.extract %slice3A_492[0] : i32 from vector<1xi32>
        %shift_right_arithmetic3A_494 = arith.constant 7 : i32
        %shift_right_arithmetic3A_495 = arith.shrsi %squeeze3A_493, %shift_right_arithmetic3A_494 : i32
        %and3A_496 = arith.constant 3 : i32
        %and3A_497 = arith.andi %shift_right_arithmetic3A_495, %and3A_496 : i32
        %mul3A_498 = arith.constant 32 : i32
        %mul3A_499 = arith.muli %and3A_497, %mul3A_498 : i32
        %slice3A_500 = vector.extract_strided_slice %get3A_133 {offsets = [7], sizes = [1], strides = [1]} : vector<16xi32> to vector<1xi32>
        %squeeze3A_501 = vector.extract %slice3A_500[0] : i32 from vector<1xi32>
        %shift_right_arithmetic3A_502 = arith.constant 7 : i32
        %shift_right_arithmetic3A_503 = arith.shrsi %squeeze3A_501, %shift_right_arithmetic3A_502 : i32
        %and3A_504 = arith.constant 3 : i32
        %and3A_505 = arith.andi %shift_right_arithmetic3A_503, %and3A_504 : i32
        %mul3A_506 = arith.constant 32 : i32
        %mul3A_507 = arith.muli %and3A_505, %mul3A_506 : i32
        %get3A_508 = arith.index_cast %add3A_491 : i32 to index
        %get3A_509 = arith.index_cast %mul3A_499 : i32 to index
        %get3A_510 = tpu.vector_load %arg11[%get3A_508, %get3A_509] {strides = array<i32>} : memref<256x128xf32, #tpu.memory_space<vmem>>, vector<16xf32>,
        %add3A_511 = arith.constant 16 : i32
        %add3A_512 = arith.addi %mul3A_499, %add3A_511 : i32
        %get3A_513 = arith.index_cast %add3A_491 : i32 to index
        %get3A_514 = arith.index_cast %add3A_512 : i32 to index
        %get3A_515 = tpu.vector_load %arg11[%get3A_513, %get3A_514] {strides = array<i32>} : memref<256x128xf32, #tpu.memory_space<vmem>>, vector<16xf32>,
        %get3A_516 = arith.index_cast %add3A_491 : i32 to index
        %get3A_517 = arith.index_cast %mul3A_507 : i32 to index
        %get3A_518 = tpu.vector_load %arg12[%get3A_516, %get3A_517] {strides = array<i32>} : memref<256x128xf32, #tpu.memory_space<vmem>>, vector<16xf32>,
        %add3A_519 = arith.constant 16 : i32
        %add3A_520 = arith.addi %mul3A_507, %add3A_519 : i32
        %get3A_521 = arith.index_cast %add3A_491 : i32 to index
        %get3A_522 = arith.index_cast %add3A_520 : i32 to index
        %get3A_523 = tpu.vector_load %arg12[%get3A_521, %get3A_522] {strides = array<i32>} : memref<256x128xf32, #tpu.memory_space<vmem>>, vector<16xf32>,
        %mul3A_524 = arith.mulf %get3A_510, %get3A_518 : vector<16xf32>
        %mul3A_525 = arith.mulf %get3A_515, %get3A_523 : vector<16xf32>
        %add3A_526 = arith.addf %mul3A_524, %mul3A_525 : vector<16xf32>
        %reduce_sum3A_527 = arith.constant true
        %reduce_sum3A_528 = vector.broadcast %reduce_sum3A_527 : i1 to vector<16xi1>
        %reduce_sum3A_529 = tpu.scan <sum>, %add3A_526 masked %reduce_sum3A_528 : vector<16xf32>, vector<16xi1> -> vector<16xf32>
        %reduce_sum3A_530 = vector.extract %reduce_sum3A_529[15] : f32 from vector<16xf32>
        %eq3A_531 = arith.constant 7 : i32
        %eq3A_532 = vector.broadcast %eq3A_531 : i32 to vector<16xi32>
        %eq3A_533 = arith.cmpi eq, %iota3A, %eq3A_532 : vector<16xi32>
        %jit3A_534 = arith.constant 0.000000e+00 : f32
        %broadcast_in_dim3A_535 = vector.broadcast %reduce_sum3A_530 : f32 to vector<16xf32>
        %broadcast_in_dim3A_536 = vector.broadcast %jit3A_534 : f32 to vector<16xf32>
        %select_n3A_537 = arith.select %eq3A_533, %broadcast_in_dim3A_535, %broadcast_in_dim3A_536 : vector<16xi1>, vector<16xf32>
        %add3A_538 = arith.addf %add3A_487, %select_n3A_537 : vector<16xf32>
        %mul3A_539 = arith.constant 16 : i32
        %mul3A_540 = arith.muli %scan3A_92, %mul3A_539 : i32
        %add3A_541 = arith.constant 8 : i32
        %add3A_542 = arith.addi %mul3A_540, %add3A_541 : i32
        %slice3A_543 = vector.extract_strided_slice %get3A_130 {offsets = [8], sizes = [1], strides = [1]} : vector<16xi32> to vector<1xi32>
        %squeeze3A_544 = vector.extract %slice3A_543[0] : i32 from vector<1xi32>
        %shift_right_arithmetic3A_545 = arith.constant 7 : i32
        %shift_right_arithmetic3A_546 = arith.shrsi %squeeze3A_544, %shift_right_arithmetic3A_545 : i32
        %and3A_547 = arith.constant 3 : i32
        %and3A_548 = arith.andi %shift_right_arithmetic3A_546, %and3A_547 : i32
        %mul3A_549 = arith.constant 32 : i32
        %mul3A_550 = arith.muli %and3A_548, %mul3A_549 : i32
        %slice3A_551 = vector.extract_strided_slice %get3A_133 {offsets = [8], sizes = [1], strides = [1]} : vector<16xi32> to vector<1xi32>
        %squeeze3A_552 = vector.extract %slice3A_551[0] : i32 from vector<1xi32>
        %shift_right_arithmetic3A_553 = arith.constant 7 : i32
        %shift_right_arithmetic3A_554 = arith.shrsi %squeeze3A_552, %shift_right_arithmetic3A_553 : i32
        %and3A_555 = arith.constant 3 : i32
        %and3A_556 = arith.andi %shift_right_arithmetic3A_554, %and3A_555 : i32
        %mul3A_557 = arith.constant 32 : i32
        %mul3A_558 = arith.muli %and3A_556, %mul3A_557 : i32
        %get3A_559 = arith.index_cast %add3A_542 : i32 to index
        %get3A_560 = arith.index_cast %mul3A_550 : i32 to index
        %get3A_561 = tpu.vector_load %arg11[%get3A_559, %get3A_560] {strides = array<i32>} : memref<256x128xf32, #tpu.memory_space<vmem>>, vector<16xf32>,
        %add3A_562 = arith.constant 16 : i32
        %add3A_563 = arith.addi %mul3A_550, %add3A_562 : i32
        %get3A_564 = arith.index_cast %add3A_542 : i32 to index
        %get3A_565 = arith.index_cast %add3A_563 : i32 to index
        %get3A_566 = tpu.vector_load %arg11[%get3A_564, %get3A_565] {strides = array<i32>} : memref<256x128xf32, #tpu.memory_space<vmem>>, vector<16xf32>,
        %get3A_567 = arith.index_cast %add3A_542 : i32 to index
        %get3A_568 = arith.index_cast %mul3A_558 : i32 to index
        %get3A_569 = tpu.vector_load %arg12[%get3A_567, %get3A_568] {strides = array<i32>} : memref<256x128xf32, #tpu.memory_space<vmem>>, vector<16xf32>,
        %add3A_570 = arith.constant 16 : i32
        %add3A_571 = arith.addi %mul3A_558, %add3A_570 : i32
        %get3A_572 = arith.index_cast %add3A_542 : i32 to index
        %get3A_573 = arith.index_cast %add3A_571 : i32 to index
        %get3A_574 = tpu.vector_load %arg12[%get3A_572, %get3A_573] {strides = array<i32>} : memref<256x128xf32, #tpu.memory_space<vmem>>, vector<16xf32>,
        %mul3A_575 = arith.mulf %get3A_561, %get3A_569 : vector<16xf32>
        %mul3A_576 = arith.mulf %get3A_566, %get3A_574 : vector<16xf32>
        %add3A_577 = arith.addf %mul3A_575, %mul3A_576 : vector<16xf32>
        %reduce_sum3A_578 = arith.constant true
        %reduce_sum3A_579 = vector.broadcast %reduce_sum3A_578 : i1 to vector<16xi1>
        %reduce_sum3A_580 = tpu.scan <sum>, %add3A_577 masked %reduce_sum3A_579 : vector<16xf32>, vector<16xi1> -> vector<16xf32>
        %reduce_sum3A_581 = vector.extract %reduce_sum3A_580[15] : f32 from vector<16xf32>
        %eq3A_582 = arith.constant 8 : i32
        %eq3A_583 = vector.broadcast %eq3A_582 : i32 to vector<16xi32>
        %eq3A_584 = arith.cmpi eq, %iota3A, %eq3A_583 : vector<16xi32>
        %jit3A_585 = arith.constant 0.000000e+00 : f32
        %broadcast_in_dim3A_586 = vector.broadcast %reduce_sum3A_581 : f32 to vector<16xf32>
        %broadcast_in_dim3A_587 = vector.broadcast %jit3A_585 : f32 to vector<16xf32>
        %select_n3A_588 = arith.select %eq3A_584, %broadcast_in_dim3A_586, %broadcast_in_dim3A_587 : vector<16xi1>, vector<16xf32>
        %add3A_589 = arith.addf %add3A_538, %select_n3A_588 : vector<16xf32>
        %mul3A_590 = arith.constant 16 : i32
        %mul3A_591 = arith.muli %scan3A_92, %mul3A_590 : i32
        %add3A_592 = arith.constant 9 : i32
        %add3A_593 = arith.addi %mul3A_591, %add3A_592 : i32
        %slice3A_594 = vector.extract_strided_slice %get3A_130 {offsets = [9], sizes = [1], strides = [1]} : vector<16xi32> to vector<1xi32>
        %squeeze3A_595 = vector.extract %slice3A_594[0] : i32 from vector<1xi32>
        %shift_right_arithmetic3A_596 = arith.constant 7 : i32
        %shift_right_arithmetic3A_597 = arith.shrsi %squeeze3A_595, %shift_right_arithmetic3A_596 : i32
        %and3A_598 = arith.constant 3 : i32
        %and3A_599 = arith.andi %shift_right_arithmetic3A_597, %and3A_598 : i32
        %mul3A_600 = arith.constant 32 : i32
        %mul3A_601 = arith.muli %and3A_599, %mul3A_600 : i32
        %slice3A_602 = vector.extract_strided_slice %get3A_133 {offsets = [9], sizes = [1], strides = [1]} : vector<16xi32> to vector<1xi32>
        %squeeze3A_603 = vector.extract %slice3A_602[0] : i32 from vector<1xi32>
        %shift_right_arithmetic3A_604 = arith.constant 7 : i32
        %shift_right_arithmetic3A_605 = arith.shrsi %squeeze3A_603, %shift_right_arithmetic3A_604 : i32
        %and3A_606 = arith.constant 3 : i32
        %and3A_607 = arith.andi %shift_right_arithmetic3A_605, %and3A_606 : i32
        %mul3A_608 = arith.constant 32 : i32
        %mul3A_609 = arith.muli %and3A_607, %mul3A_608 : i32
        %get3A_610 = arith.index_cast %add3A_593 : i32 to index
        %get3A_611 = arith.index_cast %mul3A_601 : i32 to index
        %get3A_612 = tpu.vector_load %arg11[%get3A_610, %get3A_611] {strides = array<i32>} : memref<256x128xf32, #tpu.memory_space<vmem>>, vector<16xf32>,
        %add3A_613 = arith.constant 16 : i32
        %add3A_614 = arith.addi %mul3A_601, %add3A_613 : i32
        %get3A_615 = arith.index_cast %add3A_593 : i32 to index
        %get3A_616 = arith.index_cast %add3A_614 : i32 to index
        %get3A_617 = tpu.vector_load %arg11[%get3A_615, %get3A_616] {strides = array<i32>} : memref<256x128xf32, #tpu.memory_space<vmem>>, vector<16xf32>,
        %get3A_618 = arith.index_cast %add3A_593 : i32 to index
        %get3A_619 = arith.index_cast %mul3A_609 : i32 to index
        %get3A_620 = tpu.vector_load %arg12[%get3A_618, %get3A_619] {strides = array<i32>} : memref<256x128xf32, #tpu.memory_space<vmem>>, vector<16xf32>,
        %add3A_621 = arith.constant 16 : i32
        %add3A_622 = arith.addi %mul3A_609, %add3A_621 : i32
        %get3A_623 = arith.index_cast %add3A_593 : i32 to index
        %get3A_624 = arith.index_cast %add3A_622 : i32 to index
        %get3A_625 = tpu.vector_load %arg12[%get3A_623, %get3A_624] {strides = array<i32>} : memref<256x128xf32, #tpu.memory_space<vmem>>, vector<16xf32>,
        %mul3A_626 = arith.mulf %get3A_612, %get3A_620 : vector<16xf32>
        %mul3A_627 = arith.mulf %get3A_617, %get3A_625 : vector<16xf32>
        %add3A_628 = arith.addf %mul3A_626, %mul3A_627 : vector<16xf32>
        %reduce_sum3A_629 = arith.constant true
        %reduce_sum3A_630 = vector.broadcast %reduce_sum3A_629 : i1 to vector<16xi1>
        %reduce_sum3A_631 = tpu.scan <sum>, %add3A_628 masked %reduce_sum3A_630 : vector<16xf32>, vector<16xi1> -> vector<16xf32>
        %reduce_sum3A_632 = vector.extract %reduce_sum3A_631[15] : f32 from vector<16xf32>
        %eq3A_633 = arith.constant 9 : i32
        %eq3A_634 = vector.broadcast %eq3A_633 : i32 to vector<16xi32>
        %eq3A_635 = arith.cmpi eq, %iota3A, %eq3A_634 : vector<16xi32>
        %jit3A_636 = arith.constant 0.000000e+00 : f32
        %broadcast_in_dim3A_637 = vector.broadcast %reduce_sum3A_632 : f32 to vector<16xf32>
        %broadcast_in_dim3A_638 = vector.broadcast %jit3A_636 : f32 to vector<16xf32>
        %select_n3A_639 = arith.select %eq3A_635, %broadcast_in_dim3A_637, %broadcast_in_dim3A_638 : vector<16xi1>, vector<16xf32>
        %add3A_640 = arith.addf %add3A_589, %select_n3A_639 : vector<16xf32>
        %mul3A_641 = arith.constant 16 : i32
        %mul3A_642 = arith.muli %scan3A_92, %mul3A_641 : i32
        %add3A_643 = arith.constant 10 : i32
        %add3A_644 = arith.addi %mul3A_642, %add3A_643 : i32
        %slice3A_645 = vector.extract_strided_slice %get3A_130 {offsets = [10], sizes = [1], strides = [1]} : vector<16xi32> to vector<1xi32>
        %squeeze3A_646 = vector.extract %slice3A_645[0] : i32 from vector<1xi32>
        %shift_right_arithmetic3A_647 = arith.constant 7 : i32
        %shift_right_arithmetic3A_648 = arith.shrsi %squeeze3A_646, %shift_right_arithmetic3A_647 : i32
        %and3A_649 = arith.constant 3 : i32
        %and3A_650 = arith.andi %shift_right_arithmetic3A_648, %and3A_649 : i32
        %mul3A_651 = arith.constant 32 : i32
        %mul3A_652 = arith.muli %and3A_650, %mul3A_651 : i32
        %slice3A_653 = vector.extract_strided_slice %get3A_133 {offsets = [10], sizes = [1], strides = [1]} : vector<16xi32> to vector<1xi32>
        %squeeze3A_654 = vector.extract %slice3A_653[0] : i32 from vector<1xi32>
        %shift_right_arithmetic3A_655 = arith.constant 7 : i32
        %shift_right_arithmetic3A_656 = arith.shrsi %squeeze3A_654, %shift_right_arithmetic3A_655 : i32
        %and3A_657 = arith.constant 3 : i32
        %and3A_658 = arith.andi %shift_right_arithmetic3A_656, %and3A_657 : i32
        %mul3A_659 = arith.constant 32 : i32
        %mul3A_660 = arith.muli %and3A_658, %mul3A_659 : i32
        %get3A_661 = arith.index_cast %add3A_644 : i32 to index
        %get3A_662 = arith.index_cast %mul3A_652 : i32 to index
        %get3A_663 = tpu.vector_load %arg11[%get3A_661, %get3A_662] {strides = array<i32>} : memref<256x128xf32, #tpu.memory_space<vmem>>, vector<16xf32>,
        %add3A_664 = arith.constant 16 : i32
        %add3A_665 = arith.addi %mul3A_652, %add3A_664 : i32
        %get3A_666 = arith.index_cast %add3A_644 : i32 to index
        %get3A_667 = arith.index_cast %add3A_665 : i32 to index
        %get3A_668 = tpu.vector_load %arg11[%get3A_666, %get3A_667] {strides = array<i32>} : memref<256x128xf32, #tpu.memory_space<vmem>>, vector<16xf32>,
        %get3A_669 = arith.index_cast %add3A_644 : i32 to index
        %get3A_670 = arith.index_cast %mul3A_660 : i32 to index
        %get3A_671 = tpu.vector_load %arg12[%get3A_669, %get3A_670] {strides = array<i32>} : memref<256x128xf32, #tpu.memory_space<vmem>>, vector<16xf32>,
        %add3A_672 = arith.constant 16 : i32
        %add3A_673 = arith.addi %mul3A_660, %add3A_672 : i32
        %get3A_674 = arith.index_cast %add3A_644 : i32 to index
        %get3A_675 = arith.index_cast %add3A_673 : i32 to index
        %get3A_676 = tpu.vector_load %arg12[%get3A_674, %get3A_675] {strides = array<i32>} : memref<256x128xf32, #tpu.memory_space<vmem>>, vector<16xf32>,
        %mul3A_677 = arith.mulf %get3A_663, %get3A_671 : vector<16xf32>
        %mul3A_678 = arith.mulf %get3A_668, %get3A_676 : vector<16xf32>
        %add3A_679 = arith.addf %mul3A_677, %mul3A_678 : vector<16xf32>
        %reduce_sum3A_680 = arith.constant true
        %reduce_sum3A_681 = vector.broadcast %reduce_sum3A_680 : i1 to vector<16xi1>
        %reduce_sum3A_682 = tpu.scan <sum>, %add3A_679 masked %reduce_sum3A_681 : vector<16xf32>, vector<16xi1> -> vector<16xf32>
        %reduce_sum3A_683 = vector.extract %reduce_sum3A_682[15] : f32 from vector<16xf32>
        %eq3A_684 = arith.constant 10 : i32
        %eq3A_685 = vector.broadcast %eq3A_684 : i32 to vector<16xi32>
        %eq3A_686 = arith.cmpi eq, %iota3A, %eq3A_685 : vector<16xi32>
        %jit3A_687 = arith.constant 0.000000e+00 : f32
        %broadcast_in_dim3A_688 = vector.broadcast %reduce_sum3A_683 : f32 to vector<16xf32>
        %broadcast_in_dim3A_689 = vector.broadcast %jit3A_687 : f32 to vector<16xf32>
        %select_n3A_690 = arith.select %eq3A_686, %broadcast_in_dim3A_688, %broadcast_in_dim3A_689 : vector<16xi1>, vector<16xf32>
        %add3A_691 = arith.addf %add3A_640, %select_n3A_690 : vector<16xf32>
        %mul3A_692 = arith.constant 16 : i32
        %mul3A_693 = arith.muli %scan3A_92, %mul3A_692 : i32
        %add3A_694 = arith.constant 11 : i32
        %add3A_695 = arith.addi %mul3A_693, %add3A_694 : i32
        %slice3A_696 = vector.extract_strided_slice %get3A_130 {offsets = [11], sizes = [1], strides = [1]} : vector<16xi32> to vector<1xi32>
        %squeeze3A_697 = vector.extract %slice3A_696[0] : i32 from vector<1xi32>
        %shift_right_arithmetic3A_698 = arith.constant 7 : i32
        %shift_right_arithmetic3A_699 = arith.shrsi %squeeze3A_697, %shift_right_arithmetic3A_698 : i32
        %and3A_700 = arith.constant 3 : i32
        %and3A_701 = arith.andi %shift_right_arithmetic3A_699, %and3A_700 : i32
        %mul3A_702 = arith.constant 32 : i32
        %mul3A_703 = arith.muli %and3A_701, %mul3A_702 : i32
        %slice3A_704 = vector.extract_strided_slice %get3A_133 {offsets = [11], sizes = [1], strides = [1]} : vector<16xi32> to vector<1xi32>
        %squeeze3A_705 = vector.extract %slice3A_704[0] : i32 from vector<1xi32>
        %shift_right_arithmetic3A_706 = arith.constant 7 : i32
        %shift_right_arithmetic3A_707 = arith.shrsi %squeeze3A_705, %shift_right_arithmetic3A_706 : i32
        %and3A_708 = arith.constant 3 : i32
        %and3A_709 = arith.andi %shift_right_arithmetic3A_707, %and3A_708 : i32
        %mul3A_710 = arith.constant 32 : i32
        %mul3A_711 = arith.muli %and3A_709, %mul3A_710 : i32
        %get3A_712 = arith.index_cast %add3A_695 : i32 to index
        %get3A_713 = arith.index_cast %mul3A_703 : i32 to index
        %get3A_714 = tpu.vector_load %arg11[%get3A_712, %get3A_713] {strides = array<i32>} : memref<256x128xf32, #tpu.memory_space<vmem>>, vector<16xf32>,
        %add3A_715 = arith.constant 16 : i32
        %add3A_716 = arith.addi %mul3A_703, %add3A_715 : i32
        %get3A_717 = arith.index_cast %add3A_695 : i32 to index
        %get3A_718 = arith.index_cast %add3A_716 : i32 to index
        %get3A_719 = tpu.vector_load %arg11[%get3A_717, %get3A_718] {strides = array<i32>} : memref<256x128xf32, #tpu.memory_space<vmem>>, vector<16xf32>,
        %get3A_720 = arith.index_cast %add3A_695 : i32 to index
        %get3A_721 = arith.index_cast %mul3A_711 : i32 to index
        %get3A_722 = tpu.vector_load %arg12[%get3A_720, %get3A_721] {strides = array<i32>} : memref<256x128xf32, #tpu.memory_space<vmem>>, vector<16xf32>,
        %add3A_723 = arith.constant 16 : i32
        %add3A_724 = arith.addi %mul3A_711, %add3A_723 : i32
        %get3A_725 = arith.index_cast %add3A_695 : i32 to index
        %get3A_726 = arith.index_cast %add3A_724 : i32 to index
        %get3A_727 = tpu.vector_load %arg12[%get3A_725, %get3A_726] {strides = array<i32>} : memref<256x128xf32, #tpu.memory_space<vmem>>, vector<16xf32>,
        %mul3A_728 = arith.mulf %get3A_714, %get3A_722 : vector<16xf32>
        %mul3A_729 = arith.mulf %get3A_719, %get3A_727 : vector<16xf32>
        %add3A_730 = arith.addf %mul3A_728, %mul3A_729 : vector<16xf32>
        %reduce_sum3A_731 = arith.constant true
        %reduce_sum3A_732 = vector.broadcast %reduce_sum3A_731 : i1 to vector<16xi1>
        %reduce_sum3A_733 = tpu.scan <sum>, %add3A_730 masked %reduce_sum3A_732 : vector<16xf32>, vector<16xi1> -> vector<16xf32>
        %reduce_sum3A_734 = vector.extract %reduce_sum3A_733[15] : f32 from vector<16xf32>
        %eq3A_735 = arith.constant 11 : i32
        %eq3A_736 = vector.broadcast %eq3A_735 : i32 to vector<16xi32>
        %eq3A_737 = arith.cmpi eq, %iota3A, %eq3A_736 : vector<16xi32>
        %jit3A_738 = arith.constant 0.000000e+00 : f32
        %broadcast_in_dim3A_739 = vector.broadcast %reduce_sum3A_734 : f32 to vector<16xf32>
        %broadcast_in_dim3A_740 = vector.broadcast %jit3A_738 : f32 to vector<16xf32>
        %select_n3A_741 = arith.select %eq3A_737, %broadcast_in_dim3A_739, %broadcast_in_dim3A_740 : vector<16xi1>, vector<16xf32>
        %add3A_742 = arith.addf %add3A_691, %select_n3A_741 : vector<16xf32>
        %mul3A_743 = arith.constant 16 : i32
        %mul3A_744 = arith.muli %scan3A_92, %mul3A_743 : i32
        %add3A_745 = arith.constant 12 : i32
        %add3A_746 = arith.addi %mul3A_744, %add3A_745 : i32
        %slice3A_747 = vector.extract_strided_slice %get3A_130 {offsets = [12], sizes = [1], strides = [1]} : vector<16xi32> to vector<1xi32>
        %squeeze3A_748 = vector.extract %slice3A_747[0] : i32 from vector<1xi32>
        %shift_right_arithmetic3A_749 = arith.constant 7 : i32
        %shift_right_arithmetic3A_750 = arith.shrsi %squeeze3A_748, %shift_right_arithmetic3A_749 : i32
        %and3A_751 = arith.constant 3 : i32
        %and3A_752 = arith.andi %shift_right_arithmetic3A_750, %and3A_751 : i32
        %mul3A_753 = arith.constant 32 : i32
        %mul3A_754 = arith.muli %and3A_752, %mul3A_753 : i32
        %slice3A_755 = vector.extract_strided_slice %get3A_133 {offsets = [12], sizes = [1], strides = [1]} : vector<16xi32> to vector<1xi32>
        %squeeze3A_756 = vector.extract %slice3A_755[0] : i32 from vector<1xi32>
        %shift_right_arithmetic3A_757 = arith.constant 7 : i32
        %shift_right_arithmetic3A_758 = arith.shrsi %squeeze3A_756, %shift_right_arithmetic3A_757 : i32
        %and3A_759 = arith.constant 3 : i32
        %and3A_760 = arith.andi %shift_right_arithmetic3A_758, %and3A_759 : i32
        %mul3A_761 = arith.constant 32 : i32
        %mul3A_762 = arith.muli %and3A_760, %mul3A_761 : i32
        %get3A_763 = arith.index_cast %add3A_746 : i32 to index
        %get3A_764 = arith.index_cast %mul3A_754 : i32 to index
        %get3A_765 = tpu.vector_load %arg11[%get3A_763, %get3A_764] {strides = array<i32>} : memref<256x128xf32, #tpu.memory_space<vmem>>, vector<16xf32>,
        %add3A_766 = arith.constant 16 : i32
        %add3A_767 = arith.addi %mul3A_754, %add3A_766 : i32
        %get3A_768 = arith.index_cast %add3A_746 : i32 to index
        %get3A_769 = arith.index_cast %add3A_767 : i32 to index
        %get3A_770 = tpu.vector_load %arg11[%get3A_768, %get3A_769] {strides = array<i32>} : memref<256x128xf32, #tpu.memory_space<vmem>>, vector<16xf32>,
        %get3A_771 = arith.index_cast %add3A_746 : i32 to index
        %get3A_772 = arith.index_cast %mul3A_762 : i32 to index
        %get3A_773 = tpu.vector_load %arg12[%get3A_771, %get3A_772] {strides = array<i32>} : memref<256x128xf32, #tpu.memory_space<vmem>>, vector<16xf32>,
        %add3A_774 = arith.constant 16 : i32
        %add3A_775 = arith.addi %mul3A_762, %add3A_774 : i32
        %get3A_776 = arith.index_cast %add3A_746 : i32 to index
        %get3A_777 = arith.index_cast %add3A_775 : i32 to index
        %get3A_778 = tpu.vector_load %arg12[%get3A_776, %get3A_777] {strides = array<i32>} : memref<256x128xf32, #tpu.memory_space<vmem>>, vector<16xf32>,
        %mul3A_779 = arith.mulf %get3A_765, %get3A_773 : vector<16xf32>
        %mul3A_780 = arith.mulf %get3A_770, %get3A_778 : vector<16xf32>
        %add3A_781 = arith.addf %mul3A_779, %mul3A_780 : vector<16xf32>
        %reduce_sum3A_782 = arith.constant true
        %reduce_sum3A_783 = vector.broadcast %reduce_sum3A_782 : i1 to vector<16xi1>
        %reduce_sum3A_784 = tpu.scan <sum>, %add3A_781 masked %reduce_sum3A_783 : vector<16xf32>, vector<16xi1> -> vector<16xf32>
        %reduce_sum3A_785 = vector.extract %reduce_sum3A_784[15] : f32 from vector<16xf32>
        %eq3A_786 = arith.constant 12 : i32
        %eq3A_787 = vector.broadcast %eq3A_786 : i32 to vector<16xi32>
        %eq3A_788 = arith.cmpi eq, %iota3A, %eq3A_787 : vector<16xi32>
        %jit3A_789 = arith.constant 0.000000e+00 : f32
        %broadcast_in_dim3A_790 = vector.broadcast %reduce_sum3A_785 : f32 to vector<16xf32>
        %broadcast_in_dim3A_791 = vector.broadcast %jit3A_789 : f32 to vector<16xf32>
        %select_n3A_792 = arith.select %eq3A_788, %broadcast_in_dim3A_790, %broadcast_in_dim3A_791 : vector<16xi1>, vector<16xf32>
        %add3A_793 = arith.addf %add3A_742, %select_n3A_792 : vector<16xf32>
        %mul3A_794 = arith.constant 16 : i32
        %mul3A_795 = arith.muli %scan3A_92, %mul3A_794 : i32
        %add3A_796 = arith.constant 13 : i32
        %add3A_797 = arith.addi %mul3A_795, %add3A_796 : i32
        %slice3A_798 = vector.extract_strided_slice %get3A_130 {offsets = [13], sizes = [1], strides = [1]} : vector<16xi32> to vector<1xi32>
        %squeeze3A_799 = vector.extract %slice3A_798[0] : i32 from vector<1xi32>
        %shift_right_arithmetic3A_800 = arith.constant 7 : i32
        %shift_right_arithmetic3A_801 = arith.shrsi %squeeze3A_799, %shift_right_arithmetic3A_800 : i32
        %and3A_802 = arith.constant 3 : i32
        %and3A_803 = arith.andi %shift_right_arithmetic3A_801, %and3A_802 : i32
        %mul3A_804 = arith.constant 32 : i32
        %mul3A_805 = arith.muli %and3A_803, %mul3A_804 : i32
        %slice3A_806 = vector.extract_strided_slice %get3A_133 {offsets = [13], sizes = [1], strides = [1]} : vector<16xi32> to vector<1xi32>
        %squeeze3A_807 = vector.extract %slice3A_806[0] : i32 from vector<1xi32>
        %shift_right_arithmetic3A_808 = arith.constant 7 : i32
        %shift_right_arithmetic3A_809 = arith.shrsi %squeeze3A_807, %shift_right_arithmetic3A_808 : i32
        %and3A_810 = arith.constant 3 : i32
        %and3A_811 = arith.andi %shift_right_arithmetic3A_809, %and3A_810 : i32
        %mul3A_812 = arith.constant 32 : i32
        %mul3A_813 = arith.muli %and3A_811, %mul3A_812 : i32
        %get3A_814 = arith.index_cast %add3A_797 : i32 to index
        %get3A_815 = arith.index_cast %mul3A_805 : i32 to index
        %get3A_816 = tpu.vector_load %arg11[%get3A_814, %get3A_815] {strides = array<i32>} : memref<256x128xf32, #tpu.memory_space<vmem>>, vector<16xf32>,
        %add3A_817 = arith.constant 16 : i32
        %add3A_818 = arith.addi %mul3A_805, %add3A_817 : i32
        %get3A_819 = arith.index_cast %add3A_797 : i32 to index
        %get3A_820 = arith.index_cast %add3A_818 : i32 to index
        %get3A_821 = tpu.vector_load %arg11[%get3A_819, %get3A_820] {strides = array<i32>} : memref<256x128xf32, #tpu.memory_space<vmem>>, vector<16xf32>,
        %get3A_822 = arith.index_cast %add3A_797 : i32 to index
        %get3A_823 = arith.index_cast %mul3A_813 : i32 to index
        %get3A_824 = tpu.vector_load %arg12[%get3A_822, %get3A_823] {strides = array<i32>} : memref<256x128xf32, #tpu.memory_space<vmem>>, vector<16xf32>,
        %add3A_825 = arith.constant 16 : i32
        %add3A_826 = arith.addi %mul3A_813, %add3A_825 : i32
        %get3A_827 = arith.index_cast %add3A_797 : i32 to index
        %get3A_828 = arith.index_cast %add3A_826 : i32 to index
        %get3A_829 = tpu.vector_load %arg12[%get3A_827, %get3A_828] {strides = array<i32>} : memref<256x128xf32, #tpu.memory_space<vmem>>, vector<16xf32>,
        %mul3A_830 = arith.mulf %get3A_816, %get3A_824 : vector<16xf32>
        %mul3A_831 = arith.mulf %get3A_821, %get3A_829 : vector<16xf32>
        %add3A_832 = arith.addf %mul3A_830, %mul3A_831 : vector<16xf32>
        %reduce_sum3A_833 = arith.constant true
        %reduce_sum3A_834 = vector.broadcast %reduce_sum3A_833 : i1 to vector<16xi1>
        %reduce_sum3A_835 = tpu.scan <sum>, %add3A_832 masked %reduce_sum3A_834 : vector<16xf32>, vector<16xi1> -> vector<16xf32>
        %reduce_sum3A_836 = vector.extract %reduce_sum3A_835[15] : f32 from vector<16xf32>
        %eq3A_837 = arith.constant 13 : i32
        %eq3A_838 = vector.broadcast %eq3A_837 : i32 to vector<16xi32>
        %eq3A_839 = arith.cmpi eq, %iota3A, %eq3A_838 : vector<16xi32>
        %jit3A_840 = arith.constant 0.000000e+00 : f32
        %broadcast_in_dim3A_841 = vector.broadcast %reduce_sum3A_836 : f32 to vector<16xf32>
        %broadcast_in_dim3A_842 = vector.broadcast %jit3A_840 : f32 to vector<16xf32>
        %select_n3A_843 = arith.select %eq3A_839, %broadcast_in_dim3A_841, %broadcast_in_dim3A_842 : vector<16xi1>, vector<16xf32>
        %add3A_844 = arith.addf %add3A_793, %select_n3A_843 : vector<16xf32>
        %mul3A_845 = arith.constant 16 : i32
        %mul3A_846 = arith.muli %scan3A_92, %mul3A_845 : i32
        %add3A_847 = arith.constant 14 : i32
        %add3A_848 = arith.addi %mul3A_846, %add3A_847 : i32
        %slice3A_849 = vector.extract_strided_slice %get3A_130 {offsets = [14], sizes = [1], strides = [1]} : vector<16xi32> to vector<1xi32>
        %squeeze3A_850 = vector.extract %slice3A_849[0] : i32 from vector<1xi32>
        %shift_right_arithmetic3A_851 = arith.constant 7 : i32
        %shift_right_arithmetic3A_852 = arith.shrsi %squeeze3A_850, %shift_right_arithmetic3A_851 : i32
        %and3A_853 = arith.constant 3 : i32
        %and3A_854 = arith.andi %shift_right_arithmetic3A_852, %and3A_853 : i32
        %mul3A_855 = arith.constant 32 : i32
        %mul3A_856 = arith.muli %and3A_854, %mul3A_855 : i32
        %slice3A_857 = vector.extract_strided_slice %get3A_133 {offsets = [14], sizes = [1], strides = [1]} : vector<16xi32> to vector<1xi32>
        %squeeze3A_858 = vector.extract %slice3A_857[0] : i32 from vector<1xi32>
        %shift_right_arithmetic3A_859 = arith.constant 7 : i32
        %shift_right_arithmetic3A_860 = arith.shrsi %squeeze3A_858, %shift_right_arithmetic3A_859 : i32
        %and3A_861 = arith.constant 3 : i32
        %and3A_862 = arith.andi %shift_right_arithmetic3A_860, %and3A_861 : i32
        %mul3A_863 = arith.constant 32 : i32
        %mul3A_864 = arith.muli %and3A_862, %mul3A_863 : i32
        %get3A_865 = arith.index_cast %add3A_848 : i32 to index
        %get3A_866 = arith.index_cast %mul3A_856 : i32 to index
        %get3A_867 = tpu.vector_load %arg11[%get3A_865, %get3A_866] {strides = array<i32>} : memref<256x128xf32, #tpu.memory_space<vmem>>, vector<16xf32>,
        %add3A_868 = arith.constant 16 : i32
        %add3A_869 = arith.addi %mul3A_856, %add3A_868 : i32
        %get3A_870 = arith.index_cast %add3A_848 : i32 to index
        %get3A_871 = arith.index_cast %add3A_869 : i32 to index
        %get3A_872 = tpu.vector_load %arg11[%get3A_870, %get3A_871] {strides = array<i32>} : memref<256x128xf32, #tpu.memory_space<vmem>>, vector<16xf32>,
        %get3A_873 = arith.index_cast %add3A_848 : i32 to index
        %get3A_874 = arith.index_cast %mul3A_864 : i32 to index
        %get3A_875 = tpu.vector_load %arg12[%get3A_873, %get3A_874] {strides = array<i32>} : memref<256x128xf32, #tpu.memory_space<vmem>>, vector<16xf32>,
        %add3A_876 = arith.constant 16 : i32
        %add3A_877 = arith.addi %mul3A_864, %add3A_876 : i32
        %get3A_878 = arith.index_cast %add3A_848 : i32 to index
        %get3A_879 = arith.index_cast %add3A_877 : i32 to index
        %get3A_880 = tpu.vector_load %arg12[%get3A_878, %get3A_879] {strides = array<i32>} : memref<256x128xf32, #tpu.memory_space<vmem>>, vector<16xf32>,
        %mul3A_881 = arith.mulf %get3A_867, %get3A_875 : vector<16xf32>
        %mul3A_882 = arith.mulf %get3A_872, %get3A_880 : vector<16xf32>
        %add3A_883 = arith.addf %mul3A_881, %mul3A_882 : vector<16xf32>
        %reduce_sum3A_884 = arith.constant true
        %reduce_sum3A_885 = vector.broadcast %reduce_sum3A_884 : i1 to vector<16xi1>
        %reduce_sum3A_886 = tpu.scan <sum>, %add3A_883 masked %reduce_sum3A_885 : vector<16xf32>, vector<16xi1> -> vector<16xf32>
        %reduce_sum3A_887 = vector.extract %reduce_sum3A_886[15] : f32 from vector<16xf32>
        %eq3A_888 = arith.constant 14 : i32
        %eq3A_889 = vector.broadcast %eq3A_888 : i32 to vector<16xi32>
        %eq3A_890 = arith.cmpi eq, %iota3A, %eq3A_889 : vector<16xi32>
        %jit3A_891 = arith.constant 0.000000e+00 : f32
        %broadcast_in_dim3A_892 = vector.broadcast %reduce_sum3A_887 : f32 to vector<16xf32>
        %broadcast_in_dim3A_893 = vector.broadcast %jit3A_891 : f32 to vector<16xf32>
        %select_n3A_894 = arith.select %eq3A_890, %broadcast_in_dim3A_892, %broadcast_in_dim3A_893 : vector<16xi1>, vector<16xf32>
        %add3A_895 = arith.addf %add3A_844, %select_n3A_894 : vector<16xf32>
        %mul3A_896 = arith.constant 16 : i32
        %mul3A_897 = arith.muli %scan3A_92, %mul3A_896 : i32
        %add3A_898 = arith.constant 15 : i32
        %add3A_899 = arith.addi %mul3A_897, %add3A_898 : i32
        %slice3A_900 = vector.extract_strided_slice %get3A_130 {offsets = [15], sizes = [1], strides = [1]} : vector<16xi32> to vector<1xi32>
        %squeeze3A_901 = vector.extract %slice3A_900[0] : i32 from vector<1xi32>
        %shift_right_arithmetic3A_902 = arith.constant 7 : i32
        %shift_right_arithmetic3A_903 = arith.shrsi %squeeze3A_901, %shift_right_arithmetic3A_902 : i32
        %and3A_904 = arith.constant 3 : i32
        %and3A_905 = arith.andi %shift_right_arithmetic3A_903, %and3A_904 : i32
        %mul3A_906 = arith.constant 32 : i32
        %mul3A_907 = arith.muli %and3A_905, %mul3A_906 : i32
        %slice3A_908 = vector.extract_strided_slice %get3A_133 {offsets = [15], sizes = [1], strides = [1]} : vector<16xi32> to vector<1xi32>
        %squeeze3A_909 = vector.extract %slice3A_908[0] : i32 from vector<1xi32>
        %shift_right_arithmetic3A_910 = arith.constant 7 : i32
        %shift_right_arithmetic3A_911 = arith.shrsi %squeeze3A_909, %shift_right_arithmetic3A_910 : i32
        %and3A_912 = arith.constant 3 : i32
        %and3A_913 = arith.andi %shift_right_arithmetic3A_911, %and3A_912 : i32
        %mul3A_914 = arith.constant 32 : i32
        %mul3A_915 = arith.muli %and3A_913, %mul3A_914 : i32
        %get3A_916 = arith.index_cast %add3A_899 : i32 to index
        %get3A_917 = arith.index_cast %mul3A_907 : i32 to index
        %get3A_918 = tpu.vector_load %arg11[%get3A_916, %get3A_917] {strides = array<i32>} : memref<256x128xf32, #tpu.memory_space<vmem>>, vector<16xf32>,
        %add3A_919 = arith.constant 16 : i32
        %add3A_920 = arith.addi %mul3A_907, %add3A_919 : i32
        %get3A_921 = arith.index_cast %add3A_899 : i32 to index
        %get3A_922 = arith.index_cast %add3A_920 : i32 to index
        %get3A_923 = tpu.vector_load %arg11[%get3A_921, %get3A_922] {strides = array<i32>} : memref<256x128xf32, #tpu.memory_space<vmem>>, vector<16xf32>,
        %get3A_924 = arith.index_cast %add3A_899 : i32 to index
        %get3A_925 = arith.index_cast %mul3A_915 : i32 to index
        %get3A_926 = tpu.vector_load %arg12[%get3A_924, %get3A_925] {strides = array<i32>} : memref<256x128xf32, #tpu.memory_space<vmem>>, vector<16xf32>,
        %add3A_927 = arith.constant 16 : i32
        %add3A_928 = arith.addi %mul3A_915, %add3A_927 : i32
        %get3A_929 = arith.index_cast %add3A_899 : i32 to index
        %get3A_930 = arith.index_cast %add3A_928 : i32 to index
        %get3A_931 = tpu.vector_load %arg12[%get3A_929, %get3A_930] {strides = array<i32>} : memref<256x128xf32, #tpu.memory_space<vmem>>, vector<16xf32>,
        %mul3A_932 = arith.mulf %get3A_918, %get3A_926 : vector<16xf32>
        %mul3A_933 = arith.mulf %get3A_923, %get3A_931 : vector<16xf32>
        %add3A_934 = arith.addf %mul3A_932, %mul3A_933 : vector<16xf32>
        %reduce_sum3A_935 = arith.constant true
        %reduce_sum3A_936 = vector.broadcast %reduce_sum3A_935 : i1 to vector<16xi1>
        %reduce_sum3A_937 = tpu.scan <sum>, %add3A_934 masked %reduce_sum3A_936 : vector<16xf32>, vector<16xi1> -> vector<16xf32>
        %reduce_sum3A_938 = vector.extract %reduce_sum3A_937[15] : f32 from vector<16xf32>
        %eq3A_939 = arith.constant 15 : i32
        %eq3A_940 = vector.broadcast %eq3A_939 : i32 to vector<16xi32>
        %eq3A_941 = arith.cmpi eq, %iota3A, %eq3A_940 : vector<16xi32>
        %jit3A_942 = arith.constant 0.000000e+00 : f32
        %broadcast_in_dim3A_943 = vector.broadcast %reduce_sum3A_938 : f32 to vector<16xf32>
        %broadcast_in_dim3A_944 = vector.broadcast %jit3A_942 : f32 to vector<16xf32>
        %select_n3A_945 = arith.select %eq3A_941, %broadcast_in_dim3A_943, %broadcast_in_dim3A_944 : vector<16xi1>, vector<16xf32>
        %add3A_946 = arith.addf %add3A_895, %select_n3A_945 : vector<16xf32>
        %swap3A = arith.index_cast %add3A_98 : i32 to index
        %swap3A_947 = tpu.vector_load %arg13[%swap3A] {strides = array<i32>} : memref<512xf32, #tpu.memory_space<vmem>>, vector<16xf32>,
        tpu.vector_store %arg13[%swap3A], %add3A_946 {strides = array<i32>} : memref<512xf32, #tpu.memory_space<vmem>>, vector<16xf32>,
        %scan3A_948 = arith.constant 0 : i32
        scf.yield %scan3A_948 : i32
      }
      %scan3A_90 = arith.constant 16 : i32
      %scan3A_91 = arith.constant 0 : i32
      scf.yield %scan3A_91 : i32
    }
    %scan3A_17 = arith.constant 2 : i32
    %mul3A_18 = arith.constant 512 : i32
    %mul3A_19 = arith.muli %add3A, %mul3A_18 : i32
    "tpu.region"() ({
      %run_scoped3A = tpu.sem_alloc : memref<!tpu.dma_semaphore, #tpu.memory_space<semaphore_mem>>
      %dma_start3A = tpu.memref_slice %arg6[%mul3A_19] : memref<16384xf32, #tpu.memory_space<hbm>> -> memref<512xf32, #tpu.memory_space<hbm>>
      %dma_start3A_20 = tpu.memref_slice %arg6[%mul3A_19] : memref<16384xf32, #tpu.memory_space<hbm>> -> memref<512xf32, #tpu.memory_space<hbm>>
      tpu.enqueue_dma source(%arg13 : memref<512xf32, #tpu.memory_space<vmem>>) target(%dma_start3A_20 : memref<512xf32, #tpu.memory_space<hbm>>) target_semaphore(%run_scoped3A : memref<!tpu.dma_semaphore, #tpu.memory_space<semaphore_mem>>)
      %dma_wait3A = tpu.memref_slice %arg6[%mul3A_19] : memref<16384xf32, #tpu.memory_space<hbm>> -> memref<512xf32, #tpu.memory_space<hbm>>
      %dma_wait3A_21 = tpu.memref_slice %arg6[%mul3A_19] : memref<16384xf32, #tpu.memory_space<hbm>> -> memref<512xf32, #tpu.memory_space<hbm>>
      tpu.wait_dma2 semaphore(%run_scoped3A : memref<!tpu.dma_semaphore, #tpu.memory_space<semaphore_mem>>) src(%arg13 : memref<512xf32, #tpu.memory_space<vmem>>) dst(%dma_wait3A_21 : memref<512xf32, #tpu.memory_space<hbm>>)
      tpu.yield
    }) : () -> ()
    return
  }
}

module attributes {stable_mosaic.version = 14 : i64} {
  func.func @_relayout_block(%arg0: i32, %arg1: memref<32x65536xf32, #tpu.memory_space<vmem>>, %arg2: memref<16384x128xf32, #tpu.memory_space<vmem>>) attributes {dimension_semantics = [#tpu.dimension_semantics<arbitrary>], iteration_bounds = array<i64: 16>, scalar_prefetch = 0 : i64, scratch_operands = 0 : i64, tpu.core_type = #tpu.core_type<tc>, window_params = [{transform_indices = @transform_0, window_bounds = array<i64: 32, 65536>}, {transform_indices = @transform_1, window_bounds = array<i64: 16384, 128>}]} {
    %get3A = arith.constant 0 : index
    %get3A_0 = arith.constant 0 : index
    %get3A_1 = vector.load %arg1[%get3A, %get3A_0] : memref<32x65536xf32, #tpu.memory_space<vmem>>, vector<32x65536xf32>
    %slice3A = vector.extract_strided_slice %get3A_1 {offsets = [0, 0], sizes = [32, 128], strides = [1, 1]} : vector<32x65536xf32> to vector<32x128xf32>
    %slice3A_2 = vector.extract_strided_slice %get3A_1 {offsets = [0, 128], sizes = [32, 128], strides = [1, 1]} : vector<32x65536xf32> to vector<32x128xf32>
    %slice3A_3 = vector.extract_strided_slice %get3A_1 {offsets = [0, 256], sizes = [32, 128], strides = [1, 1]} : vector<32x65536xf32> to vector<32x128xf32>
    %slice3A_4 = vector.extract_strided_slice %get3A_1 {offsets = [0, 384], sizes = [32, 128], strides = [1, 1]} : vector<32x65536xf32> to vector<32x128xf32>
    %concatenate3A = tpu.concatenate %slice3A, %slice3A_2, %slice3A_3, %slice3A_4 in 0 : vector<32x128xf32>, vector<32x128xf32>, vector<32x128xf32>, vector<32x128xf32> -> vector<128x128xf32>
    %transpose3A = tpu.transpose %concatenate3A, [1, 0] : vector<128x128xf32> -> vector<128x128xf32>
    %swap3A = arith.constant 0 : index
    %swap3A_5 = arith.constant 0 : index
    %swap3A_6 = vector.load %arg2[%swap3A, %swap3A_5] : memref<16384x128xf32, #tpu.memory_space<vmem>>, vector<128x128xf32>
    tpu.vector_store %arg2[%swap3A, %swap3A_5], %transpose3A {strides = array<i32>} : memref<16384x128xf32, #tpu.memory_space<vmem>>, vector<128x128xf32>,
    %slice3A_7 = vector.extract_strided_slice %get3A_1 {offsets = [0, 512], sizes = [32, 128], strides = [1, 1]} : vector<32x65536xf32> to vector<32x128xf32>
    %slice3A_8 = vector.extract_strided_slice %get3A_1 {offsets = [0, 640], sizes = [32, 128], strides = [1, 1]} : vector<32x65536xf32> to vector<32x128xf32>
    %slice3A_9 = vector.extract_strided_slice %get3A_1 {offsets = [0, 768], sizes = [32, 128], strides = [1, 1]} : vector<32x65536xf32> to vector<32x128xf32>
    %slice3A_10 = vector.extract_strided_slice %get3A_1 {offsets = [0, 896], sizes = [32, 128], strides = [1, 1]} : vector<32x65536xf32> to vector<32x128xf32>
    %concatenate3A_11 = tpu.concatenate %slice3A_7, %slice3A_8, %slice3A_9, %slice3A_10 in 0 : vector<32x128xf32>, vector<32x128xf32>, vector<32x128xf32>, vector<32x128xf32> -> vector<128x128xf32>
    %transpose3A_12 = tpu.transpose %concatenate3A_11, [1, 0] : vector<128x128xf32> -> vector<128x128xf32>
    %swap3A_13 = arith.constant 128 : index
    %swap3A_14 = arith.constant 0 : index
    %swap3A_15 = vector.load %arg2[%swap3A_13, %swap3A_14] : memref<16384x128xf32, #tpu.memory_space<vmem>>, vector<128x128xf32>
    tpu.vector_store %arg2[%swap3A_13, %swap3A_14], %transpose3A_12 {strides = array<i32>} : memref<16384x128xf32, #tpu.memory_space<vmem>>, vector<128x128xf32>,
    %slice3A_16 = vector.extract_strided_slice %get3A_1 {offsets = [0, 1024], sizes = [32, 128], strides = [1, 1]} : vector<32x65536xf32> to vector<32x128xf32>
    %slice3A_17 = vector.extract_strided_slice %get3A_1 {offsets = [0, 1152], sizes = [32, 128], strides = [1, 1]} : vector<32x65536xf32> to vector<32x128xf32>
    %slice3A_18 = vector.extract_strided_slice %get3A_1 {offsets = [0, 1280], sizes = [32, 128], strides = [1, 1]} : vector<32x65536xf32> to vector<32x128xf32>
    %slice3A_19 = vector.extract_strided_slice %get3A_1 {offsets = [0, 1408], sizes = [32, 128], strides = [1, 1]} : vector<32x65536xf32> to vector<32x128xf32>
    %concatenate3A_20 = tpu.concatenate %slice3A_16, %slice3A_17, %slice3A_18, %slice3A_19 in 0 : vector<32x128xf32>, vector<32x128xf32>, vector<32x128xf32>, vector<32x128xf32> -> vector<128x128xf32>
    %transpose3A_21 = tpu.transpose %concatenate3A_20, [1, 0] : vector<128x128xf32> -> vector<128x128xf32>
    %swap3A_22 = arith.constant 256 : index
    %swap3A_23 = arith.constant 0 : index
    %swap3A_24 = vector.load %arg2[%swap3A_22, %swap3A_23] : memref<16384x128xf32, #tpu.memory_space<vmem>>, vector<128x128xf32>
    tpu.vector_store %arg2[%swap3A_22, %swap3A_23], %transpose3A_21 {strides = array<i32>} : memref<16384x128xf32, #tpu.memory_space<vmem>>, vector<128x128xf32>,
    %slice3A_25 = vector.extract_strided_slice %get3A_1 {offsets = [0, 1536], sizes = [32, 128], strides = [1, 1]} : vector<32x65536xf32> to vector<32x128xf32>
    %slice3A_26 = vector.extract_strided_slice %get3A_1 {offsets = [0, 1664], sizes = [32, 128], strides = [1, 1]} : vector<32x65536xf32> to vector<32x128xf32>
    %slice3A_27 = vector.extract_strided_slice %get3A_1 {offsets = [0, 1792], sizes = [32, 128], strides = [1, 1]} : vector<32x65536xf32> to vector<32x128xf32>
    %slice3A_28 = vector.extract_strided_slice %get3A_1 {offsets = [0, 1920], sizes = [32, 128], strides = [1, 1]} : vector<32x65536xf32> to vector<32x128xf32>
    %concatenate3A_29 = tpu.concatenate %slice3A_25, %slice3A_26, %slice3A_27, %slice3A_28 in 0 : vector<32x128xf32>, vector<32x128xf32>, vector<32x128xf32>, vector<32x128xf32> -> vector<128x128xf32>
    %transpose3A_30 = tpu.transpose %concatenate3A_29, [1, 0] : vector<128x128xf32> -> vector<128x128xf32>
    %swap3A_31 = arith.constant 384 : index
    %swap3A_32 = arith.constant 0 : index
    %swap3A_33 = vector.load %arg2[%swap3A_31, %swap3A_32] : memref<16384x128xf32, #tpu.memory_space<vmem>>, vector<128x128xf32>
    tpu.vector_store %arg2[%swap3A_31, %swap3A_32], %transpose3A_30 {strides = array<i32>} : memref<16384x128xf32, #tpu.memory_space<vmem>>, vector<128x128xf32>,
    %slice3A_34 = vector.extract_strided_slice %get3A_1 {offsets = [0, 2048], sizes = [32, 128], strides = [1, 1]} : vector<32x65536xf32> to vector<32x128xf32>
    %slice3A_35 = vector.extract_strided_slice %get3A_1 {offsets = [0, 2176], sizes = [32, 128], strides = [1, 1]} : vector<32x65536xf32> to vector<32x128xf32>
    %slice3A_36 = vector.extract_strided_slice %get3A_1 {offsets = [0, 2304], sizes = [32, 128], strides = [1, 1]} : vector<32x65536xf32> to vector<32x128xf32>
    %slice3A_37 = vector.extract_strided_slice %get3A_1 {offsets = [0, 2432], sizes = [32, 128], strides = [1, 1]} : vector<32x65536xf32> to vector<32x128xf32>
    %concatenate3A_38 = tpu.concatenate %slice3A_34, %slice3A_35, %slice3A_36, %slice3A_37 in 0 : vector<32x128xf32>, vector<32x128xf32>, vector<32x128xf32>, vector<32x128xf32> -> vector<128x128xf32>
    %transpose3A_39 = tpu.transpose %concatenate3A_38, [1, 0] : vector<128x128xf32> -> vector<128x128xf32>
    %swap3A_40 = arith.constant 512 : index
    %swap3A_41 = arith.constant 0 : index
    %swap3A_42 = vector.load %arg2[%swap3A_40, %swap3A_41] : memref<16384x128xf32, #tpu.memory_space<vmem>>, vector<128x128xf32>
    tpu.vector_store %arg2[%swap3A_40, %swap3A_41], %transpose3A_39 {strides = array<i32>} : memref<16384x128xf32, #tpu.memory_space<vmem>>, vector<128x128xf32>,
    %slice3A_43 = vector.extract_strided_slice %get3A_1 {offsets = [0, 2560], sizes = [32, 128], strides = [1, 1]} : vector<32x65536xf32> to vector<32x128xf32>
    %slice3A_44 = vector.extract_strided_slice %get3A_1 {offsets = [0, 2688], sizes = [32, 128], strides = [1, 1]} : vector<32x65536xf32> to vector<32x128xf32>
    %slice3A_45 = vector.extract_strided_slice %get3A_1 {offsets = [0, 2816], sizes = [32, 128], strides = [1, 1]} : vector<32x65536xf32> to vector<32x128xf32>
    %slice3A_46 = vector.extract_strided_slice %get3A_1 {offsets = [0, 2944], sizes = [32, 128], strides = [1, 1]} : vector<32x65536xf32> to vector<32x128xf32>
    %concatenate3A_47 = tpu.concatenate %slice3A_43, %slice3A_44, %slice3A_45, %slice3A_46 in 0 : vector<32x128xf32>, vector<32x128xf32>, vector<32x128xf32>, vector<32x128xf32> -> vector<128x128xf32>
    %transpose3A_48 = tpu.transpose %concatenate3A_47, [1, 0] : vector<128x128xf32> -> vector<128x128xf32>
    %swap3A_49 = arith.constant 640 : index
    %swap3A_50 = arith.constant 0 : index
    %swap3A_51 = vector.load %arg2[%swap3A_49, %swap3A_50] : memref<16384x128xf32, #tpu.memory_space<vmem>>, vector<128x128xf32>
    tpu.vector_store %arg2[%swap3A_49, %swap3A_50], %transpose3A_48 {strides = array<i32>} : memref<16384x128xf32, #tpu.memory_space<vmem>>, vector<128x128xf32>,
    %slice3A_52 = vector.extract_strided_slice %get3A_1 {offsets = [0, 3072], sizes = [32, 128], strides = [1, 1]} : vector<32x65536xf32> to vector<32x128xf32>
    %slice3A_53 = vector.extract_strided_slice %get3A_1 {offsets = [0, 3200], sizes = [32, 128], strides = [1, 1]} : vector<32x65536xf32> to vector<32x128xf32>
    %slice3A_54 = vector.extract_strided_slice %get3A_1 {offsets = [0, 3328], sizes = [32, 128], strides = [1, 1]} : vector<32x65536xf32> to vector<32x128xf32>
    %slice3A_55 = vector.extract_strided_slice %get3A_1 {offsets = [0, 3456], sizes = [32, 128], strides = [1, 1]} : vector<32x65536xf32> to vector<32x128xf32>
    %concatenate3A_56 = tpu.concatenate %slice3A_52, %slice3A_53, %slice3A_54, %slice3A_55 in 0 : vector<32x128xf32>, vector<32x128xf32>, vector<32x128xf32>, vector<32x128xf32> -> vector<128x128xf32>
    %transpose3A_57 = tpu.transpose %concatenate3A_56, [1, 0] : vector<128x128xf32> -> vector<128x128xf32>
    %swap3A_58 = arith.constant 768 : index
    %swap3A_59 = arith.constant 0 : index
    %swap3A_60 = vector.load %arg2[%swap3A_58, %swap3A_59] : memref<16384x128xf32, #tpu.memory_space<vmem>>, vector<128x128xf32>
    tpu.vector_store %arg2[%swap3A_58, %swap3A_59], %transpose3A_57 {strides = array<i32>} : memref<16384x128xf32, #tpu.memory_space<vmem>>, vector<128x128xf32>,
    %slice3A_61 = vector.extract_strided_slice %get3A_1 {offsets = [0, 3584], sizes = [32, 128], strides = [1, 1]} : vector<32x65536xf32> to vector<32x128xf32>
    %slice3A_62 = vector.extract_strided_slice %get3A_1 {offsets = [0, 3712], sizes = [32, 128], strides = [1, 1]} : vector<32x65536xf32> to vector<32x128xf32>
    %slice3A_63 = vector.extract_strided_slice %get3A_1 {offsets = [0, 3840], sizes = [32, 128], strides = [1, 1]} : vector<32x65536xf32> to vector<32x128xf32>
    %slice3A_64 = vector.extract_strided_slice %get3A_1 {offsets = [0, 3968], sizes = [32, 128], strides = [1, 1]} : vector<32x65536xf32> to vector<32x128xf32>
    %concatenate3A_65 = tpu.concatenate %slice3A_61, %slice3A_62, %slice3A_63, %slice3A_64 in 0 : vector<32x128xf32>, vector<32x128xf32>, vector<32x128xf32>, vector<32x128xf32> -> vector<128x128xf32>
    %transpose3A_66 = tpu.transpose %concatenate3A_65, [1, 0] : vector<128x128xf32> -> vector<128x128xf32>
    %swap3A_67 = arith.constant 896 : index
    %swap3A_68 = arith.constant 0 : index
    %swap3A_69 = vector.load %arg2[%swap3A_67, %swap3A_68] : memref<16384x128xf32, #tpu.memory_space<vmem>>, vector<128x128xf32>
    tpu.vector_store %arg2[%swap3A_67, %swap3A_68], %transpose3A_66 {strides = array<i32>} : memref<16384x128xf32, #tpu.memory_space<vmem>>, vector<128x128xf32>,
    %slice3A_70 = vector.extract_strided_slice %get3A_1 {offsets = [0, 4096], sizes = [32, 128], strides = [1, 1]} : vector<32x65536xf32> to vector<32x128xf32>
    %slice3A_71 = vector.extract_strided_slice %get3A_1 {offsets = [0, 4224], sizes = [32, 128], strides = [1, 1]} : vector<32x65536xf32> to vector<32x128xf32>
    %slice3A_72 = vector.extract_strided_slice %get3A_1 {offsets = [0, 4352], sizes = [32, 128], strides = [1, 1]} : vector<32x65536xf32> to vector<32x128xf32>
    %slice3A_73 = vector.extract_strided_slice %get3A_1 {offsets = [0, 4480], sizes = [32, 128], strides = [1, 1]} : vector<32x65536xf32> to vector<32x128xf32>
    %concatenate3A_74 = tpu.concatenate %slice3A_70, %slice3A_71, %slice3A_72, %slice3A_73 in 0 : vector<32x128xf32>, vector<32x128xf32>, vector<32x128xf32>, vector<32x128xf32> -> vector<128x128xf32>
    %transpose3A_75 = tpu.transpose %concatenate3A_74, [1, 0] : vector<128x128xf32> -> vector<128x128xf32>
    %swap3A_76 = arith.constant 1024 : index
    %swap3A_77 = arith.constant 0 : index
    %swap3A_78 = vector.load %arg2[%swap3A_76, %swap3A_77] : memref<16384x128xf32, #tpu.memory_space<vmem>>, vector<128x128xf32>
    tpu.vector_store %arg2[%swap3A_76, %swap3A_77], %transpose3A_75 {strides = array<i32>} : memref<16384x128xf32, #tpu.memory_space<vmem>>, vector<128x128xf32>,
    %slice3A_79 = vector.extract_strided_slice %get3A_1 {offsets = [0, 4608], sizes = [32, 128], strides = [1, 1]} : vector<32x65536xf32> to vector<32x128xf32>
    %slice3A_80 = vector.extract_strided_slice %get3A_1 {offsets = [0, 4736], sizes = [32, 128], strides = [1, 1]} : vector<32x65536xf32> to vector<32x128xf32>
    %slice3A_81 = vector.extract_strided_slice %get3A_1 {offsets = [0, 4864], sizes = [32, 128], strides = [1, 1]} : vector<32x65536xf32> to vector<32x128xf32>
    %slice3A_82 = vector.extract_strided_slice %get3A_1 {offsets = [0, 4992], sizes = [32, 128], strides = [1, 1]} : vector<32x65536xf32> to vector<32x128xf32>
    %concatenate3A_83 = tpu.concatenate %slice3A_79, %slice3A_80, %slice3A_81, %slice3A_82 in 0 : vector<32x128xf32>, vector<32x128xf32>, vector<32x128xf32>, vector<32x128xf32> -> vector<128x128xf32>
    %transpose3A_84 = tpu.transpose %concatenate3A_83, [1, 0] : vector<128x128xf32> -> vector<128x128xf32>
    %swap3A_85 = arith.constant 1152 : index
    %swap3A_86 = arith.constant 0 : index
    %swap3A_87 = vector.load %arg2[%swap3A_85, %swap3A_86] : memref<16384x128xf32, #tpu.memory_space<vmem>>, vector<128x128xf32>
    tpu.vector_store %arg2[%swap3A_85, %swap3A_86], %transpose3A_84 {strides = array<i32>} : memref<16384x128xf32, #tpu.memory_space<vmem>>, vector<128x128xf32>,
    %slice3A_88 = vector.extract_strided_slice %get3A_1 {offsets = [0, 5120], sizes = [32, 128], strides = [1, 1]} : vector<32x65536xf32> to vector<32x128xf32>
    %slice3A_89 = vector.extract_strided_slice %get3A_1 {offsets = [0, 5248], sizes = [32, 128], strides = [1, 1]} : vector<32x65536xf32> to vector<32x128xf32>
    %slice3A_90 = vector.extract_strided_slice %get3A_1 {offsets = [0, 5376], sizes = [32, 128], strides = [1, 1]} : vector<32x65536xf32> to vector<32x128xf32>
    %slice3A_91 = vector.extract_strided_slice %get3A_1 {offsets = [0, 5504], sizes = [32, 128], strides = [1, 1]} : vector<32x65536xf32> to vector<32x128xf32>
    %concatenate3A_92 = tpu.concatenate %slice3A_88, %slice3A_89, %slice3A_90, %slice3A_91 in 0 : vector<32x128xf32>, vector<32x128xf32>, vector<32x128xf32>, vector<32x128xf32> -> vector<128x128xf32>
    %transpose3A_93 = tpu.transpose %concatenate3A_92, [1, 0] : vector<128x128xf32> -> vector<128x128xf32>
    %swap3A_94 = arith.constant 1280 : index
    %swap3A_95 = arith.constant 0 : index
    %swap3A_96 = vector.load %arg2[%swap3A_94, %swap3A_95] : memref<16384x128xf32, #tpu.memory_space<vmem>>, vector<128x128xf32>
    tpu.vector_store %arg2[%swap3A_94, %swap3A_95], %transpose3A_93 {strides = array<i32>} : memref<16384x128xf32, #tpu.memory_space<vmem>>, vector<128x128xf32>,
    %slice3A_97 = vector.extract_strided_slice %get3A_1 {offsets = [0, 5632], sizes = [32, 128], strides = [1, 1]} : vector<32x65536xf32> to vector<32x128xf32>
    %slice3A_98 = vector.extract_strided_slice %get3A_1 {offsets = [0, 5760], sizes = [32, 128], strides = [1, 1]} : vector<32x65536xf32> to vector<32x128xf32>
    %slice3A_99 = vector.extract_strided_slice %get3A_1 {offsets = [0, 5888], sizes = [32, 128], strides = [1, 1]} : vector<32x65536xf32> to vector<32x128xf32>
    %slice3A_100 = vector.extract_strided_slice %get3A_1 {offsets = [0, 6016], sizes = [32, 128], strides = [1, 1]} : vector<32x65536xf32> to vector<32x128xf32>
    %concatenate3A_101 = tpu.concatenate %slice3A_97, %slice3A_98, %slice3A_99, %slice3A_100 in 0 : vector<32x128xf32>, vector<32x128xf32>, vector<32x128xf32>, vector<32x128xf32> -> vector<128x128xf32>
    %transpose3A_102 = tpu.transpose %concatenate3A_101, [1, 0] : vector<128x128xf32> -> vector<128x128xf32>
    %swap3A_103 = arith.constant 1408 : index
    %swap3A_104 = arith.constant 0 : index
    %swap3A_105 = vector.load %arg2[%swap3A_103, %swap3A_104] : memref<16384x128xf32, #tpu.memory_space<vmem>>, vector<128x128xf32>
    tpu.vector_store %arg2[%swap3A_103, %swap3A_104], %transpose3A_102 {strides = array<i32>} : memref<16384x128xf32, #tpu.memory_space<vmem>>, vector<128x128xf32>,
    %slice3A_106 = vector.extract_strided_slice %get3A_1 {offsets = [0, 6144], sizes = [32, 128], strides = [1, 1]} : vector<32x65536xf32> to vector<32x128xf32>
    %slice3A_107 = vector.extract_strided_slice %get3A_1 {offsets = [0, 6272], sizes = [32, 128], strides = [1, 1]} : vector<32x65536xf32> to vector<32x128xf32>
    %slice3A_108 = vector.extract_strided_slice %get3A_1 {offsets = [0, 6400], sizes = [32, 128], strides = [1, 1]} : vector<32x65536xf32> to vector<32x128xf32>
    %slice3A_109 = vector.extract_strided_slice %get3A_1 {offsets = [0, 6528], sizes = [32, 128], strides = [1, 1]} : vector<32x65536xf32> to vector<32x128xf32>
    %concatenate3A_110 = tpu.concatenate %slice3A_106, %slice3A_107, %slice3A_108, %slice3A_109 in 0 : vector<32x128xf32>, vector<32x128xf32>, vector<32x128xf32>, vector<32x128xf32> -> vector<128x128xf32>
    %transpose3A_111 = tpu.transpose %concatenate3A_110, [1, 0] : vector<128x128xf32> -> vector<128x128xf32>
    %swap3A_112 = arith.constant 1536 : index
    %swap3A_113 = arith.constant 0 : index
    %swap3A_114 = vector.load %arg2[%swap3A_112, %swap3A_113] : memref<16384x128xf32, #tpu.memory_space<vmem>>, vector<128x128xf32>
    tpu.vector_store %arg2[%swap3A_112, %swap3A_113], %transpose3A_111 {strides = array<i32>} : memref<16384x128xf32, #tpu.memory_space<vmem>>, vector<128x128xf32>,
    %slice3A_115 = vector.extract_strided_slice %get3A_1 {offsets = [0, 6656], sizes = [32, 128], strides = [1, 1]} : vector<32x65536xf32> to vector<32x128xf32>
    %slice3A_116 = vector.extract_strided_slice %get3A_1 {offsets = [0, 6784], sizes = [32, 128], strides = [1, 1]} : vector<32x65536xf32> to vector<32x128xf32>
    %slice3A_117 = vector.extract_strided_slice %get3A_1 {offsets = [0, 6912], sizes = [32, 128], strides = [1, 1]} : vector<32x65536xf32> to vector<32x128xf32>
    %slice3A_118 = vector.extract_strided_slice %get3A_1 {offsets = [0, 7040], sizes = [32, 128], strides = [1, 1]} : vector<32x65536xf32> to vector<32x128xf32>
    %concatenate3A_119 = tpu.concatenate %slice3A_115, %slice3A_116, %slice3A_117, %slice3A_118 in 0 : vector<32x128xf32>, vector<32x128xf32>, vector<32x128xf32>, vector<32x128xf32> -> vector<128x128xf32>
    %transpose3A_120 = tpu.transpose %concatenate3A_119, [1, 0] : vector<128x128xf32> -> vector<128x128xf32>
    %swap3A_121 = arith.constant 1664 : index
    %swap3A_122 = arith.constant 0 : index
    %swap3A_123 = vector.load %arg2[%swap3A_121, %swap3A_122] : memref<16384x128xf32, #tpu.memory_space<vmem>>, vector<128x128xf32>
    tpu.vector_store %arg2[%swap3A_121, %swap3A_122], %transpose3A_120 {strides = array<i32>} : memref<16384x128xf32, #tpu.memory_space<vmem>>, vector<128x128xf32>,
    %slice3A_124 = vector.extract_strided_slice %get3A_1 {offsets = [0, 7168], sizes = [32, 128], strides = [1, 1]} : vector<32x65536xf32> to vector<32x128xf32>
    %slice3A_125 = vector.extract_strided_slice %get3A_1 {offsets = [0, 7296], sizes = [32, 128], strides = [1, 1]} : vector<32x65536xf32> to vector<32x128xf32>
    %slice3A_126 = vector.extract_strided_slice %get3A_1 {offsets = [0, 7424], sizes = [32, 128], strides = [1, 1]} : vector<32x65536xf32> to vector<32x128xf32>
    %slice3A_127 = vector.extract_strided_slice %get3A_1 {offsets = [0, 7552], sizes = [32, 128], strides = [1, 1]} : vector<32x65536xf32> to vector<32x128xf32>
    %concatenate3A_128 = tpu.concatenate %slice3A_124, %slice3A_125, %slice3A_126, %slice3A_127 in 0 : vector<32x128xf32>, vector<32x128xf32>, vector<32x128xf32>, vector<32x128xf32> -> vector<128x128xf32>
    %transpose3A_129 = tpu.transpose %concatenate3A_128, [1, 0] : vector<128x128xf32> -> vector<128x128xf32>
    %swap3A_130 = arith.constant 1792 : index
    %swap3A_131 = arith.constant 0 : index
    %swap3A_132 = vector.load %arg2[%swap3A_130, %swap3A_131] : memref<16384x128xf32, #tpu.memory_space<vmem>>, vector<128x128xf32>
    tpu.vector_store %arg2[%swap3A_130, %swap3A_131], %transpose3A_129 {strides = array<i32>} : memref<16384x128xf32, #tpu.memory_space<vmem>>, vector<128x128xf32>,
    %slice3A_133 = vector.extract_strided_slice %get3A_1 {offsets = [0, 7680], sizes = [32, 128], strides = [1, 1]} : vector<32x65536xf32> to vector<32x128xf32>
    %slice3A_134 = vector.extract_strided_slice %get3A_1 {offsets = [0, 7808], sizes = [32, 128], strides = [1, 1]} : vector<32x65536xf32> to vector<32x128xf32>
    %slice3A_135 = vector.extract_strided_slice %get3A_1 {offsets = [0, 7936], sizes = [32, 128], strides = [1, 1]} : vector<32x65536xf32> to vector<32x128xf32>
    %slice3A_136 = vector.extract_strided_slice %get3A_1 {offsets = [0, 8064], sizes = [32, 128], strides = [1, 1]} : vector<32x65536xf32> to vector<32x128xf32>
    %concatenate3A_137 = tpu.concatenate %slice3A_133, %slice3A_134, %slice3A_135, %slice3A_136 in 0 : vector<32x128xf32>, vector<32x128xf32>, vector<32x128xf32>, vector<32x128xf32> -> vector<128x128xf32>
    %transpose3A_138 = tpu.transpose %concatenate3A_137, [1, 0] : vector<128x128xf32> -> vector<128x128xf32>
    %swap3A_139 = arith.constant 1920 : index
    %swap3A_140 = arith.constant 0 : index
    %swap3A_141 = vector.load %arg2[%swap3A_139, %swap3A_140] : memref<16384x128xf32, #tpu.memory_space<vmem>>, vector<128x128xf32>
    tpu.vector_store %arg2[%swap3A_139, %swap3A_140], %transpose3A_138 {strides = array<i32>} : memref<16384x128xf32, #tpu.memory_space<vmem>>, vector<128x128xf32>,
    %slice3A_142 = vector.extract_strided_slice %get3A_1 {offsets = [0, 8192], sizes = [32, 128], strides = [1, 1]} : vector<32x65536xf32> to vector<32x128xf32>
    %slice3A_143 = vector.extract_strided_slice %get3A_1 {offsets = [0, 8320], sizes = [32, 128], strides = [1, 1]} : vector<32x65536xf32> to vector<32x128xf32>
    %slice3A_144 = vector.extract_strided_slice %get3A_1 {offsets = [0, 8448], sizes = [32, 128], strides = [1, 1]} : vector<32x65536xf32> to vector<32x128xf32>
    %slice3A_145 = vector.extract_strided_slice %get3A_1 {offsets = [0, 8576], sizes = [32, 128], strides = [1, 1]} : vector<32x65536xf32> to vector<32x128xf32>
    %concatenate3A_146 = tpu.concatenate %slice3A_142, %slice3A_143, %slice3A_144, %slice3A_145 in 0 : vector<32x128xf32>, vector<32x128xf32>, vector<32x128xf32>, vector<32x128xf32> -> vector<128x128xf32>
    %transpose3A_147 = tpu.transpose %concatenate3A_146, [1, 0] : vector<128x128xf32> -> vector<128x128xf32>
    %swap3A_148 = arith.constant 2048 : index
    %swap3A_149 = arith.constant 0 : index
    %swap3A_150 = vector.load %arg2[%swap3A_148, %swap3A_149] : memref<16384x128xf32, #tpu.memory_space<vmem>>, vector<128x128xf32>
    tpu.vector_store %arg2[%swap3A_148, %swap3A_149], %transpose3A_147 {strides = array<i32>} : memref<16384x128xf32, #tpu.memory_space<vmem>>, vector<128x128xf32>,
    %slice3A_151 = vector.extract_strided_slice %get3A_1 {offsets = [0, 8704], sizes = [32, 128], strides = [1, 1]} : vector<32x65536xf32> to vector<32x128xf32>
    %slice3A_152 = vector.extract_strided_slice %get3A_1 {offsets = [0, 8832], sizes = [32, 128], strides = [1, 1]} : vector<32x65536xf32> to vector<32x128xf32>
    %slice3A_153 = vector.extract_strided_slice %get3A_1 {offsets = [0, 8960], sizes = [32, 128], strides = [1, 1]} : vector<32x65536xf32> to vector<32x128xf32>
    %slice3A_154 = vector.extract_strided_slice %get3A_1 {offsets = [0, 9088], sizes = [32, 128], strides = [1, 1]} : vector<32x65536xf32> to vector<32x128xf32>
    %concatenate3A_155 = tpu.concatenate %slice3A_151, %slice3A_152, %slice3A_153, %slice3A_154 in 0 : vector<32x128xf32>, vector<32x128xf32>, vector<32x128xf32>, vector<32x128xf32> -> vector<128x128xf32>
    %transpose3A_156 = tpu.transpose %concatenate3A_155, [1, 0] : vector<128x128xf32> -> vector<128x128xf32>
    %swap3A_157 = arith.constant 2176 : index
    %swap3A_158 = arith.constant 0 : index
    %swap3A_159 = vector.load %arg2[%swap3A_157, %swap3A_158] : memref<16384x128xf32, #tpu.memory_space<vmem>>, vector<128x128xf32>
    tpu.vector_store %arg2[%swap3A_157, %swap3A_158], %transpose3A_156 {strides = array<i32>} : memref<16384x128xf32, #tpu.memory_space<vmem>>, vector<128x128xf32>,
    %slice3A_160 = vector.extract_strided_slice %get3A_1 {offsets = [0, 9216], sizes = [32, 128], strides = [1, 1]} : vector<32x65536xf32> to vector<32x128xf32>
    %slice3A_161 = vector.extract_strided_slice %get3A_1 {offsets = [0, 9344], sizes = [32, 128], strides = [1, 1]} : vector<32x65536xf32> to vector<32x128xf32>
    %slice3A_162 = vector.extract_strided_slice %get3A_1 {offsets = [0, 9472], sizes = [32, 128], strides = [1, 1]} : vector<32x65536xf32> to vector<32x128xf32>
    %slice3A_163 = vector.extract_strided_slice %get3A_1 {offsets = [0, 9600], sizes = [32, 128], strides = [1, 1]} : vector<32x65536xf32> to vector<32x128xf32>
    %concatenate3A_164 = tpu.concatenate %slice3A_160, %slice3A_161, %slice3A_162, %slice3A_163 in 0 : vector<32x128xf32>, vector<32x128xf32>, vector<32x128xf32>, vector<32x128xf32> -> vector<128x128xf32>
    %transpose3A_165 = tpu.transpose %concatenate3A_164, [1, 0] : vector<128x128xf32> -> vector<128x128xf32>
    %swap3A_166 = arith.constant 2304 : index
    %swap3A_167 = arith.constant 0 : index
    %swap3A_168 = vector.load %arg2[%swap3A_166, %swap3A_167] : memref<16384x128xf32, #tpu.memory_space<vmem>>, vector<128x128xf32>
    tpu.vector_store %arg2[%swap3A_166, %swap3A_167], %transpose3A_165 {strides = array<i32>} : memref<16384x128xf32, #tpu.memory_space<vmem>>, vector<128x128xf32>,
    %slice3A_169 = vector.extract_strided_slice %get3A_1 {offsets = [0, 9728], sizes = [32, 128], strides = [1, 1]} : vector<32x65536xf32> to vector<32x128xf32>
    %slice3A_170 = vector.extract_strided_slice %get3A_1 {offsets = [0, 9856], sizes = [32, 128], strides = [1, 1]} : vector<32x65536xf32> to vector<32x128xf32>
    %slice3A_171 = vector.extract_strided_slice %get3A_1 {offsets = [0, 9984], sizes = [32, 128], strides = [1, 1]} : vector<32x65536xf32> to vector<32x128xf32>
    %slice3A_172 = vector.extract_strided_slice %get3A_1 {offsets = [0, 10112], sizes = [32, 128], strides = [1, 1]} : vector<32x65536xf32> to vector<32x128xf32>
    %concatenate3A_173 = tpu.concatenate %slice3A_169, %slice3A_170, %slice3A_171, %slice3A_172 in 0 : vector<32x128xf32>, vector<32x128xf32>, vector<32x128xf32>, vector<32x128xf32> -> vector<128x128xf32>
    %transpose3A_174 = tpu.transpose %concatenate3A_173, [1, 0] : vector<128x128xf32> -> vector<128x128xf32>
    %swap3A_175 = arith.constant 2432 : index
    %swap3A_176 = arith.constant 0 : index
    %swap3A_177 = vector.load %arg2[%swap3A_175, %swap3A_176] : memref<16384x128xf32, #tpu.memory_space<vmem>>, vector<128x128xf32>
    tpu.vector_store %arg2[%swap3A_175, %swap3A_176], %transpose3A_174 {strides = array<i32>} : memref<16384x128xf32, #tpu.memory_space<vmem>>, vector<128x128xf32>,
    %slice3A_178 = vector.extract_strided_slice %get3A_1 {offsets = [0, 10240], sizes = [32, 128], strides = [1, 1]} : vector<32x65536xf32> to vector<32x128xf32>
    %slice3A_179 = vector.extract_strided_slice %get3A_1 {offsets = [0, 10368], sizes = [32, 128], strides = [1, 1]} : vector<32x65536xf32> to vector<32x128xf32>
    %slice3A_180 = vector.extract_strided_slice %get3A_1 {offsets = [0, 10496], sizes = [32, 128], strides = [1, 1]} : vector<32x65536xf32> to vector<32x128xf32>
    %slice3A_181 = vector.extract_strided_slice %get3A_1 {offsets = [0, 10624], sizes = [32, 128], strides = [1, 1]} : vector<32x65536xf32> to vector<32x128xf32>
    %concatenate3A_182 = tpu.concatenate %slice3A_178, %slice3A_179, %slice3A_180, %slice3A_181 in 0 : vector<32x128xf32>, vector<32x128xf32>, vector<32x128xf32>, vector<32x128xf32> -> vector<128x128xf32>
    %transpose3A_183 = tpu.transpose %concatenate3A_182, [1, 0] : vector<128x128xf32> -> vector<128x128xf32>
    %swap3A_184 = arith.constant 2560 : index
    %swap3A_185 = arith.constant 0 : index
    %swap3A_186 = vector.load %arg2[%swap3A_184, %swap3A_185] : memref<16384x128xf32, #tpu.memory_space<vmem>>, vector<128x128xf32>
    tpu.vector_store %arg2[%swap3A_184, %swap3A_185], %transpose3A_183 {strides = array<i32>} : memref<16384x128xf32, #tpu.memory_space<vmem>>, vector<128x128xf32>,
    %slice3A_187 = vector.extract_strided_slice %get3A_1 {offsets = [0, 10752], sizes = [32, 128], strides = [1, 1]} : vector<32x65536xf32> to vector<32x128xf32>
    %slice3A_188 = vector.extract_strided_slice %get3A_1 {offsets = [0, 10880], sizes = [32, 128], strides = [1, 1]} : vector<32x65536xf32> to vector<32x128xf32>
    %slice3A_189 = vector.extract_strided_slice %get3A_1 {offsets = [0, 11008], sizes = [32, 128], strides = [1, 1]} : vector<32x65536xf32> to vector<32x128xf32>
    %slice3A_190 = vector.extract_strided_slice %get3A_1 {offsets = [0, 11136], sizes = [32, 128], strides = [1, 1]} : vector<32x65536xf32> to vector<32x128xf32>
    %concatenate3A_191 = tpu.concatenate %slice3A_187, %slice3A_188, %slice3A_189, %slice3A_190 in 0 : vector<32x128xf32>, vector<32x128xf32>, vector<32x128xf32>, vector<32x128xf32> -> vector<128x128xf32>
    %transpose3A_192 = tpu.transpose %concatenate3A_191, [1, 0] : vector<128x128xf32> -> vector<128x128xf32>
    %swap3A_193 = arith.constant 2688 : index
    %swap3A_194 = arith.constant 0 : index
    %swap3A_195 = vector.load %arg2[%swap3A_193, %swap3A_194] : memref<16384x128xf32, #tpu.memory_space<vmem>>, vector<128x128xf32>
    tpu.vector_store %arg2[%swap3A_193, %swap3A_194], %transpose3A_192 {strides = array<i32>} : memref<16384x128xf32, #tpu.memory_space<vmem>>, vector<128x128xf32>,
    %slice3A_196 = vector.extract_strided_slice %get3A_1 {offsets = [0, 11264], sizes = [32, 128], strides = [1, 1]} : vector<32x65536xf32> to vector<32x128xf32>
    %slice3A_197 = vector.extract_strided_slice %get3A_1 {offsets = [0, 11392], sizes = [32, 128], strides = [1, 1]} : vector<32x65536xf32> to vector<32x128xf32>
    %slice3A_198 = vector.extract_strided_slice %get3A_1 {offsets = [0, 11520], sizes = [32, 128], strides = [1, 1]} : vector<32x65536xf32> to vector<32x128xf32>
    %slice3A_199 = vector.extract_strided_slice %get3A_1 {offsets = [0, 11648], sizes = [32, 128], strides = [1, 1]} : vector<32x65536xf32> to vector<32x128xf32>
    %concatenate3A_200 = tpu.concatenate %slice3A_196, %slice3A_197, %slice3A_198, %slice3A_199 in 0 : vector<32x128xf32>, vector<32x128xf32>, vector<32x128xf32>, vector<32x128xf32> -> vector<128x128xf32>
    %transpose3A_201 = tpu.transpose %concatenate3A_200, [1, 0] : vector<128x128xf32> -> vector<128x128xf32>
    %swap3A_202 = arith.constant 2816 : index
    %swap3A_203 = arith.constant 0 : index
    %swap3A_204 = vector.load %arg2[%swap3A_202, %swap3A_203] : memref<16384x128xf32, #tpu.memory_space<vmem>>, vector<128x128xf32>
    tpu.vector_store %arg2[%swap3A_202, %swap3A_203], %transpose3A_201 {strides = array<i32>} : memref<16384x128xf32, #tpu.memory_space<vmem>>, vector<128x128xf32>,
    %slice3A_205 = vector.extract_strided_slice %get3A_1 {offsets = [0, 11776], sizes = [32, 128], strides = [1, 1]} : vector<32x65536xf32> to vector<32x128xf32>
    %slice3A_206 = vector.extract_strided_slice %get3A_1 {offsets = [0, 11904], sizes = [32, 128], strides = [1, 1]} : vector<32x65536xf32> to vector<32x128xf32>
    %slice3A_207 = vector.extract_strided_slice %get3A_1 {offsets = [0, 12032], sizes = [32, 128], strides = [1, 1]} : vector<32x65536xf32> to vector<32x128xf32>
    %slice3A_208 = vector.extract_strided_slice %get3A_1 {offsets = [0, 12160], sizes = [32, 128], strides = [1, 1]} : vector<32x65536xf32> to vector<32x128xf32>
    %concatenate3A_209 = tpu.concatenate %slice3A_205, %slice3A_206, %slice3A_207, %slice3A_208 in 0 : vector<32x128xf32>, vector<32x128xf32>, vector<32x128xf32>, vector<32x128xf32> -> vector<128x128xf32>
    %transpose3A_210 = tpu.transpose %concatenate3A_209, [1, 0] : vector<128x128xf32> -> vector<128x128xf32>
    %swap3A_211 = arith.constant 2944 : index
    %swap3A_212 = arith.constant 0 : index
    %swap3A_213 = vector.load %arg2[%swap3A_211, %swap3A_212] : memref<16384x128xf32, #tpu.memory_space<vmem>>, vector<128x128xf32>
    tpu.vector_store %arg2[%swap3A_211, %swap3A_212], %transpose3A_210 {strides = array<i32>} : memref<16384x128xf32, #tpu.memory_space<vmem>>, vector<128x128xf32>,
    %slice3A_214 = vector.extract_strided_slice %get3A_1 {offsets = [0, 12288], sizes = [32, 128], strides = [1, 1]} : vector<32x65536xf32> to vector<32x128xf32>
    %slice3A_215 = vector.extract_strided_slice %get3A_1 {offsets = [0, 12416], sizes = [32, 128], strides = [1, 1]} : vector<32x65536xf32> to vector<32x128xf32>
    %slice3A_216 = vector.extract_strided_slice %get3A_1 {offsets = [0, 12544], sizes = [32, 128], strides = [1, 1]} : vector<32x65536xf32> to vector<32x128xf32>
    %slice3A_217 = vector.extract_strided_slice %get3A_1 {offsets = [0, 12672], sizes = [32, 128], strides = [1, 1]} : vector<32x65536xf32> to vector<32x128xf32>
    %concatenate3A_218 = tpu.concatenate %slice3A_214, %slice3A_215, %slice3A_216, %slice3A_217 in 0 : vector<32x128xf32>, vector<32x128xf32>, vector<32x128xf32>, vector<32x128xf32> -> vector<128x128xf32>
    %transpose3A_219 = tpu.transpose %concatenate3A_218, [1, 0] : vector<128x128xf32> -> vector<128x128xf32>
    %swap3A_220 = arith.constant 3072 : index
    %swap3A_221 = arith.constant 0 : index
    %swap3A_222 = vector.load %arg2[%swap3A_220, %swap3A_221] : memref<16384x128xf32, #tpu.memory_space<vmem>>, vector<128x128xf32>
    tpu.vector_store %arg2[%swap3A_220, %swap3A_221], %transpose3A_219 {strides = array<i32>} : memref<16384x128xf32, #tpu.memory_space<vmem>>, vector<128x128xf32>,
    %slice3A_223 = vector.extract_strided_slice %get3A_1 {offsets = [0, 12800], sizes = [32, 128], strides = [1, 1]} : vector<32x65536xf32> to vector<32x128xf32>
    %slice3A_224 = vector.extract_strided_slice %get3A_1 {offsets = [0, 12928], sizes = [32, 128], strides = [1, 1]} : vector<32x65536xf32> to vector<32x128xf32>
    %slice3A_225 = vector.extract_strided_slice %get3A_1 {offsets = [0, 13056], sizes = [32, 128], strides = [1, 1]} : vector<32x65536xf32> to vector<32x128xf32>
    %slice3A_226 = vector.extract_strided_slice %get3A_1 {offsets = [0, 13184], sizes = [32, 128], strides = [1, 1]} : vector<32x65536xf32> to vector<32x128xf32>
    %concatenate3A_227 = tpu.concatenate %slice3A_223, %slice3A_224, %slice3A_225, %slice3A_226 in 0 : vector<32x128xf32>, vector<32x128xf32>, vector<32x128xf32>, vector<32x128xf32> -> vector<128x128xf32>
    %transpose3A_228 = tpu.transpose %concatenate3A_227, [1, 0] : vector<128x128xf32> -> vector<128x128xf32>
    %swap3A_229 = arith.constant 3200 : index
    %swap3A_230 = arith.constant 0 : index
    %swap3A_231 = vector.load %arg2[%swap3A_229, %swap3A_230] : memref<16384x128xf32, #tpu.memory_space<vmem>>, vector<128x128xf32>
    tpu.vector_store %arg2[%swap3A_229, %swap3A_230], %transpose3A_228 {strides = array<i32>} : memref<16384x128xf32, #tpu.memory_space<vmem>>, vector<128x128xf32>,
    %slice3A_232 = vector.extract_strided_slice %get3A_1 {offsets = [0, 13312], sizes = [32, 128], strides = [1, 1]} : vector<32x65536xf32> to vector<32x128xf32>
    %slice3A_233 = vector.extract_strided_slice %get3A_1 {offsets = [0, 13440], sizes = [32, 128], strides = [1, 1]} : vector<32x65536xf32> to vector<32x128xf32>
    %slice3A_234 = vector.extract_strided_slice %get3A_1 {offsets = [0, 13568], sizes = [32, 128], strides = [1, 1]} : vector<32x65536xf32> to vector<32x128xf32>
    %slice3A_235 = vector.extract_strided_slice %get3A_1 {offsets = [0, 13696], sizes = [32, 128], strides = [1, 1]} : vector<32x65536xf32> to vector<32x128xf32>
    %concatenate3A_236 = tpu.concatenate %slice3A_232, %slice3A_233, %slice3A_234, %slice3A_235 in 0 : vector<32x128xf32>, vector<32x128xf32>, vector<32x128xf32>, vector<32x128xf32> -> vector<128x128xf32>
    %transpose3A_237 = tpu.transpose %concatenate3A_236, [1, 0] : vector<128x128xf32> -> vector<128x128xf32>
    %swap3A_238 = arith.constant 3328 : index
    %swap3A_239 = arith.constant 0 : index
    %swap3A_240 = vector.load %arg2[%swap3A_238, %swap3A_239] : memref<16384x128xf32, #tpu.memory_space<vmem>>, vector<128x128xf32>
    tpu.vector_store %arg2[%swap3A_238, %swap3A_239], %transpose3A_237 {strides = array<i32>} : memref<16384x128xf32, #tpu.memory_space<vmem>>, vector<128x128xf32>,
    %slice3A_241 = vector.extract_strided_slice %get3A_1 {offsets = [0, 13824], sizes = [32, 128], strides = [1, 1]} : vector<32x65536xf32> to vector<32x128xf32>
    %slice3A_242 = vector.extract_strided_slice %get3A_1 {offsets = [0, 13952], sizes = [32, 128], strides = [1, 1]} : vector<32x65536xf32> to vector<32x128xf32>
    %slice3A_243 = vector.extract_strided_slice %get3A_1 {offsets = [0, 14080], sizes = [32, 128], strides = [1, 1]} : vector<32x65536xf32> to vector<32x128xf32>
    %slice3A_244 = vector.extract_strided_slice %get3A_1 {offsets = [0, 14208], sizes = [32, 128], strides = [1, 1]} : vector<32x65536xf32> to vector<32x128xf32>
    %concatenate3A_245 = tpu.concatenate %slice3A_241, %slice3A_242, %slice3A_243, %slice3A_244 in 0 : vector<32x128xf32>, vector<32x128xf32>, vector<32x128xf32>, vector<32x128xf32> -> vector<128x128xf32>
    %transpose3A_246 = tpu.transpose %concatenate3A_245, [1, 0] : vector<128x128xf32> -> vector<128x128xf32>
    %swap3A_247 = arith.constant 3456 : index
    %swap3A_248 = arith.constant 0 : index
    %swap3A_249 = vector.load %arg2[%swap3A_247, %swap3A_248] : memref<16384x128xf32, #tpu.memory_space<vmem>>, vector<128x128xf32>
    tpu.vector_store %arg2[%swap3A_247, %swap3A_248], %transpose3A_246 {strides = array<i32>} : memref<16384x128xf32, #tpu.memory_space<vmem>>, vector<128x128xf32>,
    %slice3A_250 = vector.extract_strided_slice %get3A_1 {offsets = [0, 14336], sizes = [32, 128], strides = [1, 1]} : vector<32x65536xf32> to vector<32x128xf32>
    %slice3A_251 = vector.extract_strided_slice %get3A_1 {offsets = [0, 14464], sizes = [32, 128], strides = [1, 1]} : vector<32x65536xf32> to vector<32x128xf32>
    %slice3A_252 = vector.extract_strided_slice %get3A_1 {offsets = [0, 14592], sizes = [32, 128], strides = [1, 1]} : vector<32x65536xf32> to vector<32x128xf32>
    %slice3A_253 = vector.extract_strided_slice %get3A_1 {offsets = [0, 14720], sizes = [32, 128], strides = [1, 1]} : vector<32x65536xf32> to vector<32x128xf32>
    %concatenate3A_254 = tpu.concatenate %slice3A_250, %slice3A_251, %slice3A_252, %slice3A_253 in 0 : vector<32x128xf32>, vector<32x128xf32>, vector<32x128xf32>, vector<32x128xf32> -> vector<128x128xf32>
    %transpose3A_255 = tpu.transpose %concatenate3A_254, [1, 0] : vector<128x128xf32> -> vector<128x128xf32>
    %swap3A_256 = arith.constant 3584 : index
    %swap3A_257 = arith.constant 0 : index
    %swap3A_258 = vector.load %arg2[%swap3A_256, %swap3A_257] : memref<16384x128xf32, #tpu.memory_space<vmem>>, vector<128x128xf32>
    tpu.vector_store %arg2[%swap3A_256, %swap3A_257], %transpose3A_255 {strides = array<i32>} : memref<16384x128xf32, #tpu.memory_space<vmem>>, vector<128x128xf32>,
    %slice3A_259 = vector.extract_strided_slice %get3A_1 {offsets = [0, 14848], sizes = [32, 128], strides = [1, 1]} : vector<32x65536xf32> to vector<32x128xf32>
    %slice3A_260 = vector.extract_strided_slice %get3A_1 {offsets = [0, 14976], sizes = [32, 128], strides = [1, 1]} : vector<32x65536xf32> to vector<32x128xf32>
    %slice3A_261 = vector.extract_strided_slice %get3A_1 {offsets = [0, 15104], sizes = [32, 128], strides = [1, 1]} : vector<32x65536xf32> to vector<32x128xf32>
    %slice3A_262 = vector.extract_strided_slice %get3A_1 {offsets = [0, 15232], sizes = [32, 128], strides = [1, 1]} : vector<32x65536xf32> to vector<32x128xf32>
    %concatenate3A_263 = tpu.concatenate %slice3A_259, %slice3A_260, %slice3A_261, %slice3A_262 in 0 : vector<32x128xf32>, vector<32x128xf32>, vector<32x128xf32>, vector<32x128xf32> -> vector<128x128xf32>
    %transpose3A_264 = tpu.transpose %concatenate3A_263, [1, 0] : vector<128x128xf32> -> vector<128x128xf32>
    %swap3A_265 = arith.constant 3712 : index
    %swap3A_266 = arith.constant 0 : index
    %swap3A_267 = vector.load %arg2[%swap3A_265, %swap3A_266] : memref<16384x128xf32, #tpu.memory_space<vmem>>, vector<128x128xf32>
    tpu.vector_store %arg2[%swap3A_265, %swap3A_266], %transpose3A_264 {strides = array<i32>} : memref<16384x128xf32, #tpu.memory_space<vmem>>, vector<128x128xf32>,
    %slice3A_268 = vector.extract_strided_slice %get3A_1 {offsets = [0, 15360], sizes = [32, 128], strides = [1, 1]} : vector<32x65536xf32> to vector<32x128xf32>
    %slice3A_269 = vector.extract_strided_slice %get3A_1 {offsets = [0, 15488], sizes = [32, 128], strides = [1, 1]} : vector<32x65536xf32> to vector<32x128xf32>
    %slice3A_270 = vector.extract_strided_slice %get3A_1 {offsets = [0, 15616], sizes = [32, 128], strides = [1, 1]} : vector<32x65536xf32> to vector<32x128xf32>
    %slice3A_271 = vector.extract_strided_slice %get3A_1 {offsets = [0, 15744], sizes = [32, 128], strides = [1, 1]} : vector<32x65536xf32> to vector<32x128xf32>
    %concatenate3A_272 = tpu.concatenate %slice3A_268, %slice3A_269, %slice3A_270, %slice3A_271 in 0 : vector<32x128xf32>, vector<32x128xf32>, vector<32x128xf32>, vector<32x128xf32> -> vector<128x128xf32>
    %transpose3A_273 = tpu.transpose %concatenate3A_272, [1, 0] : vector<128x128xf32> -> vector<128x128xf32>
    %swap3A_274 = arith.constant 3840 : index
    %swap3A_275 = arith.constant 0 : index
    %swap3A_276 = vector.load %arg2[%swap3A_274, %swap3A_275] : memref<16384x128xf32, #tpu.memory_space<vmem>>, vector<128x128xf32>
    tpu.vector_store %arg2[%swap3A_274, %swap3A_275], %transpose3A_273 {strides = array<i32>} : memref<16384x128xf32, #tpu.memory_space<vmem>>, vector<128x128xf32>,
    %slice3A_277 = vector.extract_strided_slice %get3A_1 {offsets = [0, 15872], sizes = [32, 128], strides = [1, 1]} : vector<32x65536xf32> to vector<32x128xf32>
    %slice3A_278 = vector.extract_strided_slice %get3A_1 {offsets = [0, 16000], sizes = [32, 128], strides = [1, 1]} : vector<32x65536xf32> to vector<32x128xf32>
    %slice3A_279 = vector.extract_strided_slice %get3A_1 {offsets = [0, 16128], sizes = [32, 128], strides = [1, 1]} : vector<32x65536xf32> to vector<32x128xf32>
    %slice3A_280 = vector.extract_strided_slice %get3A_1 {offsets = [0, 16256], sizes = [32, 128], strides = [1, 1]} : vector<32x65536xf32> to vector<32x128xf32>
    %concatenate3A_281 = tpu.concatenate %slice3A_277, %slice3A_278, %slice3A_279, %slice3A_280 in 0 : vector<32x128xf32>, vector<32x128xf32>, vector<32x128xf32>, vector<32x128xf32> -> vector<128x128xf32>
    %transpose3A_282 = tpu.transpose %concatenate3A_281, [1, 0] : vector<128x128xf32> -> vector<128x128xf32>
    %swap3A_283 = arith.constant 3968 : index
    %swap3A_284 = arith.constant 0 : index
    %swap3A_285 = vector.load %arg2[%swap3A_283, %swap3A_284] : memref<16384x128xf32, #tpu.memory_space<vmem>>, vector<128x128xf32>
    tpu.vector_store %arg2[%swap3A_283, %swap3A_284], %transpose3A_282 {strides = array<i32>} : memref<16384x128xf32, #tpu.memory_space<vmem>>, vector<128x128xf32>,
    %slice3A_286 = vector.extract_strided_slice %get3A_1 {offsets = [0, 16384], sizes = [32, 128], strides = [1, 1]} : vector<32x65536xf32> to vector<32x128xf32>
    %slice3A_287 = vector.extract_strided_slice %get3A_1 {offsets = [0, 16512], sizes = [32, 128], strides = [1, 1]} : vector<32x65536xf32> to vector<32x128xf32>
    %slice3A_288 = vector.extract_strided_slice %get3A_1 {offsets = [0, 16640], sizes = [32, 128], strides = [1, 1]} : vector<32x65536xf32> to vector<32x128xf32>
    %slice3A_289 = vector.extract_strided_slice %get3A_1 {offsets = [0, 16768], sizes = [32, 128], strides = [1, 1]} : vector<32x65536xf32> to vector<32x128xf32>
    %concatenate3A_290 = tpu.concatenate %slice3A_286, %slice3A_287, %slice3A_288, %slice3A_289 in 0 : vector<32x128xf32>, vector<32x128xf32>, vector<32x128xf32>, vector<32x128xf32> -> vector<128x128xf32>
    %transpose3A_291 = tpu.transpose %concatenate3A_290, [1, 0] : vector<128x128xf32> -> vector<128x128xf32>
    %swap3A_292 = arith.constant 4096 : index
    %swap3A_293 = arith.constant 0 : index
    %swap3A_294 = vector.load %arg2[%swap3A_292, %swap3A_293] : memref<16384x128xf32, #tpu.memory_space<vmem>>, vector<128x128xf32>
    tpu.vector_store %arg2[%swap3A_292, %swap3A_293], %transpose3A_291 {strides = array<i32>} : memref<16384x128xf32, #tpu.memory_space<vmem>>, vector<128x128xf32>,
    %slice3A_295 = vector.extract_strided_slice %get3A_1 {offsets = [0, 16896], sizes = [32, 128], strides = [1, 1]} : vector<32x65536xf32> to vector<32x128xf32>
    %slice3A_296 = vector.extract_strided_slice %get3A_1 {offsets = [0, 17024], sizes = [32, 128], strides = [1, 1]} : vector<32x65536xf32> to vector<32x128xf32>
    %slice3A_297 = vector.extract_strided_slice %get3A_1 {offsets = [0, 17152], sizes = [32, 128], strides = [1, 1]} : vector<32x65536xf32> to vector<32x128xf32>
    %slice3A_298 = vector.extract_strided_slice %get3A_1 {offsets = [0, 17280], sizes = [32, 128], strides = [1, 1]} : vector<32x65536xf32> to vector<32x128xf32>
    %concatenate3A_299 = tpu.concatenate %slice3A_295, %slice3A_296, %slice3A_297, %slice3A_298 in 0 : vector<32x128xf32>, vector<32x128xf32>, vector<32x128xf32>, vector<32x128xf32> -> vector<128x128xf32>
    %transpose3A_300 = tpu.transpose %concatenate3A_299, [1, 0] : vector<128x128xf32> -> vector<128x128xf32>
    %swap3A_301 = arith.constant 4224 : index
    %swap3A_302 = arith.constant 0 : index
    %swap3A_303 = vector.load %arg2[%swap3A_301, %swap3A_302] : memref<16384x128xf32, #tpu.memory_space<vmem>>, vector<128x128xf32>
    tpu.vector_store %arg2[%swap3A_301, %swap3A_302], %transpose3A_300 {strides = array<i32>} : memref<16384x128xf32, #tpu.memory_space<vmem>>, vector<128x128xf32>,
    %slice3A_304 = vector.extract_strided_slice %get3A_1 {offsets = [0, 17408], sizes = [32, 128], strides = [1, 1]} : vector<32x65536xf32> to vector<32x128xf32>
    %slice3A_305 = vector.extract_strided_slice %get3A_1 {offsets = [0, 17536], sizes = [32, 128], strides = [1, 1]} : vector<32x65536xf32> to vector<32x128xf32>
    %slice3A_306 = vector.extract_strided_slice %get3A_1 {offsets = [0, 17664], sizes = [32, 128], strides = [1, 1]} : vector<32x65536xf32> to vector<32x128xf32>
    %slice3A_307 = vector.extract_strided_slice %get3A_1 {offsets = [0, 17792], sizes = [32, 128], strides = [1, 1]} : vector<32x65536xf32> to vector<32x128xf32>
    %concatenate3A_308 = tpu.concatenate %slice3A_304, %slice3A_305, %slice3A_306, %slice3A_307 in 0 : vector<32x128xf32>, vector<32x128xf32>, vector<32x128xf32>, vector<32x128xf32> -> vector<128x128xf32>
    %transpose3A_309 = tpu.transpose %concatenate3A_308, [1, 0] : vector<128x128xf32> -> vector<128x128xf32>
    %swap3A_310 = arith.constant 4352 : index
    %swap3A_311 = arith.constant 0 : index
    %swap3A_312 = vector.load %arg2[%swap3A_310, %swap3A_311] : memref<16384x128xf32, #tpu.memory_space<vmem>>, vector<128x128xf32>
    tpu.vector_store %arg2[%swap3A_310, %swap3A_311], %transpose3A_309 {strides = array<i32>} : memref<16384x128xf32, #tpu.memory_space<vmem>>, vector<128x128xf32>,
    %slice3A_313 = vector.extract_strided_slice %get3A_1 {offsets = [0, 17920], sizes = [32, 128], strides = [1, 1]} : vector<32x65536xf32> to vector<32x128xf32>
    %slice3A_314 = vector.extract_strided_slice %get3A_1 {offsets = [0, 18048], sizes = [32, 128], strides = [1, 1]} : vector<32x65536xf32> to vector<32x128xf32>
    %slice3A_315 = vector.extract_strided_slice %get3A_1 {offsets = [0, 18176], sizes = [32, 128], strides = [1, 1]} : vector<32x65536xf32> to vector<32x128xf32>
    %slice3A_316 = vector.extract_strided_slice %get3A_1 {offsets = [0, 18304], sizes = [32, 128], strides = [1, 1]} : vector<32x65536xf32> to vector<32x128xf32>
    %concatenate3A_317 = tpu.concatenate %slice3A_313, %slice3A_314, %slice3A_315, %slice3A_316 in 0 : vector<32x128xf32>, vector<32x128xf32>, vector<32x128xf32>, vector<32x128xf32> -> vector<128x128xf32>
    %transpose3A_318 = tpu.transpose %concatenate3A_317, [1, 0] : vector<128x128xf32> -> vector<128x128xf32>
    %swap3A_319 = arith.constant 4480 : index
    %swap3A_320 = arith.constant 0 : index
    %swap3A_321 = vector.load %arg2[%swap3A_319, %swap3A_320] : memref<16384x128xf32, #tpu.memory_space<vmem>>, vector<128x128xf32>
    tpu.vector_store %arg2[%swap3A_319, %swap3A_320], %transpose3A_318 {strides = array<i32>} : memref<16384x128xf32, #tpu.memory_space<vmem>>, vector<128x128xf32>,
    %slice3A_322 = vector.extract_strided_slice %get3A_1 {offsets = [0, 18432], sizes = [32, 128], strides = [1, 1]} : vector<32x65536xf32> to vector<32x128xf32>
    %slice3A_323 = vector.extract_strided_slice %get3A_1 {offsets = [0, 18560], sizes = [32, 128], strides = [1, 1]} : vector<32x65536xf32> to vector<32x128xf32>
    %slice3A_324 = vector.extract_strided_slice %get3A_1 {offsets = [0, 18688], sizes = [32, 128], strides = [1, 1]} : vector<32x65536xf32> to vector<32x128xf32>
    %slice3A_325 = vector.extract_strided_slice %get3A_1 {offsets = [0, 18816], sizes = [32, 128], strides = [1, 1]} : vector<32x65536xf32> to vector<32x128xf32>
    %concatenate3A_326 = tpu.concatenate %slice3A_322, %slice3A_323, %slice3A_324, %slice3A_325 in 0 : vector<32x128xf32>, vector<32x128xf32>, vector<32x128xf32>, vector<32x128xf32> -> vector<128x128xf32>
    %transpose3A_327 = tpu.transpose %concatenate3A_326, [1, 0] : vector<128x128xf32> -> vector<128x128xf32>
    %swap3A_328 = arith.constant 4608 : index
    %swap3A_329 = arith.constant 0 : index
    %swap3A_330 = vector.load %arg2[%swap3A_328, %swap3A_329] : memref<16384x128xf32, #tpu.memory_space<vmem>>, vector<128x128xf32>
    tpu.vector_store %arg2[%swap3A_328, %swap3A_329], %transpose3A_327 {strides = array<i32>} : memref<16384x128xf32, #tpu.memory_space<vmem>>, vector<128x128xf32>,
    %slice3A_331 = vector.extract_strided_slice %get3A_1 {offsets = [0, 18944], sizes = [32, 128], strides = [1, 1]} : vector<32x65536xf32> to vector<32x128xf32>
    %slice3A_332 = vector.extract_strided_slice %get3A_1 {offsets = [0, 19072], sizes = [32, 128], strides = [1, 1]} : vector<32x65536xf32> to vector<32x128xf32>
    %slice3A_333 = vector.extract_strided_slice %get3A_1 {offsets = [0, 19200], sizes = [32, 128], strides = [1, 1]} : vector<32x65536xf32> to vector<32x128xf32>
    %slice3A_334 = vector.extract_strided_slice %get3A_1 {offsets = [0, 19328], sizes = [32, 128], strides = [1, 1]} : vector<32x65536xf32> to vector<32x128xf32>
    %concatenate3A_335 = tpu.concatenate %slice3A_331, %slice3A_332, %slice3A_333, %slice3A_334 in 0 : vector<32x128xf32>, vector<32x128xf32>, vector<32x128xf32>, vector<32x128xf32> -> vector<128x128xf32>
    %transpose3A_336 = tpu.transpose %concatenate3A_335, [1, 0] : vector<128x128xf32> -> vector<128x128xf32>
    %swap3A_337 = arith.constant 4736 : index
    %swap3A_338 = arith.constant 0 : index
    %swap3A_339 = vector.load %arg2[%swap3A_337, %swap3A_338] : memref<16384x128xf32, #tpu.memory_space<vmem>>, vector<128x128xf32>
    tpu.vector_store %arg2[%swap3A_337, %swap3A_338], %transpose3A_336 {strides = array<i32>} : memref<16384x128xf32, #tpu.memory_space<vmem>>, vector<128x128xf32>,
    %slice3A_340 = vector.extract_strided_slice %get3A_1 {offsets = [0, 19456], sizes = [32, 128], strides = [1, 1]} : vector<32x65536xf32> to vector<32x128xf32>
    %slice3A_341 = vector.extract_strided_slice %get3A_1 {offsets = [0, 19584], sizes = [32, 128], strides = [1, 1]} : vector<32x65536xf32> to vector<32x128xf32>
    %slice3A_342 = vector.extract_strided_slice %get3A_1 {offsets = [0, 19712], sizes = [32, 128], strides = [1, 1]} : vector<32x65536xf32> to vector<32x128xf32>
    %slice3A_343 = vector.extract_strided_slice %get3A_1 {offsets = [0, 19840], sizes = [32, 128], strides = [1, 1]} : vector<32x65536xf32> to vector<32x128xf32>
    %concatenate3A_344 = tpu.concatenate %slice3A_340, %slice3A_341, %slice3A_342, %slice3A_343 in 0 : vector<32x128xf32>, vector<32x128xf32>, vector<32x128xf32>, vector<32x128xf32> -> vector<128x128xf32>
    %transpose3A_345 = tpu.transpose %concatenate3A_344, [1, 0] : vector<128x128xf32> -> vector<128x128xf32>
    %swap3A_346 = arith.constant 4864 : index
    %swap3A_347 = arith.constant 0 : index
    %swap3A_348 = vector.load %arg2[%swap3A_346, %swap3A_347] : memref<16384x128xf32, #tpu.memory_space<vmem>>, vector<128x128xf32>
    tpu.vector_store %arg2[%swap3A_346, %swap3A_347], %transpose3A_345 {strides = array<i32>} : memref<16384x128xf32, #tpu.memory_space<vmem>>, vector<128x128xf32>,
    %slice3A_349 = vector.extract_strided_slice %get3A_1 {offsets = [0, 19968], sizes = [32, 128], strides = [1, 1]} : vector<32x65536xf32> to vector<32x128xf32>
    %slice3A_350 = vector.extract_strided_slice %get3A_1 {offsets = [0, 20096], sizes = [32, 128], strides = [1, 1]} : vector<32x65536xf32> to vector<32x128xf32>
    %slice3A_351 = vector.extract_strided_slice %get3A_1 {offsets = [0, 20224], sizes = [32, 128], strides = [1, 1]} : vector<32x65536xf32> to vector<32x128xf32>
    %slice3A_352 = vector.extract_strided_slice %get3A_1 {offsets = [0, 20352], sizes = [32, 128], strides = [1, 1]} : vector<32x65536xf32> to vector<32x128xf32>
    %concatenate3A_353 = tpu.concatenate %slice3A_349, %slice3A_350, %slice3A_351, %slice3A_352 in 0 : vector<32x128xf32>, vector<32x128xf32>, vector<32x128xf32>, vector<32x128xf32> -> vector<128x128xf32>
    %transpose3A_354 = tpu.transpose %concatenate3A_353, [1, 0] : vector<128x128xf32> -> vector<128x128xf32>
    %swap3A_355 = arith.constant 4992 : index
    %swap3A_356 = arith.constant 0 : index
    %swap3A_357 = vector.load %arg2[%swap3A_355, %swap3A_356] : memref<16384x128xf32, #tpu.memory_space<vmem>>, vector<128x128xf32>
    tpu.vector_store %arg2[%swap3A_355, %swap3A_356], %transpose3A_354 {strides = array<i32>} : memref<16384x128xf32, #tpu.memory_space<vmem>>, vector<128x128xf32>,
    %slice3A_358 = vector.extract_strided_slice %get3A_1 {offsets = [0, 20480], sizes = [32, 128], strides = [1, 1]} : vector<32x65536xf32> to vector<32x128xf32>
    %slice3A_359 = vector.extract_strided_slice %get3A_1 {offsets = [0, 20608], sizes = [32, 128], strides = [1, 1]} : vector<32x65536xf32> to vector<32x128xf32>
    %slice3A_360 = vector.extract_strided_slice %get3A_1 {offsets = [0, 20736], sizes = [32, 128], strides = [1, 1]} : vector<32x65536xf32> to vector<32x128xf32>
    %slice3A_361 = vector.extract_strided_slice %get3A_1 {offsets = [0, 20864], sizes = [32, 128], strides = [1, 1]} : vector<32x65536xf32> to vector<32x128xf32>
    %concatenate3A_362 = tpu.concatenate %slice3A_358, %slice3A_359, %slice3A_360, %slice3A_361 in 0 : vector<32x128xf32>, vector<32x128xf32>, vector<32x128xf32>, vector<32x128xf32> -> vector<128x128xf32>
    %transpose3A_363 = tpu.transpose %concatenate3A_362, [1, 0] : vector<128x128xf32> -> vector<128x128xf32>
    %swap3A_364 = arith.constant 5120 : index
    %swap3A_365 = arith.constant 0 : index
    %swap3A_366 = vector.load %arg2[%swap3A_364, %swap3A_365] : memref<16384x128xf32, #tpu.memory_space<vmem>>, vector<128x128xf32>
    tpu.vector_store %arg2[%swap3A_364, %swap3A_365], %transpose3A_363 {strides = array<i32>} : memref<16384x128xf32, #tpu.memory_space<vmem>>, vector<128x128xf32>,
    %slice3A_367 = vector.extract_strided_slice %get3A_1 {offsets = [0, 20992], sizes = [32, 128], strides = [1, 1]} : vector<32x65536xf32> to vector<32x128xf32>
    %slice3A_368 = vector.extract_strided_slice %get3A_1 {offsets = [0, 21120], sizes = [32, 128], strides = [1, 1]} : vector<32x65536xf32> to vector<32x128xf32>
    %slice3A_369 = vector.extract_strided_slice %get3A_1 {offsets = [0, 21248], sizes = [32, 128], strides = [1, 1]} : vector<32x65536xf32> to vector<32x128xf32>
    %slice3A_370 = vector.extract_strided_slice %get3A_1 {offsets = [0, 21376], sizes = [32, 128], strides = [1, 1]} : vector<32x65536xf32> to vector<32x128xf32>
    %concatenate3A_371 = tpu.concatenate %slice3A_367, %slice3A_368, %slice3A_369, %slice3A_370 in 0 : vector<32x128xf32>, vector<32x128xf32>, vector<32x128xf32>, vector<32x128xf32> -> vector<128x128xf32>
    %transpose3A_372 = tpu.transpose %concatenate3A_371, [1, 0] : vector<128x128xf32> -> vector<128x128xf32>
    %swap3A_373 = arith.constant 5248 : index
    %swap3A_374 = arith.constant 0 : index
    %swap3A_375 = vector.load %arg2[%swap3A_373, %swap3A_374] : memref<16384x128xf32, #tpu.memory_space<vmem>>, vector<128x128xf32>
    tpu.vector_store %arg2[%swap3A_373, %swap3A_374], %transpose3A_372 {strides = array<i32>} : memref<16384x128xf32, #tpu.memory_space<vmem>>, vector<128x128xf32>,
    %slice3A_376 = vector.extract_strided_slice %get3A_1 {offsets = [0, 21504], sizes = [32, 128], strides = [1, 1]} : vector<32x65536xf32> to vector<32x128xf32>
    %slice3A_377 = vector.extract_strided_slice %get3A_1 {offsets = [0, 21632], sizes = [32, 128], strides = [1, 1]} : vector<32x65536xf32> to vector<32x128xf32>
    %slice3A_378 = vector.extract_strided_slice %get3A_1 {offsets = [0, 21760], sizes = [32, 128], strides = [1, 1]} : vector<32x65536xf32> to vector<32x128xf32>
    %slice3A_379 = vector.extract_strided_slice %get3A_1 {offsets = [0, 21888], sizes = [32, 128], strides = [1, 1]} : vector<32x65536xf32> to vector<32x128xf32>
    %concatenate3A_380 = tpu.concatenate %slice3A_376, %slice3A_377, %slice3A_378, %slice3A_379 in 0 : vector<32x128xf32>, vector<32x128xf32>, vector<32x128xf32>, vector<32x128xf32> -> vector<128x128xf32>
    %transpose3A_381 = tpu.transpose %concatenate3A_380, [1, 0] : vector<128x128xf32> -> vector<128x128xf32>
    %swap3A_382 = arith.constant 5376 : index
    %swap3A_383 = arith.constant 0 : index
    %swap3A_384 = vector.load %arg2[%swap3A_382, %swap3A_383] : memref<16384x128xf32, #tpu.memory_space<vmem>>, vector<128x128xf32>
    tpu.vector_store %arg2[%swap3A_382, %swap3A_383], %transpose3A_381 {strides = array<i32>} : memref<16384x128xf32, #tpu.memory_space<vmem>>, vector<128x128xf32>,
    %slice3A_385 = vector.extract_strided_slice %get3A_1 {offsets = [0, 22016], sizes = [32, 128], strides = [1, 1]} : vector<32x65536xf32> to vector<32x128xf32>
    %slice3A_386 = vector.extract_strided_slice %get3A_1 {offsets = [0, 22144], sizes = [32, 128], strides = [1, 1]} : vector<32x65536xf32> to vector<32x128xf32>
    %slice3A_387 = vector.extract_strided_slice %get3A_1 {offsets = [0, 22272], sizes = [32, 128], strides = [1, 1]} : vector<32x65536xf32> to vector<32x128xf32>
    %slice3A_388 = vector.extract_strided_slice %get3A_1 {offsets = [0, 22400], sizes = [32, 128], strides = [1, 1]} : vector<32x65536xf32> to vector<32x128xf32>
    %concatenate3A_389 = tpu.concatenate %slice3A_385, %slice3A_386, %slice3A_387, %slice3A_388 in 0 : vector<32x128xf32>, vector<32x128xf32>, vector<32x128xf32>, vector<32x128xf32> -> vector<128x128xf32>
    %transpose3A_390 = tpu.transpose %concatenate3A_389, [1, 0] : vector<128x128xf32> -> vector<128x128xf32>
    %swap3A_391 = arith.constant 5504 : index
    %swap3A_392 = arith.constant 0 : index
    %swap3A_393 = vector.load %arg2[%swap3A_391, %swap3A_392] : memref<16384x128xf32, #tpu.memory_space<vmem>>, vector<128x128xf32>
    tpu.vector_store %arg2[%swap3A_391, %swap3A_392], %transpose3A_390 {strides = array<i32>} : memref<16384x128xf32, #tpu.memory_space<vmem>>, vector<128x128xf32>,
    %slice3A_394 = vector.extract_strided_slice %get3A_1 {offsets = [0, 22528], sizes = [32, 128], strides = [1, 1]} : vector<32x65536xf32> to vector<32x128xf32>
    %slice3A_395 = vector.extract_strided_slice %get3A_1 {offsets = [0, 22656], sizes = [32, 128], strides = [1, 1]} : vector<32x65536xf32> to vector<32x128xf32>
    %slice3A_396 = vector.extract_strided_slice %get3A_1 {offsets = [0, 22784], sizes = [32, 128], strides = [1, 1]} : vector<32x65536xf32> to vector<32x128xf32>
    %slice3A_397 = vector.extract_strided_slice %get3A_1 {offsets = [0, 22912], sizes = [32, 128], strides = [1, 1]} : vector<32x65536xf32> to vector<32x128xf32>
    %concatenate3A_398 = tpu.concatenate %slice3A_394, %slice3A_395, %slice3A_396, %slice3A_397 in 0 : vector<32x128xf32>, vector<32x128xf32>, vector<32x128xf32>, vector<32x128xf32> -> vector<128x128xf32>
    %transpose3A_399 = tpu.transpose %concatenate3A_398, [1, 0] : vector<128x128xf32> -> vector<128x128xf32>
    %swap3A_400 = arith.constant 5632 : index
    %swap3A_401 = arith.constant 0 : index
    %swap3A_402 = vector.load %arg2[%swap3A_400, %swap3A_401] : memref<16384x128xf32, #tpu.memory_space<vmem>>, vector<128x128xf32>
    tpu.vector_store %arg2[%swap3A_400, %swap3A_401], %transpose3A_399 {strides = array<i32>} : memref<16384x128xf32, #tpu.memory_space<vmem>>, vector<128x128xf32>,
    %slice3A_403 = vector.extract_strided_slice %get3A_1 {offsets = [0, 23040], sizes = [32, 128], strides = [1, 1]} : vector<32x65536xf32> to vector<32x128xf32>
    %slice3A_404 = vector.extract_strided_slice %get3A_1 {offsets = [0, 23168], sizes = [32, 128], strides = [1, 1]} : vector<32x65536xf32> to vector<32x128xf32>
    %slice3A_405 = vector.extract_strided_slice %get3A_1 {offsets = [0, 23296], sizes = [32, 128], strides = [1, 1]} : vector<32x65536xf32> to vector<32x128xf32>
    %slice3A_406 = vector.extract_strided_slice %get3A_1 {offsets = [0, 23424], sizes = [32, 128], strides = [1, 1]} : vector<32x65536xf32> to vector<32x128xf32>
    %concatenate3A_407 = tpu.concatenate %slice3A_403, %slice3A_404, %slice3A_405, %slice3A_406 in 0 : vector<32x128xf32>, vector<32x128xf32>, vector<32x128xf32>, vector<32x128xf32> -> vector<128x128xf32>
    %transpose3A_408 = tpu.transpose %concatenate3A_407, [1, 0] : vector<128x128xf32> -> vector<128x128xf32>
    %swap3A_409 = arith.constant 5760 : index
    %swap3A_410 = arith.constant 0 : index
    %swap3A_411 = vector.load %arg2[%swap3A_409, %swap3A_410] : memref<16384x128xf32, #tpu.memory_space<vmem>>, vector<128x128xf32>
    tpu.vector_store %arg2[%swap3A_409, %swap3A_410], %transpose3A_408 {strides = array<i32>} : memref<16384x128xf32, #tpu.memory_space<vmem>>, vector<128x128xf32>,
    %slice3A_412 = vector.extract_strided_slice %get3A_1 {offsets = [0, 23552], sizes = [32, 128], strides = [1, 1]} : vector<32x65536xf32> to vector<32x128xf32>
    %slice3A_413 = vector.extract_strided_slice %get3A_1 {offsets = [0, 23680], sizes = [32, 128], strides = [1, 1]} : vector<32x65536xf32> to vector<32x128xf32>
    %slice3A_414 = vector.extract_strided_slice %get3A_1 {offsets = [0, 23808], sizes = [32, 128], strides = [1, 1]} : vector<32x65536xf32> to vector<32x128xf32>
    %slice3A_415 = vector.extract_strided_slice %get3A_1 {offsets = [0, 23936], sizes = [32, 128], strides = [1, 1]} : vector<32x65536xf32> to vector<32x128xf32>
    %concatenate3A_416 = tpu.concatenate %slice3A_412, %slice3A_413, %slice3A_414, %slice3A_415 in 0 : vector<32x128xf32>, vector<32x128xf32>, vector<32x128xf32>, vector<32x128xf32> -> vector<128x128xf32>
    %transpose3A_417 = tpu.transpose %concatenate3A_416, [1, 0] : vector<128x128xf32> -> vector<128x128xf32>
    %swap3A_418 = arith.constant 5888 : index
    %swap3A_419 = arith.constant 0 : index
    %swap3A_420 = vector.load %arg2[%swap3A_418, %swap3A_419] : memref<16384x128xf32, #tpu.memory_space<vmem>>, vector<128x128xf32>
    tpu.vector_store %arg2[%swap3A_418, %swap3A_419], %transpose3A_417 {strides = array<i32>} : memref<16384x128xf32, #tpu.memory_space<vmem>>, vector<128x128xf32>,
    %slice3A_421 = vector.extract_strided_slice %get3A_1 {offsets = [0, 24064], sizes = [32, 128], strides = [1, 1]} : vector<32x65536xf32> to vector<32x128xf32>
    %slice3A_422 = vector.extract_strided_slice %get3A_1 {offsets = [0, 24192], sizes = [32, 128], strides = [1, 1]} : vector<32x65536xf32> to vector<32x128xf32>
    %slice3A_423 = vector.extract_strided_slice %get3A_1 {offsets = [0, 24320], sizes = [32, 128], strides = [1, 1]} : vector<32x65536xf32> to vector<32x128xf32>
    %slice3A_424 = vector.extract_strided_slice %get3A_1 {offsets = [0, 24448], sizes = [32, 128], strides = [1, 1]} : vector<32x65536xf32> to vector<32x128xf32>
    %concatenate3A_425 = tpu.concatenate %slice3A_421, %slice3A_422, %slice3A_423, %slice3A_424 in 0 : vector<32x128xf32>, vector<32x128xf32>, vector<32x128xf32>, vector<32x128xf32> -> vector<128x128xf32>
    %transpose3A_426 = tpu.transpose %concatenate3A_425, [1, 0] : vector<128x128xf32> -> vector<128x128xf32>
    %swap3A_427 = arith.constant 6016 : index
    %swap3A_428 = arith.constant 0 : index
    %swap3A_429 = vector.load %arg2[%swap3A_427, %swap3A_428] : memref<16384x128xf32, #tpu.memory_space<vmem>>, vector<128x128xf32>
    tpu.vector_store %arg2[%swap3A_427, %swap3A_428], %transpose3A_426 {strides = array<i32>} : memref<16384x128xf32, #tpu.memory_space<vmem>>, vector<128x128xf32>,
    %slice3A_430 = vector.extract_strided_slice %get3A_1 {offsets = [0, 24576], sizes = [32, 128], strides = [1, 1]} : vector<32x65536xf32> to vector<32x128xf32>
    %slice3A_431 = vector.extract_strided_slice %get3A_1 {offsets = [0, 24704], sizes = [32, 128], strides = [1, 1]} : vector<32x65536xf32> to vector<32x128xf32>
    %slice3A_432 = vector.extract_strided_slice %get3A_1 {offsets = [0, 24832], sizes = [32, 128], strides = [1, 1]} : vector<32x65536xf32> to vector<32x128xf32>
    %slice3A_433 = vector.extract_strided_slice %get3A_1 {offsets = [0, 24960], sizes = [32, 128], strides = [1, 1]} : vector<32x65536xf32> to vector<32x128xf32>
    %concatenate3A_434 = tpu.concatenate %slice3A_430, %slice3A_431, %slice3A_432, %slice3A_433 in 0 : vector<32x128xf32>, vector<32x128xf32>, vector<32x128xf32>, vector<32x128xf32> -> vector<128x128xf32>
    %transpose3A_435 = tpu.transpose %concatenate3A_434, [1, 0] : vector<128x128xf32> -> vector<128x128xf32>
    %swap3A_436 = arith.constant 6144 : index
    %swap3A_437 = arith.constant 0 : index
    %swap3A_438 = vector.load %arg2[%swap3A_436, %swap3A_437] : memref<16384x128xf32, #tpu.memory_space<vmem>>, vector<128x128xf32>
    tpu.vector_store %arg2[%swap3A_436, %swap3A_437], %transpose3A_435 {strides = array<i32>} : memref<16384x128xf32, #tpu.memory_space<vmem>>, vector<128x128xf32>,
    %slice3A_439 = vector.extract_strided_slice %get3A_1 {offsets = [0, 25088], sizes = [32, 128], strides = [1, 1]} : vector<32x65536xf32> to vector<32x128xf32>
    %slice3A_440 = vector.extract_strided_slice %get3A_1 {offsets = [0, 25216], sizes = [32, 128], strides = [1, 1]} : vector<32x65536xf32> to vector<32x128xf32>
    %slice3A_441 = vector.extract_strided_slice %get3A_1 {offsets = [0, 25344], sizes = [32, 128], strides = [1, 1]} : vector<32x65536xf32> to vector<32x128xf32>
    %slice3A_442 = vector.extract_strided_slice %get3A_1 {offsets = [0, 25472], sizes = [32, 128], strides = [1, 1]} : vector<32x65536xf32> to vector<32x128xf32>
    %concatenate3A_443 = tpu.concatenate %slice3A_439, %slice3A_440, %slice3A_441, %slice3A_442 in 0 : vector<32x128xf32>, vector<32x128xf32>, vector<32x128xf32>, vector<32x128xf32> -> vector<128x128xf32>
    %transpose3A_444 = tpu.transpose %concatenate3A_443, [1, 0] : vector<128x128xf32> -> vector<128x128xf32>
    %swap3A_445 = arith.constant 6272 : index
    %swap3A_446 = arith.constant 0 : index
    %swap3A_447 = vector.load %arg2[%swap3A_445, %swap3A_446] : memref<16384x128xf32, #tpu.memory_space<vmem>>, vector<128x128xf32>
    tpu.vector_store %arg2[%swap3A_445, %swap3A_446], %transpose3A_444 {strides = array<i32>} : memref<16384x128xf32, #tpu.memory_space<vmem>>, vector<128x128xf32>,
    %slice3A_448 = vector.extract_strided_slice %get3A_1 {offsets = [0, 25600], sizes = [32, 128], strides = [1, 1]} : vector<32x65536xf32> to vector<32x128xf32>
    %slice3A_449 = vector.extract_strided_slice %get3A_1 {offsets = [0, 25728], sizes = [32, 128], strides = [1, 1]} : vector<32x65536xf32> to vector<32x128xf32>
    %slice3A_450 = vector.extract_strided_slice %get3A_1 {offsets = [0, 25856], sizes = [32, 128], strides = [1, 1]} : vector<32x65536xf32> to vector<32x128xf32>
    %slice3A_451 = vector.extract_strided_slice %get3A_1 {offsets = [0, 25984], sizes = [32, 128], strides = [1, 1]} : vector<32x65536xf32> to vector<32x128xf32>
    %concatenate3A_452 = tpu.concatenate %slice3A_448, %slice3A_449, %slice3A_450, %slice3A_451 in 0 : vector<32x128xf32>, vector<32x128xf32>, vector<32x128xf32>, vector<32x128xf32> -> vector<128x128xf32>
    %transpose3A_453 = tpu.transpose %concatenate3A_452, [1, 0] : vector<128x128xf32> -> vector<128x128xf32>
    %swap3A_454 = arith.constant 6400 : index
    %swap3A_455 = arith.constant 0 : index
    %swap3A_456 = vector.load %arg2[%swap3A_454, %swap3A_455] : memref<16384x128xf32, #tpu.memory_space<vmem>>, vector<128x128xf32>
    tpu.vector_store %arg2[%swap3A_454, %swap3A_455], %transpose3A_453 {strides = array<i32>} : memref<16384x128xf32, #tpu.memory_space<vmem>>, vector<128x128xf32>,
    %slice3A_457 = vector.extract_strided_slice %get3A_1 {offsets = [0, 26112], sizes = [32, 128], strides = [1, 1]} : vector<32x65536xf32> to vector<32x128xf32>
    %slice3A_458 = vector.extract_strided_slice %get3A_1 {offsets = [0, 26240], sizes = [32, 128], strides = [1, 1]} : vector<32x65536xf32> to vector<32x128xf32>
    %slice3A_459 = vector.extract_strided_slice %get3A_1 {offsets = [0, 26368], sizes = [32, 128], strides = [1, 1]} : vector<32x65536xf32> to vector<32x128xf32>
    %slice3A_460 = vector.extract_strided_slice %get3A_1 {offsets = [0, 26496], sizes = [32, 128], strides = [1, 1]} : vector<32x65536xf32> to vector<32x128xf32>
    %concatenate3A_461 = tpu.concatenate %slice3A_457, %slice3A_458, %slice3A_459, %slice3A_460 in 0 : vector<32x128xf32>, vector<32x128xf32>, vector<32x128xf32>, vector<32x128xf32> -> vector<128x128xf32>
    %transpose3A_462 = tpu.transpose %concatenate3A_461, [1, 0] : vector<128x128xf32> -> vector<128x128xf32>
    %swap3A_463 = arith.constant 6528 : index
    %swap3A_464 = arith.constant 0 : index
    %swap3A_465 = vector.load %arg2[%swap3A_463, %swap3A_464] : memref<16384x128xf32, #tpu.memory_space<vmem>>, vector<128x128xf32>
    tpu.vector_store %arg2[%swap3A_463, %swap3A_464], %transpose3A_462 {strides = array<i32>} : memref<16384x128xf32, #tpu.memory_space<vmem>>, vector<128x128xf32>,
    %slice3A_466 = vector.extract_strided_slice %get3A_1 {offsets = [0, 26624], sizes = [32, 128], strides = [1, 1]} : vector<32x65536xf32> to vector<32x128xf32>
    %slice3A_467 = vector.extract_strided_slice %get3A_1 {offsets = [0, 26752], sizes = [32, 128], strides = [1, 1]} : vector<32x65536xf32> to vector<32x128xf32>
    %slice3A_468 = vector.extract_strided_slice %get3A_1 {offsets = [0, 26880], sizes = [32, 128], strides = [1, 1]} : vector<32x65536xf32> to vector<32x128xf32>
    %slice3A_469 = vector.extract_strided_slice %get3A_1 {offsets = [0, 27008], sizes = [32, 128], strides = [1, 1]} : vector<32x65536xf32> to vector<32x128xf32>
    %concatenate3A_470 = tpu.concatenate %slice3A_466, %slice3A_467, %slice3A_468, %slice3A_469 in 0 : vector<32x128xf32>, vector<32x128xf32>, vector<32x128xf32>, vector<32x128xf32> -> vector<128x128xf32>
    %transpose3A_471 = tpu.transpose %concatenate3A_470, [1, 0] : vector<128x128xf32> -> vector<128x128xf32>
    %swap3A_472 = arith.constant 6656 : index
    %swap3A_473 = arith.constant 0 : index
    %swap3A_474 = vector.load %arg2[%swap3A_472, %swap3A_473] : memref<16384x128xf32, #tpu.memory_space<vmem>>, vector<128x128xf32>
    tpu.vector_store %arg2[%swap3A_472, %swap3A_473], %transpose3A_471 {strides = array<i32>} : memref<16384x128xf32, #tpu.memory_space<vmem>>, vector<128x128xf32>,
    %slice3A_475 = vector.extract_strided_slice %get3A_1 {offsets = [0, 27136], sizes = [32, 128], strides = [1, 1]} : vector<32x65536xf32> to vector<32x128xf32>
    %slice3A_476 = vector.extract_strided_slice %get3A_1 {offsets = [0, 27264], sizes = [32, 128], strides = [1, 1]} : vector<32x65536xf32> to vector<32x128xf32>
    %slice3A_477 = vector.extract_strided_slice %get3A_1 {offsets = [0, 27392], sizes = [32, 128], strides = [1, 1]} : vector<32x65536xf32> to vector<32x128xf32>
    %slice3A_478 = vector.extract_strided_slice %get3A_1 {offsets = [0, 27520], sizes = [32, 128], strides = [1, 1]} : vector<32x65536xf32> to vector<32x128xf32>
    %concatenate3A_479 = tpu.concatenate %slice3A_475, %slice3A_476, %slice3A_477, %slice3A_478 in 0 : vector<32x128xf32>, vector<32x128xf32>, vector<32x128xf32>, vector<32x128xf32> -> vector<128x128xf32>
    %transpose3A_480 = tpu.transpose %concatenate3A_479, [1, 0] : vector<128x128xf32> -> vector<128x128xf32>
    %swap3A_481 = arith.constant 6784 : index
    %swap3A_482 = arith.constant 0 : index
    %swap3A_483 = vector.load %arg2[%swap3A_481, %swap3A_482] : memref<16384x128xf32, #tpu.memory_space<vmem>>, vector<128x128xf32>
    tpu.vector_store %arg2[%swap3A_481, %swap3A_482], %transpose3A_480 {strides = array<i32>} : memref<16384x128xf32, #tpu.memory_space<vmem>>, vector<128x128xf32>,
    %slice3A_484 = vector.extract_strided_slice %get3A_1 {offsets = [0, 27648], sizes = [32, 128], strides = [1, 1]} : vector<32x65536xf32> to vector<32x128xf32>
    %slice3A_485 = vector.extract_strided_slice %get3A_1 {offsets = [0, 27776], sizes = [32, 128], strides = [1, 1]} : vector<32x65536xf32> to vector<32x128xf32>
    %slice3A_486 = vector.extract_strided_slice %get3A_1 {offsets = [0, 27904], sizes = [32, 128], strides = [1, 1]} : vector<32x65536xf32> to vector<32x128xf32>
    %slice3A_487 = vector.extract_strided_slice %get3A_1 {offsets = [0, 28032], sizes = [32, 128], strides = [1, 1]} : vector<32x65536xf32> to vector<32x128xf32>
    %concatenate3A_488 = tpu.concatenate %slice3A_484, %slice3A_485, %slice3A_486, %slice3A_487 in 0 : vector<32x128xf32>, vector<32x128xf32>, vector<32x128xf32>, vector<32x128xf32> -> vector<128x128xf32>
    %transpose3A_489 = tpu.transpose %concatenate3A_488, [1, 0] : vector<128x128xf32> -> vector<128x128xf32>
    %swap3A_490 = arith.constant 6912 : index
    %swap3A_491 = arith.constant 0 : index
    %swap3A_492 = vector.load %arg2[%swap3A_490, %swap3A_491] : memref<16384x128xf32, #tpu.memory_space<vmem>>, vector<128x128xf32>
    tpu.vector_store %arg2[%swap3A_490, %swap3A_491], %transpose3A_489 {strides = array<i32>} : memref<16384x128xf32, #tpu.memory_space<vmem>>, vector<128x128xf32>,
    %slice3A_493 = vector.extract_strided_slice %get3A_1 {offsets = [0, 28160], sizes = [32, 128], strides = [1, 1]} : vector<32x65536xf32> to vector<32x128xf32>
    %slice3A_494 = vector.extract_strided_slice %get3A_1 {offsets = [0, 28288], sizes = [32, 128], strides = [1, 1]} : vector<32x65536xf32> to vector<32x128xf32>
    %slice3A_495 = vector.extract_strided_slice %get3A_1 {offsets = [0, 28416], sizes = [32, 128], strides = [1, 1]} : vector<32x65536xf32> to vector<32x128xf32>
    %slice3A_496 = vector.extract_strided_slice %get3A_1 {offsets = [0, 28544], sizes = [32, 128], strides = [1, 1]} : vector<32x65536xf32> to vector<32x128xf32>
    %concatenate3A_497 = tpu.concatenate %slice3A_493, %slice3A_494, %slice3A_495, %slice3A_496 in 0 : vector<32x128xf32>, vector<32x128xf32>, vector<32x128xf32>, vector<32x128xf32> -> vector<128x128xf32>
    %transpose3A_498 = tpu.transpose %concatenate3A_497, [1, 0] : vector<128x128xf32> -> vector<128x128xf32>
    %swap3A_499 = arith.constant 7040 : index
    %swap3A_500 = arith.constant 0 : index
    %swap3A_501 = vector.load %arg2[%swap3A_499, %swap3A_500] : memref<16384x128xf32, #tpu.memory_space<vmem>>, vector<128x128xf32>
    tpu.vector_store %arg2[%swap3A_499, %swap3A_500], %transpose3A_498 {strides = array<i32>} : memref<16384x128xf32, #tpu.memory_space<vmem>>, vector<128x128xf32>,
    %slice3A_502 = vector.extract_strided_slice %get3A_1 {offsets = [0, 28672], sizes = [32, 128], strides = [1, 1]} : vector<32x65536xf32> to vector<32x128xf32>
    %slice3A_503 = vector.extract_strided_slice %get3A_1 {offsets = [0, 28800], sizes = [32, 128], strides = [1, 1]} : vector<32x65536xf32> to vector<32x128xf32>
    %slice3A_504 = vector.extract_strided_slice %get3A_1 {offsets = [0, 28928], sizes = [32, 128], strides = [1, 1]} : vector<32x65536xf32> to vector<32x128xf32>
    %slice3A_505 = vector.extract_strided_slice %get3A_1 {offsets = [0, 29056], sizes = [32, 128], strides = [1, 1]} : vector<32x65536xf32> to vector<32x128xf32>
    %concatenate3A_506 = tpu.concatenate %slice3A_502, %slice3A_503, %slice3A_504, %slice3A_505 in 0 : vector<32x128xf32>, vector<32x128xf32>, vector<32x128xf32>, vector<32x128xf32> -> vector<128x128xf32>
    %transpose3A_507 = tpu.transpose %concatenate3A_506, [1, 0] : vector<128x128xf32> -> vector<128x128xf32>
    %swap3A_508 = arith.constant 7168 : index
    %swap3A_509 = arith.constant 0 : index
    %swap3A_510 = vector.load %arg2[%swap3A_508, %swap3A_509] : memref<16384x128xf32, #tpu.memory_space<vmem>>, vector<128x128xf32>
    tpu.vector_store %arg2[%swap3A_508, %swap3A_509], %transpose3A_507 {strides = array<i32>} : memref<16384x128xf32, #tpu.memory_space<vmem>>, vector<128x128xf32>,
    %slice3A_511 = vector.extract_strided_slice %get3A_1 {offsets = [0, 29184], sizes = [32, 128], strides = [1, 1]} : vector<32x65536xf32> to vector<32x128xf32>
    %slice3A_512 = vector.extract_strided_slice %get3A_1 {offsets = [0, 29312], sizes = [32, 128], strides = [1, 1]} : vector<32x65536xf32> to vector<32x128xf32>
    %slice3A_513 = vector.extract_strided_slice %get3A_1 {offsets = [0, 29440], sizes = [32, 128], strides = [1, 1]} : vector<32x65536xf32> to vector<32x128xf32>
    %slice3A_514 = vector.extract_strided_slice %get3A_1 {offsets = [0, 29568], sizes = [32, 128], strides = [1, 1]} : vector<32x65536xf32> to vector<32x128xf32>
    %concatenate3A_515 = tpu.concatenate %slice3A_511, %slice3A_512, %slice3A_513, %slice3A_514 in 0 : vector<32x128xf32>, vector<32x128xf32>, vector<32x128xf32>, vector<32x128xf32> -> vector<128x128xf32>
    %transpose3A_516 = tpu.transpose %concatenate3A_515, [1, 0] : vector<128x128xf32> -> vector<128x128xf32>
    %swap3A_517 = arith.constant 7296 : index
    %swap3A_518 = arith.constant 0 : index
    %swap3A_519 = vector.load %arg2[%swap3A_517, %swap3A_518] : memref<16384x128xf32, #tpu.memory_space<vmem>>, vector<128x128xf32>
    tpu.vector_store %arg2[%swap3A_517, %swap3A_518], %transpose3A_516 {strides = array<i32>} : memref<16384x128xf32, #tpu.memory_space<vmem>>, vector<128x128xf32>,
    %slice3A_520 = vector.extract_strided_slice %get3A_1 {offsets = [0, 29696], sizes = [32, 128], strides = [1, 1]} : vector<32x65536xf32> to vector<32x128xf32>
    %slice3A_521 = vector.extract_strided_slice %get3A_1 {offsets = [0, 29824], sizes = [32, 128], strides = [1, 1]} : vector<32x65536xf32> to vector<32x128xf32>
    %slice3A_522 = vector.extract_strided_slice %get3A_1 {offsets = [0, 29952], sizes = [32, 128], strides = [1, 1]} : vector<32x65536xf32> to vector<32x128xf32>
    %slice3A_523 = vector.extract_strided_slice %get3A_1 {offsets = [0, 30080], sizes = [32, 128], strides = [1, 1]} : vector<32x65536xf32> to vector<32x128xf32>
    %concatenate3A_524 = tpu.concatenate %slice3A_520, %slice3A_521, %slice3A_522, %slice3A_523 in 0 : vector<32x128xf32>, vector<32x128xf32>, vector<32x128xf32>, vector<32x128xf32> -> vector<128x128xf32>
    %transpose3A_525 = tpu.transpose %concatenate3A_524, [1, 0] : vector<128x128xf32> -> vector<128x128xf32>
    %swap3A_526 = arith.constant 7424 : index
    %swap3A_527 = arith.constant 0 : index
    %swap3A_528 = vector.load %arg2[%swap3A_526, %swap3A_527] : memref<16384x128xf32, #tpu.memory_space<vmem>>, vector<128x128xf32>
    tpu.vector_store %arg2[%swap3A_526, %swap3A_527], %transpose3A_525 {strides = array<i32>} : memref<16384x128xf32, #tpu.memory_space<vmem>>, vector<128x128xf32>,
    %slice3A_529 = vector.extract_strided_slice %get3A_1 {offsets = [0, 30208], sizes = [32, 128], strides = [1, 1]} : vector<32x65536xf32> to vector<32x128xf32>
    %slice3A_530 = vector.extract_strided_slice %get3A_1 {offsets = [0, 30336], sizes = [32, 128], strides = [1, 1]} : vector<32x65536xf32> to vector<32x128xf32>
    %slice3A_531 = vector.extract_strided_slice %get3A_1 {offsets = [0, 30464], sizes = [32, 128], strides = [1, 1]} : vector<32x65536xf32> to vector<32x128xf32>
    %slice3A_532 = vector.extract_strided_slice %get3A_1 {offsets = [0, 30592], sizes = [32, 128], strides = [1, 1]} : vector<32x65536xf32> to vector<32x128xf32>
    %concatenate3A_533 = tpu.concatenate %slice3A_529, %slice3A_530, %slice3A_531, %slice3A_532 in 0 : vector<32x128xf32>, vector<32x128xf32>, vector<32x128xf32>, vector<32x128xf32> -> vector<128x128xf32>
    %transpose3A_534 = tpu.transpose %concatenate3A_533, [1, 0] : vector<128x128xf32> -> vector<128x128xf32>
    %swap3A_535 = arith.constant 7552 : index
    %swap3A_536 = arith.constant 0 : index
    %swap3A_537 = vector.load %arg2[%swap3A_535, %swap3A_536] : memref<16384x128xf32, #tpu.memory_space<vmem>>, vector<128x128xf32>
    tpu.vector_store %arg2[%swap3A_535, %swap3A_536], %transpose3A_534 {strides = array<i32>} : memref<16384x128xf32, #tpu.memory_space<vmem>>, vector<128x128xf32>,
    %slice3A_538 = vector.extract_strided_slice %get3A_1 {offsets = [0, 30720], sizes = [32, 128], strides = [1, 1]} : vector<32x65536xf32> to vector<32x128xf32>
    %slice3A_539 = vector.extract_strided_slice %get3A_1 {offsets = [0, 30848], sizes = [32, 128], strides = [1, 1]} : vector<32x65536xf32> to vector<32x128xf32>
    %slice3A_540 = vector.extract_strided_slice %get3A_1 {offsets = [0, 30976], sizes = [32, 128], strides = [1, 1]} : vector<32x65536xf32> to vector<32x128xf32>
    %slice3A_541 = vector.extract_strided_slice %get3A_1 {offsets = [0, 31104], sizes = [32, 128], strides = [1, 1]} : vector<32x65536xf32> to vector<32x128xf32>
    %concatenate3A_542 = tpu.concatenate %slice3A_538, %slice3A_539, %slice3A_540, %slice3A_541 in 0 : vector<32x128xf32>, vector<32x128xf32>, vector<32x128xf32>, vector<32x128xf32> -> vector<128x128xf32>
    %transpose3A_543 = tpu.transpose %concatenate3A_542, [1, 0] : vector<128x128xf32> -> vector<128x128xf32>
    %swap3A_544 = arith.constant 7680 : index
    %swap3A_545 = arith.constant 0 : index
    %swap3A_546 = vector.load %arg2[%swap3A_544, %swap3A_545] : memref<16384x128xf32, #tpu.memory_space<vmem>>, vector<128x128xf32>
    tpu.vector_store %arg2[%swap3A_544, %swap3A_545], %transpose3A_543 {strides = array<i32>} : memref<16384x128xf32, #tpu.memory_space<vmem>>, vector<128x128xf32>,
    %slice3A_547 = vector.extract_strided_slice %get3A_1 {offsets = [0, 31232], sizes = [32, 128], strides = [1, 1]} : vector<32x65536xf32> to vector<32x128xf32>
    %slice3A_548 = vector.extract_strided_slice %get3A_1 {offsets = [0, 31360], sizes = [32, 128], strides = [1, 1]} : vector<32x65536xf32> to vector<32x128xf32>
    %slice3A_549 = vector.extract_strided_slice %get3A_1 {offsets = [0, 31488], sizes = [32, 128], strides = [1, 1]} : vector<32x65536xf32> to vector<32x128xf32>
    %slice3A_550 = vector.extract_strided_slice %get3A_1 {offsets = [0, 31616], sizes = [32, 128], strides = [1, 1]} : vector<32x65536xf32> to vector<32x128xf32>
    %concatenate3A_551 = tpu.concatenate %slice3A_547, %slice3A_548, %slice3A_549, %slice3A_550 in 0 : vector<32x128xf32>, vector<32x128xf32>, vector<32x128xf32>, vector<32x128xf32> -> vector<128x128xf32>
    %transpose3A_552 = tpu.transpose %concatenate3A_551, [1, 0] : vector<128x128xf32> -> vector<128x128xf32>
    %swap3A_553 = arith.constant 7808 : index
    %swap3A_554 = arith.constant 0 : index
    %swap3A_555 = vector.load %arg2[%swap3A_553, %swap3A_554] : memref<16384x128xf32, #tpu.memory_space<vmem>>, vector<128x128xf32>
    tpu.vector_store %arg2[%swap3A_553, %swap3A_554], %transpose3A_552 {strides = array<i32>} : memref<16384x128xf32, #tpu.memory_space<vmem>>, vector<128x128xf32>,
    %slice3A_556 = vector.extract_strided_slice %get3A_1 {offsets = [0, 31744], sizes = [32, 128], strides = [1, 1]} : vector<32x65536xf32> to vector<32x128xf32>
    %slice3A_557 = vector.extract_strided_slice %get3A_1 {offsets = [0, 31872], sizes = [32, 128], strides = [1, 1]} : vector<32x65536xf32> to vector<32x128xf32>
    %slice3A_558 = vector.extract_strided_slice %get3A_1 {offsets = [0, 32000], sizes = [32, 128], strides = [1, 1]} : vector<32x65536xf32> to vector<32x128xf32>
    %slice3A_559 = vector.extract_strided_slice %get3A_1 {offsets = [0, 32128], sizes = [32, 128], strides = [1, 1]} : vector<32x65536xf32> to vector<32x128xf32>
    %concatenate3A_560 = tpu.concatenate %slice3A_556, %slice3A_557, %slice3A_558, %slice3A_559 in 0 : vector<32x128xf32>, vector<32x128xf32>, vector<32x128xf32>, vector<32x128xf32> -> vector<128x128xf32>
    %transpose3A_561 = tpu.transpose %concatenate3A_560, [1, 0] : vector<128x128xf32> -> vector<128x128xf32>
    %swap3A_562 = arith.constant 7936 : index
    %swap3A_563 = arith.constant 0 : index
    %swap3A_564 = vector.load %arg2[%swap3A_562, %swap3A_563] : memref<16384x128xf32, #tpu.memory_space<vmem>>, vector<128x128xf32>
    tpu.vector_store %arg2[%swap3A_562, %swap3A_563], %transpose3A_561 {strides = array<i32>} : memref<16384x128xf32, #tpu.memory_space<vmem>>, vector<128x128xf32>,
    %slice3A_565 = vector.extract_strided_slice %get3A_1 {offsets = [0, 32256], sizes = [32, 128], strides = [1, 1]} : vector<32x65536xf32> to vector<32x128xf32>
    %slice3A_566 = vector.extract_strided_slice %get3A_1 {offsets = [0, 32384], sizes = [32, 128], strides = [1, 1]} : vector<32x65536xf32> to vector<32x128xf32>
    %slice3A_567 = vector.extract_strided_slice %get3A_1 {offsets = [0, 32512], sizes = [32, 128], strides = [1, 1]} : vector<32x65536xf32> to vector<32x128xf32>
    %slice3A_568 = vector.extract_strided_slice %get3A_1 {offsets = [0, 32640], sizes = [32, 128], strides = [1, 1]} : vector<32x65536xf32> to vector<32x128xf32>
    %concatenate3A_569 = tpu.concatenate %slice3A_565, %slice3A_566, %slice3A_567, %slice3A_568 in 0 : vector<32x128xf32>, vector<32x128xf32>, vector<32x128xf32>, vector<32x128xf32> -> vector<128x128xf32>
    %transpose3A_570 = tpu.transpose %concatenate3A_569, [1, 0] : vector<128x128xf32> -> vector<128x128xf32>
    %swap3A_571 = arith.constant 8064 : index
    %swap3A_572 = arith.constant 0 : index
    %swap3A_573 = vector.load %arg2[%swap3A_571, %swap3A_572] : memref<16384x128xf32, #tpu.memory_space<vmem>>, vector<128x128xf32>
    tpu.vector_store %arg2[%swap3A_571, %swap3A_572], %transpose3A_570 {strides = array<i32>} : memref<16384x128xf32, #tpu.memory_space<vmem>>, vector<128x128xf32>,
    %slice3A_574 = vector.extract_strided_slice %get3A_1 {offsets = [0, 32768], sizes = [32, 128], strides = [1, 1]} : vector<32x65536xf32> to vector<32x128xf32>
    %slice3A_575 = vector.extract_strided_slice %get3A_1 {offsets = [0, 32896], sizes = [32, 128], strides = [1, 1]} : vector<32x65536xf32> to vector<32x128xf32>
    %slice3A_576 = vector.extract_strided_slice %get3A_1 {offsets = [0, 33024], sizes = [32, 128], strides = [1, 1]} : vector<32x65536xf32> to vector<32x128xf32>
    %slice3A_577 = vector.extract_strided_slice %get3A_1 {offsets = [0, 33152], sizes = [32, 128], strides = [1, 1]} : vector<32x65536xf32> to vector<32x128xf32>
    %concatenate3A_578 = tpu.concatenate %slice3A_574, %slice3A_575, %slice3A_576, %slice3A_577 in 0 : vector<32x128xf32>, vector<32x128xf32>, vector<32x128xf32>, vector<32x128xf32> -> vector<128x128xf32>
    %transpose3A_579 = tpu.transpose %concatenate3A_578, [1, 0] : vector<128x128xf32> -> vector<128x128xf32>
    %swap3A_580 = arith.constant 8192 : index
    %swap3A_581 = arith.constant 0 : index
    %swap3A_582 = vector.load %arg2[%swap3A_580, %swap3A_581] : memref<16384x128xf32, #tpu.memory_space<vmem>>, vector<128x128xf32>
    tpu.vector_store %arg2[%swap3A_580, %swap3A_581], %transpose3A_579 {strides = array<i32>} : memref<16384x128xf32, #tpu.memory_space<vmem>>, vector<128x128xf32>,
    %slice3A_583 = vector.extract_strided_slice %get3A_1 {offsets = [0, 33280], sizes = [32, 128], strides = [1, 1]} : vector<32x65536xf32> to vector<32x128xf32>
    %slice3A_584 = vector.extract_strided_slice %get3A_1 {offsets = [0, 33408], sizes = [32, 128], strides = [1, 1]} : vector<32x65536xf32> to vector<32x128xf32>
    %slice3A_585 = vector.extract_strided_slice %get3A_1 {offsets = [0, 33536], sizes = [32, 128], strides = [1, 1]} : vector<32x65536xf32> to vector<32x128xf32>
    %slice3A_586 = vector.extract_strided_slice %get3A_1 {offsets = [0, 33664], sizes = [32, 128], strides = [1, 1]} : vector<32x65536xf32> to vector<32x128xf32>
    %concatenate3A_587 = tpu.concatenate %slice3A_583, %slice3A_584, %slice3A_585, %slice3A_586 in 0 : vector<32x128xf32>, vector<32x128xf32>, vector<32x128xf32>, vector<32x128xf32> -> vector<128x128xf32>
    %transpose3A_588 = tpu.transpose %concatenate3A_587, [1, 0] : vector<128x128xf32> -> vector<128x128xf32>
    %swap3A_589 = arith.constant 8320 : index
    %swap3A_590 = arith.constant 0 : index
    %swap3A_591 = vector.load %arg2[%swap3A_589, %swap3A_590] : memref<16384x128xf32, #tpu.memory_space<vmem>>, vector<128x128xf32>
    tpu.vector_store %arg2[%swap3A_589, %swap3A_590], %transpose3A_588 {strides = array<i32>} : memref<16384x128xf32, #tpu.memory_space<vmem>>, vector<128x128xf32>,
    %slice3A_592 = vector.extract_strided_slice %get3A_1 {offsets = [0, 33792], sizes = [32, 128], strides = [1, 1]} : vector<32x65536xf32> to vector<32x128xf32>
    %slice3A_593 = vector.extract_strided_slice %get3A_1 {offsets = [0, 33920], sizes = [32, 128], strides = [1, 1]} : vector<32x65536xf32> to vector<32x128xf32>
    %slice3A_594 = vector.extract_strided_slice %get3A_1 {offsets = [0, 34048], sizes = [32, 128], strides = [1, 1]} : vector<32x65536xf32> to vector<32x128xf32>
    %slice3A_595 = vector.extract_strided_slice %get3A_1 {offsets = [0, 34176], sizes = [32, 128], strides = [1, 1]} : vector<32x65536xf32> to vector<32x128xf32>
    %concatenate3A_596 = tpu.concatenate %slice3A_592, %slice3A_593, %slice3A_594, %slice3A_595 in 0 : vector<32x128xf32>, vector<32x128xf32>, vector<32x128xf32>, vector<32x128xf32> -> vector<128x128xf32>
    %transpose3A_597 = tpu.transpose %concatenate3A_596, [1, 0] : vector<128x128xf32> -> vector<128x128xf32>
    %swap3A_598 = arith.constant 8448 : index
    %swap3A_599 = arith.constant 0 : index
    %swap3A_600 = vector.load %arg2[%swap3A_598, %swap3A_599] : memref<16384x128xf32, #tpu.memory_space<vmem>>, vector<128x128xf32>
    tpu.vector_store %arg2[%swap3A_598, %swap3A_599], %transpose3A_597 {strides = array<i32>} : memref<16384x128xf32, #tpu.memory_space<vmem>>, vector<128x128xf32>,
    %slice3A_601 = vector.extract_strided_slice %get3A_1 {offsets = [0, 34304], sizes = [32, 128], strides = [1, 1]} : vector<32x65536xf32> to vector<32x128xf32>
    %slice3A_602 = vector.extract_strided_slice %get3A_1 {offsets = [0, 34432], sizes = [32, 128], strides = [1, 1]} : vector<32x65536xf32> to vector<32x128xf32>
    %slice3A_603 = vector.extract_strided_slice %get3A_1 {offsets = [0, 34560], sizes = [32, 128], strides = [1, 1]} : vector<32x65536xf32> to vector<32x128xf32>
    %slice3A_604 = vector.extract_strided_slice %get3A_1 {offsets = [0, 34688], sizes = [32, 128], strides = [1, 1]} : vector<32x65536xf32> to vector<32x128xf32>
    %concatenate3A_605 = tpu.concatenate %slice3A_601, %slice3A_602, %slice3A_603, %slice3A_604 in 0 : vector<32x128xf32>, vector<32x128xf32>, vector<32x128xf32>, vector<32x128xf32> -> vector<128x128xf32>
    %transpose3A_606 = tpu.transpose %concatenate3A_605, [1, 0] : vector<128x128xf32> -> vector<128x128xf32>
    %swap3A_607 = arith.constant 8576 : index
    %swap3A_608 = arith.constant 0 : index
    %swap3A_609 = vector.load %arg2[%swap3A_607, %swap3A_608] : memref<16384x128xf32, #tpu.memory_space<vmem>>, vector<128x128xf32>
    tpu.vector_store %arg2[%swap3A_607, %swap3A_608], %transpose3A_606 {strides = array<i32>} : memref<16384x128xf32, #tpu.memory_space<vmem>>, vector<128x128xf32>,
    %slice3A_610 = vector.extract_strided_slice %get3A_1 {offsets = [0, 34816], sizes = [32, 128], strides = [1, 1]} : vector<32x65536xf32> to vector<32x128xf32>
    %slice3A_611 = vector.extract_strided_slice %get3A_1 {offsets = [0, 34944], sizes = [32, 128], strides = [1, 1]} : vector<32x65536xf32> to vector<32x128xf32>
    %slice3A_612 = vector.extract_strided_slice %get3A_1 {offsets = [0, 35072], sizes = [32, 128], strides = [1, 1]} : vector<32x65536xf32> to vector<32x128xf32>
    %slice3A_613 = vector.extract_strided_slice %get3A_1 {offsets = [0, 35200], sizes = [32, 128], strides = [1, 1]} : vector<32x65536xf32> to vector<32x128xf32>
    %concatenate3A_614 = tpu.concatenate %slice3A_610, %slice3A_611, %slice3A_612, %slice3A_613 in 0 : vector<32x128xf32>, vector<32x128xf32>, vector<32x128xf32>, vector<32x128xf32> -> vector<128x128xf32>
    %transpose3A_615 = tpu.transpose %concatenate3A_614, [1, 0] : vector<128x128xf32> -> vector<128x128xf32>
    %swap3A_616 = arith.constant 8704 : index
    %swap3A_617 = arith.constant 0 : index
    %swap3A_618 = vector.load %arg2[%swap3A_616, %swap3A_617] : memref<16384x128xf32, #tpu.memory_space<vmem>>, vector<128x128xf32>
    tpu.vector_store %arg2[%swap3A_616, %swap3A_617], %transpose3A_615 {strides = array<i32>} : memref<16384x128xf32, #tpu.memory_space<vmem>>, vector<128x128xf32>,
    %slice3A_619 = vector.extract_strided_slice %get3A_1 {offsets = [0, 35328], sizes = [32, 128], strides = [1, 1]} : vector<32x65536xf32> to vector<32x128xf32>
    %slice3A_620 = vector.extract_strided_slice %get3A_1 {offsets = [0, 35456], sizes = [32, 128], strides = [1, 1]} : vector<32x65536xf32> to vector<32x128xf32>
    %slice3A_621 = vector.extract_strided_slice %get3A_1 {offsets = [0, 35584], sizes = [32, 128], strides = [1, 1]} : vector<32x65536xf32> to vector<32x128xf32>
    %slice3A_622 = vector.extract_strided_slice %get3A_1 {offsets = [0, 35712], sizes = [32, 128], strides = [1, 1]} : vector<32x65536xf32> to vector<32x128xf32>
    %concatenate3A_623 = tpu.concatenate %slice3A_619, %slice3A_620, %slice3A_621, %slice3A_622 in 0 : vector<32x128xf32>, vector<32x128xf32>, vector<32x128xf32>, vector<32x128xf32> -> vector<128x128xf32>
    %transpose3A_624 = tpu.transpose %concatenate3A_623, [1, 0] : vector<128x128xf32> -> vector<128x128xf32>
    %swap3A_625 = arith.constant 8832 : index
    %swap3A_626 = arith.constant 0 : index
    %swap3A_627 = vector.load %arg2[%swap3A_625, %swap3A_626] : memref<16384x128xf32, #tpu.memory_space<vmem>>, vector<128x128xf32>
    tpu.vector_store %arg2[%swap3A_625, %swap3A_626], %transpose3A_624 {strides = array<i32>} : memref<16384x128xf32, #tpu.memory_space<vmem>>, vector<128x128xf32>,
    %slice3A_628 = vector.extract_strided_slice %get3A_1 {offsets = [0, 35840], sizes = [32, 128], strides = [1, 1]} : vector<32x65536xf32> to vector<32x128xf32>
    %slice3A_629 = vector.extract_strided_slice %get3A_1 {offsets = [0, 35968], sizes = [32, 128], strides = [1, 1]} : vector<32x65536xf32> to vector<32x128xf32>
    %slice3A_630 = vector.extract_strided_slice %get3A_1 {offsets = [0, 36096], sizes = [32, 128], strides = [1, 1]} : vector<32x65536xf32> to vector<32x128xf32>
    %slice3A_631 = vector.extract_strided_slice %get3A_1 {offsets = [0, 36224], sizes = [32, 128], strides = [1, 1]} : vector<32x65536xf32> to vector<32x128xf32>
    %concatenate3A_632 = tpu.concatenate %slice3A_628, %slice3A_629, %slice3A_630, %slice3A_631 in 0 : vector<32x128xf32>, vector<32x128xf32>, vector<32x128xf32>, vector<32x128xf32> -> vector<128x128xf32>
    %transpose3A_633 = tpu.transpose %concatenate3A_632, [1, 0] : vector<128x128xf32> -> vector<128x128xf32>
    %swap3A_634 = arith.constant 8960 : index
    %swap3A_635 = arith.constant 0 : index
    %swap3A_636 = vector.load %arg2[%swap3A_634, %swap3A_635] : memref<16384x128xf32, #tpu.memory_space<vmem>>, vector<128x128xf32>
    tpu.vector_store %arg2[%swap3A_634, %swap3A_635], %transpose3A_633 {strides = array<i32>} : memref<16384x128xf32, #tpu.memory_space<vmem>>, vector<128x128xf32>,
    %slice3A_637 = vector.extract_strided_slice %get3A_1 {offsets = [0, 36352], sizes = [32, 128], strides = [1, 1]} : vector<32x65536xf32> to vector<32x128xf32>
    %slice3A_638 = vector.extract_strided_slice %get3A_1 {offsets = [0, 36480], sizes = [32, 128], strides = [1, 1]} : vector<32x65536xf32> to vector<32x128xf32>
    %slice3A_639 = vector.extract_strided_slice %get3A_1 {offsets = [0, 36608], sizes = [32, 128], strides = [1, 1]} : vector<32x65536xf32> to vector<32x128xf32>
    %slice3A_640 = vector.extract_strided_slice %get3A_1 {offsets = [0, 36736], sizes = [32, 128], strides = [1, 1]} : vector<32x65536xf32> to vector<32x128xf32>
    %concatenate3A_641 = tpu.concatenate %slice3A_637, %slice3A_638, %slice3A_639, %slice3A_640 in 0 : vector<32x128xf32>, vector<32x128xf32>, vector<32x128xf32>, vector<32x128xf32> -> vector<128x128xf32>
    %transpose3A_642 = tpu.transpose %concatenate3A_641, [1, 0] : vector<128x128xf32> -> vector<128x128xf32>
    %swap3A_643 = arith.constant 9088 : index
    %swap3A_644 = arith.constant 0 : index
    %swap3A_645 = vector.load %arg2[%swap3A_643, %swap3A_644] : memref<16384x128xf32, #tpu.memory_space<vmem>>, vector<128x128xf32>
    tpu.vector_store %arg2[%swap3A_643, %swap3A_644], %transpose3A_642 {strides = array<i32>} : memref<16384x128xf32, #tpu.memory_space<vmem>>, vector<128x128xf32>,
    %slice3A_646 = vector.extract_strided_slice %get3A_1 {offsets = [0, 36864], sizes = [32, 128], strides = [1, 1]} : vector<32x65536xf32> to vector<32x128xf32>
    %slice3A_647 = vector.extract_strided_slice %get3A_1 {offsets = [0, 36992], sizes = [32, 128], strides = [1, 1]} : vector<32x65536xf32> to vector<32x128xf32>
    %slice3A_648 = vector.extract_strided_slice %get3A_1 {offsets = [0, 37120], sizes = [32, 128], strides = [1, 1]} : vector<32x65536xf32> to vector<32x128xf32>
    %slice3A_649 = vector.extract_strided_slice %get3A_1 {offsets = [0, 37248], sizes = [32, 128], strides = [1, 1]} : vector<32x65536xf32> to vector<32x128xf32>
    %concatenate3A_650 = tpu.concatenate %slice3A_646, %slice3A_647, %slice3A_648, %slice3A_649 in 0 : vector<32x128xf32>, vector<32x128xf32>, vector<32x128xf32>, vector<32x128xf32> -> vector<128x128xf32>
    %transpose3A_651 = tpu.transpose %concatenate3A_650, [1, 0] : vector<128x128xf32> -> vector<128x128xf32>
    %swap3A_652 = arith.constant 9216 : index
    %swap3A_653 = arith.constant 0 : index
    %swap3A_654 = vector.load %arg2[%swap3A_652, %swap3A_653] : memref<16384x128xf32, #tpu.memory_space<vmem>>, vector<128x128xf32>
    tpu.vector_store %arg2[%swap3A_652, %swap3A_653], %transpose3A_651 {strides = array<i32>} : memref<16384x128xf32, #tpu.memory_space<vmem>>, vector<128x128xf32>,
    %slice3A_655 = vector.extract_strided_slice %get3A_1 {offsets = [0, 37376], sizes = [32, 128], strides = [1, 1]} : vector<32x65536xf32> to vector<32x128xf32>
    %slice3A_656 = vector.extract_strided_slice %get3A_1 {offsets = [0, 37504], sizes = [32, 128], strides = [1, 1]} : vector<32x65536xf32> to vector<32x128xf32>
    %slice3A_657 = vector.extract_strided_slice %get3A_1 {offsets = [0, 37632], sizes = [32, 128], strides = [1, 1]} : vector<32x65536xf32> to vector<32x128xf32>
    %slice3A_658 = vector.extract_strided_slice %get3A_1 {offsets = [0, 37760], sizes = [32, 128], strides = [1, 1]} : vector<32x65536xf32> to vector<32x128xf32>
    %concatenate3A_659 = tpu.concatenate %slice3A_655, %slice3A_656, %slice3A_657, %slice3A_658 in 0 : vector<32x128xf32>, vector<32x128xf32>, vector<32x128xf32>, vector<32x128xf32> -> vector<128x128xf32>
    %transpose3A_660 = tpu.transpose %concatenate3A_659, [1, 0] : vector<128x128xf32> -> vector<128x128xf32>
    %swap3A_661 = arith.constant 9344 : index
    %swap3A_662 = arith.constant 0 : index
    %swap3A_663 = vector.load %arg2[%swap3A_661, %swap3A_662] : memref<16384x128xf32, #tpu.memory_space<vmem>>, vector<128x128xf32>
    tpu.vector_store %arg2[%swap3A_661, %swap3A_662], %transpose3A_660 {strides = array<i32>} : memref<16384x128xf32, #tpu.memory_space<vmem>>, vector<128x128xf32>,
    %slice3A_664 = vector.extract_strided_slice %get3A_1 {offsets = [0, 37888], sizes = [32, 128], strides = [1, 1]} : vector<32x65536xf32> to vector<32x128xf32>
    %slice3A_665 = vector.extract_strided_slice %get3A_1 {offsets = [0, 38016], sizes = [32, 128], strides = [1, 1]} : vector<32x65536xf32> to vector<32x128xf32>
    %slice3A_666 = vector.extract_strided_slice %get3A_1 {offsets = [0, 38144], sizes = [32, 128], strides = [1, 1]} : vector<32x65536xf32> to vector<32x128xf32>
    %slice3A_667 = vector.extract_strided_slice %get3A_1 {offsets = [0, 38272], sizes = [32, 128], strides = [1, 1]} : vector<32x65536xf32> to vector<32x128xf32>
    %concatenate3A_668 = tpu.concatenate %slice3A_664, %slice3A_665, %slice3A_666, %slice3A_667 in 0 : vector<32x128xf32>, vector<32x128xf32>, vector<32x128xf32>, vector<32x128xf32> -> vector<128x128xf32>
    %transpose3A_669 = tpu.transpose %concatenate3A_668, [1, 0] : vector<128x128xf32> -> vector<128x128xf32>
    %swap3A_670 = arith.constant 9472 : index
    %swap3A_671 = arith.constant 0 : index
    %swap3A_672 = vector.load %arg2[%swap3A_670, %swap3A_671] : memref<16384x128xf32, #tpu.memory_space<vmem>>, vector<128x128xf32>
    tpu.vector_store %arg2[%swap3A_670, %swap3A_671], %transpose3A_669 {strides = array<i32>} : memref<16384x128xf32, #tpu.memory_space<vmem>>, vector<128x128xf32>,
    %slice3A_673 = vector.extract_strided_slice %get3A_1 {offsets = [0, 38400], sizes = [32, 128], strides = [1, 1]} : vector<32x65536xf32> to vector<32x128xf32>
    %slice3A_674 = vector.extract_strided_slice %get3A_1 {offsets = [0, 38528], sizes = [32, 128], strides = [1, 1]} : vector<32x65536xf32> to vector<32x128xf32>
    %slice3A_675 = vector.extract_strided_slice %get3A_1 {offsets = [0, 38656], sizes = [32, 128], strides = [1, 1]} : vector<32x65536xf32> to vector<32x128xf32>
    %slice3A_676 = vector.extract_strided_slice %get3A_1 {offsets = [0, 38784], sizes = [32, 128], strides = [1, 1]} : vector<32x65536xf32> to vector<32x128xf32>
    %concatenate3A_677 = tpu.concatenate %slice3A_673, %slice3A_674, %slice3A_675, %slice3A_676 in 0 : vector<32x128xf32>, vector<32x128xf32>, vector<32x128xf32>, vector<32x128xf32> -> vector<128x128xf32>
    %transpose3A_678 = tpu.transpose %concatenate3A_677, [1, 0] : vector<128x128xf32> -> vector<128x128xf32>
    %swap3A_679 = arith.constant 9600 : index
    %swap3A_680 = arith.constant 0 : index
    %swap3A_681 = vector.load %arg2[%swap3A_679, %swap3A_680] : memref<16384x128xf32, #tpu.memory_space<vmem>>, vector<128x128xf32>
    tpu.vector_store %arg2[%swap3A_679, %swap3A_680], %transpose3A_678 {strides = array<i32>} : memref<16384x128xf32, #tpu.memory_space<vmem>>, vector<128x128xf32>,
    %slice3A_682 = vector.extract_strided_slice %get3A_1 {offsets = [0, 38912], sizes = [32, 128], strides = [1, 1]} : vector<32x65536xf32> to vector<32x128xf32>
    %slice3A_683 = vector.extract_strided_slice %get3A_1 {offsets = [0, 39040], sizes = [32, 128], strides = [1, 1]} : vector<32x65536xf32> to vector<32x128xf32>
    %slice3A_684 = vector.extract_strided_slice %get3A_1 {offsets = [0, 39168], sizes = [32, 128], strides = [1, 1]} : vector<32x65536xf32> to vector<32x128xf32>
    %slice3A_685 = vector.extract_strided_slice %get3A_1 {offsets = [0, 39296], sizes = [32, 128], strides = [1, 1]} : vector<32x65536xf32> to vector<32x128xf32>
    %concatenate3A_686 = tpu.concatenate %slice3A_682, %slice3A_683, %slice3A_684, %slice3A_685 in 0 : vector<32x128xf32>, vector<32x128xf32>, vector<32x128xf32>, vector<32x128xf32> -> vector<128x128xf32>
    %transpose3A_687 = tpu.transpose %concatenate3A_686, [1, 0] : vector<128x128xf32> -> vector<128x128xf32>
    %swap3A_688 = arith.constant 9728 : index
    %swap3A_689 = arith.constant 0 : index
    %swap3A_690 = vector.load %arg2[%swap3A_688, %swap3A_689] : memref<16384x128xf32, #tpu.memory_space<vmem>>, vector<128x128xf32>
    tpu.vector_store %arg2[%swap3A_688, %swap3A_689], %transpose3A_687 {strides = array<i32>} : memref<16384x128xf32, #tpu.memory_space<vmem>>, vector<128x128xf32>,
    %slice3A_691 = vector.extract_strided_slice %get3A_1 {offsets = [0, 39424], sizes = [32, 128], strides = [1, 1]} : vector<32x65536xf32> to vector<32x128xf32>
    %slice3A_692 = vector.extract_strided_slice %get3A_1 {offsets = [0, 39552], sizes = [32, 128], strides = [1, 1]} : vector<32x65536xf32> to vector<32x128xf32>
    %slice3A_693 = vector.extract_strided_slice %get3A_1 {offsets = [0, 39680], sizes = [32, 128], strides = [1, 1]} : vector<32x65536xf32> to vector<32x128xf32>
    %slice3A_694 = vector.extract_strided_slice %get3A_1 {offsets = [0, 39808], sizes = [32, 128], strides = [1, 1]} : vector<32x65536xf32> to vector<32x128xf32>
    %concatenate3A_695 = tpu.concatenate %slice3A_691, %slice3A_692, %slice3A_693, %slice3A_694 in 0 : vector<32x128xf32>, vector<32x128xf32>, vector<32x128xf32>, vector<32x128xf32> -> vector<128x128xf32>
    %transpose3A_696 = tpu.transpose %concatenate3A_695, [1, 0] : vector<128x128xf32> -> vector<128x128xf32>
    %swap3A_697 = arith.constant 9856 : index
    %swap3A_698 = arith.constant 0 : index
    %swap3A_699 = vector.load %arg2[%swap3A_697, %swap3A_698] : memref<16384x128xf32, #tpu.memory_space<vmem>>, vector<128x128xf32>
    tpu.vector_store %arg2[%swap3A_697, %swap3A_698], %transpose3A_696 {strides = array<i32>} : memref<16384x128xf32, #tpu.memory_space<vmem>>, vector<128x128xf32>,
    %slice3A_700 = vector.extract_strided_slice %get3A_1 {offsets = [0, 39936], sizes = [32, 128], strides = [1, 1]} : vector<32x65536xf32> to vector<32x128xf32>
    %slice3A_701 = vector.extract_strided_slice %get3A_1 {offsets = [0, 40064], sizes = [32, 128], strides = [1, 1]} : vector<32x65536xf32> to vector<32x128xf32>
    %slice3A_702 = vector.extract_strided_slice %get3A_1 {offsets = [0, 40192], sizes = [32, 128], strides = [1, 1]} : vector<32x65536xf32> to vector<32x128xf32>
    %slice3A_703 = vector.extract_strided_slice %get3A_1 {offsets = [0, 40320], sizes = [32, 128], strides = [1, 1]} : vector<32x65536xf32> to vector<32x128xf32>
    %concatenate3A_704 = tpu.concatenate %slice3A_700, %slice3A_701, %slice3A_702, %slice3A_703 in 0 : vector<32x128xf32>, vector<32x128xf32>, vector<32x128xf32>, vector<32x128xf32> -> vector<128x128xf32>
    %transpose3A_705 = tpu.transpose %concatenate3A_704, [1, 0] : vector<128x128xf32> -> vector<128x128xf32>
    %swap3A_706 = arith.constant 9984 : index
    %swap3A_707 = arith.constant 0 : index
    %swap3A_708 = vector.load %arg2[%swap3A_706, %swap3A_707] : memref<16384x128xf32, #tpu.memory_space<vmem>>, vector<128x128xf32>
    tpu.vector_store %arg2[%swap3A_706, %swap3A_707], %transpose3A_705 {strides = array<i32>} : memref<16384x128xf32, #tpu.memory_space<vmem>>, vector<128x128xf32>,
    %slice3A_709 = vector.extract_strided_slice %get3A_1 {offsets = [0, 40448], sizes = [32, 128], strides = [1, 1]} : vector<32x65536xf32> to vector<32x128xf32>
    %slice3A_710 = vector.extract_strided_slice %get3A_1 {offsets = [0, 40576], sizes = [32, 128], strides = [1, 1]} : vector<32x65536xf32> to vector<32x128xf32>
    %slice3A_711 = vector.extract_strided_slice %get3A_1 {offsets = [0, 40704], sizes = [32, 128], strides = [1, 1]} : vector<32x65536xf32> to vector<32x128xf32>
    %slice3A_712 = vector.extract_strided_slice %get3A_1 {offsets = [0, 40832], sizes = [32, 128], strides = [1, 1]} : vector<32x65536xf32> to vector<32x128xf32>
    %concatenate3A_713 = tpu.concatenate %slice3A_709, %slice3A_710, %slice3A_711, %slice3A_712 in 0 : vector<32x128xf32>, vector<32x128xf32>, vector<32x128xf32>, vector<32x128xf32> -> vector<128x128xf32>
    %transpose3A_714 = tpu.transpose %concatenate3A_713, [1, 0] : vector<128x128xf32> -> vector<128x128xf32>
    %swap3A_715 = arith.constant 10112 : index
    %swap3A_716 = arith.constant 0 : index
    %swap3A_717 = vector.load %arg2[%swap3A_715, %swap3A_716] : memref<16384x128xf32, #tpu.memory_space<vmem>>, vector<128x128xf32>
    tpu.vector_store %arg2[%swap3A_715, %swap3A_716], %transpose3A_714 {strides = array<i32>} : memref<16384x128xf32, #tpu.memory_space<vmem>>, vector<128x128xf32>,
    %slice3A_718 = vector.extract_strided_slice %get3A_1 {offsets = [0, 40960], sizes = [32, 128], strides = [1, 1]} : vector<32x65536xf32> to vector<32x128xf32>
    %slice3A_719 = vector.extract_strided_slice %get3A_1 {offsets = [0, 41088], sizes = [32, 128], strides = [1, 1]} : vector<32x65536xf32> to vector<32x128xf32>
    %slice3A_720 = vector.extract_strided_slice %get3A_1 {offsets = [0, 41216], sizes = [32, 128], strides = [1, 1]} : vector<32x65536xf32> to vector<32x128xf32>
    %slice3A_721 = vector.extract_strided_slice %get3A_1 {offsets = [0, 41344], sizes = [32, 128], strides = [1, 1]} : vector<32x65536xf32> to vector<32x128xf32>
    %concatenate3A_722 = tpu.concatenate %slice3A_718, %slice3A_719, %slice3A_720, %slice3A_721 in 0 : vector<32x128xf32>, vector<32x128xf32>, vector<32x128xf32>, vector<32x128xf32> -> vector<128x128xf32>
    %transpose3A_723 = tpu.transpose %concatenate3A_722, [1, 0] : vector<128x128xf32> -> vector<128x128xf32>
    %swap3A_724 = arith.constant 10240 : index
    %swap3A_725 = arith.constant 0 : index
    %swap3A_726 = vector.load %arg2[%swap3A_724, %swap3A_725] : memref<16384x128xf32, #tpu.memory_space<vmem>>, vector<128x128xf32>
    tpu.vector_store %arg2[%swap3A_724, %swap3A_725], %transpose3A_723 {strides = array<i32>} : memref<16384x128xf32, #tpu.memory_space<vmem>>, vector<128x128xf32>,
    %slice3A_727 = vector.extract_strided_slice %get3A_1 {offsets = [0, 41472], sizes = [32, 128], strides = [1, 1]} : vector<32x65536xf32> to vector<32x128xf32>
    %slice3A_728 = vector.extract_strided_slice %get3A_1 {offsets = [0, 41600], sizes = [32, 128], strides = [1, 1]} : vector<32x65536xf32> to vector<32x128xf32>
    %slice3A_729 = vector.extract_strided_slice %get3A_1 {offsets = [0, 41728], sizes = [32, 128], strides = [1, 1]} : vector<32x65536xf32> to vector<32x128xf32>
    %slice3A_730 = vector.extract_strided_slice %get3A_1 {offsets = [0, 41856], sizes = [32, 128], strides = [1, 1]} : vector<32x65536xf32> to vector<32x128xf32>
    %concatenate3A_731 = tpu.concatenate %slice3A_727, %slice3A_728, %slice3A_729, %slice3A_730 in 0 : vector<32x128xf32>, vector<32x128xf32>, vector<32x128xf32>, vector<32x128xf32> -> vector<128x128xf32>
    %transpose3A_732 = tpu.transpose %concatenate3A_731, [1, 0] : vector<128x128xf32> -> vector<128x128xf32>
    %swap3A_733 = arith.constant 10368 : index
    %swap3A_734 = arith.constant 0 : index
    %swap3A_735 = vector.load %arg2[%swap3A_733, %swap3A_734] : memref<16384x128xf32, #tpu.memory_space<vmem>>, vector<128x128xf32>
    tpu.vector_store %arg2[%swap3A_733, %swap3A_734], %transpose3A_732 {strides = array<i32>} : memref<16384x128xf32, #tpu.memory_space<vmem>>, vector<128x128xf32>,
    %slice3A_736 = vector.extract_strided_slice %get3A_1 {offsets = [0, 41984], sizes = [32, 128], strides = [1, 1]} : vector<32x65536xf32> to vector<32x128xf32>
    %slice3A_737 = vector.extract_strided_slice %get3A_1 {offsets = [0, 42112], sizes = [32, 128], strides = [1, 1]} : vector<32x65536xf32> to vector<32x128xf32>
    %slice3A_738 = vector.extract_strided_slice %get3A_1 {offsets = [0, 42240], sizes = [32, 128], strides = [1, 1]} : vector<32x65536xf32> to vector<32x128xf32>
    %slice3A_739 = vector.extract_strided_slice %get3A_1 {offsets = [0, 42368], sizes = [32, 128], strides = [1, 1]} : vector<32x65536xf32> to vector<32x128xf32>
    %concatenate3A_740 = tpu.concatenate %slice3A_736, %slice3A_737, %slice3A_738, %slice3A_739 in 0 : vector<32x128xf32>, vector<32x128xf32>, vector<32x128xf32>, vector<32x128xf32> -> vector<128x128xf32>
    %transpose3A_741 = tpu.transpose %concatenate3A_740, [1, 0] : vector<128x128xf32> -> vector<128x128xf32>
    %swap3A_742 = arith.constant 10496 : index
    %swap3A_743 = arith.constant 0 : index
    %swap3A_744 = vector.load %arg2[%swap3A_742, %swap3A_743] : memref<16384x128xf32, #tpu.memory_space<vmem>>, vector<128x128xf32>
    tpu.vector_store %arg2[%swap3A_742, %swap3A_743], %transpose3A_741 {strides = array<i32>} : memref<16384x128xf32, #tpu.memory_space<vmem>>, vector<128x128xf32>,
    %slice3A_745 = vector.extract_strided_slice %get3A_1 {offsets = [0, 42496], sizes = [32, 128], strides = [1, 1]} : vector<32x65536xf32> to vector<32x128xf32>
    %slice3A_746 = vector.extract_strided_slice %get3A_1 {offsets = [0, 42624], sizes = [32, 128], strides = [1, 1]} : vector<32x65536xf32> to vector<32x128xf32>
    %slice3A_747 = vector.extract_strided_slice %get3A_1 {offsets = [0, 42752], sizes = [32, 128], strides = [1, 1]} : vector<32x65536xf32> to vector<32x128xf32>
    %slice3A_748 = vector.extract_strided_slice %get3A_1 {offsets = [0, 42880], sizes = [32, 128], strides = [1, 1]} : vector<32x65536xf32> to vector<32x128xf32>
    %concatenate3A_749 = tpu.concatenate %slice3A_745, %slice3A_746, %slice3A_747, %slice3A_748 in 0 : vector<32x128xf32>, vector<32x128xf32>, vector<32x128xf32>, vector<32x128xf32> -> vector<128x128xf32>
    %transpose3A_750 = tpu.transpose %concatenate3A_749, [1, 0] : vector<128x128xf32> -> vector<128x128xf32>
    %swap3A_751 = arith.constant 10624 : index
    %swap3A_752 = arith.constant 0 : index
    %swap3A_753 = vector.load %arg2[%swap3A_751, %swap3A_752] : memref<16384x128xf32, #tpu.memory_space<vmem>>, vector<128x128xf32>
    tpu.vector_store %arg2[%swap3A_751, %swap3A_752], %transpose3A_750 {strides = array<i32>} : memref<16384x128xf32, #tpu.memory_space<vmem>>, vector<128x128xf32>,
    %slice3A_754 = vector.extract_strided_slice %get3A_1 {offsets = [0, 43008], sizes = [32, 128], strides = [1, 1]} : vector<32x65536xf32> to vector<32x128xf32>
    %slice3A_755 = vector.extract_strided_slice %get3A_1 {offsets = [0, 43136], sizes = [32, 128], strides = [1, 1]} : vector<32x65536xf32> to vector<32x128xf32>
    %slice3A_756 = vector.extract_strided_slice %get3A_1 {offsets = [0, 43264], sizes = [32, 128], strides = [1, 1]} : vector<32x65536xf32> to vector<32x128xf32>
    %slice3A_757 = vector.extract_strided_slice %get3A_1 {offsets = [0, 43392], sizes = [32, 128], strides = [1, 1]} : vector<32x65536xf32> to vector<32x128xf32>
    %concatenate3A_758 = tpu.concatenate %slice3A_754, %slice3A_755, %slice3A_756, %slice3A_757 in 0 : vector<32x128xf32>, vector<32x128xf32>, vector<32x128xf32>, vector<32x128xf32> -> vector<128x128xf32>
    %transpose3A_759 = tpu.transpose %concatenate3A_758, [1, 0] : vector<128x128xf32> -> vector<128x128xf32>
    %swap3A_760 = arith.constant 10752 : index
    %swap3A_761 = arith.constant 0 : index
    %swap3A_762 = vector.load %arg2[%swap3A_760, %swap3A_761] : memref<16384x128xf32, #tpu.memory_space<vmem>>, vector<128x128xf32>
    tpu.vector_store %arg2[%swap3A_760, %swap3A_761], %transpose3A_759 {strides = array<i32>} : memref<16384x128xf32, #tpu.memory_space<vmem>>, vector<128x128xf32>,
    %slice3A_763 = vector.extract_strided_slice %get3A_1 {offsets = [0, 43520], sizes = [32, 128], strides = [1, 1]} : vector<32x65536xf32> to vector<32x128xf32>
    %slice3A_764 = vector.extract_strided_slice %get3A_1 {offsets = [0, 43648], sizes = [32, 128], strides = [1, 1]} : vector<32x65536xf32> to vector<32x128xf32>
    %slice3A_765 = vector.extract_strided_slice %get3A_1 {offsets = [0, 43776], sizes = [32, 128], strides = [1, 1]} : vector<32x65536xf32> to vector<32x128xf32>
    %slice3A_766 = vector.extract_strided_slice %get3A_1 {offsets = [0, 43904], sizes = [32, 128], strides = [1, 1]} : vector<32x65536xf32> to vector<32x128xf32>
    %concatenate3A_767 = tpu.concatenate %slice3A_763, %slice3A_764, %slice3A_765, %slice3A_766 in 0 : vector<32x128xf32>, vector<32x128xf32>, vector<32x128xf32>, vector<32x128xf32> -> vector<128x128xf32>
    %transpose3A_768 = tpu.transpose %concatenate3A_767, [1, 0] : vector<128x128xf32> -> vector<128x128xf32>
    %swap3A_769 = arith.constant 10880 : index
    %swap3A_770 = arith.constant 0 : index
    %swap3A_771 = vector.load %arg2[%swap3A_769, %swap3A_770] : memref<16384x128xf32, #tpu.memory_space<vmem>>, vector<128x128xf32>
    tpu.vector_store %arg2[%swap3A_769, %swap3A_770], %transpose3A_768 {strides = array<i32>} : memref<16384x128xf32, #tpu.memory_space<vmem>>, vector<128x128xf32>,
    %slice3A_772 = vector.extract_strided_slice %get3A_1 {offsets = [0, 44032], sizes = [32, 128], strides = [1, 1]} : vector<32x65536xf32> to vector<32x128xf32>
    %slice3A_773 = vector.extract_strided_slice %get3A_1 {offsets = [0, 44160], sizes = [32, 128], strides = [1, 1]} : vector<32x65536xf32> to vector<32x128xf32>
    %slice3A_774 = vector.extract_strided_slice %get3A_1 {offsets = [0, 44288], sizes = [32, 128], strides = [1, 1]} : vector<32x65536xf32> to vector<32x128xf32>
    %slice3A_775 = vector.extract_strided_slice %get3A_1 {offsets = [0, 44416], sizes = [32, 128], strides = [1, 1]} : vector<32x65536xf32> to vector<32x128xf32>
    %concatenate3A_776 = tpu.concatenate %slice3A_772, %slice3A_773, %slice3A_774, %slice3A_775 in 0 : vector<32x128xf32>, vector<32x128xf32>, vector<32x128xf32>, vector<32x128xf32> -> vector<128x128xf32>
    %transpose3A_777 = tpu.transpose %concatenate3A_776, [1, 0] : vector<128x128xf32> -> vector<128x128xf32>
    %swap3A_778 = arith.constant 11008 : index
    %swap3A_779 = arith.constant 0 : index
    %swap3A_780 = vector.load %arg2[%swap3A_778, %swap3A_779] : memref<16384x128xf32, #tpu.memory_space<vmem>>, vector<128x128xf32>
    tpu.vector_store %arg2[%swap3A_778, %swap3A_779], %transpose3A_777 {strides = array<i32>} : memref<16384x128xf32, #tpu.memory_space<vmem>>, vector<128x128xf32>,
    %slice3A_781 = vector.extract_strided_slice %get3A_1 {offsets = [0, 44544], sizes = [32, 128], strides = [1, 1]} : vector<32x65536xf32> to vector<32x128xf32>
    %slice3A_782 = vector.extract_strided_slice %get3A_1 {offsets = [0, 44672], sizes = [32, 128], strides = [1, 1]} : vector<32x65536xf32> to vector<32x128xf32>
    %slice3A_783 = vector.extract_strided_slice %get3A_1 {offsets = [0, 44800], sizes = [32, 128], strides = [1, 1]} : vector<32x65536xf32> to vector<32x128xf32>
    %slice3A_784 = vector.extract_strided_slice %get3A_1 {offsets = [0, 44928], sizes = [32, 128], strides = [1, 1]} : vector<32x65536xf32> to vector<32x128xf32>
    %concatenate3A_785 = tpu.concatenate %slice3A_781, %slice3A_782, %slice3A_783, %slice3A_784 in 0 : vector<32x128xf32>, vector<32x128xf32>, vector<32x128xf32>, vector<32x128xf32> -> vector<128x128xf32>
    %transpose3A_786 = tpu.transpose %concatenate3A_785, [1, 0] : vector<128x128xf32> -> vector<128x128xf32>
    %swap3A_787 = arith.constant 11136 : index
    %swap3A_788 = arith.constant 0 : index
    %swap3A_789 = vector.load %arg2[%swap3A_787, %swap3A_788] : memref<16384x128xf32, #tpu.memory_space<vmem>>, vector<128x128xf32>
    tpu.vector_store %arg2[%swap3A_787, %swap3A_788], %transpose3A_786 {strides = array<i32>} : memref<16384x128xf32, #tpu.memory_space<vmem>>, vector<128x128xf32>,
    %slice3A_790 = vector.extract_strided_slice %get3A_1 {offsets = [0, 45056], sizes = [32, 128], strides = [1, 1]} : vector<32x65536xf32> to vector<32x128xf32>
    %slice3A_791 = vector.extract_strided_slice %get3A_1 {offsets = [0, 45184], sizes = [32, 128], strides = [1, 1]} : vector<32x65536xf32> to vector<32x128xf32>
    %slice3A_792 = vector.extract_strided_slice %get3A_1 {offsets = [0, 45312], sizes = [32, 128], strides = [1, 1]} : vector<32x65536xf32> to vector<32x128xf32>
    %slice3A_793 = vector.extract_strided_slice %get3A_1 {offsets = [0, 45440], sizes = [32, 128], strides = [1, 1]} : vector<32x65536xf32> to vector<32x128xf32>
    %concatenate3A_794 = tpu.concatenate %slice3A_790, %slice3A_791, %slice3A_792, %slice3A_793 in 0 : vector<32x128xf32>, vector<32x128xf32>, vector<32x128xf32>, vector<32x128xf32> -> vector<128x128xf32>
    %transpose3A_795 = tpu.transpose %concatenate3A_794, [1, 0] : vector<128x128xf32> -> vector<128x128xf32>
    %swap3A_796 = arith.constant 11264 : index
    %swap3A_797 = arith.constant 0 : index
    %swap3A_798 = vector.load %arg2[%swap3A_796, %swap3A_797] : memref<16384x128xf32, #tpu.memory_space<vmem>>, vector<128x128xf32>
    tpu.vector_store %arg2[%swap3A_796, %swap3A_797], %transpose3A_795 {strides = array<i32>} : memref<16384x128xf32, #tpu.memory_space<vmem>>, vector<128x128xf32>,
    %slice3A_799 = vector.extract_strided_slice %get3A_1 {offsets = [0, 45568], sizes = [32, 128], strides = [1, 1]} : vector<32x65536xf32> to vector<32x128xf32>
    %slice3A_800 = vector.extract_strided_slice %get3A_1 {offsets = [0, 45696], sizes = [32, 128], strides = [1, 1]} : vector<32x65536xf32> to vector<32x128xf32>
    %slice3A_801 = vector.extract_strided_slice %get3A_1 {offsets = [0, 45824], sizes = [32, 128], strides = [1, 1]} : vector<32x65536xf32> to vector<32x128xf32>
    %slice3A_802 = vector.extract_strided_slice %get3A_1 {offsets = [0, 45952], sizes = [32, 128], strides = [1, 1]} : vector<32x65536xf32> to vector<32x128xf32>
    %concatenate3A_803 = tpu.concatenate %slice3A_799, %slice3A_800, %slice3A_801, %slice3A_802 in 0 : vector<32x128xf32>, vector<32x128xf32>, vector<32x128xf32>, vector<32x128xf32> -> vector<128x128xf32>
    %transpose3A_804 = tpu.transpose %concatenate3A_803, [1, 0] : vector<128x128xf32> -> vector<128x128xf32>
    %swap3A_805 = arith.constant 11392 : index
    %swap3A_806 = arith.constant 0 : index
    %swap3A_807 = vector.load %arg2[%swap3A_805, %swap3A_806] : memref<16384x128xf32, #tpu.memory_space<vmem>>, vector<128x128xf32>
    tpu.vector_store %arg2[%swap3A_805, %swap3A_806], %transpose3A_804 {strides = array<i32>} : memref<16384x128xf32, #tpu.memory_space<vmem>>, vector<128x128xf32>,
    %slice3A_808 = vector.extract_strided_slice %get3A_1 {offsets = [0, 46080], sizes = [32, 128], strides = [1, 1]} : vector<32x65536xf32> to vector<32x128xf32>
    %slice3A_809 = vector.extract_strided_slice %get3A_1 {offsets = [0, 46208], sizes = [32, 128], strides = [1, 1]} : vector<32x65536xf32> to vector<32x128xf32>
    %slice3A_810 = vector.extract_strided_slice %get3A_1 {offsets = [0, 46336], sizes = [32, 128], strides = [1, 1]} : vector<32x65536xf32> to vector<32x128xf32>
    %slice3A_811 = vector.extract_strided_slice %get3A_1 {offsets = [0, 46464], sizes = [32, 128], strides = [1, 1]} : vector<32x65536xf32> to vector<32x128xf32>
    %concatenate3A_812 = tpu.concatenate %slice3A_808, %slice3A_809, %slice3A_810, %slice3A_811 in 0 : vector<32x128xf32>, vector<32x128xf32>, vector<32x128xf32>, vector<32x128xf32> -> vector<128x128xf32>
    %transpose3A_813 = tpu.transpose %concatenate3A_812, [1, 0] : vector<128x128xf32> -> vector<128x128xf32>
    %swap3A_814 = arith.constant 11520 : index
    %swap3A_815 = arith.constant 0 : index
    %swap3A_816 = vector.load %arg2[%swap3A_814, %swap3A_815] : memref<16384x128xf32, #tpu.memory_space<vmem>>, vector<128x128xf32>
    tpu.vector_store %arg2[%swap3A_814, %swap3A_815], %transpose3A_813 {strides = array<i32>} : memref<16384x128xf32, #tpu.memory_space<vmem>>, vector<128x128xf32>,
    %slice3A_817 = vector.extract_strided_slice %get3A_1 {offsets = [0, 46592], sizes = [32, 128], strides = [1, 1]} : vector<32x65536xf32> to vector<32x128xf32>
    %slice3A_818 = vector.extract_strided_slice %get3A_1 {offsets = [0, 46720], sizes = [32, 128], strides = [1, 1]} : vector<32x65536xf32> to vector<32x128xf32>
    %slice3A_819 = vector.extract_strided_slice %get3A_1 {offsets = [0, 46848], sizes = [32, 128], strides = [1, 1]} : vector<32x65536xf32> to vector<32x128xf32>
    %slice3A_820 = vector.extract_strided_slice %get3A_1 {offsets = [0, 46976], sizes = [32, 128], strides = [1, 1]} : vector<32x65536xf32> to vector<32x128xf32>
    %concatenate3A_821 = tpu.concatenate %slice3A_817, %slice3A_818, %slice3A_819, %slice3A_820 in 0 : vector<32x128xf32>, vector<32x128xf32>, vector<32x128xf32>, vector<32x128xf32> -> vector<128x128xf32>
    %transpose3A_822 = tpu.transpose %concatenate3A_821, [1, 0] : vector<128x128xf32> -> vector<128x128xf32>
    %swap3A_823 = arith.constant 11648 : index
    %swap3A_824 = arith.constant 0 : index
    %swap3A_825 = vector.load %arg2[%swap3A_823, %swap3A_824] : memref<16384x128xf32, #tpu.memory_space<vmem>>, vector<128x128xf32>
    tpu.vector_store %arg2[%swap3A_823, %swap3A_824], %transpose3A_822 {strides = array<i32>} : memref<16384x128xf32, #tpu.memory_space<vmem>>, vector<128x128xf32>,
    %slice3A_826 = vector.extract_strided_slice %get3A_1 {offsets = [0, 47104], sizes = [32, 128], strides = [1, 1]} : vector<32x65536xf32> to vector<32x128xf32>
    %slice3A_827 = vector.extract_strided_slice %get3A_1 {offsets = [0, 47232], sizes = [32, 128], strides = [1, 1]} : vector<32x65536xf32> to vector<32x128xf32>
    %slice3A_828 = vector.extract_strided_slice %get3A_1 {offsets = [0, 47360], sizes = [32, 128], strides = [1, 1]} : vector<32x65536xf32> to vector<32x128xf32>
    %slice3A_829 = vector.extract_strided_slice %get3A_1 {offsets = [0, 47488], sizes = [32, 128], strides = [1, 1]} : vector<32x65536xf32> to vector<32x128xf32>
    %concatenate3A_830 = tpu.concatenate %slice3A_826, %slice3A_827, %slice3A_828, %slice3A_829 in 0 : vector<32x128xf32>, vector<32x128xf32>, vector<32x128xf32>, vector<32x128xf32> -> vector<128x128xf32>
    %transpose3A_831 = tpu.transpose %concatenate3A_830, [1, 0] : vector<128x128xf32> -> vector<128x128xf32>
    %swap3A_832 = arith.constant 11776 : index
    %swap3A_833 = arith.constant 0 : index
    %swap3A_834 = vector.load %arg2[%swap3A_832, %swap3A_833] : memref<16384x128xf32, #tpu.memory_space<vmem>>, vector<128x128xf32>
    tpu.vector_store %arg2[%swap3A_832, %swap3A_833], %transpose3A_831 {strides = array<i32>} : memref<16384x128xf32, #tpu.memory_space<vmem>>, vector<128x128xf32>,
    %slice3A_835 = vector.extract_strided_slice %get3A_1 {offsets = [0, 47616], sizes = [32, 128], strides = [1, 1]} : vector<32x65536xf32> to vector<32x128xf32>
    %slice3A_836 = vector.extract_strided_slice %get3A_1 {offsets = [0, 47744], sizes = [32, 128], strides = [1, 1]} : vector<32x65536xf32> to vector<32x128xf32>
    %slice3A_837 = vector.extract_strided_slice %get3A_1 {offsets = [0, 47872], sizes = [32, 128], strides = [1, 1]} : vector<32x65536xf32> to vector<32x128xf32>
    %slice3A_838 = vector.extract_strided_slice %get3A_1 {offsets = [0, 48000], sizes = [32, 128], strides = [1, 1]} : vector<32x65536xf32> to vector<32x128xf32>
    %concatenate3A_839 = tpu.concatenate %slice3A_835, %slice3A_836, %slice3A_837, %slice3A_838 in 0 : vector<32x128xf32>, vector<32x128xf32>, vector<32x128xf32>, vector<32x128xf32> -> vector<128x128xf32>
    %transpose3A_840 = tpu.transpose %concatenate3A_839, [1, 0] : vector<128x128xf32> -> vector<128x128xf32>
    %swap3A_841 = arith.constant 11904 : index
    %swap3A_842 = arith.constant 0 : index
    %swap3A_843 = vector.load %arg2[%swap3A_841, %swap3A_842] : memref<16384x128xf32, #tpu.memory_space<vmem>>, vector<128x128xf32>
    tpu.vector_store %arg2[%swap3A_841, %swap3A_842], %transpose3A_840 {strides = array<i32>} : memref<16384x128xf32, #tpu.memory_space<vmem>>, vector<128x128xf32>,
    %slice3A_844 = vector.extract_strided_slice %get3A_1 {offsets = [0, 48128], sizes = [32, 128], strides = [1, 1]} : vector<32x65536xf32> to vector<32x128xf32>
    %slice3A_845 = vector.extract_strided_slice %get3A_1 {offsets = [0, 48256], sizes = [32, 128], strides = [1, 1]} : vector<32x65536xf32> to vector<32x128xf32>
    %slice3A_846 = vector.extract_strided_slice %get3A_1 {offsets = [0, 48384], sizes = [32, 128], strides = [1, 1]} : vector<32x65536xf32> to vector<32x128xf32>
    %slice3A_847 = vector.extract_strided_slice %get3A_1 {offsets = [0, 48512], sizes = [32, 128], strides = [1, 1]} : vector<32x65536xf32> to vector<32x128xf32>
    %concatenate3A_848 = tpu.concatenate %slice3A_844, %slice3A_845, %slice3A_846, %slice3A_847 in 0 : vector<32x128xf32>, vector<32x128xf32>, vector<32x128xf32>, vector<32x128xf32> -> vector<128x128xf32>
    %transpose3A_849 = tpu.transpose %concatenate3A_848, [1, 0] : vector<128x128xf32> -> vector<128x128xf32>
    %swap3A_850 = arith.constant 12032 : index
    %swap3A_851 = arith.constant 0 : index
    %swap3A_852 = vector.load %arg2[%swap3A_850, %swap3A_851] : memref<16384x128xf32, #tpu.memory_space<vmem>>, vector<128x128xf32>
    tpu.vector_store %arg2[%swap3A_850, %swap3A_851], %transpose3A_849 {strides = array<i32>} : memref<16384x128xf32, #tpu.memory_space<vmem>>, vector<128x128xf32>,
    %slice3A_853 = vector.extract_strided_slice %get3A_1 {offsets = [0, 48640], sizes = [32, 128], strides = [1, 1]} : vector<32x65536xf32> to vector<32x128xf32>
    %slice3A_854 = vector.extract_strided_slice %get3A_1 {offsets = [0, 48768], sizes = [32, 128], strides = [1, 1]} : vector<32x65536xf32> to vector<32x128xf32>
    %slice3A_855 = vector.extract_strided_slice %get3A_1 {offsets = [0, 48896], sizes = [32, 128], strides = [1, 1]} : vector<32x65536xf32> to vector<32x128xf32>
    %slice3A_856 = vector.extract_strided_slice %get3A_1 {offsets = [0, 49024], sizes = [32, 128], strides = [1, 1]} : vector<32x65536xf32> to vector<32x128xf32>
    %concatenate3A_857 = tpu.concatenate %slice3A_853, %slice3A_854, %slice3A_855, %slice3A_856 in 0 : vector<32x128xf32>, vector<32x128xf32>, vector<32x128xf32>, vector<32x128xf32> -> vector<128x128xf32>
    %transpose3A_858 = tpu.transpose %concatenate3A_857, [1, 0] : vector<128x128xf32> -> vector<128x128xf32>
    %swap3A_859 = arith.constant 12160 : index
    %swap3A_860 = arith.constant 0 : index
    %swap3A_861 = vector.load %arg2[%swap3A_859, %swap3A_860] : memref<16384x128xf32, #tpu.memory_space<vmem>>, vector<128x128xf32>
    tpu.vector_store %arg2[%swap3A_859, %swap3A_860], %transpose3A_858 {strides = array<i32>} : memref<16384x128xf32, #tpu.memory_space<vmem>>, vector<128x128xf32>,
    %slice3A_862 = vector.extract_strided_slice %get3A_1 {offsets = [0, 49152], sizes = [32, 128], strides = [1, 1]} : vector<32x65536xf32> to vector<32x128xf32>
    %slice3A_863 = vector.extract_strided_slice %get3A_1 {offsets = [0, 49280], sizes = [32, 128], strides = [1, 1]} : vector<32x65536xf32> to vector<32x128xf32>
    %slice3A_864 = vector.extract_strided_slice %get3A_1 {offsets = [0, 49408], sizes = [32, 128], strides = [1, 1]} : vector<32x65536xf32> to vector<32x128xf32>
    %slice3A_865 = vector.extract_strided_slice %get3A_1 {offsets = [0, 49536], sizes = [32, 128], strides = [1, 1]} : vector<32x65536xf32> to vector<32x128xf32>
    %concatenate3A_866 = tpu.concatenate %slice3A_862, %slice3A_863, %slice3A_864, %slice3A_865 in 0 : vector<32x128xf32>, vector<32x128xf32>, vector<32x128xf32>, vector<32x128xf32> -> vector<128x128xf32>
    %transpose3A_867 = tpu.transpose %concatenate3A_866, [1, 0] : vector<128x128xf32> -> vector<128x128xf32>
    %swap3A_868 = arith.constant 12288 : index
    %swap3A_869 = arith.constant 0 : index
    %swap3A_870 = vector.load %arg2[%swap3A_868, %swap3A_869] : memref<16384x128xf32, #tpu.memory_space<vmem>>, vector<128x128xf32>
    tpu.vector_store %arg2[%swap3A_868, %swap3A_869], %transpose3A_867 {strides = array<i32>} : memref<16384x128xf32, #tpu.memory_space<vmem>>, vector<128x128xf32>,
    %slice3A_871 = vector.extract_strided_slice %get3A_1 {offsets = [0, 49664], sizes = [32, 128], strides = [1, 1]} : vector<32x65536xf32> to vector<32x128xf32>
    %slice3A_872 = vector.extract_strided_slice %get3A_1 {offsets = [0, 49792], sizes = [32, 128], strides = [1, 1]} : vector<32x65536xf32> to vector<32x128xf32>
    %slice3A_873 = vector.extract_strided_slice %get3A_1 {offsets = [0, 49920], sizes = [32, 128], strides = [1, 1]} : vector<32x65536xf32> to vector<32x128xf32>
    %slice3A_874 = vector.extract_strided_slice %get3A_1 {offsets = [0, 50048], sizes = [32, 128], strides = [1, 1]} : vector<32x65536xf32> to vector<32x128xf32>
    %concatenate3A_875 = tpu.concatenate %slice3A_871, %slice3A_872, %slice3A_873, %slice3A_874 in 0 : vector<32x128xf32>, vector<32x128xf32>, vector<32x128xf32>, vector<32x128xf32> -> vector<128x128xf32>
    %transpose3A_876 = tpu.transpose %concatenate3A_875, [1, 0] : vector<128x128xf32> -> vector<128x128xf32>
    %swap3A_877 = arith.constant 12416 : index
    %swap3A_878 = arith.constant 0 : index
    %swap3A_879 = vector.load %arg2[%swap3A_877, %swap3A_878] : memref<16384x128xf32, #tpu.memory_space<vmem>>, vector<128x128xf32>
    tpu.vector_store %arg2[%swap3A_877, %swap3A_878], %transpose3A_876 {strides = array<i32>} : memref<16384x128xf32, #tpu.memory_space<vmem>>, vector<128x128xf32>,
    %slice3A_880 = vector.extract_strided_slice %get3A_1 {offsets = [0, 50176], sizes = [32, 128], strides = [1, 1]} : vector<32x65536xf32> to vector<32x128xf32>
    %slice3A_881 = vector.extract_strided_slice %get3A_1 {offsets = [0, 50304], sizes = [32, 128], strides = [1, 1]} : vector<32x65536xf32> to vector<32x128xf32>
    %slice3A_882 = vector.extract_strided_slice %get3A_1 {offsets = [0, 50432], sizes = [32, 128], strides = [1, 1]} : vector<32x65536xf32> to vector<32x128xf32>
    %slice3A_883 = vector.extract_strided_slice %get3A_1 {offsets = [0, 50560], sizes = [32, 128], strides = [1, 1]} : vector<32x65536xf32> to vector<32x128xf32>
    %concatenate3A_884 = tpu.concatenate %slice3A_880, %slice3A_881, %slice3A_882, %slice3A_883 in 0 : vector<32x128xf32>, vector<32x128xf32>, vector<32x128xf32>, vector<32x128xf32> -> vector<128x128xf32>
    %transpose3A_885 = tpu.transpose %concatenate3A_884, [1, 0] : vector<128x128xf32> -> vector<128x128xf32>
    %swap3A_886 = arith.constant 12544 : index
    %swap3A_887 = arith.constant 0 : index
    %swap3A_888 = vector.load %arg2[%swap3A_886, %swap3A_887] : memref<16384x128xf32, #tpu.memory_space<vmem>>, vector<128x128xf32>
    tpu.vector_store %arg2[%swap3A_886, %swap3A_887], %transpose3A_885 {strides = array<i32>} : memref<16384x128xf32, #tpu.memory_space<vmem>>, vector<128x128xf32>,
    %slice3A_889 = vector.extract_strided_slice %get3A_1 {offsets = [0, 50688], sizes = [32, 128], strides = [1, 1]} : vector<32x65536xf32> to vector<32x128xf32>
    %slice3A_890 = vector.extract_strided_slice %get3A_1 {offsets = [0, 50816], sizes = [32, 128], strides = [1, 1]} : vector<32x65536xf32> to vector<32x128xf32>
    %slice3A_891 = vector.extract_strided_slice %get3A_1 {offsets = [0, 50944], sizes = [32, 128], strides = [1, 1]} : vector<32x65536xf32> to vector<32x128xf32>
    %slice3A_892 = vector.extract_strided_slice %get3A_1 {offsets = [0, 51072], sizes = [32, 128], strides = [1, 1]} : vector<32x65536xf32> to vector<32x128xf32>
    %concatenate3A_893 = tpu.concatenate %slice3A_889, %slice3A_890, %slice3A_891, %slice3A_892 in 0 : vector<32x128xf32>, vector<32x128xf32>, vector<32x128xf32>, vector<32x128xf32> -> vector<128x128xf32>
    %transpose3A_894 = tpu.transpose %concatenate3A_893, [1, 0] : vector<128x128xf32> -> vector<128x128xf32>
    %swap3A_895 = arith.constant 12672 : index
    %swap3A_896 = arith.constant 0 : index
    %swap3A_897 = vector.load %arg2[%swap3A_895, %swap3A_896] : memref<16384x128xf32, #tpu.memory_space<vmem>>, vector<128x128xf32>
    tpu.vector_store %arg2[%swap3A_895, %swap3A_896], %transpose3A_894 {strides = array<i32>} : memref<16384x128xf32, #tpu.memory_space<vmem>>, vector<128x128xf32>,
    %slice3A_898 = vector.extract_strided_slice %get3A_1 {offsets = [0, 51200], sizes = [32, 128], strides = [1, 1]} : vector<32x65536xf32> to vector<32x128xf32>
    %slice3A_899 = vector.extract_strided_slice %get3A_1 {offsets = [0, 51328], sizes = [32, 128], strides = [1, 1]} : vector<32x65536xf32> to vector<32x128xf32>
    %slice3A_900 = vector.extract_strided_slice %get3A_1 {offsets = [0, 51456], sizes = [32, 128], strides = [1, 1]} : vector<32x65536xf32> to vector<32x128xf32>
    %slice3A_901 = vector.extract_strided_slice %get3A_1 {offsets = [0, 51584], sizes = [32, 128], strides = [1, 1]} : vector<32x65536xf32> to vector<32x128xf32>
    %concatenate3A_902 = tpu.concatenate %slice3A_898, %slice3A_899, %slice3A_900, %slice3A_901 in 0 : vector<32x128xf32>, vector<32x128xf32>, vector<32x128xf32>, vector<32x128xf32> -> vector<128x128xf32>
    %transpose3A_903 = tpu.transpose %concatenate3A_902, [1, 0] : vector<128x128xf32> -> vector<128x128xf32>
    %swap3A_904 = arith.constant 12800 : index
    %swap3A_905 = arith.constant 0 : index
    %swap3A_906 = vector.load %arg2[%swap3A_904, %swap3A_905] : memref<16384x128xf32, #tpu.memory_space<vmem>>, vector<128x128xf32>
    tpu.vector_store %arg2[%swap3A_904, %swap3A_905], %transpose3A_903 {strides = array<i32>} : memref<16384x128xf32, #tpu.memory_space<vmem>>, vector<128x128xf32>,
    %slice3A_907 = vector.extract_strided_slice %get3A_1 {offsets = [0, 51712], sizes = [32, 128], strides = [1, 1]} : vector<32x65536xf32> to vector<32x128xf32>
    %slice3A_908 = vector.extract_strided_slice %get3A_1 {offsets = [0, 51840], sizes = [32, 128], strides = [1, 1]} : vector<32x65536xf32> to vector<32x128xf32>
    %slice3A_909 = vector.extract_strided_slice %get3A_1 {offsets = [0, 51968], sizes = [32, 128], strides = [1, 1]} : vector<32x65536xf32> to vector<32x128xf32>
    %slice3A_910 = vector.extract_strided_slice %get3A_1 {offsets = [0, 52096], sizes = [32, 128], strides = [1, 1]} : vector<32x65536xf32> to vector<32x128xf32>
    %concatenate3A_911 = tpu.concatenate %slice3A_907, %slice3A_908, %slice3A_909, %slice3A_910 in 0 : vector<32x128xf32>, vector<32x128xf32>, vector<32x128xf32>, vector<32x128xf32> -> vector<128x128xf32>
    %transpose3A_912 = tpu.transpose %concatenate3A_911, [1, 0] : vector<128x128xf32> -> vector<128x128xf32>
    %swap3A_913 = arith.constant 12928 : index
    %swap3A_914 = arith.constant 0 : index
    %swap3A_915 = vector.load %arg2[%swap3A_913, %swap3A_914] : memref<16384x128xf32, #tpu.memory_space<vmem>>, vector<128x128xf32>
    tpu.vector_store %arg2[%swap3A_913, %swap3A_914], %transpose3A_912 {strides = array<i32>} : memref<16384x128xf32, #tpu.memory_space<vmem>>, vector<128x128xf32>,
    %slice3A_916 = vector.extract_strided_slice %get3A_1 {offsets = [0, 52224], sizes = [32, 128], strides = [1, 1]} : vector<32x65536xf32> to vector<32x128xf32>
    %slice3A_917 = vector.extract_strided_slice %get3A_1 {offsets = [0, 52352], sizes = [32, 128], strides = [1, 1]} : vector<32x65536xf32> to vector<32x128xf32>
    %slice3A_918 = vector.extract_strided_slice %get3A_1 {offsets = [0, 52480], sizes = [32, 128], strides = [1, 1]} : vector<32x65536xf32> to vector<32x128xf32>
    %slice3A_919 = vector.extract_strided_slice %get3A_1 {offsets = [0, 52608], sizes = [32, 128], strides = [1, 1]} : vector<32x65536xf32> to vector<32x128xf32>
    %concatenate3A_920 = tpu.concatenate %slice3A_916, %slice3A_917, %slice3A_918, %slice3A_919 in 0 : vector<32x128xf32>, vector<32x128xf32>, vector<32x128xf32>, vector<32x128xf32> -> vector<128x128xf32>
    %transpose3A_921 = tpu.transpose %concatenate3A_920, [1, 0] : vector<128x128xf32> -> vector<128x128xf32>
    %swap3A_922 = arith.constant 13056 : index
    %swap3A_923 = arith.constant 0 : index
    %swap3A_924 = vector.load %arg2[%swap3A_922, %swap3A_923] : memref<16384x128xf32, #tpu.memory_space<vmem>>, vector<128x128xf32>
    tpu.vector_store %arg2[%swap3A_922, %swap3A_923], %transpose3A_921 {strides = array<i32>} : memref<16384x128xf32, #tpu.memory_space<vmem>>, vector<128x128xf32>,
    %slice3A_925 = vector.extract_strided_slice %get3A_1 {offsets = [0, 52736], sizes = [32, 128], strides = [1, 1]} : vector<32x65536xf32> to vector<32x128xf32>
    %slice3A_926 = vector.extract_strided_slice %get3A_1 {offsets = [0, 52864], sizes = [32, 128], strides = [1, 1]} : vector<32x65536xf32> to vector<32x128xf32>
    %slice3A_927 = vector.extract_strided_slice %get3A_1 {offsets = [0, 52992], sizes = [32, 128], strides = [1, 1]} : vector<32x65536xf32> to vector<32x128xf32>
    %slice3A_928 = vector.extract_strided_slice %get3A_1 {offsets = [0, 53120], sizes = [32, 128], strides = [1, 1]} : vector<32x65536xf32> to vector<32x128xf32>
    %concatenate3A_929 = tpu.concatenate %slice3A_925, %slice3A_926, %slice3A_927, %slice3A_928 in 0 : vector<32x128xf32>, vector<32x128xf32>, vector<32x128xf32>, vector<32x128xf32> -> vector<128x128xf32>
    %transpose3A_930 = tpu.transpose %concatenate3A_929, [1, 0] : vector<128x128xf32> -> vector<128x128xf32>
    %swap3A_931 = arith.constant 13184 : index
    %swap3A_932 = arith.constant 0 : index
    %swap3A_933 = vector.load %arg2[%swap3A_931, %swap3A_932] : memref<16384x128xf32, #tpu.memory_space<vmem>>, vector<128x128xf32>
    tpu.vector_store %arg2[%swap3A_931, %swap3A_932], %transpose3A_930 {strides = array<i32>} : memref<16384x128xf32, #tpu.memory_space<vmem>>, vector<128x128xf32>,
    %slice3A_934 = vector.extract_strided_slice %get3A_1 {offsets = [0, 53248], sizes = [32, 128], strides = [1, 1]} : vector<32x65536xf32> to vector<32x128xf32>
    %slice3A_935 = vector.extract_strided_slice %get3A_1 {offsets = [0, 53376], sizes = [32, 128], strides = [1, 1]} : vector<32x65536xf32> to vector<32x128xf32>
    %slice3A_936 = vector.extract_strided_slice %get3A_1 {offsets = [0, 53504], sizes = [32, 128], strides = [1, 1]} : vector<32x65536xf32> to vector<32x128xf32>
    %slice3A_937 = vector.extract_strided_slice %get3A_1 {offsets = [0, 53632], sizes = [32, 128], strides = [1, 1]} : vector<32x65536xf32> to vector<32x128xf32>
    %concatenate3A_938 = tpu.concatenate %slice3A_934, %slice3A_935, %slice3A_936, %slice3A_937 in 0 : vector<32x128xf32>, vector<32x128xf32>, vector<32x128xf32>, vector<32x128xf32> -> vector<128x128xf32>
    %transpose3A_939 = tpu.transpose %concatenate3A_938, [1, 0] : vector<128x128xf32> -> vector<128x128xf32>
    %swap3A_940 = arith.constant 13312 : index
    %swap3A_941 = arith.constant 0 : index
    %swap3A_942 = vector.load %arg2[%swap3A_940, %swap3A_941] : memref<16384x128xf32, #tpu.memory_space<vmem>>, vector<128x128xf32>
    tpu.vector_store %arg2[%swap3A_940, %swap3A_941], %transpose3A_939 {strides = array<i32>} : memref<16384x128xf32, #tpu.memory_space<vmem>>, vector<128x128xf32>,
    %slice3A_943 = vector.extract_strided_slice %get3A_1 {offsets = [0, 53760], sizes = [32, 128], strides = [1, 1]} : vector<32x65536xf32> to vector<32x128xf32>
    %slice3A_944 = vector.extract_strided_slice %get3A_1 {offsets = [0, 53888], sizes = [32, 128], strides = [1, 1]} : vector<32x65536xf32> to vector<32x128xf32>
    %slice3A_945 = vector.extract_strided_slice %get3A_1 {offsets = [0, 54016], sizes = [32, 128], strides = [1, 1]} : vector<32x65536xf32> to vector<32x128xf32>
    %slice3A_946 = vector.extract_strided_slice %get3A_1 {offsets = [0, 54144], sizes = [32, 128], strides = [1, 1]} : vector<32x65536xf32> to vector<32x128xf32>
    %concatenate3A_947 = tpu.concatenate %slice3A_943, %slice3A_944, %slice3A_945, %slice3A_946 in 0 : vector<32x128xf32>, vector<32x128xf32>, vector<32x128xf32>, vector<32x128xf32> -> vector<128x128xf32>
    %transpose3A_948 = tpu.transpose %concatenate3A_947, [1, 0] : vector<128x128xf32> -> vector<128x128xf32>
    %swap3A_949 = arith.constant 13440 : index
    %swap3A_950 = arith.constant 0 : index
    %swap3A_951 = vector.load %arg2[%swap3A_949, %swap3A_950] : memref<16384x128xf32, #tpu.memory_space<vmem>>, vector<128x128xf32>
    tpu.vector_store %arg2[%swap3A_949, %swap3A_950], %transpose3A_948 {strides = array<i32>} : memref<16384x128xf32, #tpu.memory_space<vmem>>, vector<128x128xf32>,
    %slice3A_952 = vector.extract_strided_slice %get3A_1 {offsets = [0, 54272], sizes = [32, 128], strides = [1, 1]} : vector<32x65536xf32> to vector<32x128xf32>
    %slice3A_953 = vector.extract_strided_slice %get3A_1 {offsets = [0, 54400], sizes = [32, 128], strides = [1, 1]} : vector<32x65536xf32> to vector<32x128xf32>
    %slice3A_954 = vector.extract_strided_slice %get3A_1 {offsets = [0, 54528], sizes = [32, 128], strides = [1, 1]} : vector<32x65536xf32> to vector<32x128xf32>
    %slice3A_955 = vector.extract_strided_slice %get3A_1 {offsets = [0, 54656], sizes = [32, 128], strides = [1, 1]} : vector<32x65536xf32> to vector<32x128xf32>
    %concatenate3A_956 = tpu.concatenate %slice3A_952, %slice3A_953, %slice3A_954, %slice3A_955 in 0 : vector<32x128xf32>, vector<32x128xf32>, vector<32x128xf32>, vector<32x128xf32> -> vector<128x128xf32>
    %transpose3A_957 = tpu.transpose %concatenate3A_956, [1, 0] : vector<128x128xf32> -> vector<128x128xf32>
    %swap3A_958 = arith.constant 13568 : index
    %swap3A_959 = arith.constant 0 : index
    %swap3A_960 = vector.load %arg2[%swap3A_958, %swap3A_959] : memref<16384x128xf32, #tpu.memory_space<vmem>>, vector<128x128xf32>
    tpu.vector_store %arg2[%swap3A_958, %swap3A_959], %transpose3A_957 {strides = array<i32>} : memref<16384x128xf32, #tpu.memory_space<vmem>>, vector<128x128xf32>,
    %slice3A_961 = vector.extract_strided_slice %get3A_1 {offsets = [0, 54784], sizes = [32, 128], strides = [1, 1]} : vector<32x65536xf32> to vector<32x128xf32>
    %slice3A_962 = vector.extract_strided_slice %get3A_1 {offsets = [0, 54912], sizes = [32, 128], strides = [1, 1]} : vector<32x65536xf32> to vector<32x128xf32>
    %slice3A_963 = vector.extract_strided_slice %get3A_1 {offsets = [0, 55040], sizes = [32, 128], strides = [1, 1]} : vector<32x65536xf32> to vector<32x128xf32>
    %slice3A_964 = vector.extract_strided_slice %get3A_1 {offsets = [0, 55168], sizes = [32, 128], strides = [1, 1]} : vector<32x65536xf32> to vector<32x128xf32>
    %concatenate3A_965 = tpu.concatenate %slice3A_961, %slice3A_962, %slice3A_963, %slice3A_964 in 0 : vector<32x128xf32>, vector<32x128xf32>, vector<32x128xf32>, vector<32x128xf32> -> vector<128x128xf32>
    %transpose3A_966 = tpu.transpose %concatenate3A_965, [1, 0] : vector<128x128xf32> -> vector<128x128xf32>
    %swap3A_967 = arith.constant 13696 : index
    %swap3A_968 = arith.constant 0 : index
    %swap3A_969 = vector.load %arg2[%swap3A_967, %swap3A_968] : memref<16384x128xf32, #tpu.memory_space<vmem>>, vector<128x128xf32>
    tpu.vector_store %arg2[%swap3A_967, %swap3A_968], %transpose3A_966 {strides = array<i32>} : memref<16384x128xf32, #tpu.memory_space<vmem>>, vector<128x128xf32>,
    %slice3A_970 = vector.extract_strided_slice %get3A_1 {offsets = [0, 55296], sizes = [32, 128], strides = [1, 1]} : vector<32x65536xf32> to vector<32x128xf32>
    %slice3A_971 = vector.extract_strided_slice %get3A_1 {offsets = [0, 55424], sizes = [32, 128], strides = [1, 1]} : vector<32x65536xf32> to vector<32x128xf32>
    %slice3A_972 = vector.extract_strided_slice %get3A_1 {offsets = [0, 55552], sizes = [32, 128], strides = [1, 1]} : vector<32x65536xf32> to vector<32x128xf32>
    %slice3A_973 = vector.extract_strided_slice %get3A_1 {offsets = [0, 55680], sizes = [32, 128], strides = [1, 1]} : vector<32x65536xf32> to vector<32x128xf32>
    %concatenate3A_974 = tpu.concatenate %slice3A_970, %slice3A_971, %slice3A_972, %slice3A_973 in 0 : vector<32x128xf32>, vector<32x128xf32>, vector<32x128xf32>, vector<32x128xf32> -> vector<128x128xf32>
    %transpose3A_975 = tpu.transpose %concatenate3A_974, [1, 0] : vector<128x128xf32> -> vector<128x128xf32>
    %swap3A_976 = arith.constant 13824 : index
    %swap3A_977 = arith.constant 0 : index
    %swap3A_978 = vector.load %arg2[%swap3A_976, %swap3A_977] : memref<16384x128xf32, #tpu.memory_space<vmem>>, vector<128x128xf32>
    tpu.vector_store %arg2[%swap3A_976, %swap3A_977], %transpose3A_975 {strides = array<i32>} : memref<16384x128xf32, #tpu.memory_space<vmem>>, vector<128x128xf32>,
    %slice3A_979 = vector.extract_strided_slice %get3A_1 {offsets = [0, 55808], sizes = [32, 128], strides = [1, 1]} : vector<32x65536xf32> to vector<32x128xf32>
    %slice3A_980 = vector.extract_strided_slice %get3A_1 {offsets = [0, 55936], sizes = [32, 128], strides = [1, 1]} : vector<32x65536xf32> to vector<32x128xf32>
    %slice3A_981 = vector.extract_strided_slice %get3A_1 {offsets = [0, 56064], sizes = [32, 128], strides = [1, 1]} : vector<32x65536xf32> to vector<32x128xf32>
    %slice3A_982 = vector.extract_strided_slice %get3A_1 {offsets = [0, 56192], sizes = [32, 128], strides = [1, 1]} : vector<32x65536xf32> to vector<32x128xf32>
    %concatenate3A_983 = tpu.concatenate %slice3A_979, %slice3A_980, %slice3A_981, %slice3A_982 in 0 : vector<32x128xf32>, vector<32x128xf32>, vector<32x128xf32>, vector<32x128xf32> -> vector<128x128xf32>
    %transpose3A_984 = tpu.transpose %concatenate3A_983, [1, 0] : vector<128x128xf32> -> vector<128x128xf32>
    %swap3A_985 = arith.constant 13952 : index
    %swap3A_986 = arith.constant 0 : index
    %swap3A_987 = vector.load %arg2[%swap3A_985, %swap3A_986] : memref<16384x128xf32, #tpu.memory_space<vmem>>, vector<128x128xf32>
    tpu.vector_store %arg2[%swap3A_985, %swap3A_986], %transpose3A_984 {strides = array<i32>} : memref<16384x128xf32, #tpu.memory_space<vmem>>, vector<128x128xf32>,
    %slice3A_988 = vector.extract_strided_slice %get3A_1 {offsets = [0, 56320], sizes = [32, 128], strides = [1, 1]} : vector<32x65536xf32> to vector<32x128xf32>
    %slice3A_989 = vector.extract_strided_slice %get3A_1 {offsets = [0, 56448], sizes = [32, 128], strides = [1, 1]} : vector<32x65536xf32> to vector<32x128xf32>
    %slice3A_990 = vector.extract_strided_slice %get3A_1 {offsets = [0, 56576], sizes = [32, 128], strides = [1, 1]} : vector<32x65536xf32> to vector<32x128xf32>
    %slice3A_991 = vector.extract_strided_slice %get3A_1 {offsets = [0, 56704], sizes = [32, 128], strides = [1, 1]} : vector<32x65536xf32> to vector<32x128xf32>
    %concatenate3A_992 = tpu.concatenate %slice3A_988, %slice3A_989, %slice3A_990, %slice3A_991 in 0 : vector<32x128xf32>, vector<32x128xf32>, vector<32x128xf32>, vector<32x128xf32> -> vector<128x128xf32>
    %transpose3A_993 = tpu.transpose %concatenate3A_992, [1, 0] : vector<128x128xf32> -> vector<128x128xf32>
    %swap3A_994 = arith.constant 14080 : index
    %swap3A_995 = arith.constant 0 : index
    %swap3A_996 = vector.load %arg2[%swap3A_994, %swap3A_995] : memref<16384x128xf32, #tpu.memory_space<vmem>>, vector<128x128xf32>
    tpu.vector_store %arg2[%swap3A_994, %swap3A_995], %transpose3A_993 {strides = array<i32>} : memref<16384x128xf32, #tpu.memory_space<vmem>>, vector<128x128xf32>,
    %slice3A_997 = vector.extract_strided_slice %get3A_1 {offsets = [0, 56832], sizes = [32, 128], strides = [1, 1]} : vector<32x65536xf32> to vector<32x128xf32>
    %slice3A_998 = vector.extract_strided_slice %get3A_1 {offsets = [0, 56960], sizes = [32, 128], strides = [1, 1]} : vector<32x65536xf32> to vector<32x128xf32>
    %slice3A_999 = vector.extract_strided_slice %get3A_1 {offsets = [0, 57088], sizes = [32, 128], strides = [1, 1]} : vector<32x65536xf32> to vector<32x128xf32>
    %slice3A_1000 = vector.extract_strided_slice %get3A_1 {offsets = [0, 57216], sizes = [32, 128], strides = [1, 1]} : vector<32x65536xf32> to vector<32x128xf32>
    %concatenate3A_1001 = tpu.concatenate %slice3A_997, %slice3A_998, %slice3A_999, %slice3A_1000 in 0 : vector<32x128xf32>, vector<32x128xf32>, vector<32x128xf32>, vector<32x128xf32> -> vector<128x128xf32>
    %transpose3A_1002 = tpu.transpose %concatenate3A_1001, [1, 0] : vector<128x128xf32> -> vector<128x128xf32>
    %swap3A_1003 = arith.constant 14208 : index
    %swap3A_1004 = arith.constant 0 : index
    %swap3A_1005 = vector.load %arg2[%swap3A_1003, %swap3A_1004] : memref<16384x128xf32, #tpu.memory_space<vmem>>, vector<128x128xf32>
    tpu.vector_store %arg2[%swap3A_1003, %swap3A_1004], %transpose3A_1002 {strides = array<i32>} : memref<16384x128xf32, #tpu.memory_space<vmem>>, vector<128x128xf32>,
    %slice3A_1006 = vector.extract_strided_slice %get3A_1 {offsets = [0, 57344], sizes = [32, 128], strides = [1, 1]} : vector<32x65536xf32> to vector<32x128xf32>
    %slice3A_1007 = vector.extract_strided_slice %get3A_1 {offsets = [0, 57472], sizes = [32, 128], strides = [1, 1]} : vector<32x65536xf32> to vector<32x128xf32>
    %slice3A_1008 = vector.extract_strided_slice %get3A_1 {offsets = [0, 57600], sizes = [32, 128], strides = [1, 1]} : vector<32x65536xf32> to vector<32x128xf32>
    %slice3A_1009 = vector.extract_strided_slice %get3A_1 {offsets = [0, 57728], sizes = [32, 128], strides = [1, 1]} : vector<32x65536xf32> to vector<32x128xf32>
    %concatenate3A_1010 = tpu.concatenate %slice3A_1006, %slice3A_1007, %slice3A_1008, %slice3A_1009 in 0 : vector<32x128xf32>, vector<32x128xf32>, vector<32x128xf32>, vector<32x128xf32> -> vector<128x128xf32>
    %transpose3A_1011 = tpu.transpose %concatenate3A_1010, [1, 0] : vector<128x128xf32> -> vector<128x128xf32>
    %swap3A_1012 = arith.constant 14336 : index
    %swap3A_1013 = arith.constant 0 : index
    %swap3A_1014 = vector.load %arg2[%swap3A_1012, %swap3A_1013] : memref<16384x128xf32, #tpu.memory_space<vmem>>, vector<128x128xf32>
    tpu.vector_store %arg2[%swap3A_1012, %swap3A_1013], %transpose3A_1011 {strides = array<i32>} : memref<16384x128xf32, #tpu.memory_space<vmem>>, vector<128x128xf32>,
    %slice3A_1015 = vector.extract_strided_slice %get3A_1 {offsets = [0, 57856], sizes = [32, 128], strides = [1, 1]} : vector<32x65536xf32> to vector<32x128xf32>
    %slice3A_1016 = vector.extract_strided_slice %get3A_1 {offsets = [0, 57984], sizes = [32, 128], strides = [1, 1]} : vector<32x65536xf32> to vector<32x128xf32>
    %slice3A_1017 = vector.extract_strided_slice %get3A_1 {offsets = [0, 58112], sizes = [32, 128], strides = [1, 1]} : vector<32x65536xf32> to vector<32x128xf32>
    %slice3A_1018 = vector.extract_strided_slice %get3A_1 {offsets = [0, 58240], sizes = [32, 128], strides = [1, 1]} : vector<32x65536xf32> to vector<32x128xf32>
    %concatenate3A_1019 = tpu.concatenate %slice3A_1015, %slice3A_1016, %slice3A_1017, %slice3A_1018 in 0 : vector<32x128xf32>, vector<32x128xf32>, vector<32x128xf32>, vector<32x128xf32> -> vector<128x128xf32>
    %transpose3A_1020 = tpu.transpose %concatenate3A_1019, [1, 0] : vector<128x128xf32> -> vector<128x128xf32>
    %swap3A_1021 = arith.constant 14464 : index
    %swap3A_1022 = arith.constant 0 : index
    %swap3A_1023 = vector.load %arg2[%swap3A_1021, %swap3A_1022] : memref<16384x128xf32, #tpu.memory_space<vmem>>, vector<128x128xf32>
    tpu.vector_store %arg2[%swap3A_1021, %swap3A_1022], %transpose3A_1020 {strides = array<i32>} : memref<16384x128xf32, #tpu.memory_space<vmem>>, vector<128x128xf32>,
    %slice3A_1024 = vector.extract_strided_slice %get3A_1 {offsets = [0, 58368], sizes = [32, 128], strides = [1, 1]} : vector<32x65536xf32> to vector<32x128xf32>
    %slice3A_1025 = vector.extract_strided_slice %get3A_1 {offsets = [0, 58496], sizes = [32, 128], strides = [1, 1]} : vector<32x65536xf32> to vector<32x128xf32>
    %slice3A_1026 = vector.extract_strided_slice %get3A_1 {offsets = [0, 58624], sizes = [32, 128], strides = [1, 1]} : vector<32x65536xf32> to vector<32x128xf32>
    %slice3A_1027 = vector.extract_strided_slice %get3A_1 {offsets = [0, 58752], sizes = [32, 128], strides = [1, 1]} : vector<32x65536xf32> to vector<32x128xf32>
    %concatenate3A_1028 = tpu.concatenate %slice3A_1024, %slice3A_1025, %slice3A_1026, %slice3A_1027 in 0 : vector<32x128xf32>, vector<32x128xf32>, vector<32x128xf32>, vector<32x128xf32> -> vector<128x128xf32>
    %transpose3A_1029 = tpu.transpose %concatenate3A_1028, [1, 0] : vector<128x128xf32> -> vector<128x128xf32>
    %swap3A_1030 = arith.constant 14592 : index
    %swap3A_1031 = arith.constant 0 : index
    %swap3A_1032 = vector.load %arg2[%swap3A_1030, %swap3A_1031] : memref<16384x128xf32, #tpu.memory_space<vmem>>, vector<128x128xf32>
    tpu.vector_store %arg2[%swap3A_1030, %swap3A_1031], %transpose3A_1029 {strides = array<i32>} : memref<16384x128xf32, #tpu.memory_space<vmem>>, vector<128x128xf32>,
    %slice3A_1033 = vector.extract_strided_slice %get3A_1 {offsets = [0, 58880], sizes = [32, 128], strides = [1, 1]} : vector<32x65536xf32> to vector<32x128xf32>
    %slice3A_1034 = vector.extract_strided_slice %get3A_1 {offsets = [0, 59008], sizes = [32, 128], strides = [1, 1]} : vector<32x65536xf32> to vector<32x128xf32>
    %slice3A_1035 = vector.extract_strided_slice %get3A_1 {offsets = [0, 59136], sizes = [32, 128], strides = [1, 1]} : vector<32x65536xf32> to vector<32x128xf32>
    %slice3A_1036 = vector.extract_strided_slice %get3A_1 {offsets = [0, 59264], sizes = [32, 128], strides = [1, 1]} : vector<32x65536xf32> to vector<32x128xf32>
    %concatenate3A_1037 = tpu.concatenate %slice3A_1033, %slice3A_1034, %slice3A_1035, %slice3A_1036 in 0 : vector<32x128xf32>, vector<32x128xf32>, vector<32x128xf32>, vector<32x128xf32> -> vector<128x128xf32>
    %transpose3A_1038 = tpu.transpose %concatenate3A_1037, [1, 0] : vector<128x128xf32> -> vector<128x128xf32>
    %swap3A_1039 = arith.constant 14720 : index
    %swap3A_1040 = arith.constant 0 : index
    %swap3A_1041 = vector.load %arg2[%swap3A_1039, %swap3A_1040] : memref<16384x128xf32, #tpu.memory_space<vmem>>, vector<128x128xf32>
    tpu.vector_store %arg2[%swap3A_1039, %swap3A_1040], %transpose3A_1038 {strides = array<i32>} : memref<16384x128xf32, #tpu.memory_space<vmem>>, vector<128x128xf32>,
    %slice3A_1042 = vector.extract_strided_slice %get3A_1 {offsets = [0, 59392], sizes = [32, 128], strides = [1, 1]} : vector<32x65536xf32> to vector<32x128xf32>
    %slice3A_1043 = vector.extract_strided_slice %get3A_1 {offsets = [0, 59520], sizes = [32, 128], strides = [1, 1]} : vector<32x65536xf32> to vector<32x128xf32>
    %slice3A_1044 = vector.extract_strided_slice %get3A_1 {offsets = [0, 59648], sizes = [32, 128], strides = [1, 1]} : vector<32x65536xf32> to vector<32x128xf32>
    %slice3A_1045 = vector.extract_strided_slice %get3A_1 {offsets = [0, 59776], sizes = [32, 128], strides = [1, 1]} : vector<32x65536xf32> to vector<32x128xf32>
    %concatenate3A_1046 = tpu.concatenate %slice3A_1042, %slice3A_1043, %slice3A_1044, %slice3A_1045 in 0 : vector<32x128xf32>, vector<32x128xf32>, vector<32x128xf32>, vector<32x128xf32> -> vector<128x128xf32>
    %transpose3A_1047 = tpu.transpose %concatenate3A_1046, [1, 0] : vector<128x128xf32> -> vector<128x128xf32>
    %swap3A_1048 = arith.constant 14848 : index
    %swap3A_1049 = arith.constant 0 : index
    %swap3A_1050 = vector.load %arg2[%swap3A_1048, %swap3A_1049] : memref<16384x128xf32, #tpu.memory_space<vmem>>, vector<128x128xf32>
    tpu.vector_store %arg2[%swap3A_1048, %swap3A_1049], %transpose3A_1047 {strides = array<i32>} : memref<16384x128xf32, #tpu.memory_space<vmem>>, vector<128x128xf32>,
    %slice3A_1051 = vector.extract_strided_slice %get3A_1 {offsets = [0, 59904], sizes = [32, 128], strides = [1, 1]} : vector<32x65536xf32> to vector<32x128xf32>
    %slice3A_1052 = vector.extract_strided_slice %get3A_1 {offsets = [0, 60032], sizes = [32, 128], strides = [1, 1]} : vector<32x65536xf32> to vector<32x128xf32>
    %slice3A_1053 = vector.extract_strided_slice %get3A_1 {offsets = [0, 60160], sizes = [32, 128], strides = [1, 1]} : vector<32x65536xf32> to vector<32x128xf32>
    %slice3A_1054 = vector.extract_strided_slice %get3A_1 {offsets = [0, 60288], sizes = [32, 128], strides = [1, 1]} : vector<32x65536xf32> to vector<32x128xf32>
    %concatenate3A_1055 = tpu.concatenate %slice3A_1051, %slice3A_1052, %slice3A_1053, %slice3A_1054 in 0 : vector<32x128xf32>, vector<32x128xf32>, vector<32x128xf32>, vector<32x128xf32> -> vector<128x128xf32>
    %transpose3A_1056 = tpu.transpose %concatenate3A_1055, [1, 0] : vector<128x128xf32> -> vector<128x128xf32>
    %swap3A_1057 = arith.constant 14976 : index
    %swap3A_1058 = arith.constant 0 : index
    %swap3A_1059 = vector.load %arg2[%swap3A_1057, %swap3A_1058] : memref<16384x128xf32, #tpu.memory_space<vmem>>, vector<128x128xf32>
    tpu.vector_store %arg2[%swap3A_1057, %swap3A_1058], %transpose3A_1056 {strides = array<i32>} : memref<16384x128xf32, #tpu.memory_space<vmem>>, vector<128x128xf32>,
    %slice3A_1060 = vector.extract_strided_slice %get3A_1 {offsets = [0, 60416], sizes = [32, 128], strides = [1, 1]} : vector<32x65536xf32> to vector<32x128xf32>
    %slice3A_1061 = vector.extract_strided_slice %get3A_1 {offsets = [0, 60544], sizes = [32, 128], strides = [1, 1]} : vector<32x65536xf32> to vector<32x128xf32>
    %slice3A_1062 = vector.extract_strided_slice %get3A_1 {offsets = [0, 60672], sizes = [32, 128], strides = [1, 1]} : vector<32x65536xf32> to vector<32x128xf32>
    %slice3A_1063 = vector.extract_strided_slice %get3A_1 {offsets = [0, 60800], sizes = [32, 128], strides = [1, 1]} : vector<32x65536xf32> to vector<32x128xf32>
    %concatenate3A_1064 = tpu.concatenate %slice3A_1060, %slice3A_1061, %slice3A_1062, %slice3A_1063 in 0 : vector<32x128xf32>, vector<32x128xf32>, vector<32x128xf32>, vector<32x128xf32> -> vector<128x128xf32>
    %transpose3A_1065 = tpu.transpose %concatenate3A_1064, [1, 0] : vector<128x128xf32> -> vector<128x128xf32>
    %swap3A_1066 = arith.constant 15104 : index
    %swap3A_1067 = arith.constant 0 : index
    %swap3A_1068 = vector.load %arg2[%swap3A_1066, %swap3A_1067] : memref<16384x128xf32, #tpu.memory_space<vmem>>, vector<128x128xf32>
    tpu.vector_store %arg2[%swap3A_1066, %swap3A_1067], %transpose3A_1065 {strides = array<i32>} : memref<16384x128xf32, #tpu.memory_space<vmem>>, vector<128x128xf32>,
    %slice3A_1069 = vector.extract_strided_slice %get3A_1 {offsets = [0, 60928], sizes = [32, 128], strides = [1, 1]} : vector<32x65536xf32> to vector<32x128xf32>
    %slice3A_1070 = vector.extract_strided_slice %get3A_1 {offsets = [0, 61056], sizes = [32, 128], strides = [1, 1]} : vector<32x65536xf32> to vector<32x128xf32>
    %slice3A_1071 = vector.extract_strided_slice %get3A_1 {offsets = [0, 61184], sizes = [32, 128], strides = [1, 1]} : vector<32x65536xf32> to vector<32x128xf32>
    %slice3A_1072 = vector.extract_strided_slice %get3A_1 {offsets = [0, 61312], sizes = [32, 128], strides = [1, 1]} : vector<32x65536xf32> to vector<32x128xf32>
    %concatenate3A_1073 = tpu.concatenate %slice3A_1069, %slice3A_1070, %slice3A_1071, %slice3A_1072 in 0 : vector<32x128xf32>, vector<32x128xf32>, vector<32x128xf32>, vector<32x128xf32> -> vector<128x128xf32>
    %transpose3A_1074 = tpu.transpose %concatenate3A_1073, [1, 0] : vector<128x128xf32> -> vector<128x128xf32>
    %swap3A_1075 = arith.constant 15232 : index
    %swap3A_1076 = arith.constant 0 : index
    %swap3A_1077 = vector.load %arg2[%swap3A_1075, %swap3A_1076] : memref<16384x128xf32, #tpu.memory_space<vmem>>, vector<128x128xf32>
    tpu.vector_store %arg2[%swap3A_1075, %swap3A_1076], %transpose3A_1074 {strides = array<i32>} : memref<16384x128xf32, #tpu.memory_space<vmem>>, vector<128x128xf32>,
    %slice3A_1078 = vector.extract_strided_slice %get3A_1 {offsets = [0, 61440], sizes = [32, 128], strides = [1, 1]} : vector<32x65536xf32> to vector<32x128xf32>
    %slice3A_1079 = vector.extract_strided_slice %get3A_1 {offsets = [0, 61568], sizes = [32, 128], strides = [1, 1]} : vector<32x65536xf32> to vector<32x128xf32>
    %slice3A_1080 = vector.extract_strided_slice %get3A_1 {offsets = [0, 61696], sizes = [32, 128], strides = [1, 1]} : vector<32x65536xf32> to vector<32x128xf32>
    %slice3A_1081 = vector.extract_strided_slice %get3A_1 {offsets = [0, 61824], sizes = [32, 128], strides = [1, 1]} : vector<32x65536xf32> to vector<32x128xf32>
    %concatenate3A_1082 = tpu.concatenate %slice3A_1078, %slice3A_1079, %slice3A_1080, %slice3A_1081 in 0 : vector<32x128xf32>, vector<32x128xf32>, vector<32x128xf32>, vector<32x128xf32> -> vector<128x128xf32>
    %transpose3A_1083 = tpu.transpose %concatenate3A_1082, [1, 0] : vector<128x128xf32> -> vector<128x128xf32>
    %swap3A_1084 = arith.constant 15360 : index
    %swap3A_1085 = arith.constant 0 : index
    %swap3A_1086 = vector.load %arg2[%swap3A_1084, %swap3A_1085] : memref<16384x128xf32, #tpu.memory_space<vmem>>, vector<128x128xf32>
    tpu.vector_store %arg2[%swap3A_1084, %swap3A_1085], %transpose3A_1083 {strides = array<i32>} : memref<16384x128xf32, #tpu.memory_space<vmem>>, vector<128x128xf32>,
    %slice3A_1087 = vector.extract_strided_slice %get3A_1 {offsets = [0, 61952], sizes = [32, 128], strides = [1, 1]} : vector<32x65536xf32> to vector<32x128xf32>
    %slice3A_1088 = vector.extract_strided_slice %get3A_1 {offsets = [0, 62080], sizes = [32, 128], strides = [1, 1]} : vector<32x65536xf32> to vector<32x128xf32>
    %slice3A_1089 = vector.extract_strided_slice %get3A_1 {offsets = [0, 62208], sizes = [32, 128], strides = [1, 1]} : vector<32x65536xf32> to vector<32x128xf32>
    %slice3A_1090 = vector.extract_strided_slice %get3A_1 {offsets = [0, 62336], sizes = [32, 128], strides = [1, 1]} : vector<32x65536xf32> to vector<32x128xf32>
    %concatenate3A_1091 = tpu.concatenate %slice3A_1087, %slice3A_1088, %slice3A_1089, %slice3A_1090 in 0 : vector<32x128xf32>, vector<32x128xf32>, vector<32x128xf32>, vector<32x128xf32> -> vector<128x128xf32>
    %transpose3A_1092 = tpu.transpose %concatenate3A_1091, [1, 0] : vector<128x128xf32> -> vector<128x128xf32>
    %swap3A_1093 = arith.constant 15488 : index
    %swap3A_1094 = arith.constant 0 : index
    %swap3A_1095 = vector.load %arg2[%swap3A_1093, %swap3A_1094] : memref<16384x128xf32, #tpu.memory_space<vmem>>, vector<128x128xf32>
    tpu.vector_store %arg2[%swap3A_1093, %swap3A_1094], %transpose3A_1092 {strides = array<i32>} : memref<16384x128xf32, #tpu.memory_space<vmem>>, vector<128x128xf32>,
    %slice3A_1096 = vector.extract_strided_slice %get3A_1 {offsets = [0, 62464], sizes = [32, 128], strides = [1, 1]} : vector<32x65536xf32> to vector<32x128xf32>
    %slice3A_1097 = vector.extract_strided_slice %get3A_1 {offsets = [0, 62592], sizes = [32, 128], strides = [1, 1]} : vector<32x65536xf32> to vector<32x128xf32>
    %slice3A_1098 = vector.extract_strided_slice %get3A_1 {offsets = [0, 62720], sizes = [32, 128], strides = [1, 1]} : vector<32x65536xf32> to vector<32x128xf32>
    %slice3A_1099 = vector.extract_strided_slice %get3A_1 {offsets = [0, 62848], sizes = [32, 128], strides = [1, 1]} : vector<32x65536xf32> to vector<32x128xf32>
    %concatenate3A_1100 = tpu.concatenate %slice3A_1096, %slice3A_1097, %slice3A_1098, %slice3A_1099 in 0 : vector<32x128xf32>, vector<32x128xf32>, vector<32x128xf32>, vector<32x128xf32> -> vector<128x128xf32>
    %transpose3A_1101 = tpu.transpose %concatenate3A_1100, [1, 0] : vector<128x128xf32> -> vector<128x128xf32>
    %swap3A_1102 = arith.constant 15616 : index
    %swap3A_1103 = arith.constant 0 : index
    %swap3A_1104 = vector.load %arg2[%swap3A_1102, %swap3A_1103] : memref<16384x128xf32, #tpu.memory_space<vmem>>, vector<128x128xf32>
    tpu.vector_store %arg2[%swap3A_1102, %swap3A_1103], %transpose3A_1101 {strides = array<i32>} : memref<16384x128xf32, #tpu.memory_space<vmem>>, vector<128x128xf32>,
    %slice3A_1105 = vector.extract_strided_slice %get3A_1 {offsets = [0, 62976], sizes = [32, 128], strides = [1, 1]} : vector<32x65536xf32> to vector<32x128xf32>
    %slice3A_1106 = vector.extract_strided_slice %get3A_1 {offsets = [0, 63104], sizes = [32, 128], strides = [1, 1]} : vector<32x65536xf32> to vector<32x128xf32>
    %slice3A_1107 = vector.extract_strided_slice %get3A_1 {offsets = [0, 63232], sizes = [32, 128], strides = [1, 1]} : vector<32x65536xf32> to vector<32x128xf32>
    %slice3A_1108 = vector.extract_strided_slice %get3A_1 {offsets = [0, 63360], sizes = [32, 128], strides = [1, 1]} : vector<32x65536xf32> to vector<32x128xf32>
    %concatenate3A_1109 = tpu.concatenate %slice3A_1105, %slice3A_1106, %slice3A_1107, %slice3A_1108 in 0 : vector<32x128xf32>, vector<32x128xf32>, vector<32x128xf32>, vector<32x128xf32> -> vector<128x128xf32>
    %transpose3A_1110 = tpu.transpose %concatenate3A_1109, [1, 0] : vector<128x128xf32> -> vector<128x128xf32>
    %swap3A_1111 = arith.constant 15744 : index
    %swap3A_1112 = arith.constant 0 : index
    %swap3A_1113 = vector.load %arg2[%swap3A_1111, %swap3A_1112] : memref<16384x128xf32, #tpu.memory_space<vmem>>, vector<128x128xf32>
    tpu.vector_store %arg2[%swap3A_1111, %swap3A_1112], %transpose3A_1110 {strides = array<i32>} : memref<16384x128xf32, #tpu.memory_space<vmem>>, vector<128x128xf32>,
    %slice3A_1114 = vector.extract_strided_slice %get3A_1 {offsets = [0, 63488], sizes = [32, 128], strides = [1, 1]} : vector<32x65536xf32> to vector<32x128xf32>
    %slice3A_1115 = vector.extract_strided_slice %get3A_1 {offsets = [0, 63616], sizes = [32, 128], strides = [1, 1]} : vector<32x65536xf32> to vector<32x128xf32>
    %slice3A_1116 = vector.extract_strided_slice %get3A_1 {offsets = [0, 63744], sizes = [32, 128], strides = [1, 1]} : vector<32x65536xf32> to vector<32x128xf32>
    %slice3A_1117 = vector.extract_strided_slice %get3A_1 {offsets = [0, 63872], sizes = [32, 128], strides = [1, 1]} : vector<32x65536xf32> to vector<32x128xf32>
    %concatenate3A_1118 = tpu.concatenate %slice3A_1114, %slice3A_1115, %slice3A_1116, %slice3A_1117 in 0 : vector<32x128xf32>, vector<32x128xf32>, vector<32x128xf32>, vector<32x128xf32> -> vector<128x128xf32>
    %transpose3A_1119 = tpu.transpose %concatenate3A_1118, [1, 0] : vector<128x128xf32> -> vector<128x128xf32>
    %swap3A_1120 = arith.constant 15872 : index
    %swap3A_1121 = arith.constant 0 : index
    %swap3A_1122 = vector.load %arg2[%swap3A_1120, %swap3A_1121] : memref<16384x128xf32, #tpu.memory_space<vmem>>, vector<128x128xf32>
    tpu.vector_store %arg2[%swap3A_1120, %swap3A_1121], %transpose3A_1119 {strides = array<i32>} : memref<16384x128xf32, #tpu.memory_space<vmem>>, vector<128x128xf32>,
    %slice3A_1123 = vector.extract_strided_slice %get3A_1 {offsets = [0, 64000], sizes = [32, 128], strides = [1, 1]} : vector<32x65536xf32> to vector<32x128xf32>
    %slice3A_1124 = vector.extract_strided_slice %get3A_1 {offsets = [0, 64128], sizes = [32, 128], strides = [1, 1]} : vector<32x65536xf32> to vector<32x128xf32>
    %slice3A_1125 = vector.extract_strided_slice %get3A_1 {offsets = [0, 64256], sizes = [32, 128], strides = [1, 1]} : vector<32x65536xf32> to vector<32x128xf32>
    %slice3A_1126 = vector.extract_strided_slice %get3A_1 {offsets = [0, 64384], sizes = [32, 128], strides = [1, 1]} : vector<32x65536xf32> to vector<32x128xf32>
    %concatenate3A_1127 = tpu.concatenate %slice3A_1123, %slice3A_1124, %slice3A_1125, %slice3A_1126 in 0 : vector<32x128xf32>, vector<32x128xf32>, vector<32x128xf32>, vector<32x128xf32> -> vector<128x128xf32>
    %transpose3A_1128 = tpu.transpose %concatenate3A_1127, [1, 0] : vector<128x128xf32> -> vector<128x128xf32>
    %swap3A_1129 = arith.constant 16000 : index
    %swap3A_1130 = arith.constant 0 : index
    %swap3A_1131 = vector.load %arg2[%swap3A_1129, %swap3A_1130] : memref<16384x128xf32, #tpu.memory_space<vmem>>, vector<128x128xf32>
    tpu.vector_store %arg2[%swap3A_1129, %swap3A_1130], %transpose3A_1128 {strides = array<i32>} : memref<16384x128xf32, #tpu.memory_space<vmem>>, vector<128x128xf32>,
    %slice3A_1132 = vector.extract_strided_slice %get3A_1 {offsets = [0, 64512], sizes = [32, 128], strides = [1, 1]} : vector<32x65536xf32> to vector<32x128xf32>
    %slice3A_1133 = vector.extract_strided_slice %get3A_1 {offsets = [0, 64640], sizes = [32, 128], strides = [1, 1]} : vector<32x65536xf32> to vector<32x128xf32>
    %slice3A_1134 = vector.extract_strided_slice %get3A_1 {offsets = [0, 64768], sizes = [32, 128], strides = [1, 1]} : vector<32x65536xf32> to vector<32x128xf32>
    %slice3A_1135 = vector.extract_strided_slice %get3A_1 {offsets = [0, 64896], sizes = [32, 128], strides = [1, 1]} : vector<32x65536xf32> to vector<32x128xf32>
    %concatenate3A_1136 = tpu.concatenate %slice3A_1132, %slice3A_1133, %slice3A_1134, %slice3A_1135 in 0 : vector<32x128xf32>, vector<32x128xf32>, vector<32x128xf32>, vector<32x128xf32> -> vector<128x128xf32>
    %transpose3A_1137 = tpu.transpose %concatenate3A_1136, [1, 0] : vector<128x128xf32> -> vector<128x128xf32>
    %swap3A_1138 = arith.constant 16128 : index
    %swap3A_1139 = arith.constant 0 : index
    %swap3A_1140 = vector.load %arg2[%swap3A_1138, %swap3A_1139] : memref<16384x128xf32, #tpu.memory_space<vmem>>, vector<128x128xf32>
    tpu.vector_store %arg2[%swap3A_1138, %swap3A_1139], %transpose3A_1137 {strides = array<i32>} : memref<16384x128xf32, #tpu.memory_space<vmem>>, vector<128x128xf32>,
    %slice3A_1141 = vector.extract_strided_slice %get3A_1 {offsets = [0, 65024], sizes = [32, 128], strides = [1, 1]} : vector<32x65536xf32> to vector<32x128xf32>
    %slice3A_1142 = vector.extract_strided_slice %get3A_1 {offsets = [0, 65152], sizes = [32, 128], strides = [1, 1]} : vector<32x65536xf32> to vector<32x128xf32>
    %slice3A_1143 = vector.extract_strided_slice %get3A_1 {offsets = [0, 65280], sizes = [32, 128], strides = [1, 1]} : vector<32x65536xf32> to vector<32x128xf32>
    %slice3A_1144 = vector.extract_strided_slice %get3A_1 {offsets = [0, 65408], sizes = [32, 128], strides = [1, 1]} : vector<32x65536xf32> to vector<32x128xf32>
    %concatenate3A_1145 = tpu.concatenate %slice3A_1141, %slice3A_1142, %slice3A_1143, %slice3A_1144 in 0 : vector<32x128xf32>, vector<32x128xf32>, vector<32x128xf32>, vector<32x128xf32> -> vector<128x128xf32>
    %transpose3A_1146 = tpu.transpose %concatenate3A_1145, [1, 0] : vector<128x128xf32> -> vector<128x128xf32>
    %swap3A_1147 = arith.constant 16256 : index
    %swap3A_1148 = arith.constant 0 : index
    %swap3A_1149 = vector.load %arg2[%swap3A_1147, %swap3A_1148] : memref<16384x128xf32, #tpu.memory_space<vmem>>, vector<128x128xf32>
    tpu.vector_store %arg2[%swap3A_1147, %swap3A_1148], %transpose3A_1146 {strides = array<i32>} : memref<16384x128xf32, #tpu.memory_space<vmem>>, vector<128x128xf32>,
    return
  }
  func.func @transform_0(%arg0: i32) -> (i32, i32) {
    %c0_i32 = arith.constant 0 : i32
    %c0_i32_0 = arith.constant 0 : i32
    return %c0_i32, %arg0 : i32, i32
  }
  func.func @transform_1(%arg0: i32) -> (i32, i32) {
    %c0_i32 = arith.constant 0 : i32
    %c0_i32_0 = arith.constant 0 : i32
    return %arg0, %c0_i32 : i32, i32
  }
}

module attributes {stable_mosaic.version = 14 : i64} {
  func.func @_relayout_block(%arg0: i32, %arg1: memref<32x65536xf32, #tpu.memory_space<vmem>>, %arg2: memref<16384x128xf32, #tpu.memory_space<vmem>>) attributes {dimension_semantics = [#tpu.dimension_semantics<arbitrary>], iteration_bounds = array<i64: 2>, scalar_prefetch = 0 : i64, scratch_operands = 0 : i64, tpu.core_type = #tpu.core_type<tc>, window_params = [{transform_indices = @transform_0, window_bounds = array<i64: 32, 65536>}, {transform_indices = @transform_1, window_bounds = array<i64: 16384, 128>}]} {
    %get3A = arith.constant 0 : index
    %get3A_0 = arith.constant 0 : index
    %get3A_1 = vector.load %arg1[%get3A, %get3A_0] : memref<32x65536xf32, #tpu.memory_space<vmem>>, vector<32x65536xf32>
    %slice3A = vector.extract_strided_slice %get3A_1 {offsets = [0, 0], sizes = [32, 128], strides = [1, 1]} : vector<32x65536xf32> to vector<32x128xf32>
    %slice3A_2 = vector.extract_strided_slice %get3A_1 {offsets = [0, 128], sizes = [32, 128], strides = [1, 1]} : vector<32x65536xf32> to vector<32x128xf32>
    %slice3A_3 = vector.extract_strided_slice %get3A_1 {offsets = [0, 256], sizes = [32, 128], strides = [1, 1]} : vector<32x65536xf32> to vector<32x128xf32>
    %slice3A_4 = vector.extract_strided_slice %get3A_1 {offsets = [0, 384], sizes = [32, 128], strides = [1, 1]} : vector<32x65536xf32> to vector<32x128xf32>
    %concatenate3A = tpu.concatenate %slice3A, %slice3A_2, %slice3A_3, %slice3A_4 in 0 : vector<32x128xf32>, vector<32x128xf32>, vector<32x128xf32>, vector<32x128xf32> -> vector<128x128xf32>
    %transpose3A = tpu.transpose %concatenate3A, [1, 0] : vector<128x128xf32> -> vector<128x128xf32>
    %swap3A = arith.constant 0 : index
    %swap3A_5 = arith.constant 0 : index
    %swap3A_6 = vector.load %arg2[%swap3A, %swap3A_5] : memref<16384x128xf32, #tpu.memory_space<vmem>>, vector<128x128xf32>
    tpu.vector_store %arg2[%swap3A, %swap3A_5], %transpose3A {strides = array<i32>} : memref<16384x128xf32, #tpu.memory_space<vmem>>, vector<128x128xf32>,
    %slice3A_7 = vector.extract_strided_slice %get3A_1 {offsets = [0, 512], sizes = [32, 128], strides = [1, 1]} : vector<32x65536xf32> to vector<32x128xf32>
    %slice3A_8 = vector.extract_strided_slice %get3A_1 {offsets = [0, 640], sizes = [32, 128], strides = [1, 1]} : vector<32x65536xf32> to vector<32x128xf32>
    %slice3A_9 = vector.extract_strided_slice %get3A_1 {offsets = [0, 768], sizes = [32, 128], strides = [1, 1]} : vector<32x65536xf32> to vector<32x128xf32>
    %slice3A_10 = vector.extract_strided_slice %get3A_1 {offsets = [0, 896], sizes = [32, 128], strides = [1, 1]} : vector<32x65536xf32> to vector<32x128xf32>
    %concatenate3A_11 = tpu.concatenate %slice3A_7, %slice3A_8, %slice3A_9, %slice3A_10 in 0 : vector<32x128xf32>, vector<32x128xf32>, vector<32x128xf32>, vector<32x128xf32> -> vector<128x128xf32>
    %transpose3A_12 = tpu.transpose %concatenate3A_11, [1, 0] : vector<128x128xf32> -> vector<128x128xf32>
    %swap3A_13 = arith.constant 128 : index
    %swap3A_14 = arith.constant 0 : index
    %swap3A_15 = vector.load %arg2[%swap3A_13, %swap3A_14] : memref<16384x128xf32, #tpu.memory_space<vmem>>, vector<128x128xf32>
    tpu.vector_store %arg2[%swap3A_13, %swap3A_14], %transpose3A_12 {strides = array<i32>} : memref<16384x128xf32, #tpu.memory_space<vmem>>, vector<128x128xf32>,
    %slice3A_16 = vector.extract_strided_slice %get3A_1 {offsets = [0, 1024], sizes = [32, 128], strides = [1, 1]} : vector<32x65536xf32> to vector<32x128xf32>
    %slice3A_17 = vector.extract_strided_slice %get3A_1 {offsets = [0, 1152], sizes = [32, 128], strides = [1, 1]} : vector<32x65536xf32> to vector<32x128xf32>
    %slice3A_18 = vector.extract_strided_slice %get3A_1 {offsets = [0, 1280], sizes = [32, 128], strides = [1, 1]} : vector<32x65536xf32> to vector<32x128xf32>
    %slice3A_19 = vector.extract_strided_slice %get3A_1 {offsets = [0, 1408], sizes = [32, 128], strides = [1, 1]} : vector<32x65536xf32> to vector<32x128xf32>
    %concatenate3A_20 = tpu.concatenate %slice3A_16, %slice3A_17, %slice3A_18, %slice3A_19 in 0 : vector<32x128xf32>, vector<32x128xf32>, vector<32x128xf32>, vector<32x128xf32> -> vector<128x128xf32>
    %transpose3A_21 = tpu.transpose %concatenate3A_20, [1, 0] : vector<128x128xf32> -> vector<128x128xf32>
    %swap3A_22 = arith.constant 256 : index
    %swap3A_23 = arith.constant 0 : index
    %swap3A_24 = vector.load %arg2[%swap3A_22, %swap3A_23] : memref<16384x128xf32, #tpu.memory_space<vmem>>, vector<128x128xf32>
    tpu.vector_store %arg2[%swap3A_22, %swap3A_23], %transpose3A_21 {strides = array<i32>} : memref<16384x128xf32, #tpu.memory_space<vmem>>, vector<128x128xf32>,
    %slice3A_25 = vector.extract_strided_slice %get3A_1 {offsets = [0, 1536], sizes = [32, 128], strides = [1, 1]} : vector<32x65536xf32> to vector<32x128xf32>
    %slice3A_26 = vector.extract_strided_slice %get3A_1 {offsets = [0, 1664], sizes = [32, 128], strides = [1, 1]} : vector<32x65536xf32> to vector<32x128xf32>
    %slice3A_27 = vector.extract_strided_slice %get3A_1 {offsets = [0, 1792], sizes = [32, 128], strides = [1, 1]} : vector<32x65536xf32> to vector<32x128xf32>
    %slice3A_28 = vector.extract_strided_slice %get3A_1 {offsets = [0, 1920], sizes = [32, 128], strides = [1, 1]} : vector<32x65536xf32> to vector<32x128xf32>
    %concatenate3A_29 = tpu.concatenate %slice3A_25, %slice3A_26, %slice3A_27, %slice3A_28 in 0 : vector<32x128xf32>, vector<32x128xf32>, vector<32x128xf32>, vector<32x128xf32> -> vector<128x128xf32>
    %transpose3A_30 = tpu.transpose %concatenate3A_29, [1, 0] : vector<128x128xf32> -> vector<128x128xf32>
    %swap3A_31 = arith.constant 384 : index
    %swap3A_32 = arith.constant 0 : index
    %swap3A_33 = vector.load %arg2[%swap3A_31, %swap3A_32] : memref<16384x128xf32, #tpu.memory_space<vmem>>, vector<128x128xf32>
    tpu.vector_store %arg2[%swap3A_31, %swap3A_32], %transpose3A_30 {strides = array<i32>} : memref<16384x128xf32, #tpu.memory_space<vmem>>, vector<128x128xf32>,
    %slice3A_34 = vector.extract_strided_slice %get3A_1 {offsets = [0, 2048], sizes = [32, 128], strides = [1, 1]} : vector<32x65536xf32> to vector<32x128xf32>
    %slice3A_35 = vector.extract_strided_slice %get3A_1 {offsets = [0, 2176], sizes = [32, 128], strides = [1, 1]} : vector<32x65536xf32> to vector<32x128xf32>
    %slice3A_36 = vector.extract_strided_slice %get3A_1 {offsets = [0, 2304], sizes = [32, 128], strides = [1, 1]} : vector<32x65536xf32> to vector<32x128xf32>
    %slice3A_37 = vector.extract_strided_slice %get3A_1 {offsets = [0, 2432], sizes = [32, 128], strides = [1, 1]} : vector<32x65536xf32> to vector<32x128xf32>
    %concatenate3A_38 = tpu.concatenate %slice3A_34, %slice3A_35, %slice3A_36, %slice3A_37 in 0 : vector<32x128xf32>, vector<32x128xf32>, vector<32x128xf32>, vector<32x128xf32> -> vector<128x128xf32>
    %transpose3A_39 = tpu.transpose %concatenate3A_38, [1, 0] : vector<128x128xf32> -> vector<128x128xf32>
    %swap3A_40 = arith.constant 512 : index
    %swap3A_41 = arith.constant 0 : index
    %swap3A_42 = vector.load %arg2[%swap3A_40, %swap3A_41] : memref<16384x128xf32, #tpu.memory_space<vmem>>, vector<128x128xf32>
    tpu.vector_store %arg2[%swap3A_40, %swap3A_41], %transpose3A_39 {strides = array<i32>} : memref<16384x128xf32, #tpu.memory_space<vmem>>, vector<128x128xf32>,
    %slice3A_43 = vector.extract_strided_slice %get3A_1 {offsets = [0, 2560], sizes = [32, 128], strides = [1, 1]} : vector<32x65536xf32> to vector<32x128xf32>
    %slice3A_44 = vector.extract_strided_slice %get3A_1 {offsets = [0, 2688], sizes = [32, 128], strides = [1, 1]} : vector<32x65536xf32> to vector<32x128xf32>
    %slice3A_45 = vector.extract_strided_slice %get3A_1 {offsets = [0, 2816], sizes = [32, 128], strides = [1, 1]} : vector<32x65536xf32> to vector<32x128xf32>
    %slice3A_46 = vector.extract_strided_slice %get3A_1 {offsets = [0, 2944], sizes = [32, 128], strides = [1, 1]} : vector<32x65536xf32> to vector<32x128xf32>
    %concatenate3A_47 = tpu.concatenate %slice3A_43, %slice3A_44, %slice3A_45, %slice3A_46 in 0 : vector<32x128xf32>, vector<32x128xf32>, vector<32x128xf32>, vector<32x128xf32> -> vector<128x128xf32>
    %transpose3A_48 = tpu.transpose %concatenate3A_47, [1, 0] : vector<128x128xf32> -> vector<128x128xf32>
    %swap3A_49 = arith.constant 640 : index
    %swap3A_50 = arith.constant 0 : index
    %swap3A_51 = vector.load %arg2[%swap3A_49, %swap3A_50] : memref<16384x128xf32, #tpu.memory_space<vmem>>, vector<128x128xf32>
    tpu.vector_store %arg2[%swap3A_49, %swap3A_50], %transpose3A_48 {strides = array<i32>} : memref<16384x128xf32, #tpu.memory_space<vmem>>, vector<128x128xf32>,
    %slice3A_52 = vector.extract_strided_slice %get3A_1 {offsets = [0, 3072], sizes = [32, 128], strides = [1, 1]} : vector<32x65536xf32> to vector<32x128xf32>
    %slice3A_53 = vector.extract_strided_slice %get3A_1 {offsets = [0, 3200], sizes = [32, 128], strides = [1, 1]} : vector<32x65536xf32> to vector<32x128xf32>
    %slice3A_54 = vector.extract_strided_slice %get3A_1 {offsets = [0, 3328], sizes = [32, 128], strides = [1, 1]} : vector<32x65536xf32> to vector<32x128xf32>
    %slice3A_55 = vector.extract_strided_slice %get3A_1 {offsets = [0, 3456], sizes = [32, 128], strides = [1, 1]} : vector<32x65536xf32> to vector<32x128xf32>
    %concatenate3A_56 = tpu.concatenate %slice3A_52, %slice3A_53, %slice3A_54, %slice3A_55 in 0 : vector<32x128xf32>, vector<32x128xf32>, vector<32x128xf32>, vector<32x128xf32> -> vector<128x128xf32>
    %transpose3A_57 = tpu.transpose %concatenate3A_56, [1, 0] : vector<128x128xf32> -> vector<128x128xf32>
    %swap3A_58 = arith.constant 768 : index
    %swap3A_59 = arith.constant 0 : index
    %swap3A_60 = vector.load %arg2[%swap3A_58, %swap3A_59] : memref<16384x128xf32, #tpu.memory_space<vmem>>, vector<128x128xf32>
    tpu.vector_store %arg2[%swap3A_58, %swap3A_59], %transpose3A_57 {strides = array<i32>} : memref<16384x128xf32, #tpu.memory_space<vmem>>, vector<128x128xf32>,
    %slice3A_61 = vector.extract_strided_slice %get3A_1 {offsets = [0, 3584], sizes = [32, 128], strides = [1, 1]} : vector<32x65536xf32> to vector<32x128xf32>
    %slice3A_62 = vector.extract_strided_slice %get3A_1 {offsets = [0, 3712], sizes = [32, 128], strides = [1, 1]} : vector<32x65536xf32> to vector<32x128xf32>
    %slice3A_63 = vector.extract_strided_slice %get3A_1 {offsets = [0, 3840], sizes = [32, 128], strides = [1, 1]} : vector<32x65536xf32> to vector<32x128xf32>
    %slice3A_64 = vector.extract_strided_slice %get3A_1 {offsets = [0, 3968], sizes = [32, 128], strides = [1, 1]} : vector<32x65536xf32> to vector<32x128xf32>
    %concatenate3A_65 = tpu.concatenate %slice3A_61, %slice3A_62, %slice3A_63, %slice3A_64 in 0 : vector<32x128xf32>, vector<32x128xf32>, vector<32x128xf32>, vector<32x128xf32> -> vector<128x128xf32>
    %transpose3A_66 = tpu.transpose %concatenate3A_65, [1, 0] : vector<128x128xf32> -> vector<128x128xf32>
    %swap3A_67 = arith.constant 896 : index
    %swap3A_68 = arith.constant 0 : index
    %swap3A_69 = vector.load %arg2[%swap3A_67, %swap3A_68] : memref<16384x128xf32, #tpu.memory_space<vmem>>, vector<128x128xf32>
    tpu.vector_store %arg2[%swap3A_67, %swap3A_68], %transpose3A_66 {strides = array<i32>} : memref<16384x128xf32, #tpu.memory_space<vmem>>, vector<128x128xf32>,
    %slice3A_70 = vector.extract_strided_slice %get3A_1 {offsets = [0, 4096], sizes = [32, 128], strides = [1, 1]} : vector<32x65536xf32> to vector<32x128xf32>
    %slice3A_71 = vector.extract_strided_slice %get3A_1 {offsets = [0, 4224], sizes = [32, 128], strides = [1, 1]} : vector<32x65536xf32> to vector<32x128xf32>
    %slice3A_72 = vector.extract_strided_slice %get3A_1 {offsets = [0, 4352], sizes = [32, 128], strides = [1, 1]} : vector<32x65536xf32> to vector<32x128xf32>
    %slice3A_73 = vector.extract_strided_slice %get3A_1 {offsets = [0, 4480], sizes = [32, 128], strides = [1, 1]} : vector<32x65536xf32> to vector<32x128xf32>
    %concatenate3A_74 = tpu.concatenate %slice3A_70, %slice3A_71, %slice3A_72, %slice3A_73 in 0 : vector<32x128xf32>, vector<32x128xf32>, vector<32x128xf32>, vector<32x128xf32> -> vector<128x128xf32>
    %transpose3A_75 = tpu.transpose %concatenate3A_74, [1, 0] : vector<128x128xf32> -> vector<128x128xf32>
    %swap3A_76 = arith.constant 1024 : index
    %swap3A_77 = arith.constant 0 : index
    %swap3A_78 = vector.load %arg2[%swap3A_76, %swap3A_77] : memref<16384x128xf32, #tpu.memory_space<vmem>>, vector<128x128xf32>
    tpu.vector_store %arg2[%swap3A_76, %swap3A_77], %transpose3A_75 {strides = array<i32>} : memref<16384x128xf32, #tpu.memory_space<vmem>>, vector<128x128xf32>,
    %slice3A_79 = vector.extract_strided_slice %get3A_1 {offsets = [0, 4608], sizes = [32, 128], strides = [1, 1]} : vector<32x65536xf32> to vector<32x128xf32>
    %slice3A_80 = vector.extract_strided_slice %get3A_1 {offsets = [0, 4736], sizes = [32, 128], strides = [1, 1]} : vector<32x65536xf32> to vector<32x128xf32>
    %slice3A_81 = vector.extract_strided_slice %get3A_1 {offsets = [0, 4864], sizes = [32, 128], strides = [1, 1]} : vector<32x65536xf32> to vector<32x128xf32>
    %slice3A_82 = vector.extract_strided_slice %get3A_1 {offsets = [0, 4992], sizes = [32, 128], strides = [1, 1]} : vector<32x65536xf32> to vector<32x128xf32>
    %concatenate3A_83 = tpu.concatenate %slice3A_79, %slice3A_80, %slice3A_81, %slice3A_82 in 0 : vector<32x128xf32>, vector<32x128xf32>, vector<32x128xf32>, vector<32x128xf32> -> vector<128x128xf32>
    %transpose3A_84 = tpu.transpose %concatenate3A_83, [1, 0] : vector<128x128xf32> -> vector<128x128xf32>
    %swap3A_85 = arith.constant 1152 : index
    %swap3A_86 = arith.constant 0 : index
    %swap3A_87 = vector.load %arg2[%swap3A_85, %swap3A_86] : memref<16384x128xf32, #tpu.memory_space<vmem>>, vector<128x128xf32>
    tpu.vector_store %arg2[%swap3A_85, %swap3A_86], %transpose3A_84 {strides = array<i32>} : memref<16384x128xf32, #tpu.memory_space<vmem>>, vector<128x128xf32>,
    %slice3A_88 = vector.extract_strided_slice %get3A_1 {offsets = [0, 5120], sizes = [32, 128], strides = [1, 1]} : vector<32x65536xf32> to vector<32x128xf32>
    %slice3A_89 = vector.extract_strided_slice %get3A_1 {offsets = [0, 5248], sizes = [32, 128], strides = [1, 1]} : vector<32x65536xf32> to vector<32x128xf32>
    %slice3A_90 = vector.extract_strided_slice %get3A_1 {offsets = [0, 5376], sizes = [32, 128], strides = [1, 1]} : vector<32x65536xf32> to vector<32x128xf32>
    %slice3A_91 = vector.extract_strided_slice %get3A_1 {offsets = [0, 5504], sizes = [32, 128], strides = [1, 1]} : vector<32x65536xf32> to vector<32x128xf32>
    %concatenate3A_92 = tpu.concatenate %slice3A_88, %slice3A_89, %slice3A_90, %slice3A_91 in 0 : vector<32x128xf32>, vector<32x128xf32>, vector<32x128xf32>, vector<32x128xf32> -> vector<128x128xf32>
    %transpose3A_93 = tpu.transpose %concatenate3A_92, [1, 0] : vector<128x128xf32> -> vector<128x128xf32>
    %swap3A_94 = arith.constant 1280 : index
    %swap3A_95 = arith.constant 0 : index
    %swap3A_96 = vector.load %arg2[%swap3A_94, %swap3A_95] : memref<16384x128xf32, #tpu.memory_space<vmem>>, vector<128x128xf32>
    tpu.vector_store %arg2[%swap3A_94, %swap3A_95], %transpose3A_93 {strides = array<i32>} : memref<16384x128xf32, #tpu.memory_space<vmem>>, vector<128x128xf32>,
    %slice3A_97 = vector.extract_strided_slice %get3A_1 {offsets = [0, 5632], sizes = [32, 128], strides = [1, 1]} : vector<32x65536xf32> to vector<32x128xf32>
    %slice3A_98 = vector.extract_strided_slice %get3A_1 {offsets = [0, 5760], sizes = [32, 128], strides = [1, 1]} : vector<32x65536xf32> to vector<32x128xf32>
    %slice3A_99 = vector.extract_strided_slice %get3A_1 {offsets = [0, 5888], sizes = [32, 128], strides = [1, 1]} : vector<32x65536xf32> to vector<32x128xf32>
    %slice3A_100 = vector.extract_strided_slice %get3A_1 {offsets = [0, 6016], sizes = [32, 128], strides = [1, 1]} : vector<32x65536xf32> to vector<32x128xf32>
    %concatenate3A_101 = tpu.concatenate %slice3A_97, %slice3A_98, %slice3A_99, %slice3A_100 in 0 : vector<32x128xf32>, vector<32x128xf32>, vector<32x128xf32>, vector<32x128xf32> -> vector<128x128xf32>
    %transpose3A_102 = tpu.transpose %concatenate3A_101, [1, 0] : vector<128x128xf32> -> vector<128x128xf32>
    %swap3A_103 = arith.constant 1408 : index
    %swap3A_104 = arith.constant 0 : index
    %swap3A_105 = vector.load %arg2[%swap3A_103, %swap3A_104] : memref<16384x128xf32, #tpu.memory_space<vmem>>, vector<128x128xf32>
    tpu.vector_store %arg2[%swap3A_103, %swap3A_104], %transpose3A_102 {strides = array<i32>} : memref<16384x128xf32, #tpu.memory_space<vmem>>, vector<128x128xf32>,
    %slice3A_106 = vector.extract_strided_slice %get3A_1 {offsets = [0, 6144], sizes = [32, 128], strides = [1, 1]} : vector<32x65536xf32> to vector<32x128xf32>
    %slice3A_107 = vector.extract_strided_slice %get3A_1 {offsets = [0, 6272], sizes = [32, 128], strides = [1, 1]} : vector<32x65536xf32> to vector<32x128xf32>
    %slice3A_108 = vector.extract_strided_slice %get3A_1 {offsets = [0, 6400], sizes = [32, 128], strides = [1, 1]} : vector<32x65536xf32> to vector<32x128xf32>
    %slice3A_109 = vector.extract_strided_slice %get3A_1 {offsets = [0, 6528], sizes = [32, 128], strides = [1, 1]} : vector<32x65536xf32> to vector<32x128xf32>
    %concatenate3A_110 = tpu.concatenate %slice3A_106, %slice3A_107, %slice3A_108, %slice3A_109 in 0 : vector<32x128xf32>, vector<32x128xf32>, vector<32x128xf32>, vector<32x128xf32> -> vector<128x128xf32>
    %transpose3A_111 = tpu.transpose %concatenate3A_110, [1, 0] : vector<128x128xf32> -> vector<128x128xf32>
    %swap3A_112 = arith.constant 1536 : index
    %swap3A_113 = arith.constant 0 : index
    %swap3A_114 = vector.load %arg2[%swap3A_112, %swap3A_113] : memref<16384x128xf32, #tpu.memory_space<vmem>>, vector<128x128xf32>
    tpu.vector_store %arg2[%swap3A_112, %swap3A_113], %transpose3A_111 {strides = array<i32>} : memref<16384x128xf32, #tpu.memory_space<vmem>>, vector<128x128xf32>,
    %slice3A_115 = vector.extract_strided_slice %get3A_1 {offsets = [0, 6656], sizes = [32, 128], strides = [1, 1]} : vector<32x65536xf32> to vector<32x128xf32>
    %slice3A_116 = vector.extract_strided_slice %get3A_1 {offsets = [0, 6784], sizes = [32, 128], strides = [1, 1]} : vector<32x65536xf32> to vector<32x128xf32>
    %slice3A_117 = vector.extract_strided_slice %get3A_1 {offsets = [0, 6912], sizes = [32, 128], strides = [1, 1]} : vector<32x65536xf32> to vector<32x128xf32>
    %slice3A_118 = vector.extract_strided_slice %get3A_1 {offsets = [0, 7040], sizes = [32, 128], strides = [1, 1]} : vector<32x65536xf32> to vector<32x128xf32>
    %concatenate3A_119 = tpu.concatenate %slice3A_115, %slice3A_116, %slice3A_117, %slice3A_118 in 0 : vector<32x128xf32>, vector<32x128xf32>, vector<32x128xf32>, vector<32x128xf32> -> vector<128x128xf32>
    %transpose3A_120 = tpu.transpose %concatenate3A_119, [1, 0] : vector<128x128xf32> -> vector<128x128xf32>
    %swap3A_121 = arith.constant 1664 : index
    %swap3A_122 = arith.constant 0 : index
    %swap3A_123 = vector.load %arg2[%swap3A_121, %swap3A_122] : memref<16384x128xf32, #tpu.memory_space<vmem>>, vector<128x128xf32>
    tpu.vector_store %arg2[%swap3A_121, %swap3A_122], %transpose3A_120 {strides = array<i32>} : memref<16384x128xf32, #tpu.memory_space<vmem>>, vector<128x128xf32>,
    %slice3A_124 = vector.extract_strided_slice %get3A_1 {offsets = [0, 7168], sizes = [32, 128], strides = [1, 1]} : vector<32x65536xf32> to vector<32x128xf32>
    %slice3A_125 = vector.extract_strided_slice %get3A_1 {offsets = [0, 7296], sizes = [32, 128], strides = [1, 1]} : vector<32x65536xf32> to vector<32x128xf32>
    %slice3A_126 = vector.extract_strided_slice %get3A_1 {offsets = [0, 7424], sizes = [32, 128], strides = [1, 1]} : vector<32x65536xf32> to vector<32x128xf32>
    %slice3A_127 = vector.extract_strided_slice %get3A_1 {offsets = [0, 7552], sizes = [32, 128], strides = [1, 1]} : vector<32x65536xf32> to vector<32x128xf32>
    %concatenate3A_128 = tpu.concatenate %slice3A_124, %slice3A_125, %slice3A_126, %slice3A_127 in 0 : vector<32x128xf32>, vector<32x128xf32>, vector<32x128xf32>, vector<32x128xf32> -> vector<128x128xf32>
    %transpose3A_129 = tpu.transpose %concatenate3A_128, [1, 0] : vector<128x128xf32> -> vector<128x128xf32>
    %swap3A_130 = arith.constant 1792 : index
    %swap3A_131 = arith.constant 0 : index
    %swap3A_132 = vector.load %arg2[%swap3A_130, %swap3A_131] : memref<16384x128xf32, #tpu.memory_space<vmem>>, vector<128x128xf32>
    tpu.vector_store %arg2[%swap3A_130, %swap3A_131], %transpose3A_129 {strides = array<i32>} : memref<16384x128xf32, #tpu.memory_space<vmem>>, vector<128x128xf32>,
    %slice3A_133 = vector.extract_strided_slice %get3A_1 {offsets = [0, 7680], sizes = [32, 128], strides = [1, 1]} : vector<32x65536xf32> to vector<32x128xf32>
    %slice3A_134 = vector.extract_strided_slice %get3A_1 {offsets = [0, 7808], sizes = [32, 128], strides = [1, 1]} : vector<32x65536xf32> to vector<32x128xf32>
    %slice3A_135 = vector.extract_strided_slice %get3A_1 {offsets = [0, 7936], sizes = [32, 128], strides = [1, 1]} : vector<32x65536xf32> to vector<32x128xf32>
    %slice3A_136 = vector.extract_strided_slice %get3A_1 {offsets = [0, 8064], sizes = [32, 128], strides = [1, 1]} : vector<32x65536xf32> to vector<32x128xf32>
    %concatenate3A_137 = tpu.concatenate %slice3A_133, %slice3A_134, %slice3A_135, %slice3A_136 in 0 : vector<32x128xf32>, vector<32x128xf32>, vector<32x128xf32>, vector<32x128xf32> -> vector<128x128xf32>
    %transpose3A_138 = tpu.transpose %concatenate3A_137, [1, 0] : vector<128x128xf32> -> vector<128x128xf32>
    %swap3A_139 = arith.constant 1920 : index
    %swap3A_140 = arith.constant 0 : index
    %swap3A_141 = vector.load %arg2[%swap3A_139, %swap3A_140] : memref<16384x128xf32, #tpu.memory_space<vmem>>, vector<128x128xf32>
    tpu.vector_store %arg2[%swap3A_139, %swap3A_140], %transpose3A_138 {strides = array<i32>} : memref<16384x128xf32, #tpu.memory_space<vmem>>, vector<128x128xf32>,
    %slice3A_142 = vector.extract_strided_slice %get3A_1 {offsets = [0, 8192], sizes = [32, 128], strides = [1, 1]} : vector<32x65536xf32> to vector<32x128xf32>
    %slice3A_143 = vector.extract_strided_slice %get3A_1 {offsets = [0, 8320], sizes = [32, 128], strides = [1, 1]} : vector<32x65536xf32> to vector<32x128xf32>
    %slice3A_144 = vector.extract_strided_slice %get3A_1 {offsets = [0, 8448], sizes = [32, 128], strides = [1, 1]} : vector<32x65536xf32> to vector<32x128xf32>
    %slice3A_145 = vector.extract_strided_slice %get3A_1 {offsets = [0, 8576], sizes = [32, 128], strides = [1, 1]} : vector<32x65536xf32> to vector<32x128xf32>
    %concatenate3A_146 = tpu.concatenate %slice3A_142, %slice3A_143, %slice3A_144, %slice3A_145 in 0 : vector<32x128xf32>, vector<32x128xf32>, vector<32x128xf32>, vector<32x128xf32> -> vector<128x128xf32>
    %transpose3A_147 = tpu.transpose %concatenate3A_146, [1, 0] : vector<128x128xf32> -> vector<128x128xf32>
    %swap3A_148 = arith.constant 2048 : index
    %swap3A_149 = arith.constant 0 : index
    %swap3A_150 = vector.load %arg2[%swap3A_148, %swap3A_149] : memref<16384x128xf32, #tpu.memory_space<vmem>>, vector<128x128xf32>
    tpu.vector_store %arg2[%swap3A_148, %swap3A_149], %transpose3A_147 {strides = array<i32>} : memref<16384x128xf32, #tpu.memory_space<vmem>>, vector<128x128xf32>,
    %slice3A_151 = vector.extract_strided_slice %get3A_1 {offsets = [0, 8704], sizes = [32, 128], strides = [1, 1]} : vector<32x65536xf32> to vector<32x128xf32>
    %slice3A_152 = vector.extract_strided_slice %get3A_1 {offsets = [0, 8832], sizes = [32, 128], strides = [1, 1]} : vector<32x65536xf32> to vector<32x128xf32>
    %slice3A_153 = vector.extract_strided_slice %get3A_1 {offsets = [0, 8960], sizes = [32, 128], strides = [1, 1]} : vector<32x65536xf32> to vector<32x128xf32>
    %slice3A_154 = vector.extract_strided_slice %get3A_1 {offsets = [0, 9088], sizes = [32, 128], strides = [1, 1]} : vector<32x65536xf32> to vector<32x128xf32>
    %concatenate3A_155 = tpu.concatenate %slice3A_151, %slice3A_152, %slice3A_153, %slice3A_154 in 0 : vector<32x128xf32>, vector<32x128xf32>, vector<32x128xf32>, vector<32x128xf32> -> vector<128x128xf32>
    %transpose3A_156 = tpu.transpose %concatenate3A_155, [1, 0] : vector<128x128xf32> -> vector<128x128xf32>
    %swap3A_157 = arith.constant 2176 : index
    %swap3A_158 = arith.constant 0 : index
    %swap3A_159 = vector.load %arg2[%swap3A_157, %swap3A_158] : memref<16384x128xf32, #tpu.memory_space<vmem>>, vector<128x128xf32>
    tpu.vector_store %arg2[%swap3A_157, %swap3A_158], %transpose3A_156 {strides = array<i32>} : memref<16384x128xf32, #tpu.memory_space<vmem>>, vector<128x128xf32>,
    %slice3A_160 = vector.extract_strided_slice %get3A_1 {offsets = [0, 9216], sizes = [32, 128], strides = [1, 1]} : vector<32x65536xf32> to vector<32x128xf32>
    %slice3A_161 = vector.extract_strided_slice %get3A_1 {offsets = [0, 9344], sizes = [32, 128], strides = [1, 1]} : vector<32x65536xf32> to vector<32x128xf32>
    %slice3A_162 = vector.extract_strided_slice %get3A_1 {offsets = [0, 9472], sizes = [32, 128], strides = [1, 1]} : vector<32x65536xf32> to vector<32x128xf32>
    %slice3A_163 = vector.extract_strided_slice %get3A_1 {offsets = [0, 9600], sizes = [32, 128], strides = [1, 1]} : vector<32x65536xf32> to vector<32x128xf32>
    %concatenate3A_164 = tpu.concatenate %slice3A_160, %slice3A_161, %slice3A_162, %slice3A_163 in 0 : vector<32x128xf32>, vector<32x128xf32>, vector<32x128xf32>, vector<32x128xf32> -> vector<128x128xf32>
    %transpose3A_165 = tpu.transpose %concatenate3A_164, [1, 0] : vector<128x128xf32> -> vector<128x128xf32>
    %swap3A_166 = arith.constant 2304 : index
    %swap3A_167 = arith.constant 0 : index
    %swap3A_168 = vector.load %arg2[%swap3A_166, %swap3A_167] : memref<16384x128xf32, #tpu.memory_space<vmem>>, vector<128x128xf32>
    tpu.vector_store %arg2[%swap3A_166, %swap3A_167], %transpose3A_165 {strides = array<i32>} : memref<16384x128xf32, #tpu.memory_space<vmem>>, vector<128x128xf32>,
    %slice3A_169 = vector.extract_strided_slice %get3A_1 {offsets = [0, 9728], sizes = [32, 128], strides = [1, 1]} : vector<32x65536xf32> to vector<32x128xf32>
    %slice3A_170 = vector.extract_strided_slice %get3A_1 {offsets = [0, 9856], sizes = [32, 128], strides = [1, 1]} : vector<32x65536xf32> to vector<32x128xf32>
    %slice3A_171 = vector.extract_strided_slice %get3A_1 {offsets = [0, 9984], sizes = [32, 128], strides = [1, 1]} : vector<32x65536xf32> to vector<32x128xf32>
    %slice3A_172 = vector.extract_strided_slice %get3A_1 {offsets = [0, 10112], sizes = [32, 128], strides = [1, 1]} : vector<32x65536xf32> to vector<32x128xf32>
    %concatenate3A_173 = tpu.concatenate %slice3A_169, %slice3A_170, %slice3A_171, %slice3A_172 in 0 : vector<32x128xf32>, vector<32x128xf32>, vector<32x128xf32>, vector<32x128xf32> -> vector<128x128xf32>
    %transpose3A_174 = tpu.transpose %concatenate3A_173, [1, 0] : vector<128x128xf32> -> vector<128x128xf32>
    %swap3A_175 = arith.constant 2432 : index
    %swap3A_176 = arith.constant 0 : index
    %swap3A_177 = vector.load %arg2[%swap3A_175, %swap3A_176] : memref<16384x128xf32, #tpu.memory_space<vmem>>, vector<128x128xf32>
    tpu.vector_store %arg2[%swap3A_175, %swap3A_176], %transpose3A_174 {strides = array<i32>} : memref<16384x128xf32, #tpu.memory_space<vmem>>, vector<128x128xf32>,
    %slice3A_178 = vector.extract_strided_slice %get3A_1 {offsets = [0, 10240], sizes = [32, 128], strides = [1, 1]} : vector<32x65536xf32> to vector<32x128xf32>
    %slice3A_179 = vector.extract_strided_slice %get3A_1 {offsets = [0, 10368], sizes = [32, 128], strides = [1, 1]} : vector<32x65536xf32> to vector<32x128xf32>
    %slice3A_180 = vector.extract_strided_slice %get3A_1 {offsets = [0, 10496], sizes = [32, 128], strides = [1, 1]} : vector<32x65536xf32> to vector<32x128xf32>
    %slice3A_181 = vector.extract_strided_slice %get3A_1 {offsets = [0, 10624], sizes = [32, 128], strides = [1, 1]} : vector<32x65536xf32> to vector<32x128xf32>
    %concatenate3A_182 = tpu.concatenate %slice3A_178, %slice3A_179, %slice3A_180, %slice3A_181 in 0 : vector<32x128xf32>, vector<32x128xf32>, vector<32x128xf32>, vector<32x128xf32> -> vector<128x128xf32>
    %transpose3A_183 = tpu.transpose %concatenate3A_182, [1, 0] : vector<128x128xf32> -> vector<128x128xf32>
    %swap3A_184 = arith.constant 2560 : index
    %swap3A_185 = arith.constant 0 : index
    %swap3A_186 = vector.load %arg2[%swap3A_184, %swap3A_185] : memref<16384x128xf32, #tpu.memory_space<vmem>>, vector<128x128xf32>
    tpu.vector_store %arg2[%swap3A_184, %swap3A_185], %transpose3A_183 {strides = array<i32>} : memref<16384x128xf32, #tpu.memory_space<vmem>>, vector<128x128xf32>,
    %slice3A_187 = vector.extract_strided_slice %get3A_1 {offsets = [0, 10752], sizes = [32, 128], strides = [1, 1]} : vector<32x65536xf32> to vector<32x128xf32>
    %slice3A_188 = vector.extract_strided_slice %get3A_1 {offsets = [0, 10880], sizes = [32, 128], strides = [1, 1]} : vector<32x65536xf32> to vector<32x128xf32>
    %slice3A_189 = vector.extract_strided_slice %get3A_1 {offsets = [0, 11008], sizes = [32, 128], strides = [1, 1]} : vector<32x65536xf32> to vector<32x128xf32>
    %slice3A_190 = vector.extract_strided_slice %get3A_1 {offsets = [0, 11136], sizes = [32, 128], strides = [1, 1]} : vector<32x65536xf32> to vector<32x128xf32>
    %concatenate3A_191 = tpu.concatenate %slice3A_187, %slice3A_188, %slice3A_189, %slice3A_190 in 0 : vector<32x128xf32>, vector<32x128xf32>, vector<32x128xf32>, vector<32x128xf32> -> vector<128x128xf32>
    %transpose3A_192 = tpu.transpose %concatenate3A_191, [1, 0] : vector<128x128xf32> -> vector<128x128xf32>
    %swap3A_193 = arith.constant 2688 : index
    %swap3A_194 = arith.constant 0 : index
    %swap3A_195 = vector.load %arg2[%swap3A_193, %swap3A_194] : memref<16384x128xf32, #tpu.memory_space<vmem>>, vector<128x128xf32>
    tpu.vector_store %arg2[%swap3A_193, %swap3A_194], %transpose3A_192 {strides = array<i32>} : memref<16384x128xf32, #tpu.memory_space<vmem>>, vector<128x128xf32>,
    %slice3A_196 = vector.extract_strided_slice %get3A_1 {offsets = [0, 11264], sizes = [32, 128], strides = [1, 1]} : vector<32x65536xf32> to vector<32x128xf32>
    %slice3A_197 = vector.extract_strided_slice %get3A_1 {offsets = [0, 11392], sizes = [32, 128], strides = [1, 1]} : vector<32x65536xf32> to vector<32x128xf32>
    %slice3A_198 = vector.extract_strided_slice %get3A_1 {offsets = [0, 11520], sizes = [32, 128], strides = [1, 1]} : vector<32x65536xf32> to vector<32x128xf32>
    %slice3A_199 = vector.extract_strided_slice %get3A_1 {offsets = [0, 11648], sizes = [32, 128], strides = [1, 1]} : vector<32x65536xf32> to vector<32x128xf32>
    %concatenate3A_200 = tpu.concatenate %slice3A_196, %slice3A_197, %slice3A_198, %slice3A_199 in 0 : vector<32x128xf32>, vector<32x128xf32>, vector<32x128xf32>, vector<32x128xf32> -> vector<128x128xf32>
    %transpose3A_201 = tpu.transpose %concatenate3A_200, [1, 0] : vector<128x128xf32> -> vector<128x128xf32>
    %swap3A_202 = arith.constant 2816 : index
    %swap3A_203 = arith.constant 0 : index
    %swap3A_204 = vector.load %arg2[%swap3A_202, %swap3A_203] : memref<16384x128xf32, #tpu.memory_space<vmem>>, vector<128x128xf32>
    tpu.vector_store %arg2[%swap3A_202, %swap3A_203], %transpose3A_201 {strides = array<i32>} : memref<16384x128xf32, #tpu.memory_space<vmem>>, vector<128x128xf32>,
    %slice3A_205 = vector.extract_strided_slice %get3A_1 {offsets = [0, 11776], sizes = [32, 128], strides = [1, 1]} : vector<32x65536xf32> to vector<32x128xf32>
    %slice3A_206 = vector.extract_strided_slice %get3A_1 {offsets = [0, 11904], sizes = [32, 128], strides = [1, 1]} : vector<32x65536xf32> to vector<32x128xf32>
    %slice3A_207 = vector.extract_strided_slice %get3A_1 {offsets = [0, 12032], sizes = [32, 128], strides = [1, 1]} : vector<32x65536xf32> to vector<32x128xf32>
    %slice3A_208 = vector.extract_strided_slice %get3A_1 {offsets = [0, 12160], sizes = [32, 128], strides = [1, 1]} : vector<32x65536xf32> to vector<32x128xf32>
    %concatenate3A_209 = tpu.concatenate %slice3A_205, %slice3A_206, %slice3A_207, %slice3A_208 in 0 : vector<32x128xf32>, vector<32x128xf32>, vector<32x128xf32>, vector<32x128xf32> -> vector<128x128xf32>
    %transpose3A_210 = tpu.transpose %concatenate3A_209, [1, 0] : vector<128x128xf32> -> vector<128x128xf32>
    %swap3A_211 = arith.constant 2944 : index
    %swap3A_212 = arith.constant 0 : index
    %swap3A_213 = vector.load %arg2[%swap3A_211, %swap3A_212] : memref<16384x128xf32, #tpu.memory_space<vmem>>, vector<128x128xf32>
    tpu.vector_store %arg2[%swap3A_211, %swap3A_212], %transpose3A_210 {strides = array<i32>} : memref<16384x128xf32, #tpu.memory_space<vmem>>, vector<128x128xf32>,
    %slice3A_214 = vector.extract_strided_slice %get3A_1 {offsets = [0, 12288], sizes = [32, 128], strides = [1, 1]} : vector<32x65536xf32> to vector<32x128xf32>
    %slice3A_215 = vector.extract_strided_slice %get3A_1 {offsets = [0, 12416], sizes = [32, 128], strides = [1, 1]} : vector<32x65536xf32> to vector<32x128xf32>
    %slice3A_216 = vector.extract_strided_slice %get3A_1 {offsets = [0, 12544], sizes = [32, 128], strides = [1, 1]} : vector<32x65536xf32> to vector<32x128xf32>
    %slice3A_217 = vector.extract_strided_slice %get3A_1 {offsets = [0, 12672], sizes = [32, 128], strides = [1, 1]} : vector<32x65536xf32> to vector<32x128xf32>
    %concatenate3A_218 = tpu.concatenate %slice3A_214, %slice3A_215, %slice3A_216, %slice3A_217 in 0 : vector<32x128xf32>, vector<32x128xf32>, vector<32x128xf32>, vector<32x128xf32> -> vector<128x128xf32>
    %transpose3A_219 = tpu.transpose %concatenate3A_218, [1, 0] : vector<128x128xf32> -> vector<128x128xf32>
    %swap3A_220 = arith.constant 3072 : index
    %swap3A_221 = arith.constant 0 : index
    %swap3A_222 = vector.load %arg2[%swap3A_220, %swap3A_221] : memref<16384x128xf32, #tpu.memory_space<vmem>>, vector<128x128xf32>
    tpu.vector_store %arg2[%swap3A_220, %swap3A_221], %transpose3A_219 {strides = array<i32>} : memref<16384x128xf32, #tpu.memory_space<vmem>>, vector<128x128xf32>,
    %slice3A_223 = vector.extract_strided_slice %get3A_1 {offsets = [0, 12800], sizes = [32, 128], strides = [1, 1]} : vector<32x65536xf32> to vector<32x128xf32>
    %slice3A_224 = vector.extract_strided_slice %get3A_1 {offsets = [0, 12928], sizes = [32, 128], strides = [1, 1]} : vector<32x65536xf32> to vector<32x128xf32>
    %slice3A_225 = vector.extract_strided_slice %get3A_1 {offsets = [0, 13056], sizes = [32, 128], strides = [1, 1]} : vector<32x65536xf32> to vector<32x128xf32>
    %slice3A_226 = vector.extract_strided_slice %get3A_1 {offsets = [0, 13184], sizes = [32, 128], strides = [1, 1]} : vector<32x65536xf32> to vector<32x128xf32>
    %concatenate3A_227 = tpu.concatenate %slice3A_223, %slice3A_224, %slice3A_225, %slice3A_226 in 0 : vector<32x128xf32>, vector<32x128xf32>, vector<32x128xf32>, vector<32x128xf32> -> vector<128x128xf32>
    %transpose3A_228 = tpu.transpose %concatenate3A_227, [1, 0] : vector<128x128xf32> -> vector<128x128xf32>
    %swap3A_229 = arith.constant 3200 : index
    %swap3A_230 = arith.constant 0 : index
    %swap3A_231 = vector.load %arg2[%swap3A_229, %swap3A_230] : memref<16384x128xf32, #tpu.memory_space<vmem>>, vector<128x128xf32>
    tpu.vector_store %arg2[%swap3A_229, %swap3A_230], %transpose3A_228 {strides = array<i32>} : memref<16384x128xf32, #tpu.memory_space<vmem>>, vector<128x128xf32>,
    %slice3A_232 = vector.extract_strided_slice %get3A_1 {offsets = [0, 13312], sizes = [32, 128], strides = [1, 1]} : vector<32x65536xf32> to vector<32x128xf32>
    %slice3A_233 = vector.extract_strided_slice %get3A_1 {offsets = [0, 13440], sizes = [32, 128], strides = [1, 1]} : vector<32x65536xf32> to vector<32x128xf32>
    %slice3A_234 = vector.extract_strided_slice %get3A_1 {offsets = [0, 13568], sizes = [32, 128], strides = [1, 1]} : vector<32x65536xf32> to vector<32x128xf32>
    %slice3A_235 = vector.extract_strided_slice %get3A_1 {offsets = [0, 13696], sizes = [32, 128], strides = [1, 1]} : vector<32x65536xf32> to vector<32x128xf32>
    %concatenate3A_236 = tpu.concatenate %slice3A_232, %slice3A_233, %slice3A_234, %slice3A_235 in 0 : vector<32x128xf32>, vector<32x128xf32>, vector<32x128xf32>, vector<32x128xf32> -> vector<128x128xf32>
    %transpose3A_237 = tpu.transpose %concatenate3A_236, [1, 0] : vector<128x128xf32> -> vector<128x128xf32>
    %swap3A_238 = arith.constant 3328 : index
    %swap3A_239 = arith.constant 0 : index
    %swap3A_240 = vector.load %arg2[%swap3A_238, %swap3A_239] : memref<16384x128xf32, #tpu.memory_space<vmem>>, vector<128x128xf32>
    tpu.vector_store %arg2[%swap3A_238, %swap3A_239], %transpose3A_237 {strides = array<i32>} : memref<16384x128xf32, #tpu.memory_space<vmem>>, vector<128x128xf32>,
    %slice3A_241 = vector.extract_strided_slice %get3A_1 {offsets = [0, 13824], sizes = [32, 128], strides = [1, 1]} : vector<32x65536xf32> to vector<32x128xf32>
    %slice3A_242 = vector.extract_strided_slice %get3A_1 {offsets = [0, 13952], sizes = [32, 128], strides = [1, 1]} : vector<32x65536xf32> to vector<32x128xf32>
    %slice3A_243 = vector.extract_strided_slice %get3A_1 {offsets = [0, 14080], sizes = [32, 128], strides = [1, 1]} : vector<32x65536xf32> to vector<32x128xf32>
    %slice3A_244 = vector.extract_strided_slice %get3A_1 {offsets = [0, 14208], sizes = [32, 128], strides = [1, 1]} : vector<32x65536xf32> to vector<32x128xf32>
    %concatenate3A_245 = tpu.concatenate %slice3A_241, %slice3A_242, %slice3A_243, %slice3A_244 in 0 : vector<32x128xf32>, vector<32x128xf32>, vector<32x128xf32>, vector<32x128xf32> -> vector<128x128xf32>
    %transpose3A_246 = tpu.transpose %concatenate3A_245, [1, 0] : vector<128x128xf32> -> vector<128x128xf32>
    %swap3A_247 = arith.constant 3456 : index
    %swap3A_248 = arith.constant 0 : index
    %swap3A_249 = vector.load %arg2[%swap3A_247, %swap3A_248] : memref<16384x128xf32, #tpu.memory_space<vmem>>, vector<128x128xf32>
    tpu.vector_store %arg2[%swap3A_247, %swap3A_248], %transpose3A_246 {strides = array<i32>} : memref<16384x128xf32, #tpu.memory_space<vmem>>, vector<128x128xf32>,
    %slice3A_250 = vector.extract_strided_slice %get3A_1 {offsets = [0, 14336], sizes = [32, 128], strides = [1, 1]} : vector<32x65536xf32> to vector<32x128xf32>
    %slice3A_251 = vector.extract_strided_slice %get3A_1 {offsets = [0, 14464], sizes = [32, 128], strides = [1, 1]} : vector<32x65536xf32> to vector<32x128xf32>
    %slice3A_252 = vector.extract_strided_slice %get3A_1 {offsets = [0, 14592], sizes = [32, 128], strides = [1, 1]} : vector<32x65536xf32> to vector<32x128xf32>
    %slice3A_253 = vector.extract_strided_slice %get3A_1 {offsets = [0, 14720], sizes = [32, 128], strides = [1, 1]} : vector<32x65536xf32> to vector<32x128xf32>
    %concatenate3A_254 = tpu.concatenate %slice3A_250, %slice3A_251, %slice3A_252, %slice3A_253 in 0 : vector<32x128xf32>, vector<32x128xf32>, vector<32x128xf32>, vector<32x128xf32> -> vector<128x128xf32>
    %transpose3A_255 = tpu.transpose %concatenate3A_254, [1, 0] : vector<128x128xf32> -> vector<128x128xf32>
    %swap3A_256 = arith.constant 3584 : index
    %swap3A_257 = arith.constant 0 : index
    %swap3A_258 = vector.load %arg2[%swap3A_256, %swap3A_257] : memref<16384x128xf32, #tpu.memory_space<vmem>>, vector<128x128xf32>
    tpu.vector_store %arg2[%swap3A_256, %swap3A_257], %transpose3A_255 {strides = array<i32>} : memref<16384x128xf32, #tpu.memory_space<vmem>>, vector<128x128xf32>,
    %slice3A_259 = vector.extract_strided_slice %get3A_1 {offsets = [0, 14848], sizes = [32, 128], strides = [1, 1]} : vector<32x65536xf32> to vector<32x128xf32>
    %slice3A_260 = vector.extract_strided_slice %get3A_1 {offsets = [0, 14976], sizes = [32, 128], strides = [1, 1]} : vector<32x65536xf32> to vector<32x128xf32>
    %slice3A_261 = vector.extract_strided_slice %get3A_1 {offsets = [0, 15104], sizes = [32, 128], strides = [1, 1]} : vector<32x65536xf32> to vector<32x128xf32>
    %slice3A_262 = vector.extract_strided_slice %get3A_1 {offsets = [0, 15232], sizes = [32, 128], strides = [1, 1]} : vector<32x65536xf32> to vector<32x128xf32>
    %concatenate3A_263 = tpu.concatenate %slice3A_259, %slice3A_260, %slice3A_261, %slice3A_262 in 0 : vector<32x128xf32>, vector<32x128xf32>, vector<32x128xf32>, vector<32x128xf32> -> vector<128x128xf32>
    %transpose3A_264 = tpu.transpose %concatenate3A_263, [1, 0] : vector<128x128xf32> -> vector<128x128xf32>
    %swap3A_265 = arith.constant 3712 : index
    %swap3A_266 = arith.constant 0 : index
    %swap3A_267 = vector.load %arg2[%swap3A_265, %swap3A_266] : memref<16384x128xf32, #tpu.memory_space<vmem>>, vector<128x128xf32>
    tpu.vector_store %arg2[%swap3A_265, %swap3A_266], %transpose3A_264 {strides = array<i32>} : memref<16384x128xf32, #tpu.memory_space<vmem>>, vector<128x128xf32>,
    %slice3A_268 = vector.extract_strided_slice %get3A_1 {offsets = [0, 15360], sizes = [32, 128], strides = [1, 1]} : vector<32x65536xf32> to vector<32x128xf32>
    %slice3A_269 = vector.extract_strided_slice %get3A_1 {offsets = [0, 15488], sizes = [32, 128], strides = [1, 1]} : vector<32x65536xf32> to vector<32x128xf32>
    %slice3A_270 = vector.extract_strided_slice %get3A_1 {offsets = [0, 15616], sizes = [32, 128], strides = [1, 1]} : vector<32x65536xf32> to vector<32x128xf32>
    %slice3A_271 = vector.extract_strided_slice %get3A_1 {offsets = [0, 15744], sizes = [32, 128], strides = [1, 1]} : vector<32x65536xf32> to vector<32x128xf32>
    %concatenate3A_272 = tpu.concatenate %slice3A_268, %slice3A_269, %slice3A_270, %slice3A_271 in 0 : vector<32x128xf32>, vector<32x128xf32>, vector<32x128xf32>, vector<32x128xf32> -> vector<128x128xf32>
    %transpose3A_273 = tpu.transpose %concatenate3A_272, [1, 0] : vector<128x128xf32> -> vector<128x128xf32>
    %swap3A_274 = arith.constant 3840 : index
    %swap3A_275 = arith.constant 0 : index
    %swap3A_276 = vector.load %arg2[%swap3A_274, %swap3A_275] : memref<16384x128xf32, #tpu.memory_space<vmem>>, vector<128x128xf32>
    tpu.vector_store %arg2[%swap3A_274, %swap3A_275], %transpose3A_273 {strides = array<i32>} : memref<16384x128xf32, #tpu.memory_space<vmem>>, vector<128x128xf32>,
    %slice3A_277 = vector.extract_strided_slice %get3A_1 {offsets = [0, 15872], sizes = [32, 128], strides = [1, 1]} : vector<32x65536xf32> to vector<32x128xf32>
    %slice3A_278 = vector.extract_strided_slice %get3A_1 {offsets = [0, 16000], sizes = [32, 128], strides = [1, 1]} : vector<32x65536xf32> to vector<32x128xf32>
    %slice3A_279 = vector.extract_strided_slice %get3A_1 {offsets = [0, 16128], sizes = [32, 128], strides = [1, 1]} : vector<32x65536xf32> to vector<32x128xf32>
    %slice3A_280 = vector.extract_strided_slice %get3A_1 {offsets = [0, 16256], sizes = [32, 128], strides = [1, 1]} : vector<32x65536xf32> to vector<32x128xf32>
    %concatenate3A_281 = tpu.concatenate %slice3A_277, %slice3A_278, %slice3A_279, %slice3A_280 in 0 : vector<32x128xf32>, vector<32x128xf32>, vector<32x128xf32>, vector<32x128xf32> -> vector<128x128xf32>
    %transpose3A_282 = tpu.transpose %concatenate3A_281, [1, 0] : vector<128x128xf32> -> vector<128x128xf32>
    %swap3A_283 = arith.constant 3968 : index
    %swap3A_284 = arith.constant 0 : index
    %swap3A_285 = vector.load %arg2[%swap3A_283, %swap3A_284] : memref<16384x128xf32, #tpu.memory_space<vmem>>, vector<128x128xf32>
    tpu.vector_store %arg2[%swap3A_283, %swap3A_284], %transpose3A_282 {strides = array<i32>} : memref<16384x128xf32, #tpu.memory_space<vmem>>, vector<128x128xf32>,
    %slice3A_286 = vector.extract_strided_slice %get3A_1 {offsets = [0, 16384], sizes = [32, 128], strides = [1, 1]} : vector<32x65536xf32> to vector<32x128xf32>
    %slice3A_287 = vector.extract_strided_slice %get3A_1 {offsets = [0, 16512], sizes = [32, 128], strides = [1, 1]} : vector<32x65536xf32> to vector<32x128xf32>
    %slice3A_288 = vector.extract_strided_slice %get3A_1 {offsets = [0, 16640], sizes = [32, 128], strides = [1, 1]} : vector<32x65536xf32> to vector<32x128xf32>
    %slice3A_289 = vector.extract_strided_slice %get3A_1 {offsets = [0, 16768], sizes = [32, 128], strides = [1, 1]} : vector<32x65536xf32> to vector<32x128xf32>
    %concatenate3A_290 = tpu.concatenate %slice3A_286, %slice3A_287, %slice3A_288, %slice3A_289 in 0 : vector<32x128xf32>, vector<32x128xf32>, vector<32x128xf32>, vector<32x128xf32> -> vector<128x128xf32>
    %transpose3A_291 = tpu.transpose %concatenate3A_290, [1, 0] : vector<128x128xf32> -> vector<128x128xf32>
    %swap3A_292 = arith.constant 4096 : index
    %swap3A_293 = arith.constant 0 : index
    %swap3A_294 = vector.load %arg2[%swap3A_292, %swap3A_293] : memref<16384x128xf32, #tpu.memory_space<vmem>>, vector<128x128xf32>
    tpu.vector_store %arg2[%swap3A_292, %swap3A_293], %transpose3A_291 {strides = array<i32>} : memref<16384x128xf32, #tpu.memory_space<vmem>>, vector<128x128xf32>,
    %slice3A_295 = vector.extract_strided_slice %get3A_1 {offsets = [0, 16896], sizes = [32, 128], strides = [1, 1]} : vector<32x65536xf32> to vector<32x128xf32>
    %slice3A_296 = vector.extract_strided_slice %get3A_1 {offsets = [0, 17024], sizes = [32, 128], strides = [1, 1]} : vector<32x65536xf32> to vector<32x128xf32>
    %slice3A_297 = vector.extract_strided_slice %get3A_1 {offsets = [0, 17152], sizes = [32, 128], strides = [1, 1]} : vector<32x65536xf32> to vector<32x128xf32>
    %slice3A_298 = vector.extract_strided_slice %get3A_1 {offsets = [0, 17280], sizes = [32, 128], strides = [1, 1]} : vector<32x65536xf32> to vector<32x128xf32>
    %concatenate3A_299 = tpu.concatenate %slice3A_295, %slice3A_296, %slice3A_297, %slice3A_298 in 0 : vector<32x128xf32>, vector<32x128xf32>, vector<32x128xf32>, vector<32x128xf32> -> vector<128x128xf32>
    %transpose3A_300 = tpu.transpose %concatenate3A_299, [1, 0] : vector<128x128xf32> -> vector<128x128xf32>
    %swap3A_301 = arith.constant 4224 : index
    %swap3A_302 = arith.constant 0 : index
    %swap3A_303 = vector.load %arg2[%swap3A_301, %swap3A_302] : memref<16384x128xf32, #tpu.memory_space<vmem>>, vector<128x128xf32>
    tpu.vector_store %arg2[%swap3A_301, %swap3A_302], %transpose3A_300 {strides = array<i32>} : memref<16384x128xf32, #tpu.memory_space<vmem>>, vector<128x128xf32>,
    %slice3A_304 = vector.extract_strided_slice %get3A_1 {offsets = [0, 17408], sizes = [32, 128], strides = [1, 1]} : vector<32x65536xf32> to vector<32x128xf32>
    %slice3A_305 = vector.extract_strided_slice %get3A_1 {offsets = [0, 17536], sizes = [32, 128], strides = [1, 1]} : vector<32x65536xf32> to vector<32x128xf32>
    %slice3A_306 = vector.extract_strided_slice %get3A_1 {offsets = [0, 17664], sizes = [32, 128], strides = [1, 1]} : vector<32x65536xf32> to vector<32x128xf32>
    %slice3A_307 = vector.extract_strided_slice %get3A_1 {offsets = [0, 17792], sizes = [32, 128], strides = [1, 1]} : vector<32x65536xf32> to vector<32x128xf32>
    %concatenate3A_308 = tpu.concatenate %slice3A_304, %slice3A_305, %slice3A_306, %slice3A_307 in 0 : vector<32x128xf32>, vector<32x128xf32>, vector<32x128xf32>, vector<32x128xf32> -> vector<128x128xf32>
    %transpose3A_309 = tpu.transpose %concatenate3A_308, [1, 0] : vector<128x128xf32> -> vector<128x128xf32>
    %swap3A_310 = arith.constant 4352 : index
    %swap3A_311 = arith.constant 0 : index
    %swap3A_312 = vector.load %arg2[%swap3A_310, %swap3A_311] : memref<16384x128xf32, #tpu.memory_space<vmem>>, vector<128x128xf32>
    tpu.vector_store %arg2[%swap3A_310, %swap3A_311], %transpose3A_309 {strides = array<i32>} : memref<16384x128xf32, #tpu.memory_space<vmem>>, vector<128x128xf32>,
    %slice3A_313 = vector.extract_strided_slice %get3A_1 {offsets = [0, 17920], sizes = [32, 128], strides = [1, 1]} : vector<32x65536xf32> to vector<32x128xf32>
    %slice3A_314 = vector.extract_strided_slice %get3A_1 {offsets = [0, 18048], sizes = [32, 128], strides = [1, 1]} : vector<32x65536xf32> to vector<32x128xf32>
    %slice3A_315 = vector.extract_strided_slice %get3A_1 {offsets = [0, 18176], sizes = [32, 128], strides = [1, 1]} : vector<32x65536xf32> to vector<32x128xf32>
    %slice3A_316 = vector.extract_strided_slice %get3A_1 {offsets = [0, 18304], sizes = [32, 128], strides = [1, 1]} : vector<32x65536xf32> to vector<32x128xf32>
    %concatenate3A_317 = tpu.concatenate %slice3A_313, %slice3A_314, %slice3A_315, %slice3A_316 in 0 : vector<32x128xf32>, vector<32x128xf32>, vector<32x128xf32>, vector<32x128xf32> -> vector<128x128xf32>
    %transpose3A_318 = tpu.transpose %concatenate3A_317, [1, 0] : vector<128x128xf32> -> vector<128x128xf32>
    %swap3A_319 = arith.constant 4480 : index
    %swap3A_320 = arith.constant 0 : index
    %swap3A_321 = vector.load %arg2[%swap3A_319, %swap3A_320] : memref<16384x128xf32, #tpu.memory_space<vmem>>, vector<128x128xf32>
    tpu.vector_store %arg2[%swap3A_319, %swap3A_320], %transpose3A_318 {strides = array<i32>} : memref<16384x128xf32, #tpu.memory_space<vmem>>, vector<128x128xf32>,
    %slice3A_322 = vector.extract_strided_slice %get3A_1 {offsets = [0, 18432], sizes = [32, 128], strides = [1, 1]} : vector<32x65536xf32> to vector<32x128xf32>
    %slice3A_323 = vector.extract_strided_slice %get3A_1 {offsets = [0, 18560], sizes = [32, 128], strides = [1, 1]} : vector<32x65536xf32> to vector<32x128xf32>
    %slice3A_324 = vector.extract_strided_slice %get3A_1 {offsets = [0, 18688], sizes = [32, 128], strides = [1, 1]} : vector<32x65536xf32> to vector<32x128xf32>
    %slice3A_325 = vector.extract_strided_slice %get3A_1 {offsets = [0, 18816], sizes = [32, 128], strides = [1, 1]} : vector<32x65536xf32> to vector<32x128xf32>
    %concatenate3A_326 = tpu.concatenate %slice3A_322, %slice3A_323, %slice3A_324, %slice3A_325 in 0 : vector<32x128xf32>, vector<32x128xf32>, vector<32x128xf32>, vector<32x128xf32> -> vector<128x128xf32>
    %transpose3A_327 = tpu.transpose %concatenate3A_326, [1, 0] : vector<128x128xf32> -> vector<128x128xf32>
    %swap3A_328 = arith.constant 4608 : index
    %swap3A_329 = arith.constant 0 : index
    %swap3A_330 = vector.load %arg2[%swap3A_328, %swap3A_329] : memref<16384x128xf32, #tpu.memory_space<vmem>>, vector<128x128xf32>
    tpu.vector_store %arg2[%swap3A_328, %swap3A_329], %transpose3A_327 {strides = array<i32>} : memref<16384x128xf32, #tpu.memory_space<vmem>>, vector<128x128xf32>,
    %slice3A_331 = vector.extract_strided_slice %get3A_1 {offsets = [0, 18944], sizes = [32, 128], strides = [1, 1]} : vector<32x65536xf32> to vector<32x128xf32>
    %slice3A_332 = vector.extract_strided_slice %get3A_1 {offsets = [0, 19072], sizes = [32, 128], strides = [1, 1]} : vector<32x65536xf32> to vector<32x128xf32>
    %slice3A_333 = vector.extract_strided_slice %get3A_1 {offsets = [0, 19200], sizes = [32, 128], strides = [1, 1]} : vector<32x65536xf32> to vector<32x128xf32>
    %slice3A_334 = vector.extract_strided_slice %get3A_1 {offsets = [0, 19328], sizes = [32, 128], strides = [1, 1]} : vector<32x65536xf32> to vector<32x128xf32>
    %concatenate3A_335 = tpu.concatenate %slice3A_331, %slice3A_332, %slice3A_333, %slice3A_334 in 0 : vector<32x128xf32>, vector<32x128xf32>, vector<32x128xf32>, vector<32x128xf32> -> vector<128x128xf32>
    %transpose3A_336 = tpu.transpose %concatenate3A_335, [1, 0] : vector<128x128xf32> -> vector<128x128xf32>
    %swap3A_337 = arith.constant 4736 : index
    %swap3A_338 = arith.constant 0 : index
    %swap3A_339 = vector.load %arg2[%swap3A_337, %swap3A_338] : memref<16384x128xf32, #tpu.memory_space<vmem>>, vector<128x128xf32>
    tpu.vector_store %arg2[%swap3A_337, %swap3A_338], %transpose3A_336 {strides = array<i32>} : memref<16384x128xf32, #tpu.memory_space<vmem>>, vector<128x128xf32>,
    %slice3A_340 = vector.extract_strided_slice %get3A_1 {offsets = [0, 19456], sizes = [32, 128], strides = [1, 1]} : vector<32x65536xf32> to vector<32x128xf32>
    %slice3A_341 = vector.extract_strided_slice %get3A_1 {offsets = [0, 19584], sizes = [32, 128], strides = [1, 1]} : vector<32x65536xf32> to vector<32x128xf32>
    %slice3A_342 = vector.extract_strided_slice %get3A_1 {offsets = [0, 19712], sizes = [32, 128], strides = [1, 1]} : vector<32x65536xf32> to vector<32x128xf32>
    %slice3A_343 = vector.extract_strided_slice %get3A_1 {offsets = [0, 19840], sizes = [32, 128], strides = [1, 1]} : vector<32x65536xf32> to vector<32x128xf32>
    %concatenate3A_344 = tpu.concatenate %slice3A_340, %slice3A_341, %slice3A_342, %slice3A_343 in 0 : vector<32x128xf32>, vector<32x128xf32>, vector<32x128xf32>, vector<32x128xf32> -> vector<128x128xf32>
    %transpose3A_345 = tpu.transpose %concatenate3A_344, [1, 0] : vector<128x128xf32> -> vector<128x128xf32>
    %swap3A_346 = arith.constant 4864 : index
    %swap3A_347 = arith.constant 0 : index
    %swap3A_348 = vector.load %arg2[%swap3A_346, %swap3A_347] : memref<16384x128xf32, #tpu.memory_space<vmem>>, vector<128x128xf32>
    tpu.vector_store %arg2[%swap3A_346, %swap3A_347], %transpose3A_345 {strides = array<i32>} : memref<16384x128xf32, #tpu.memory_space<vmem>>, vector<128x128xf32>,
    %slice3A_349 = vector.extract_strided_slice %get3A_1 {offsets = [0, 19968], sizes = [32, 128], strides = [1, 1]} : vector<32x65536xf32> to vector<32x128xf32>
    %slice3A_350 = vector.extract_strided_slice %get3A_1 {offsets = [0, 20096], sizes = [32, 128], strides = [1, 1]} : vector<32x65536xf32> to vector<32x128xf32>
    %slice3A_351 = vector.extract_strided_slice %get3A_1 {offsets = [0, 20224], sizes = [32, 128], strides = [1, 1]} : vector<32x65536xf32> to vector<32x128xf32>
    %slice3A_352 = vector.extract_strided_slice %get3A_1 {offsets = [0, 20352], sizes = [32, 128], strides = [1, 1]} : vector<32x65536xf32> to vector<32x128xf32>
    %concatenate3A_353 = tpu.concatenate %slice3A_349, %slice3A_350, %slice3A_351, %slice3A_352 in 0 : vector<32x128xf32>, vector<32x128xf32>, vector<32x128xf32>, vector<32x128xf32> -> vector<128x128xf32>
    %transpose3A_354 = tpu.transpose %concatenate3A_353, [1, 0] : vector<128x128xf32> -> vector<128x128xf32>
    %swap3A_355 = arith.constant 4992 : index
    %swap3A_356 = arith.constant 0 : index
    %swap3A_357 = vector.load %arg2[%swap3A_355, %swap3A_356] : memref<16384x128xf32, #tpu.memory_space<vmem>>, vector<128x128xf32>
    tpu.vector_store %arg2[%swap3A_355, %swap3A_356], %transpose3A_354 {strides = array<i32>} : memref<16384x128xf32, #tpu.memory_space<vmem>>, vector<128x128xf32>,
    %slice3A_358 = vector.extract_strided_slice %get3A_1 {offsets = [0, 20480], sizes = [32, 128], strides = [1, 1]} : vector<32x65536xf32> to vector<32x128xf32>
    %slice3A_359 = vector.extract_strided_slice %get3A_1 {offsets = [0, 20608], sizes = [32, 128], strides = [1, 1]} : vector<32x65536xf32> to vector<32x128xf32>
    %slice3A_360 = vector.extract_strided_slice %get3A_1 {offsets = [0, 20736], sizes = [32, 128], strides = [1, 1]} : vector<32x65536xf32> to vector<32x128xf32>
    %slice3A_361 = vector.extract_strided_slice %get3A_1 {offsets = [0, 20864], sizes = [32, 128], strides = [1, 1]} : vector<32x65536xf32> to vector<32x128xf32>
    %concatenate3A_362 = tpu.concatenate %slice3A_358, %slice3A_359, %slice3A_360, %slice3A_361 in 0 : vector<32x128xf32>, vector<32x128xf32>, vector<32x128xf32>, vector<32x128xf32> -> vector<128x128xf32>
    %transpose3A_363 = tpu.transpose %concatenate3A_362, [1, 0] : vector<128x128xf32> -> vector<128x128xf32>
    %swap3A_364 = arith.constant 5120 : index
    %swap3A_365 = arith.constant 0 : index
    %swap3A_366 = vector.load %arg2[%swap3A_364, %swap3A_365] : memref<16384x128xf32, #tpu.memory_space<vmem>>, vector<128x128xf32>
    tpu.vector_store %arg2[%swap3A_364, %swap3A_365], %transpose3A_363 {strides = array<i32>} : memref<16384x128xf32, #tpu.memory_space<vmem>>, vector<128x128xf32>,
    %slice3A_367 = vector.extract_strided_slice %get3A_1 {offsets = [0, 20992], sizes = [32, 128], strides = [1, 1]} : vector<32x65536xf32> to vector<32x128xf32>
    %slice3A_368 = vector.extract_strided_slice %get3A_1 {offsets = [0, 21120], sizes = [32, 128], strides = [1, 1]} : vector<32x65536xf32> to vector<32x128xf32>
    %slice3A_369 = vector.extract_strided_slice %get3A_1 {offsets = [0, 21248], sizes = [32, 128], strides = [1, 1]} : vector<32x65536xf32> to vector<32x128xf32>
    %slice3A_370 = vector.extract_strided_slice %get3A_1 {offsets = [0, 21376], sizes = [32, 128], strides = [1, 1]} : vector<32x65536xf32> to vector<32x128xf32>
    %concatenate3A_371 = tpu.concatenate %slice3A_367, %slice3A_368, %slice3A_369, %slice3A_370 in 0 : vector<32x128xf32>, vector<32x128xf32>, vector<32x128xf32>, vector<32x128xf32> -> vector<128x128xf32>
    %transpose3A_372 = tpu.transpose %concatenate3A_371, [1, 0] : vector<128x128xf32> -> vector<128x128xf32>
    %swap3A_373 = arith.constant 5248 : index
    %swap3A_374 = arith.constant 0 : index
    %swap3A_375 = vector.load %arg2[%swap3A_373, %swap3A_374] : memref<16384x128xf32, #tpu.memory_space<vmem>>, vector<128x128xf32>
    tpu.vector_store %arg2[%swap3A_373, %swap3A_374], %transpose3A_372 {strides = array<i32>} : memref<16384x128xf32, #tpu.memory_space<vmem>>, vector<128x128xf32>,
    %slice3A_376 = vector.extract_strided_slice %get3A_1 {offsets = [0, 21504], sizes = [32, 128], strides = [1, 1]} : vector<32x65536xf32> to vector<32x128xf32>
    %slice3A_377 = vector.extract_strided_slice %get3A_1 {offsets = [0, 21632], sizes = [32, 128], strides = [1, 1]} : vector<32x65536xf32> to vector<32x128xf32>
    %slice3A_378 = vector.extract_strided_slice %get3A_1 {offsets = [0, 21760], sizes = [32, 128], strides = [1, 1]} : vector<32x65536xf32> to vector<32x128xf32>
    %slice3A_379 = vector.extract_strided_slice %get3A_1 {offsets = [0, 21888], sizes = [32, 128], strides = [1, 1]} : vector<32x65536xf32> to vector<32x128xf32>
    %concatenate3A_380 = tpu.concatenate %slice3A_376, %slice3A_377, %slice3A_378, %slice3A_379 in 0 : vector<32x128xf32>, vector<32x128xf32>, vector<32x128xf32>, vector<32x128xf32> -> vector<128x128xf32>
    %transpose3A_381 = tpu.transpose %concatenate3A_380, [1, 0] : vector<128x128xf32> -> vector<128x128xf32>
    %swap3A_382 = arith.constant 5376 : index
    %swap3A_383 = arith.constant 0 : index
    %swap3A_384 = vector.load %arg2[%swap3A_382, %swap3A_383] : memref<16384x128xf32, #tpu.memory_space<vmem>>, vector<128x128xf32>
    tpu.vector_store %arg2[%swap3A_382, %swap3A_383], %transpose3A_381 {strides = array<i32>} : memref<16384x128xf32, #tpu.memory_space<vmem>>, vector<128x128xf32>,
    %slice3A_385 = vector.extract_strided_slice %get3A_1 {offsets = [0, 22016], sizes = [32, 128], strides = [1, 1]} : vector<32x65536xf32> to vector<32x128xf32>
    %slice3A_386 = vector.extract_strided_slice %get3A_1 {offsets = [0, 22144], sizes = [32, 128], strides = [1, 1]} : vector<32x65536xf32> to vector<32x128xf32>
    %slice3A_387 = vector.extract_strided_slice %get3A_1 {offsets = [0, 22272], sizes = [32, 128], strides = [1, 1]} : vector<32x65536xf32> to vector<32x128xf32>
    %slice3A_388 = vector.extract_strided_slice %get3A_1 {offsets = [0, 22400], sizes = [32, 128], strides = [1, 1]} : vector<32x65536xf32> to vector<32x128xf32>
    %concatenate3A_389 = tpu.concatenate %slice3A_385, %slice3A_386, %slice3A_387, %slice3A_388 in 0 : vector<32x128xf32>, vector<32x128xf32>, vector<32x128xf32>, vector<32x128xf32> -> vector<128x128xf32>
    %transpose3A_390 = tpu.transpose %concatenate3A_389, [1, 0] : vector<128x128xf32> -> vector<128x128xf32>
    %swap3A_391 = arith.constant 5504 : index
    %swap3A_392 = arith.constant 0 : index
    %swap3A_393 = vector.load %arg2[%swap3A_391, %swap3A_392] : memref<16384x128xf32, #tpu.memory_space<vmem>>, vector<128x128xf32>
    tpu.vector_store %arg2[%swap3A_391, %swap3A_392], %transpose3A_390 {strides = array<i32>} : memref<16384x128xf32, #tpu.memory_space<vmem>>, vector<128x128xf32>,
    %slice3A_394 = vector.extract_strided_slice %get3A_1 {offsets = [0, 22528], sizes = [32, 128], strides = [1, 1]} : vector<32x65536xf32> to vector<32x128xf32>
    %slice3A_395 = vector.extract_strided_slice %get3A_1 {offsets = [0, 22656], sizes = [32, 128], strides = [1, 1]} : vector<32x65536xf32> to vector<32x128xf32>
    %slice3A_396 = vector.extract_strided_slice %get3A_1 {offsets = [0, 22784], sizes = [32, 128], strides = [1, 1]} : vector<32x65536xf32> to vector<32x128xf32>
    %slice3A_397 = vector.extract_strided_slice %get3A_1 {offsets = [0, 22912], sizes = [32, 128], strides = [1, 1]} : vector<32x65536xf32> to vector<32x128xf32>
    %concatenate3A_398 = tpu.concatenate %slice3A_394, %slice3A_395, %slice3A_396, %slice3A_397 in 0 : vector<32x128xf32>, vector<32x128xf32>, vector<32x128xf32>, vector<32x128xf32> -> vector<128x128xf32>
    %transpose3A_399 = tpu.transpose %concatenate3A_398, [1, 0] : vector<128x128xf32> -> vector<128x128xf32>
    %swap3A_400 = arith.constant 5632 : index
    %swap3A_401 = arith.constant 0 : index
    %swap3A_402 = vector.load %arg2[%swap3A_400, %swap3A_401] : memref<16384x128xf32, #tpu.memory_space<vmem>>, vector<128x128xf32>
    tpu.vector_store %arg2[%swap3A_400, %swap3A_401], %transpose3A_399 {strides = array<i32>} : memref<16384x128xf32, #tpu.memory_space<vmem>>, vector<128x128xf32>,
    %slice3A_403 = vector.extract_strided_slice %get3A_1 {offsets = [0, 23040], sizes = [32, 128], strides = [1, 1]} : vector<32x65536xf32> to vector<32x128xf32>
    %slice3A_404 = vector.extract_strided_slice %get3A_1 {offsets = [0, 23168], sizes = [32, 128], strides = [1, 1]} : vector<32x65536xf32> to vector<32x128xf32>
    %slice3A_405 = vector.extract_strided_slice %get3A_1 {offsets = [0, 23296], sizes = [32, 128], strides = [1, 1]} : vector<32x65536xf32> to vector<32x128xf32>
    %slice3A_406 = vector.extract_strided_slice %get3A_1 {offsets = [0, 23424], sizes = [32, 128], strides = [1, 1]} : vector<32x65536xf32> to vector<32x128xf32>
    %concatenate3A_407 = tpu.concatenate %slice3A_403, %slice3A_404, %slice3A_405, %slice3A_406 in 0 : vector<32x128xf32>, vector<32x128xf32>, vector<32x128xf32>, vector<32x128xf32> -> vector<128x128xf32>
    %transpose3A_408 = tpu.transpose %concatenate3A_407, [1, 0] : vector<128x128xf32> -> vector<128x128xf32>
    %swap3A_409 = arith.constant 5760 : index
    %swap3A_410 = arith.constant 0 : index
    %swap3A_411 = vector.load %arg2[%swap3A_409, %swap3A_410] : memref<16384x128xf32, #tpu.memory_space<vmem>>, vector<128x128xf32>
    tpu.vector_store %arg2[%swap3A_409, %swap3A_410], %transpose3A_408 {strides = array<i32>} : memref<16384x128xf32, #tpu.memory_space<vmem>>, vector<128x128xf32>,
    %slice3A_412 = vector.extract_strided_slice %get3A_1 {offsets = [0, 23552], sizes = [32, 128], strides = [1, 1]} : vector<32x65536xf32> to vector<32x128xf32>
    %slice3A_413 = vector.extract_strided_slice %get3A_1 {offsets = [0, 23680], sizes = [32, 128], strides = [1, 1]} : vector<32x65536xf32> to vector<32x128xf32>
    %slice3A_414 = vector.extract_strided_slice %get3A_1 {offsets = [0, 23808], sizes = [32, 128], strides = [1, 1]} : vector<32x65536xf32> to vector<32x128xf32>
    %slice3A_415 = vector.extract_strided_slice %get3A_1 {offsets = [0, 23936], sizes = [32, 128], strides = [1, 1]} : vector<32x65536xf32> to vector<32x128xf32>
    %concatenate3A_416 = tpu.concatenate %slice3A_412, %slice3A_413, %slice3A_414, %slice3A_415 in 0 : vector<32x128xf32>, vector<32x128xf32>, vector<32x128xf32>, vector<32x128xf32> -> vector<128x128xf32>
    %transpose3A_417 = tpu.transpose %concatenate3A_416, [1, 0] : vector<128x128xf32> -> vector<128x128xf32>
    %swap3A_418 = arith.constant 5888 : index
    %swap3A_419 = arith.constant 0 : index
    %swap3A_420 = vector.load %arg2[%swap3A_418, %swap3A_419] : memref<16384x128xf32, #tpu.memory_space<vmem>>, vector<128x128xf32>
    tpu.vector_store %arg2[%swap3A_418, %swap3A_419], %transpose3A_417 {strides = array<i32>} : memref<16384x128xf32, #tpu.memory_space<vmem>>, vector<128x128xf32>,
    %slice3A_421 = vector.extract_strided_slice %get3A_1 {offsets = [0, 24064], sizes = [32, 128], strides = [1, 1]} : vector<32x65536xf32> to vector<32x128xf32>
    %slice3A_422 = vector.extract_strided_slice %get3A_1 {offsets = [0, 24192], sizes = [32, 128], strides = [1, 1]} : vector<32x65536xf32> to vector<32x128xf32>
    %slice3A_423 = vector.extract_strided_slice %get3A_1 {offsets = [0, 24320], sizes = [32, 128], strides = [1, 1]} : vector<32x65536xf32> to vector<32x128xf32>
    %slice3A_424 = vector.extract_strided_slice %get3A_1 {offsets = [0, 24448], sizes = [32, 128], strides = [1, 1]} : vector<32x65536xf32> to vector<32x128xf32>
    %concatenate3A_425 = tpu.concatenate %slice3A_421, %slice3A_422, %slice3A_423, %slice3A_424 in 0 : vector<32x128xf32>, vector<32x128xf32>, vector<32x128xf32>, vector<32x128xf32> -> vector<128x128xf32>
    %transpose3A_426 = tpu.transpose %concatenate3A_425, [1, 0] : vector<128x128xf32> -> vector<128x128xf32>
    %swap3A_427 = arith.constant 6016 : index
    %swap3A_428 = arith.constant 0 : index
    %swap3A_429 = vector.load %arg2[%swap3A_427, %swap3A_428] : memref<16384x128xf32, #tpu.memory_space<vmem>>, vector<128x128xf32>
    tpu.vector_store %arg2[%swap3A_427, %swap3A_428], %transpose3A_426 {strides = array<i32>} : memref<16384x128xf32, #tpu.memory_space<vmem>>, vector<128x128xf32>,
    %slice3A_430 = vector.extract_strided_slice %get3A_1 {offsets = [0, 24576], sizes = [32, 128], strides = [1, 1]} : vector<32x65536xf32> to vector<32x128xf32>
    %slice3A_431 = vector.extract_strided_slice %get3A_1 {offsets = [0, 24704], sizes = [32, 128], strides = [1, 1]} : vector<32x65536xf32> to vector<32x128xf32>
    %slice3A_432 = vector.extract_strided_slice %get3A_1 {offsets = [0, 24832], sizes = [32, 128], strides = [1, 1]} : vector<32x65536xf32> to vector<32x128xf32>
    %slice3A_433 = vector.extract_strided_slice %get3A_1 {offsets = [0, 24960], sizes = [32, 128], strides = [1, 1]} : vector<32x65536xf32> to vector<32x128xf32>
    %concatenate3A_434 = tpu.concatenate %slice3A_430, %slice3A_431, %slice3A_432, %slice3A_433 in 0 : vector<32x128xf32>, vector<32x128xf32>, vector<32x128xf32>, vector<32x128xf32> -> vector<128x128xf32>
    %transpose3A_435 = tpu.transpose %concatenate3A_434, [1, 0] : vector<128x128xf32> -> vector<128x128xf32>
    %swap3A_436 = arith.constant 6144 : index
    %swap3A_437 = arith.constant 0 : index
    %swap3A_438 = vector.load %arg2[%swap3A_436, %swap3A_437] : memref<16384x128xf32, #tpu.memory_space<vmem>>, vector<128x128xf32>
    tpu.vector_store %arg2[%swap3A_436, %swap3A_437], %transpose3A_435 {strides = array<i32>} : memref<16384x128xf32, #tpu.memory_space<vmem>>, vector<128x128xf32>,
    %slice3A_439 = vector.extract_strided_slice %get3A_1 {offsets = [0, 25088], sizes = [32, 128], strides = [1, 1]} : vector<32x65536xf32> to vector<32x128xf32>
    %slice3A_440 = vector.extract_strided_slice %get3A_1 {offsets = [0, 25216], sizes = [32, 128], strides = [1, 1]} : vector<32x65536xf32> to vector<32x128xf32>
    %slice3A_441 = vector.extract_strided_slice %get3A_1 {offsets = [0, 25344], sizes = [32, 128], strides = [1, 1]} : vector<32x65536xf32> to vector<32x128xf32>
    %slice3A_442 = vector.extract_strided_slice %get3A_1 {offsets = [0, 25472], sizes = [32, 128], strides = [1, 1]} : vector<32x65536xf32> to vector<32x128xf32>
    %concatenate3A_443 = tpu.concatenate %slice3A_439, %slice3A_440, %slice3A_441, %slice3A_442 in 0 : vector<32x128xf32>, vector<32x128xf32>, vector<32x128xf32>, vector<32x128xf32> -> vector<128x128xf32>
    %transpose3A_444 = tpu.transpose %concatenate3A_443, [1, 0] : vector<128x128xf32> -> vector<128x128xf32>
    %swap3A_445 = arith.constant 6272 : index
    %swap3A_446 = arith.constant 0 : index
    %swap3A_447 = vector.load %arg2[%swap3A_445, %swap3A_446] : memref<16384x128xf32, #tpu.memory_space<vmem>>, vector<128x128xf32>
    tpu.vector_store %arg2[%swap3A_445, %swap3A_446], %transpose3A_444 {strides = array<i32>} : memref<16384x128xf32, #tpu.memory_space<vmem>>, vector<128x128xf32>,
    %slice3A_448 = vector.extract_strided_slice %get3A_1 {offsets = [0, 25600], sizes = [32, 128], strides = [1, 1]} : vector<32x65536xf32> to vector<32x128xf32>
    %slice3A_449 = vector.extract_strided_slice %get3A_1 {offsets = [0, 25728], sizes = [32, 128], strides = [1, 1]} : vector<32x65536xf32> to vector<32x128xf32>
    %slice3A_450 = vector.extract_strided_slice %get3A_1 {offsets = [0, 25856], sizes = [32, 128], strides = [1, 1]} : vector<32x65536xf32> to vector<32x128xf32>
    %slice3A_451 = vector.extract_strided_slice %get3A_1 {offsets = [0, 25984], sizes = [32, 128], strides = [1, 1]} : vector<32x65536xf32> to vector<32x128xf32>
    %concatenate3A_452 = tpu.concatenate %slice3A_448, %slice3A_449, %slice3A_450, %slice3A_451 in 0 : vector<32x128xf32>, vector<32x128xf32>, vector<32x128xf32>, vector<32x128xf32> -> vector<128x128xf32>
    %transpose3A_453 = tpu.transpose %concatenate3A_452, [1, 0] : vector<128x128xf32> -> vector<128x128xf32>
    %swap3A_454 = arith.constant 6400 : index
    %swap3A_455 = arith.constant 0 : index
    %swap3A_456 = vector.load %arg2[%swap3A_454, %swap3A_455] : memref<16384x128xf32, #tpu.memory_space<vmem>>, vector<128x128xf32>
    tpu.vector_store %arg2[%swap3A_454, %swap3A_455], %transpose3A_453 {strides = array<i32>} : memref<16384x128xf32, #tpu.memory_space<vmem>>, vector<128x128xf32>,
    %slice3A_457 = vector.extract_strided_slice %get3A_1 {offsets = [0, 26112], sizes = [32, 128], strides = [1, 1]} : vector<32x65536xf32> to vector<32x128xf32>
    %slice3A_458 = vector.extract_strided_slice %get3A_1 {offsets = [0, 26240], sizes = [32, 128], strides = [1, 1]} : vector<32x65536xf32> to vector<32x128xf32>
    %slice3A_459 = vector.extract_strided_slice %get3A_1 {offsets = [0, 26368], sizes = [32, 128], strides = [1, 1]} : vector<32x65536xf32> to vector<32x128xf32>
    %slice3A_460 = vector.extract_strided_slice %get3A_1 {offsets = [0, 26496], sizes = [32, 128], strides = [1, 1]} : vector<32x65536xf32> to vector<32x128xf32>
    %concatenate3A_461 = tpu.concatenate %slice3A_457, %slice3A_458, %slice3A_459, %slice3A_460 in 0 : vector<32x128xf32>, vector<32x128xf32>, vector<32x128xf32>, vector<32x128xf32> -> vector<128x128xf32>
    %transpose3A_462 = tpu.transpose %concatenate3A_461, [1, 0] : vector<128x128xf32> -> vector<128x128xf32>
    %swap3A_463 = arith.constant 6528 : index
    %swap3A_464 = arith.constant 0 : index
    %swap3A_465 = vector.load %arg2[%swap3A_463, %swap3A_464] : memref<16384x128xf32, #tpu.memory_space<vmem>>, vector<128x128xf32>
    tpu.vector_store %arg2[%swap3A_463, %swap3A_464], %transpose3A_462 {strides = array<i32>} : memref<16384x128xf32, #tpu.memory_space<vmem>>, vector<128x128xf32>,
    %slice3A_466 = vector.extract_strided_slice %get3A_1 {offsets = [0, 26624], sizes = [32, 128], strides = [1, 1]} : vector<32x65536xf32> to vector<32x128xf32>
    %slice3A_467 = vector.extract_strided_slice %get3A_1 {offsets = [0, 26752], sizes = [32, 128], strides = [1, 1]} : vector<32x65536xf32> to vector<32x128xf32>
    %slice3A_468 = vector.extract_strided_slice %get3A_1 {offsets = [0, 26880], sizes = [32, 128], strides = [1, 1]} : vector<32x65536xf32> to vector<32x128xf32>
    %slice3A_469 = vector.extract_strided_slice %get3A_1 {offsets = [0, 27008], sizes = [32, 128], strides = [1, 1]} : vector<32x65536xf32> to vector<32x128xf32>
    %concatenate3A_470 = tpu.concatenate %slice3A_466, %slice3A_467, %slice3A_468, %slice3A_469 in 0 : vector<32x128xf32>, vector<32x128xf32>, vector<32x128xf32>, vector<32x128xf32> -> vector<128x128xf32>
    %transpose3A_471 = tpu.transpose %concatenate3A_470, [1, 0] : vector<128x128xf32> -> vector<128x128xf32>
    %swap3A_472 = arith.constant 6656 : index
    %swap3A_473 = arith.constant 0 : index
    %swap3A_474 = vector.load %arg2[%swap3A_472, %swap3A_473] : memref<16384x128xf32, #tpu.memory_space<vmem>>, vector<128x128xf32>
    tpu.vector_store %arg2[%swap3A_472, %swap3A_473], %transpose3A_471 {strides = array<i32>} : memref<16384x128xf32, #tpu.memory_space<vmem>>, vector<128x128xf32>,
    %slice3A_475 = vector.extract_strided_slice %get3A_1 {offsets = [0, 27136], sizes = [32, 128], strides = [1, 1]} : vector<32x65536xf32> to vector<32x128xf32>
    %slice3A_476 = vector.extract_strided_slice %get3A_1 {offsets = [0, 27264], sizes = [32, 128], strides = [1, 1]} : vector<32x65536xf32> to vector<32x128xf32>
    %slice3A_477 = vector.extract_strided_slice %get3A_1 {offsets = [0, 27392], sizes = [32, 128], strides = [1, 1]} : vector<32x65536xf32> to vector<32x128xf32>
    %slice3A_478 = vector.extract_strided_slice %get3A_1 {offsets = [0, 27520], sizes = [32, 128], strides = [1, 1]} : vector<32x65536xf32> to vector<32x128xf32>
    %concatenate3A_479 = tpu.concatenate %slice3A_475, %slice3A_476, %slice3A_477, %slice3A_478 in 0 : vector<32x128xf32>, vector<32x128xf32>, vector<32x128xf32>, vector<32x128xf32> -> vector<128x128xf32>
    %transpose3A_480 = tpu.transpose %concatenate3A_479, [1, 0] : vector<128x128xf32> -> vector<128x128xf32>
    %swap3A_481 = arith.constant 6784 : index
    %swap3A_482 = arith.constant 0 : index
    %swap3A_483 = vector.load %arg2[%swap3A_481, %swap3A_482] : memref<16384x128xf32, #tpu.memory_space<vmem>>, vector<128x128xf32>
    tpu.vector_store %arg2[%swap3A_481, %swap3A_482], %transpose3A_480 {strides = array<i32>} : memref<16384x128xf32, #tpu.memory_space<vmem>>, vector<128x128xf32>,
    %slice3A_484 = vector.extract_strided_slice %get3A_1 {offsets = [0, 27648], sizes = [32, 128], strides = [1, 1]} : vector<32x65536xf32> to vector<32x128xf32>
    %slice3A_485 = vector.extract_strided_slice %get3A_1 {offsets = [0, 27776], sizes = [32, 128], strides = [1, 1]} : vector<32x65536xf32> to vector<32x128xf32>
    %slice3A_486 = vector.extract_strided_slice %get3A_1 {offsets = [0, 27904], sizes = [32, 128], strides = [1, 1]} : vector<32x65536xf32> to vector<32x128xf32>
    %slice3A_487 = vector.extract_strided_slice %get3A_1 {offsets = [0, 28032], sizes = [32, 128], strides = [1, 1]} : vector<32x65536xf32> to vector<32x128xf32>
    %concatenate3A_488 = tpu.concatenate %slice3A_484, %slice3A_485, %slice3A_486, %slice3A_487 in 0 : vector<32x128xf32>, vector<32x128xf32>, vector<32x128xf32>, vector<32x128xf32> -> vector<128x128xf32>
    %transpose3A_489 = tpu.transpose %concatenate3A_488, [1, 0] : vector<128x128xf32> -> vector<128x128xf32>
    %swap3A_490 = arith.constant 6912 : index
    %swap3A_491 = arith.constant 0 : index
    %swap3A_492 = vector.load %arg2[%swap3A_490, %swap3A_491] : memref<16384x128xf32, #tpu.memory_space<vmem>>, vector<128x128xf32>
    tpu.vector_store %arg2[%swap3A_490, %swap3A_491], %transpose3A_489 {strides = array<i32>} : memref<16384x128xf32, #tpu.memory_space<vmem>>, vector<128x128xf32>,
    %slice3A_493 = vector.extract_strided_slice %get3A_1 {offsets = [0, 28160], sizes = [32, 128], strides = [1, 1]} : vector<32x65536xf32> to vector<32x128xf32>
    %slice3A_494 = vector.extract_strided_slice %get3A_1 {offsets = [0, 28288], sizes = [32, 128], strides = [1, 1]} : vector<32x65536xf32> to vector<32x128xf32>
    %slice3A_495 = vector.extract_strided_slice %get3A_1 {offsets = [0, 28416], sizes = [32, 128], strides = [1, 1]} : vector<32x65536xf32> to vector<32x128xf32>
    %slice3A_496 = vector.extract_strided_slice %get3A_1 {offsets = [0, 28544], sizes = [32, 128], strides = [1, 1]} : vector<32x65536xf32> to vector<32x128xf32>
    %concatenate3A_497 = tpu.concatenate %slice3A_493, %slice3A_494, %slice3A_495, %slice3A_496 in 0 : vector<32x128xf32>, vector<32x128xf32>, vector<32x128xf32>, vector<32x128xf32> -> vector<128x128xf32>
    %transpose3A_498 = tpu.transpose %concatenate3A_497, [1, 0] : vector<128x128xf32> -> vector<128x128xf32>
    %swap3A_499 = arith.constant 7040 : index
    %swap3A_500 = arith.constant 0 : index
    %swap3A_501 = vector.load %arg2[%swap3A_499, %swap3A_500] : memref<16384x128xf32, #tpu.memory_space<vmem>>, vector<128x128xf32>
    tpu.vector_store %arg2[%swap3A_499, %swap3A_500], %transpose3A_498 {strides = array<i32>} : memref<16384x128xf32, #tpu.memory_space<vmem>>, vector<128x128xf32>,
    %slice3A_502 = vector.extract_strided_slice %get3A_1 {offsets = [0, 28672], sizes = [32, 128], strides = [1, 1]} : vector<32x65536xf32> to vector<32x128xf32>
    %slice3A_503 = vector.extract_strided_slice %get3A_1 {offsets = [0, 28800], sizes = [32, 128], strides = [1, 1]} : vector<32x65536xf32> to vector<32x128xf32>
    %slice3A_504 = vector.extract_strided_slice %get3A_1 {offsets = [0, 28928], sizes = [32, 128], strides = [1, 1]} : vector<32x65536xf32> to vector<32x128xf32>
    %slice3A_505 = vector.extract_strided_slice %get3A_1 {offsets = [0, 29056], sizes = [32, 128], strides = [1, 1]} : vector<32x65536xf32> to vector<32x128xf32>
    %concatenate3A_506 = tpu.concatenate %slice3A_502, %slice3A_503, %slice3A_504, %slice3A_505 in 0 : vector<32x128xf32>, vector<32x128xf32>, vector<32x128xf32>, vector<32x128xf32> -> vector<128x128xf32>
    %transpose3A_507 = tpu.transpose %concatenate3A_506, [1, 0] : vector<128x128xf32> -> vector<128x128xf32>
    %swap3A_508 = arith.constant 7168 : index
    %swap3A_509 = arith.constant 0 : index
    %swap3A_510 = vector.load %arg2[%swap3A_508, %swap3A_509] : memref<16384x128xf32, #tpu.memory_space<vmem>>, vector<128x128xf32>
    tpu.vector_store %arg2[%swap3A_508, %swap3A_509], %transpose3A_507 {strides = array<i32>} : memref<16384x128xf32, #tpu.memory_space<vmem>>, vector<128x128xf32>,
    %slice3A_511 = vector.extract_strided_slice %get3A_1 {offsets = [0, 29184], sizes = [32, 128], strides = [1, 1]} : vector<32x65536xf32> to vector<32x128xf32>
    %slice3A_512 = vector.extract_strided_slice %get3A_1 {offsets = [0, 29312], sizes = [32, 128], strides = [1, 1]} : vector<32x65536xf32> to vector<32x128xf32>
    %slice3A_513 = vector.extract_strided_slice %get3A_1 {offsets = [0, 29440], sizes = [32, 128], strides = [1, 1]} : vector<32x65536xf32> to vector<32x128xf32>
    %slice3A_514 = vector.extract_strided_slice %get3A_1 {offsets = [0, 29568], sizes = [32, 128], strides = [1, 1]} : vector<32x65536xf32> to vector<32x128xf32>
    %concatenate3A_515 = tpu.concatenate %slice3A_511, %slice3A_512, %slice3A_513, %slice3A_514 in 0 : vector<32x128xf32>, vector<32x128xf32>, vector<32x128xf32>, vector<32x128xf32> -> vector<128x128xf32>
    %transpose3A_516 = tpu.transpose %concatenate3A_515, [1, 0] : vector<128x128xf32> -> vector<128x128xf32>
    %swap3A_517 = arith.constant 7296 : index
    %swap3A_518 = arith.constant 0 : index
    %swap3A_519 = vector.load %arg2[%swap3A_517, %swap3A_518] : memref<16384x128xf32, #tpu.memory_space<vmem>>, vector<128x128xf32>
    tpu.vector_store %arg2[%swap3A_517, %swap3A_518], %transpose3A_516 {strides = array<i32>} : memref<16384x128xf32, #tpu.memory_space<vmem>>, vector<128x128xf32>,
    %slice3A_520 = vector.extract_strided_slice %get3A_1 {offsets = [0, 29696], sizes = [32, 128], strides = [1, 1]} : vector<32x65536xf32> to vector<32x128xf32>
    %slice3A_521 = vector.extract_strided_slice %get3A_1 {offsets = [0, 29824], sizes = [32, 128], strides = [1, 1]} : vector<32x65536xf32> to vector<32x128xf32>
    %slice3A_522 = vector.extract_strided_slice %get3A_1 {offsets = [0, 29952], sizes = [32, 128], strides = [1, 1]} : vector<32x65536xf32> to vector<32x128xf32>
    %slice3A_523 = vector.extract_strided_slice %get3A_1 {offsets = [0, 30080], sizes = [32, 128], strides = [1, 1]} : vector<32x65536xf32> to vector<32x128xf32>
    %concatenate3A_524 = tpu.concatenate %slice3A_520, %slice3A_521, %slice3A_522, %slice3A_523 in 0 : vector<32x128xf32>, vector<32x128xf32>, vector<32x128xf32>, vector<32x128xf32> -> vector<128x128xf32>
    %transpose3A_525 = tpu.transpose %concatenate3A_524, [1, 0] : vector<128x128xf32> -> vector<128x128xf32>
    %swap3A_526 = arith.constant 7424 : index
    %swap3A_527 = arith.constant 0 : index
    %swap3A_528 = vector.load %arg2[%swap3A_526, %swap3A_527] : memref<16384x128xf32, #tpu.memory_space<vmem>>, vector<128x128xf32>
    tpu.vector_store %arg2[%swap3A_526, %swap3A_527], %transpose3A_525 {strides = array<i32>} : memref<16384x128xf32, #tpu.memory_space<vmem>>, vector<128x128xf32>,
    %slice3A_529 = vector.extract_strided_slice %get3A_1 {offsets = [0, 30208], sizes = [32, 128], strides = [1, 1]} : vector<32x65536xf32> to vector<32x128xf32>
    %slice3A_530 = vector.extract_strided_slice %get3A_1 {offsets = [0, 30336], sizes = [32, 128], strides = [1, 1]} : vector<32x65536xf32> to vector<32x128xf32>
    %slice3A_531 = vector.extract_strided_slice %get3A_1 {offsets = [0, 30464], sizes = [32, 128], strides = [1, 1]} : vector<32x65536xf32> to vector<32x128xf32>
    %slice3A_532 = vector.extract_strided_slice %get3A_1 {offsets = [0, 30592], sizes = [32, 128], strides = [1, 1]} : vector<32x65536xf32> to vector<32x128xf32>
    %concatenate3A_533 = tpu.concatenate %slice3A_529, %slice3A_530, %slice3A_531, %slice3A_532 in 0 : vector<32x128xf32>, vector<32x128xf32>, vector<32x128xf32>, vector<32x128xf32> -> vector<128x128xf32>
    %transpose3A_534 = tpu.transpose %concatenate3A_533, [1, 0] : vector<128x128xf32> -> vector<128x128xf32>
    %swap3A_535 = arith.constant 7552 : index
    %swap3A_536 = arith.constant 0 : index
    %swap3A_537 = vector.load %arg2[%swap3A_535, %swap3A_536] : memref<16384x128xf32, #tpu.memory_space<vmem>>, vector<128x128xf32>
    tpu.vector_store %arg2[%swap3A_535, %swap3A_536], %transpose3A_534 {strides = array<i32>} : memref<16384x128xf32, #tpu.memory_space<vmem>>, vector<128x128xf32>,
    %slice3A_538 = vector.extract_strided_slice %get3A_1 {offsets = [0, 30720], sizes = [32, 128], strides = [1, 1]} : vector<32x65536xf32> to vector<32x128xf32>
    %slice3A_539 = vector.extract_strided_slice %get3A_1 {offsets = [0, 30848], sizes = [32, 128], strides = [1, 1]} : vector<32x65536xf32> to vector<32x128xf32>
    %slice3A_540 = vector.extract_strided_slice %get3A_1 {offsets = [0, 30976], sizes = [32, 128], strides = [1, 1]} : vector<32x65536xf32> to vector<32x128xf32>
    %slice3A_541 = vector.extract_strided_slice %get3A_1 {offsets = [0, 31104], sizes = [32, 128], strides = [1, 1]} : vector<32x65536xf32> to vector<32x128xf32>
    %concatenate3A_542 = tpu.concatenate %slice3A_538, %slice3A_539, %slice3A_540, %slice3A_541 in 0 : vector<32x128xf32>, vector<32x128xf32>, vector<32x128xf32>, vector<32x128xf32> -> vector<128x128xf32>
    %transpose3A_543 = tpu.transpose %concatenate3A_542, [1, 0] : vector<128x128xf32> -> vector<128x128xf32>
    %swap3A_544 = arith.constant 7680 : index
    %swap3A_545 = arith.constant 0 : index
    %swap3A_546 = vector.load %arg2[%swap3A_544, %swap3A_545] : memref<16384x128xf32, #tpu.memory_space<vmem>>, vector<128x128xf32>
    tpu.vector_store %arg2[%swap3A_544, %swap3A_545], %transpose3A_543 {strides = array<i32>} : memref<16384x128xf32, #tpu.memory_space<vmem>>, vector<128x128xf32>,
    %slice3A_547 = vector.extract_strided_slice %get3A_1 {offsets = [0, 31232], sizes = [32, 128], strides = [1, 1]} : vector<32x65536xf32> to vector<32x128xf32>
    %slice3A_548 = vector.extract_strided_slice %get3A_1 {offsets = [0, 31360], sizes = [32, 128], strides = [1, 1]} : vector<32x65536xf32> to vector<32x128xf32>
    %slice3A_549 = vector.extract_strided_slice %get3A_1 {offsets = [0, 31488], sizes = [32, 128], strides = [1, 1]} : vector<32x65536xf32> to vector<32x128xf32>
    %slice3A_550 = vector.extract_strided_slice %get3A_1 {offsets = [0, 31616], sizes = [32, 128], strides = [1, 1]} : vector<32x65536xf32> to vector<32x128xf32>
    %concatenate3A_551 = tpu.concatenate %slice3A_547, %slice3A_548, %slice3A_549, %slice3A_550 in 0 : vector<32x128xf32>, vector<32x128xf32>, vector<32x128xf32>, vector<32x128xf32> -> vector<128x128xf32>
    %transpose3A_552 = tpu.transpose %concatenate3A_551, [1, 0] : vector<128x128xf32> -> vector<128x128xf32>
    %swap3A_553 = arith.constant 7808 : index
    %swap3A_554 = arith.constant 0 : index
    %swap3A_555 = vector.load %arg2[%swap3A_553, %swap3A_554] : memref<16384x128xf32, #tpu.memory_space<vmem>>, vector<128x128xf32>
    tpu.vector_store %arg2[%swap3A_553, %swap3A_554], %transpose3A_552 {strides = array<i32>} : memref<16384x128xf32, #tpu.memory_space<vmem>>, vector<128x128xf32>,
    %slice3A_556 = vector.extract_strided_slice %get3A_1 {offsets = [0, 31744], sizes = [32, 128], strides = [1, 1]} : vector<32x65536xf32> to vector<32x128xf32>
    %slice3A_557 = vector.extract_strided_slice %get3A_1 {offsets = [0, 31872], sizes = [32, 128], strides = [1, 1]} : vector<32x65536xf32> to vector<32x128xf32>
    %slice3A_558 = vector.extract_strided_slice %get3A_1 {offsets = [0, 32000], sizes = [32, 128], strides = [1, 1]} : vector<32x65536xf32> to vector<32x128xf32>
    %slice3A_559 = vector.extract_strided_slice %get3A_1 {offsets = [0, 32128], sizes = [32, 128], strides = [1, 1]} : vector<32x65536xf32> to vector<32x128xf32>
    %concatenate3A_560 = tpu.concatenate %slice3A_556, %slice3A_557, %slice3A_558, %slice3A_559 in 0 : vector<32x128xf32>, vector<32x128xf32>, vector<32x128xf32>, vector<32x128xf32> -> vector<128x128xf32>
    %transpose3A_561 = tpu.transpose %concatenate3A_560, [1, 0] : vector<128x128xf32> -> vector<128x128xf32>
    %swap3A_562 = arith.constant 7936 : index
    %swap3A_563 = arith.constant 0 : index
    %swap3A_564 = vector.load %arg2[%swap3A_562, %swap3A_563] : memref<16384x128xf32, #tpu.memory_space<vmem>>, vector<128x128xf32>
    tpu.vector_store %arg2[%swap3A_562, %swap3A_563], %transpose3A_561 {strides = array<i32>} : memref<16384x128xf32, #tpu.memory_space<vmem>>, vector<128x128xf32>,
    %slice3A_565 = vector.extract_strided_slice %get3A_1 {offsets = [0, 32256], sizes = [32, 128], strides = [1, 1]} : vector<32x65536xf32> to vector<32x128xf32>
    %slice3A_566 = vector.extract_strided_slice %get3A_1 {offsets = [0, 32384], sizes = [32, 128], strides = [1, 1]} : vector<32x65536xf32> to vector<32x128xf32>
    %slice3A_567 = vector.extract_strided_slice %get3A_1 {offsets = [0, 32512], sizes = [32, 128], strides = [1, 1]} : vector<32x65536xf32> to vector<32x128xf32>
    %slice3A_568 = vector.extract_strided_slice %get3A_1 {offsets = [0, 32640], sizes = [32, 128], strides = [1, 1]} : vector<32x65536xf32> to vector<32x128xf32>
    %concatenate3A_569 = tpu.concatenate %slice3A_565, %slice3A_566, %slice3A_567, %slice3A_568 in 0 : vector<32x128xf32>, vector<32x128xf32>, vector<32x128xf32>, vector<32x128xf32> -> vector<128x128xf32>
    %transpose3A_570 = tpu.transpose %concatenate3A_569, [1, 0] : vector<128x128xf32> -> vector<128x128xf32>
    %swap3A_571 = arith.constant 8064 : index
    %swap3A_572 = arith.constant 0 : index
    %swap3A_573 = vector.load %arg2[%swap3A_571, %swap3A_572] : memref<16384x128xf32, #tpu.memory_space<vmem>>, vector<128x128xf32>
    tpu.vector_store %arg2[%swap3A_571, %swap3A_572], %transpose3A_570 {strides = array<i32>} : memref<16384x128xf32, #tpu.memory_space<vmem>>, vector<128x128xf32>,
    %slice3A_574 = vector.extract_strided_slice %get3A_1 {offsets = [0, 32768], sizes = [32, 128], strides = [1, 1]} : vector<32x65536xf32> to vector<32x128xf32>
    %slice3A_575 = vector.extract_strided_slice %get3A_1 {offsets = [0, 32896], sizes = [32, 128], strides = [1, 1]} : vector<32x65536xf32> to vector<32x128xf32>
    %slice3A_576 = vector.extract_strided_slice %get3A_1 {offsets = [0, 33024], sizes = [32, 128], strides = [1, 1]} : vector<32x65536xf32> to vector<32x128xf32>
    %slice3A_577 = vector.extract_strided_slice %get3A_1 {offsets = [0, 33152], sizes = [32, 128], strides = [1, 1]} : vector<32x65536xf32> to vector<32x128xf32>
    %concatenate3A_578 = tpu.concatenate %slice3A_574, %slice3A_575, %slice3A_576, %slice3A_577 in 0 : vector<32x128xf32>, vector<32x128xf32>, vector<32x128xf32>, vector<32x128xf32> -> vector<128x128xf32>
    %transpose3A_579 = tpu.transpose %concatenate3A_578, [1, 0] : vector<128x128xf32> -> vector<128x128xf32>
    %swap3A_580 = arith.constant 8192 : index
    %swap3A_581 = arith.constant 0 : index
    %swap3A_582 = vector.load %arg2[%swap3A_580, %swap3A_581] : memref<16384x128xf32, #tpu.memory_space<vmem>>, vector<128x128xf32>
    tpu.vector_store %arg2[%swap3A_580, %swap3A_581], %transpose3A_579 {strides = array<i32>} : memref<16384x128xf32, #tpu.memory_space<vmem>>, vector<128x128xf32>,
    %slice3A_583 = vector.extract_strided_slice %get3A_1 {offsets = [0, 33280], sizes = [32, 128], strides = [1, 1]} : vector<32x65536xf32> to vector<32x128xf32>
    %slice3A_584 = vector.extract_strided_slice %get3A_1 {offsets = [0, 33408], sizes = [32, 128], strides = [1, 1]} : vector<32x65536xf32> to vector<32x128xf32>
    %slice3A_585 = vector.extract_strided_slice %get3A_1 {offsets = [0, 33536], sizes = [32, 128], strides = [1, 1]} : vector<32x65536xf32> to vector<32x128xf32>
    %slice3A_586 = vector.extract_strided_slice %get3A_1 {offsets = [0, 33664], sizes = [32, 128], strides = [1, 1]} : vector<32x65536xf32> to vector<32x128xf32>
    %concatenate3A_587 = tpu.concatenate %slice3A_583, %slice3A_584, %slice3A_585, %slice3A_586 in 0 : vector<32x128xf32>, vector<32x128xf32>, vector<32x128xf32>, vector<32x128xf32> -> vector<128x128xf32>
    %transpose3A_588 = tpu.transpose %concatenate3A_587, [1, 0] : vector<128x128xf32> -> vector<128x128xf32>
    %swap3A_589 = arith.constant 8320 : index
    %swap3A_590 = arith.constant 0 : index
    %swap3A_591 = vector.load %arg2[%swap3A_589, %swap3A_590] : memref<16384x128xf32, #tpu.memory_space<vmem>>, vector<128x128xf32>
    tpu.vector_store %arg2[%swap3A_589, %swap3A_590], %transpose3A_588 {strides = array<i32>} : memref<16384x128xf32, #tpu.memory_space<vmem>>, vector<128x128xf32>,
    %slice3A_592 = vector.extract_strided_slice %get3A_1 {offsets = [0, 33792], sizes = [32, 128], strides = [1, 1]} : vector<32x65536xf32> to vector<32x128xf32>
    %slice3A_593 = vector.extract_strided_slice %get3A_1 {offsets = [0, 33920], sizes = [32, 128], strides = [1, 1]} : vector<32x65536xf32> to vector<32x128xf32>
    %slice3A_594 = vector.extract_strided_slice %get3A_1 {offsets = [0, 34048], sizes = [32, 128], strides = [1, 1]} : vector<32x65536xf32> to vector<32x128xf32>
    %slice3A_595 = vector.extract_strided_slice %get3A_1 {offsets = [0, 34176], sizes = [32, 128], strides = [1, 1]} : vector<32x65536xf32> to vector<32x128xf32>
    %concatenate3A_596 = tpu.concatenate %slice3A_592, %slice3A_593, %slice3A_594, %slice3A_595 in 0 : vector<32x128xf32>, vector<32x128xf32>, vector<32x128xf32>, vector<32x128xf32> -> vector<128x128xf32>
    %transpose3A_597 = tpu.transpose %concatenate3A_596, [1, 0] : vector<128x128xf32> -> vector<128x128xf32>
    %swap3A_598 = arith.constant 8448 : index
    %swap3A_599 = arith.constant 0 : index
    %swap3A_600 = vector.load %arg2[%swap3A_598, %swap3A_599] : memref<16384x128xf32, #tpu.memory_space<vmem>>, vector<128x128xf32>
    tpu.vector_store %arg2[%swap3A_598, %swap3A_599], %transpose3A_597 {strides = array<i32>} : memref<16384x128xf32, #tpu.memory_space<vmem>>, vector<128x128xf32>,
    %slice3A_601 = vector.extract_strided_slice %get3A_1 {offsets = [0, 34304], sizes = [32, 128], strides = [1, 1]} : vector<32x65536xf32> to vector<32x128xf32>
    %slice3A_602 = vector.extract_strided_slice %get3A_1 {offsets = [0, 34432], sizes = [32, 128], strides = [1, 1]} : vector<32x65536xf32> to vector<32x128xf32>
    %slice3A_603 = vector.extract_strided_slice %get3A_1 {offsets = [0, 34560], sizes = [32, 128], strides = [1, 1]} : vector<32x65536xf32> to vector<32x128xf32>
    %slice3A_604 = vector.extract_strided_slice %get3A_1 {offsets = [0, 34688], sizes = [32, 128], strides = [1, 1]} : vector<32x65536xf32> to vector<32x128xf32>
    %concatenate3A_605 = tpu.concatenate %slice3A_601, %slice3A_602, %slice3A_603, %slice3A_604 in 0 : vector<32x128xf32>, vector<32x128xf32>, vector<32x128xf32>, vector<32x128xf32> -> vector<128x128xf32>
    %transpose3A_606 = tpu.transpose %concatenate3A_605, [1, 0] : vector<128x128xf32> -> vector<128x128xf32>
    %swap3A_607 = arith.constant 8576 : index
    %swap3A_608 = arith.constant 0 : index
    %swap3A_609 = vector.load %arg2[%swap3A_607, %swap3A_608] : memref<16384x128xf32, #tpu.memory_space<vmem>>, vector<128x128xf32>
    tpu.vector_store %arg2[%swap3A_607, %swap3A_608], %transpose3A_606 {strides = array<i32>} : memref<16384x128xf32, #tpu.memory_space<vmem>>, vector<128x128xf32>,
    %slice3A_610 = vector.extract_strided_slice %get3A_1 {offsets = [0, 34816], sizes = [32, 128], strides = [1, 1]} : vector<32x65536xf32> to vector<32x128xf32>
    %slice3A_611 = vector.extract_strided_slice %get3A_1 {offsets = [0, 34944], sizes = [32, 128], strides = [1, 1]} : vector<32x65536xf32> to vector<32x128xf32>
    %slice3A_612 = vector.extract_strided_slice %get3A_1 {offsets = [0, 35072], sizes = [32, 128], strides = [1, 1]} : vector<32x65536xf32> to vector<32x128xf32>
    %slice3A_613 = vector.extract_strided_slice %get3A_1 {offsets = [0, 35200], sizes = [32, 128], strides = [1, 1]} : vector<32x65536xf32> to vector<32x128xf32>
    %concatenate3A_614 = tpu.concatenate %slice3A_610, %slice3A_611, %slice3A_612, %slice3A_613 in 0 : vector<32x128xf32>, vector<32x128xf32>, vector<32x128xf32>, vector<32x128xf32> -> vector<128x128xf32>
    %transpose3A_615 = tpu.transpose %concatenate3A_614, [1, 0] : vector<128x128xf32> -> vector<128x128xf32>
    %swap3A_616 = arith.constant 8704 : index
    %swap3A_617 = arith.constant 0 : index
    %swap3A_618 = vector.load %arg2[%swap3A_616, %swap3A_617] : memref<16384x128xf32, #tpu.memory_space<vmem>>, vector<128x128xf32>
    tpu.vector_store %arg2[%swap3A_616, %swap3A_617], %transpose3A_615 {strides = array<i32>} : memref<16384x128xf32, #tpu.memory_space<vmem>>, vector<128x128xf32>,
    %slice3A_619 = vector.extract_strided_slice %get3A_1 {offsets = [0, 35328], sizes = [32, 128], strides = [1, 1]} : vector<32x65536xf32> to vector<32x128xf32>
    %slice3A_620 = vector.extract_strided_slice %get3A_1 {offsets = [0, 35456], sizes = [32, 128], strides = [1, 1]} : vector<32x65536xf32> to vector<32x128xf32>
    %slice3A_621 = vector.extract_strided_slice %get3A_1 {offsets = [0, 35584], sizes = [32, 128], strides = [1, 1]} : vector<32x65536xf32> to vector<32x128xf32>
    %slice3A_622 = vector.extract_strided_slice %get3A_1 {offsets = [0, 35712], sizes = [32, 128], strides = [1, 1]} : vector<32x65536xf32> to vector<32x128xf32>
    %concatenate3A_623 = tpu.concatenate %slice3A_619, %slice3A_620, %slice3A_621, %slice3A_622 in 0 : vector<32x128xf32>, vector<32x128xf32>, vector<32x128xf32>, vector<32x128xf32> -> vector<128x128xf32>
    %transpose3A_624 = tpu.transpose %concatenate3A_623, [1, 0] : vector<128x128xf32> -> vector<128x128xf32>
    %swap3A_625 = arith.constant 8832 : index
    %swap3A_626 = arith.constant 0 : index
    %swap3A_627 = vector.load %arg2[%swap3A_625, %swap3A_626] : memref<16384x128xf32, #tpu.memory_space<vmem>>, vector<128x128xf32>
    tpu.vector_store %arg2[%swap3A_625, %swap3A_626], %transpose3A_624 {strides = array<i32>} : memref<16384x128xf32, #tpu.memory_space<vmem>>, vector<128x128xf32>,
    %slice3A_628 = vector.extract_strided_slice %get3A_1 {offsets = [0, 35840], sizes = [32, 128], strides = [1, 1]} : vector<32x65536xf32> to vector<32x128xf32>
    %slice3A_629 = vector.extract_strided_slice %get3A_1 {offsets = [0, 35968], sizes = [32, 128], strides = [1, 1]} : vector<32x65536xf32> to vector<32x128xf32>
    %slice3A_630 = vector.extract_strided_slice %get3A_1 {offsets = [0, 36096], sizes = [32, 128], strides = [1, 1]} : vector<32x65536xf32> to vector<32x128xf32>
    %slice3A_631 = vector.extract_strided_slice %get3A_1 {offsets = [0, 36224], sizes = [32, 128], strides = [1, 1]} : vector<32x65536xf32> to vector<32x128xf32>
    %concatenate3A_632 = tpu.concatenate %slice3A_628, %slice3A_629, %slice3A_630, %slice3A_631 in 0 : vector<32x128xf32>, vector<32x128xf32>, vector<32x128xf32>, vector<32x128xf32> -> vector<128x128xf32>
    %transpose3A_633 = tpu.transpose %concatenate3A_632, [1, 0] : vector<128x128xf32> -> vector<128x128xf32>
    %swap3A_634 = arith.constant 8960 : index
    %swap3A_635 = arith.constant 0 : index
    %swap3A_636 = vector.load %arg2[%swap3A_634, %swap3A_635] : memref<16384x128xf32, #tpu.memory_space<vmem>>, vector<128x128xf32>
    tpu.vector_store %arg2[%swap3A_634, %swap3A_635], %transpose3A_633 {strides = array<i32>} : memref<16384x128xf32, #tpu.memory_space<vmem>>, vector<128x128xf32>,
    %slice3A_637 = vector.extract_strided_slice %get3A_1 {offsets = [0, 36352], sizes = [32, 128], strides = [1, 1]} : vector<32x65536xf32> to vector<32x128xf32>
    %slice3A_638 = vector.extract_strided_slice %get3A_1 {offsets = [0, 36480], sizes = [32, 128], strides = [1, 1]} : vector<32x65536xf32> to vector<32x128xf32>
    %slice3A_639 = vector.extract_strided_slice %get3A_1 {offsets = [0, 36608], sizes = [32, 128], strides = [1, 1]} : vector<32x65536xf32> to vector<32x128xf32>
    %slice3A_640 = vector.extract_strided_slice %get3A_1 {offsets = [0, 36736], sizes = [32, 128], strides = [1, 1]} : vector<32x65536xf32> to vector<32x128xf32>
    %concatenate3A_641 = tpu.concatenate %slice3A_637, %slice3A_638, %slice3A_639, %slice3A_640 in 0 : vector<32x128xf32>, vector<32x128xf32>, vector<32x128xf32>, vector<32x128xf32> -> vector<128x128xf32>
    %transpose3A_642 = tpu.transpose %concatenate3A_641, [1, 0] : vector<128x128xf32> -> vector<128x128xf32>
    %swap3A_643 = arith.constant 9088 : index
    %swap3A_644 = arith.constant 0 : index
    %swap3A_645 = vector.load %arg2[%swap3A_643, %swap3A_644] : memref<16384x128xf32, #tpu.memory_space<vmem>>, vector<128x128xf32>
    tpu.vector_store %arg2[%swap3A_643, %swap3A_644], %transpose3A_642 {strides = array<i32>} : memref<16384x128xf32, #tpu.memory_space<vmem>>, vector<128x128xf32>,
    %slice3A_646 = vector.extract_strided_slice %get3A_1 {offsets = [0, 36864], sizes = [32, 128], strides = [1, 1]} : vector<32x65536xf32> to vector<32x128xf32>
    %slice3A_647 = vector.extract_strided_slice %get3A_1 {offsets = [0, 36992], sizes = [32, 128], strides = [1, 1]} : vector<32x65536xf32> to vector<32x128xf32>
    %slice3A_648 = vector.extract_strided_slice %get3A_1 {offsets = [0, 37120], sizes = [32, 128], strides = [1, 1]} : vector<32x65536xf32> to vector<32x128xf32>
    %slice3A_649 = vector.extract_strided_slice %get3A_1 {offsets = [0, 37248], sizes = [32, 128], strides = [1, 1]} : vector<32x65536xf32> to vector<32x128xf32>
    %concatenate3A_650 = tpu.concatenate %slice3A_646, %slice3A_647, %slice3A_648, %slice3A_649 in 0 : vector<32x128xf32>, vector<32x128xf32>, vector<32x128xf32>, vector<32x128xf32> -> vector<128x128xf32>
    %transpose3A_651 = tpu.transpose %concatenate3A_650, [1, 0] : vector<128x128xf32> -> vector<128x128xf32>
    %swap3A_652 = arith.constant 9216 : index
    %swap3A_653 = arith.constant 0 : index
    %swap3A_654 = vector.load %arg2[%swap3A_652, %swap3A_653] : memref<16384x128xf32, #tpu.memory_space<vmem>>, vector<128x128xf32>
    tpu.vector_store %arg2[%swap3A_652, %swap3A_653], %transpose3A_651 {strides = array<i32>} : memref<16384x128xf32, #tpu.memory_space<vmem>>, vector<128x128xf32>,
    %slice3A_655 = vector.extract_strided_slice %get3A_1 {offsets = [0, 37376], sizes = [32, 128], strides = [1, 1]} : vector<32x65536xf32> to vector<32x128xf32>
    %slice3A_656 = vector.extract_strided_slice %get3A_1 {offsets = [0, 37504], sizes = [32, 128], strides = [1, 1]} : vector<32x65536xf32> to vector<32x128xf32>
    %slice3A_657 = vector.extract_strided_slice %get3A_1 {offsets = [0, 37632], sizes = [32, 128], strides = [1, 1]} : vector<32x65536xf32> to vector<32x128xf32>
    %slice3A_658 = vector.extract_strided_slice %get3A_1 {offsets = [0, 37760], sizes = [32, 128], strides = [1, 1]} : vector<32x65536xf32> to vector<32x128xf32>
    %concatenate3A_659 = tpu.concatenate %slice3A_655, %slice3A_656, %slice3A_657, %slice3A_658 in 0 : vector<32x128xf32>, vector<32x128xf32>, vector<32x128xf32>, vector<32x128xf32> -> vector<128x128xf32>
    %transpose3A_660 = tpu.transpose %concatenate3A_659, [1, 0] : vector<128x128xf32> -> vector<128x128xf32>
    %swap3A_661 = arith.constant 9344 : index
    %swap3A_662 = arith.constant 0 : index
    %swap3A_663 = vector.load %arg2[%swap3A_661, %swap3A_662] : memref<16384x128xf32, #tpu.memory_space<vmem>>, vector<128x128xf32>
    tpu.vector_store %arg2[%swap3A_661, %swap3A_662], %transpose3A_660 {strides = array<i32>} : memref<16384x128xf32, #tpu.memory_space<vmem>>, vector<128x128xf32>,
    %slice3A_664 = vector.extract_strided_slice %get3A_1 {offsets = [0, 37888], sizes = [32, 128], strides = [1, 1]} : vector<32x65536xf32> to vector<32x128xf32>
    %slice3A_665 = vector.extract_strided_slice %get3A_1 {offsets = [0, 38016], sizes = [32, 128], strides = [1, 1]} : vector<32x65536xf32> to vector<32x128xf32>
    %slice3A_666 = vector.extract_strided_slice %get3A_1 {offsets = [0, 38144], sizes = [32, 128], strides = [1, 1]} : vector<32x65536xf32> to vector<32x128xf32>
    %slice3A_667 = vector.extract_strided_slice %get3A_1 {offsets = [0, 38272], sizes = [32, 128], strides = [1, 1]} : vector<32x65536xf32> to vector<32x128xf32>
    %concatenate3A_668 = tpu.concatenate %slice3A_664, %slice3A_665, %slice3A_666, %slice3A_667 in 0 : vector<32x128xf32>, vector<32x128xf32>, vector<32x128xf32>, vector<32x128xf32> -> vector<128x128xf32>
    %transpose3A_669 = tpu.transpose %concatenate3A_668, [1, 0] : vector<128x128xf32> -> vector<128x128xf32>
    %swap3A_670 = arith.constant 9472 : index
    %swap3A_671 = arith.constant 0 : index
    %swap3A_672 = vector.load %arg2[%swap3A_670, %swap3A_671] : memref<16384x128xf32, #tpu.memory_space<vmem>>, vector<128x128xf32>
    tpu.vector_store %arg2[%swap3A_670, %swap3A_671], %transpose3A_669 {strides = array<i32>} : memref<16384x128xf32, #tpu.memory_space<vmem>>, vector<128x128xf32>,
    %slice3A_673 = vector.extract_strided_slice %get3A_1 {offsets = [0, 38400], sizes = [32, 128], strides = [1, 1]} : vector<32x65536xf32> to vector<32x128xf32>
    %slice3A_674 = vector.extract_strided_slice %get3A_1 {offsets = [0, 38528], sizes = [32, 128], strides = [1, 1]} : vector<32x65536xf32> to vector<32x128xf32>
    %slice3A_675 = vector.extract_strided_slice %get3A_1 {offsets = [0, 38656], sizes = [32, 128], strides = [1, 1]} : vector<32x65536xf32> to vector<32x128xf32>
    %slice3A_676 = vector.extract_strided_slice %get3A_1 {offsets = [0, 38784], sizes = [32, 128], strides = [1, 1]} : vector<32x65536xf32> to vector<32x128xf32>
    %concatenate3A_677 = tpu.concatenate %slice3A_673, %slice3A_674, %slice3A_675, %slice3A_676 in 0 : vector<32x128xf32>, vector<32x128xf32>, vector<32x128xf32>, vector<32x128xf32> -> vector<128x128xf32>
    %transpose3A_678 = tpu.transpose %concatenate3A_677, [1, 0] : vector<128x128xf32> -> vector<128x128xf32>
    %swap3A_679 = arith.constant 9600 : index
    %swap3A_680 = arith.constant 0 : index
    %swap3A_681 = vector.load %arg2[%swap3A_679, %swap3A_680] : memref<16384x128xf32, #tpu.memory_space<vmem>>, vector<128x128xf32>
    tpu.vector_store %arg2[%swap3A_679, %swap3A_680], %transpose3A_678 {strides = array<i32>} : memref<16384x128xf32, #tpu.memory_space<vmem>>, vector<128x128xf32>,
    %slice3A_682 = vector.extract_strided_slice %get3A_1 {offsets = [0, 38912], sizes = [32, 128], strides = [1, 1]} : vector<32x65536xf32> to vector<32x128xf32>
    %slice3A_683 = vector.extract_strided_slice %get3A_1 {offsets = [0, 39040], sizes = [32, 128], strides = [1, 1]} : vector<32x65536xf32> to vector<32x128xf32>
    %slice3A_684 = vector.extract_strided_slice %get3A_1 {offsets = [0, 39168], sizes = [32, 128], strides = [1, 1]} : vector<32x65536xf32> to vector<32x128xf32>
    %slice3A_685 = vector.extract_strided_slice %get3A_1 {offsets = [0, 39296], sizes = [32, 128], strides = [1, 1]} : vector<32x65536xf32> to vector<32x128xf32>
    %concatenate3A_686 = tpu.concatenate %slice3A_682, %slice3A_683, %slice3A_684, %slice3A_685 in 0 : vector<32x128xf32>, vector<32x128xf32>, vector<32x128xf32>, vector<32x128xf32> -> vector<128x128xf32>
    %transpose3A_687 = tpu.transpose %concatenate3A_686, [1, 0] : vector<128x128xf32> -> vector<128x128xf32>
    %swap3A_688 = arith.constant 9728 : index
    %swap3A_689 = arith.constant 0 : index
    %swap3A_690 = vector.load %arg2[%swap3A_688, %swap3A_689] : memref<16384x128xf32, #tpu.memory_space<vmem>>, vector<128x128xf32>
    tpu.vector_store %arg2[%swap3A_688, %swap3A_689], %transpose3A_687 {strides = array<i32>} : memref<16384x128xf32, #tpu.memory_space<vmem>>, vector<128x128xf32>,
    %slice3A_691 = vector.extract_strided_slice %get3A_1 {offsets = [0, 39424], sizes = [32, 128], strides = [1, 1]} : vector<32x65536xf32> to vector<32x128xf32>
    %slice3A_692 = vector.extract_strided_slice %get3A_1 {offsets = [0, 39552], sizes = [32, 128], strides = [1, 1]} : vector<32x65536xf32> to vector<32x128xf32>
    %slice3A_693 = vector.extract_strided_slice %get3A_1 {offsets = [0, 39680], sizes = [32, 128], strides = [1, 1]} : vector<32x65536xf32> to vector<32x128xf32>
    %slice3A_694 = vector.extract_strided_slice %get3A_1 {offsets = [0, 39808], sizes = [32, 128], strides = [1, 1]} : vector<32x65536xf32> to vector<32x128xf32>
    %concatenate3A_695 = tpu.concatenate %slice3A_691, %slice3A_692, %slice3A_693, %slice3A_694 in 0 : vector<32x128xf32>, vector<32x128xf32>, vector<32x128xf32>, vector<32x128xf32> -> vector<128x128xf32>
    %transpose3A_696 = tpu.transpose %concatenate3A_695, [1, 0] : vector<128x128xf32> -> vector<128x128xf32>
    %swap3A_697 = arith.constant 9856 : index
    %swap3A_698 = arith.constant 0 : index
    %swap3A_699 = vector.load %arg2[%swap3A_697, %swap3A_698] : memref<16384x128xf32, #tpu.memory_space<vmem>>, vector<128x128xf32>
    tpu.vector_store %arg2[%swap3A_697, %swap3A_698], %transpose3A_696 {strides = array<i32>} : memref<16384x128xf32, #tpu.memory_space<vmem>>, vector<128x128xf32>,
    %slice3A_700 = vector.extract_strided_slice %get3A_1 {offsets = [0, 39936], sizes = [32, 128], strides = [1, 1]} : vector<32x65536xf32> to vector<32x128xf32>
    %slice3A_701 = vector.extract_strided_slice %get3A_1 {offsets = [0, 40064], sizes = [32, 128], strides = [1, 1]} : vector<32x65536xf32> to vector<32x128xf32>
    %slice3A_702 = vector.extract_strided_slice %get3A_1 {offsets = [0, 40192], sizes = [32, 128], strides = [1, 1]} : vector<32x65536xf32> to vector<32x128xf32>
    %slice3A_703 = vector.extract_strided_slice %get3A_1 {offsets = [0, 40320], sizes = [32, 128], strides = [1, 1]} : vector<32x65536xf32> to vector<32x128xf32>
    %concatenate3A_704 = tpu.concatenate %slice3A_700, %slice3A_701, %slice3A_702, %slice3A_703 in 0 : vector<32x128xf32>, vector<32x128xf32>, vector<32x128xf32>, vector<32x128xf32> -> vector<128x128xf32>
    %transpose3A_705 = tpu.transpose %concatenate3A_704, [1, 0] : vector<128x128xf32> -> vector<128x128xf32>
    %swap3A_706 = arith.constant 9984 : index
    %swap3A_707 = arith.constant 0 : index
    %swap3A_708 = vector.load %arg2[%swap3A_706, %swap3A_707] : memref<16384x128xf32, #tpu.memory_space<vmem>>, vector<128x128xf32>
    tpu.vector_store %arg2[%swap3A_706, %swap3A_707], %transpose3A_705 {strides = array<i32>} : memref<16384x128xf32, #tpu.memory_space<vmem>>, vector<128x128xf32>,
    %slice3A_709 = vector.extract_strided_slice %get3A_1 {offsets = [0, 40448], sizes = [32, 128], strides = [1, 1]} : vector<32x65536xf32> to vector<32x128xf32>
    %slice3A_710 = vector.extract_strided_slice %get3A_1 {offsets = [0, 40576], sizes = [32, 128], strides = [1, 1]} : vector<32x65536xf32> to vector<32x128xf32>
    %slice3A_711 = vector.extract_strided_slice %get3A_1 {offsets = [0, 40704], sizes = [32, 128], strides = [1, 1]} : vector<32x65536xf32> to vector<32x128xf32>
    %slice3A_712 = vector.extract_strided_slice %get3A_1 {offsets = [0, 40832], sizes = [32, 128], strides = [1, 1]} : vector<32x65536xf32> to vector<32x128xf32>
    %concatenate3A_713 = tpu.concatenate %slice3A_709, %slice3A_710, %slice3A_711, %slice3A_712 in 0 : vector<32x128xf32>, vector<32x128xf32>, vector<32x128xf32>, vector<32x128xf32> -> vector<128x128xf32>
    %transpose3A_714 = tpu.transpose %concatenate3A_713, [1, 0] : vector<128x128xf32> -> vector<128x128xf32>
    %swap3A_715 = arith.constant 10112 : index
    %swap3A_716 = arith.constant 0 : index
    %swap3A_717 = vector.load %arg2[%swap3A_715, %swap3A_716] : memref<16384x128xf32, #tpu.memory_space<vmem>>, vector<128x128xf32>
    tpu.vector_store %arg2[%swap3A_715, %swap3A_716], %transpose3A_714 {strides = array<i32>} : memref<16384x128xf32, #tpu.memory_space<vmem>>, vector<128x128xf32>,
    %slice3A_718 = vector.extract_strided_slice %get3A_1 {offsets = [0, 40960], sizes = [32, 128], strides = [1, 1]} : vector<32x65536xf32> to vector<32x128xf32>
    %slice3A_719 = vector.extract_strided_slice %get3A_1 {offsets = [0, 41088], sizes = [32, 128], strides = [1, 1]} : vector<32x65536xf32> to vector<32x128xf32>
    %slice3A_720 = vector.extract_strided_slice %get3A_1 {offsets = [0, 41216], sizes = [32, 128], strides = [1, 1]} : vector<32x65536xf32> to vector<32x128xf32>
    %slice3A_721 = vector.extract_strided_slice %get3A_1 {offsets = [0, 41344], sizes = [32, 128], strides = [1, 1]} : vector<32x65536xf32> to vector<32x128xf32>
    %concatenate3A_722 = tpu.concatenate %slice3A_718, %slice3A_719, %slice3A_720, %slice3A_721 in 0 : vector<32x128xf32>, vector<32x128xf32>, vector<32x128xf32>, vector<32x128xf32> -> vector<128x128xf32>
    %transpose3A_723 = tpu.transpose %concatenate3A_722, [1, 0] : vector<128x128xf32> -> vector<128x128xf32>
    %swap3A_724 = arith.constant 10240 : index
    %swap3A_725 = arith.constant 0 : index
    %swap3A_726 = vector.load %arg2[%swap3A_724, %swap3A_725] : memref<16384x128xf32, #tpu.memory_space<vmem>>, vector<128x128xf32>
    tpu.vector_store %arg2[%swap3A_724, %swap3A_725], %transpose3A_723 {strides = array<i32>} : memref<16384x128xf32, #tpu.memory_space<vmem>>, vector<128x128xf32>,
    %slice3A_727 = vector.extract_strided_slice %get3A_1 {offsets = [0, 41472], sizes = [32, 128], strides = [1, 1]} : vector<32x65536xf32> to vector<32x128xf32>
    %slice3A_728 = vector.extract_strided_slice %get3A_1 {offsets = [0, 41600], sizes = [32, 128], strides = [1, 1]} : vector<32x65536xf32> to vector<32x128xf32>
    %slice3A_729 = vector.extract_strided_slice %get3A_1 {offsets = [0, 41728], sizes = [32, 128], strides = [1, 1]} : vector<32x65536xf32> to vector<32x128xf32>
    %slice3A_730 = vector.extract_strided_slice %get3A_1 {offsets = [0, 41856], sizes = [32, 128], strides = [1, 1]} : vector<32x65536xf32> to vector<32x128xf32>
    %concatenate3A_731 = tpu.concatenate %slice3A_727, %slice3A_728, %slice3A_729, %slice3A_730 in 0 : vector<32x128xf32>, vector<32x128xf32>, vector<32x128xf32>, vector<32x128xf32> -> vector<128x128xf32>
    %transpose3A_732 = tpu.transpose %concatenate3A_731, [1, 0] : vector<128x128xf32> -> vector<128x128xf32>
    %swap3A_733 = arith.constant 10368 : index
    %swap3A_734 = arith.constant 0 : index
    %swap3A_735 = vector.load %arg2[%swap3A_733, %swap3A_734] : memref<16384x128xf32, #tpu.memory_space<vmem>>, vector<128x128xf32>
    tpu.vector_store %arg2[%swap3A_733, %swap3A_734], %transpose3A_732 {strides = array<i32>} : memref<16384x128xf32, #tpu.memory_space<vmem>>, vector<128x128xf32>,
    %slice3A_736 = vector.extract_strided_slice %get3A_1 {offsets = [0, 41984], sizes = [32, 128], strides = [1, 1]} : vector<32x65536xf32> to vector<32x128xf32>
    %slice3A_737 = vector.extract_strided_slice %get3A_1 {offsets = [0, 42112], sizes = [32, 128], strides = [1, 1]} : vector<32x65536xf32> to vector<32x128xf32>
    %slice3A_738 = vector.extract_strided_slice %get3A_1 {offsets = [0, 42240], sizes = [32, 128], strides = [1, 1]} : vector<32x65536xf32> to vector<32x128xf32>
    %slice3A_739 = vector.extract_strided_slice %get3A_1 {offsets = [0, 42368], sizes = [32, 128], strides = [1, 1]} : vector<32x65536xf32> to vector<32x128xf32>
    %concatenate3A_740 = tpu.concatenate %slice3A_736, %slice3A_737, %slice3A_738, %slice3A_739 in 0 : vector<32x128xf32>, vector<32x128xf32>, vector<32x128xf32>, vector<32x128xf32> -> vector<128x128xf32>
    %transpose3A_741 = tpu.transpose %concatenate3A_740, [1, 0] : vector<128x128xf32> -> vector<128x128xf32>
    %swap3A_742 = arith.constant 10496 : index
    %swap3A_743 = arith.constant 0 : index
    %swap3A_744 = vector.load %arg2[%swap3A_742, %swap3A_743] : memref<16384x128xf32, #tpu.memory_space<vmem>>, vector<128x128xf32>
    tpu.vector_store %arg2[%swap3A_742, %swap3A_743], %transpose3A_741 {strides = array<i32>} : memref<16384x128xf32, #tpu.memory_space<vmem>>, vector<128x128xf32>,
    %slice3A_745 = vector.extract_strided_slice %get3A_1 {offsets = [0, 42496], sizes = [32, 128], strides = [1, 1]} : vector<32x65536xf32> to vector<32x128xf32>
    %slice3A_746 = vector.extract_strided_slice %get3A_1 {offsets = [0, 42624], sizes = [32, 128], strides = [1, 1]} : vector<32x65536xf32> to vector<32x128xf32>
    %slice3A_747 = vector.extract_strided_slice %get3A_1 {offsets = [0, 42752], sizes = [32, 128], strides = [1, 1]} : vector<32x65536xf32> to vector<32x128xf32>
    %slice3A_748 = vector.extract_strided_slice %get3A_1 {offsets = [0, 42880], sizes = [32, 128], strides = [1, 1]} : vector<32x65536xf32> to vector<32x128xf32>
    %concatenate3A_749 = tpu.concatenate %slice3A_745, %slice3A_746, %slice3A_747, %slice3A_748 in 0 : vector<32x128xf32>, vector<32x128xf32>, vector<32x128xf32>, vector<32x128xf32> -> vector<128x128xf32>
    %transpose3A_750 = tpu.transpose %concatenate3A_749, [1, 0] : vector<128x128xf32> -> vector<128x128xf32>
    %swap3A_751 = arith.constant 10624 : index
    %swap3A_752 = arith.constant 0 : index
    %swap3A_753 = vector.load %arg2[%swap3A_751, %swap3A_752] : memref<16384x128xf32, #tpu.memory_space<vmem>>, vector<128x128xf32>
    tpu.vector_store %arg2[%swap3A_751, %swap3A_752], %transpose3A_750 {strides = array<i32>} : memref<16384x128xf32, #tpu.memory_space<vmem>>, vector<128x128xf32>,
    %slice3A_754 = vector.extract_strided_slice %get3A_1 {offsets = [0, 43008], sizes = [32, 128], strides = [1, 1]} : vector<32x65536xf32> to vector<32x128xf32>
    %slice3A_755 = vector.extract_strided_slice %get3A_1 {offsets = [0, 43136], sizes = [32, 128], strides = [1, 1]} : vector<32x65536xf32> to vector<32x128xf32>
    %slice3A_756 = vector.extract_strided_slice %get3A_1 {offsets = [0, 43264], sizes = [32, 128], strides = [1, 1]} : vector<32x65536xf32> to vector<32x128xf32>
    %slice3A_757 = vector.extract_strided_slice %get3A_1 {offsets = [0, 43392], sizes = [32, 128], strides = [1, 1]} : vector<32x65536xf32> to vector<32x128xf32>
    %concatenate3A_758 = tpu.concatenate %slice3A_754, %slice3A_755, %slice3A_756, %slice3A_757 in 0 : vector<32x128xf32>, vector<32x128xf32>, vector<32x128xf32>, vector<32x128xf32> -> vector<128x128xf32>
    %transpose3A_759 = tpu.transpose %concatenate3A_758, [1, 0] : vector<128x128xf32> -> vector<128x128xf32>
    %swap3A_760 = arith.constant 10752 : index
    %swap3A_761 = arith.constant 0 : index
    %swap3A_762 = vector.load %arg2[%swap3A_760, %swap3A_761] : memref<16384x128xf32, #tpu.memory_space<vmem>>, vector<128x128xf32>
    tpu.vector_store %arg2[%swap3A_760, %swap3A_761], %transpose3A_759 {strides = array<i32>} : memref<16384x128xf32, #tpu.memory_space<vmem>>, vector<128x128xf32>,
    %slice3A_763 = vector.extract_strided_slice %get3A_1 {offsets = [0, 43520], sizes = [32, 128], strides = [1, 1]} : vector<32x65536xf32> to vector<32x128xf32>
    %slice3A_764 = vector.extract_strided_slice %get3A_1 {offsets = [0, 43648], sizes = [32, 128], strides = [1, 1]} : vector<32x65536xf32> to vector<32x128xf32>
    %slice3A_765 = vector.extract_strided_slice %get3A_1 {offsets = [0, 43776], sizes = [32, 128], strides = [1, 1]} : vector<32x65536xf32> to vector<32x128xf32>
    %slice3A_766 = vector.extract_strided_slice %get3A_1 {offsets = [0, 43904], sizes = [32, 128], strides = [1, 1]} : vector<32x65536xf32> to vector<32x128xf32>
    %concatenate3A_767 = tpu.concatenate %slice3A_763, %slice3A_764, %slice3A_765, %slice3A_766 in 0 : vector<32x128xf32>, vector<32x128xf32>, vector<32x128xf32>, vector<32x128xf32> -> vector<128x128xf32>
    %transpose3A_768 = tpu.transpose %concatenate3A_767, [1, 0] : vector<128x128xf32> -> vector<128x128xf32>
    %swap3A_769 = arith.constant 10880 : index
    %swap3A_770 = arith.constant 0 : index
    %swap3A_771 = vector.load %arg2[%swap3A_769, %swap3A_770] : memref<16384x128xf32, #tpu.memory_space<vmem>>, vector<128x128xf32>
    tpu.vector_store %arg2[%swap3A_769, %swap3A_770], %transpose3A_768 {strides = array<i32>} : memref<16384x128xf32, #tpu.memory_space<vmem>>, vector<128x128xf32>,
    %slice3A_772 = vector.extract_strided_slice %get3A_1 {offsets = [0, 44032], sizes = [32, 128], strides = [1, 1]} : vector<32x65536xf32> to vector<32x128xf32>
    %slice3A_773 = vector.extract_strided_slice %get3A_1 {offsets = [0, 44160], sizes = [32, 128], strides = [1, 1]} : vector<32x65536xf32> to vector<32x128xf32>
    %slice3A_774 = vector.extract_strided_slice %get3A_1 {offsets = [0, 44288], sizes = [32, 128], strides = [1, 1]} : vector<32x65536xf32> to vector<32x128xf32>
    %slice3A_775 = vector.extract_strided_slice %get3A_1 {offsets = [0, 44416], sizes = [32, 128], strides = [1, 1]} : vector<32x65536xf32> to vector<32x128xf32>
    %concatenate3A_776 = tpu.concatenate %slice3A_772, %slice3A_773, %slice3A_774, %slice3A_775 in 0 : vector<32x128xf32>, vector<32x128xf32>, vector<32x128xf32>, vector<32x128xf32> -> vector<128x128xf32>
    %transpose3A_777 = tpu.transpose %concatenate3A_776, [1, 0] : vector<128x128xf32> -> vector<128x128xf32>
    %swap3A_778 = arith.constant 11008 : index
    %swap3A_779 = arith.constant 0 : index
    %swap3A_780 = vector.load %arg2[%swap3A_778, %swap3A_779] : memref<16384x128xf32, #tpu.memory_space<vmem>>, vector<128x128xf32>
    tpu.vector_store %arg2[%swap3A_778, %swap3A_779], %transpose3A_777 {strides = array<i32>} : memref<16384x128xf32, #tpu.memory_space<vmem>>, vector<128x128xf32>,
    %slice3A_781 = vector.extract_strided_slice %get3A_1 {offsets = [0, 44544], sizes = [32, 128], strides = [1, 1]} : vector<32x65536xf32> to vector<32x128xf32>
    %slice3A_782 = vector.extract_strided_slice %get3A_1 {offsets = [0, 44672], sizes = [32, 128], strides = [1, 1]} : vector<32x65536xf32> to vector<32x128xf32>
    %slice3A_783 = vector.extract_strided_slice %get3A_1 {offsets = [0, 44800], sizes = [32, 128], strides = [1, 1]} : vector<32x65536xf32> to vector<32x128xf32>
    %slice3A_784 = vector.extract_strided_slice %get3A_1 {offsets = [0, 44928], sizes = [32, 128], strides = [1, 1]} : vector<32x65536xf32> to vector<32x128xf32>
    %concatenate3A_785 = tpu.concatenate %slice3A_781, %slice3A_782, %slice3A_783, %slice3A_784 in 0 : vector<32x128xf32>, vector<32x128xf32>, vector<32x128xf32>, vector<32x128xf32> -> vector<128x128xf32>
    %transpose3A_786 = tpu.transpose %concatenate3A_785, [1, 0] : vector<128x128xf32> -> vector<128x128xf32>
    %swap3A_787 = arith.constant 11136 : index
    %swap3A_788 = arith.constant 0 : index
    %swap3A_789 = vector.load %arg2[%swap3A_787, %swap3A_788] : memref<16384x128xf32, #tpu.memory_space<vmem>>, vector<128x128xf32>
    tpu.vector_store %arg2[%swap3A_787, %swap3A_788], %transpose3A_786 {strides = array<i32>} : memref<16384x128xf32, #tpu.memory_space<vmem>>, vector<128x128xf32>,
    %slice3A_790 = vector.extract_strided_slice %get3A_1 {offsets = [0, 45056], sizes = [32, 128], strides = [1, 1]} : vector<32x65536xf32> to vector<32x128xf32>
    %slice3A_791 = vector.extract_strided_slice %get3A_1 {offsets = [0, 45184], sizes = [32, 128], strides = [1, 1]} : vector<32x65536xf32> to vector<32x128xf32>
    %slice3A_792 = vector.extract_strided_slice %get3A_1 {offsets = [0, 45312], sizes = [32, 128], strides = [1, 1]} : vector<32x65536xf32> to vector<32x128xf32>
    %slice3A_793 = vector.extract_strided_slice %get3A_1 {offsets = [0, 45440], sizes = [32, 128], strides = [1, 1]} : vector<32x65536xf32> to vector<32x128xf32>
    %concatenate3A_794 = tpu.concatenate %slice3A_790, %slice3A_791, %slice3A_792, %slice3A_793 in 0 : vector<32x128xf32>, vector<32x128xf32>, vector<32x128xf32>, vector<32x128xf32> -> vector<128x128xf32>
    %transpose3A_795 = tpu.transpose %concatenate3A_794, [1, 0] : vector<128x128xf32> -> vector<128x128xf32>
    %swap3A_796 = arith.constant 11264 : index
    %swap3A_797 = arith.constant 0 : index
    %swap3A_798 = vector.load %arg2[%swap3A_796, %swap3A_797] : memref<16384x128xf32, #tpu.memory_space<vmem>>, vector<128x128xf32>
    tpu.vector_store %arg2[%swap3A_796, %swap3A_797], %transpose3A_795 {strides = array<i32>} : memref<16384x128xf32, #tpu.memory_space<vmem>>, vector<128x128xf32>,
    %slice3A_799 = vector.extract_strided_slice %get3A_1 {offsets = [0, 45568], sizes = [32, 128], strides = [1, 1]} : vector<32x65536xf32> to vector<32x128xf32>
    %slice3A_800 = vector.extract_strided_slice %get3A_1 {offsets = [0, 45696], sizes = [32, 128], strides = [1, 1]} : vector<32x65536xf32> to vector<32x128xf32>
    %slice3A_801 = vector.extract_strided_slice %get3A_1 {offsets = [0, 45824], sizes = [32, 128], strides = [1, 1]} : vector<32x65536xf32> to vector<32x128xf32>
    %slice3A_802 = vector.extract_strided_slice %get3A_1 {offsets = [0, 45952], sizes = [32, 128], strides = [1, 1]} : vector<32x65536xf32> to vector<32x128xf32>
    %concatenate3A_803 = tpu.concatenate %slice3A_799, %slice3A_800, %slice3A_801, %slice3A_802 in 0 : vector<32x128xf32>, vector<32x128xf32>, vector<32x128xf32>, vector<32x128xf32> -> vector<128x128xf32>
    %transpose3A_804 = tpu.transpose %concatenate3A_803, [1, 0] : vector<128x128xf32> -> vector<128x128xf32>
    %swap3A_805 = arith.constant 11392 : index
    %swap3A_806 = arith.constant 0 : index
    %swap3A_807 = vector.load %arg2[%swap3A_805, %swap3A_806] : memref<16384x128xf32, #tpu.memory_space<vmem>>, vector<128x128xf32>
    tpu.vector_store %arg2[%swap3A_805, %swap3A_806], %transpose3A_804 {strides = array<i32>} : memref<16384x128xf32, #tpu.memory_space<vmem>>, vector<128x128xf32>,
    %slice3A_808 = vector.extract_strided_slice %get3A_1 {offsets = [0, 46080], sizes = [32, 128], strides = [1, 1]} : vector<32x65536xf32> to vector<32x128xf32>
    %slice3A_809 = vector.extract_strided_slice %get3A_1 {offsets = [0, 46208], sizes = [32, 128], strides = [1, 1]} : vector<32x65536xf32> to vector<32x128xf32>
    %slice3A_810 = vector.extract_strided_slice %get3A_1 {offsets = [0, 46336], sizes = [32, 128], strides = [1, 1]} : vector<32x65536xf32> to vector<32x128xf32>
    %slice3A_811 = vector.extract_strided_slice %get3A_1 {offsets = [0, 46464], sizes = [32, 128], strides = [1, 1]} : vector<32x65536xf32> to vector<32x128xf32>
    %concatenate3A_812 = tpu.concatenate %slice3A_808, %slice3A_809, %slice3A_810, %slice3A_811 in 0 : vector<32x128xf32>, vector<32x128xf32>, vector<32x128xf32>, vector<32x128xf32> -> vector<128x128xf32>
    %transpose3A_813 = tpu.transpose %concatenate3A_812, [1, 0] : vector<128x128xf32> -> vector<128x128xf32>
    %swap3A_814 = arith.constant 11520 : index
    %swap3A_815 = arith.constant 0 : index
    %swap3A_816 = vector.load %arg2[%swap3A_814, %swap3A_815] : memref<16384x128xf32, #tpu.memory_space<vmem>>, vector<128x128xf32>
    tpu.vector_store %arg2[%swap3A_814, %swap3A_815], %transpose3A_813 {strides = array<i32>} : memref<16384x128xf32, #tpu.memory_space<vmem>>, vector<128x128xf32>,
    %slice3A_817 = vector.extract_strided_slice %get3A_1 {offsets = [0, 46592], sizes = [32, 128], strides = [1, 1]} : vector<32x65536xf32> to vector<32x128xf32>
    %slice3A_818 = vector.extract_strided_slice %get3A_1 {offsets = [0, 46720], sizes = [32, 128], strides = [1, 1]} : vector<32x65536xf32> to vector<32x128xf32>
    %slice3A_819 = vector.extract_strided_slice %get3A_1 {offsets = [0, 46848], sizes = [32, 128], strides = [1, 1]} : vector<32x65536xf32> to vector<32x128xf32>
    %slice3A_820 = vector.extract_strided_slice %get3A_1 {offsets = [0, 46976], sizes = [32, 128], strides = [1, 1]} : vector<32x65536xf32> to vector<32x128xf32>
    %concatenate3A_821 = tpu.concatenate %slice3A_817, %slice3A_818, %slice3A_819, %slice3A_820 in 0 : vector<32x128xf32>, vector<32x128xf32>, vector<32x128xf32>, vector<32x128xf32> -> vector<128x128xf32>
    %transpose3A_822 = tpu.transpose %concatenate3A_821, [1, 0] : vector<128x128xf32> -> vector<128x128xf32>
    %swap3A_823 = arith.constant 11648 : index
    %swap3A_824 = arith.constant 0 : index
    %swap3A_825 = vector.load %arg2[%swap3A_823, %swap3A_824] : memref<16384x128xf32, #tpu.memory_space<vmem>>, vector<128x128xf32>
    tpu.vector_store %arg2[%swap3A_823, %swap3A_824], %transpose3A_822 {strides = array<i32>} : memref<16384x128xf32, #tpu.memory_space<vmem>>, vector<128x128xf32>,
    %slice3A_826 = vector.extract_strided_slice %get3A_1 {offsets = [0, 47104], sizes = [32, 128], strides = [1, 1]} : vector<32x65536xf32> to vector<32x128xf32>
    %slice3A_827 = vector.extract_strided_slice %get3A_1 {offsets = [0, 47232], sizes = [32, 128], strides = [1, 1]} : vector<32x65536xf32> to vector<32x128xf32>
    %slice3A_828 = vector.extract_strided_slice %get3A_1 {offsets = [0, 47360], sizes = [32, 128], strides = [1, 1]} : vector<32x65536xf32> to vector<32x128xf32>
    %slice3A_829 = vector.extract_strided_slice %get3A_1 {offsets = [0, 47488], sizes = [32, 128], strides = [1, 1]} : vector<32x65536xf32> to vector<32x128xf32>
    %concatenate3A_830 = tpu.concatenate %slice3A_826, %slice3A_827, %slice3A_828, %slice3A_829 in 0 : vector<32x128xf32>, vector<32x128xf32>, vector<32x128xf32>, vector<32x128xf32> -> vector<128x128xf32>
    %transpose3A_831 = tpu.transpose %concatenate3A_830, [1, 0] : vector<128x128xf32> -> vector<128x128xf32>
    %swap3A_832 = arith.constant 11776 : index
    %swap3A_833 = arith.constant 0 : index
    %swap3A_834 = vector.load %arg2[%swap3A_832, %swap3A_833] : memref<16384x128xf32, #tpu.memory_space<vmem>>, vector<128x128xf32>
    tpu.vector_store %arg2[%swap3A_832, %swap3A_833], %transpose3A_831 {strides = array<i32>} : memref<16384x128xf32, #tpu.memory_space<vmem>>, vector<128x128xf32>,
    %slice3A_835 = vector.extract_strided_slice %get3A_1 {offsets = [0, 47616], sizes = [32, 128], strides = [1, 1]} : vector<32x65536xf32> to vector<32x128xf32>
    %slice3A_836 = vector.extract_strided_slice %get3A_1 {offsets = [0, 47744], sizes = [32, 128], strides = [1, 1]} : vector<32x65536xf32> to vector<32x128xf32>
    %slice3A_837 = vector.extract_strided_slice %get3A_1 {offsets = [0, 47872], sizes = [32, 128], strides = [1, 1]} : vector<32x65536xf32> to vector<32x128xf32>
    %slice3A_838 = vector.extract_strided_slice %get3A_1 {offsets = [0, 48000], sizes = [32, 128], strides = [1, 1]} : vector<32x65536xf32> to vector<32x128xf32>
    %concatenate3A_839 = tpu.concatenate %slice3A_835, %slice3A_836, %slice3A_837, %slice3A_838 in 0 : vector<32x128xf32>, vector<32x128xf32>, vector<32x128xf32>, vector<32x128xf32> -> vector<128x128xf32>
    %transpose3A_840 = tpu.transpose %concatenate3A_839, [1, 0] : vector<128x128xf32> -> vector<128x128xf32>
    %swap3A_841 = arith.constant 11904 : index
    %swap3A_842 = arith.constant 0 : index
    %swap3A_843 = vector.load %arg2[%swap3A_841, %swap3A_842] : memref<16384x128xf32, #tpu.memory_space<vmem>>, vector<128x128xf32>
    tpu.vector_store %arg2[%swap3A_841, %swap3A_842], %transpose3A_840 {strides = array<i32>} : memref<16384x128xf32, #tpu.memory_space<vmem>>, vector<128x128xf32>,
    %slice3A_844 = vector.extract_strided_slice %get3A_1 {offsets = [0, 48128], sizes = [32, 128], strides = [1, 1]} : vector<32x65536xf32> to vector<32x128xf32>
    %slice3A_845 = vector.extract_strided_slice %get3A_1 {offsets = [0, 48256], sizes = [32, 128], strides = [1, 1]} : vector<32x65536xf32> to vector<32x128xf32>
    %slice3A_846 = vector.extract_strided_slice %get3A_1 {offsets = [0, 48384], sizes = [32, 128], strides = [1, 1]} : vector<32x65536xf32> to vector<32x128xf32>
    %slice3A_847 = vector.extract_strided_slice %get3A_1 {offsets = [0, 48512], sizes = [32, 128], strides = [1, 1]} : vector<32x65536xf32> to vector<32x128xf32>
    %concatenate3A_848 = tpu.concatenate %slice3A_844, %slice3A_845, %slice3A_846, %slice3A_847 in 0 : vector<32x128xf32>, vector<32x128xf32>, vector<32x128xf32>, vector<32x128xf32> -> vector<128x128xf32>
    %transpose3A_849 = tpu.transpose %concatenate3A_848, [1, 0] : vector<128x128xf32> -> vector<128x128xf32>
    %swap3A_850 = arith.constant 12032 : index
    %swap3A_851 = arith.constant 0 : index
    %swap3A_852 = vector.load %arg2[%swap3A_850, %swap3A_851] : memref<16384x128xf32, #tpu.memory_space<vmem>>, vector<128x128xf32>
    tpu.vector_store %arg2[%swap3A_850, %swap3A_851], %transpose3A_849 {strides = array<i32>} : memref<16384x128xf32, #tpu.memory_space<vmem>>, vector<128x128xf32>,
    %slice3A_853 = vector.extract_strided_slice %get3A_1 {offsets = [0, 48640], sizes = [32, 128], strides = [1, 1]} : vector<32x65536xf32> to vector<32x128xf32>
    %slice3A_854 = vector.extract_strided_slice %get3A_1 {offsets = [0, 48768], sizes = [32, 128], strides = [1, 1]} : vector<32x65536xf32> to vector<32x128xf32>
    %slice3A_855 = vector.extract_strided_slice %get3A_1 {offsets = [0, 48896], sizes = [32, 128], strides = [1, 1]} : vector<32x65536xf32> to vector<32x128xf32>
    %slice3A_856 = vector.extract_strided_slice %get3A_1 {offsets = [0, 49024], sizes = [32, 128], strides = [1, 1]} : vector<32x65536xf32> to vector<32x128xf32>
    %concatenate3A_857 = tpu.concatenate %slice3A_853, %slice3A_854, %slice3A_855, %slice3A_856 in 0 : vector<32x128xf32>, vector<32x128xf32>, vector<32x128xf32>, vector<32x128xf32> -> vector<128x128xf32>
    %transpose3A_858 = tpu.transpose %concatenate3A_857, [1, 0] : vector<128x128xf32> -> vector<128x128xf32>
    %swap3A_859 = arith.constant 12160 : index
    %swap3A_860 = arith.constant 0 : index
    %swap3A_861 = vector.load %arg2[%swap3A_859, %swap3A_860] : memref<16384x128xf32, #tpu.memory_space<vmem>>, vector<128x128xf32>
    tpu.vector_store %arg2[%swap3A_859, %swap3A_860], %transpose3A_858 {strides = array<i32>} : memref<16384x128xf32, #tpu.memory_space<vmem>>, vector<128x128xf32>,
    %slice3A_862 = vector.extract_strided_slice %get3A_1 {offsets = [0, 49152], sizes = [32, 128], strides = [1, 1]} : vector<32x65536xf32> to vector<32x128xf32>
    %slice3A_863 = vector.extract_strided_slice %get3A_1 {offsets = [0, 49280], sizes = [32, 128], strides = [1, 1]} : vector<32x65536xf32> to vector<32x128xf32>
    %slice3A_864 = vector.extract_strided_slice %get3A_1 {offsets = [0, 49408], sizes = [32, 128], strides = [1, 1]} : vector<32x65536xf32> to vector<32x128xf32>
    %slice3A_865 = vector.extract_strided_slice %get3A_1 {offsets = [0, 49536], sizes = [32, 128], strides = [1, 1]} : vector<32x65536xf32> to vector<32x128xf32>
    %concatenate3A_866 = tpu.concatenate %slice3A_862, %slice3A_863, %slice3A_864, %slice3A_865 in 0 : vector<32x128xf32>, vector<32x128xf32>, vector<32x128xf32>, vector<32x128xf32> -> vector<128x128xf32>
    %transpose3A_867 = tpu.transpose %concatenate3A_866, [1, 0] : vector<128x128xf32> -> vector<128x128xf32>
    %swap3A_868 = arith.constant 12288 : index
    %swap3A_869 = arith.constant 0 : index
    %swap3A_870 = vector.load %arg2[%swap3A_868, %swap3A_869] : memref<16384x128xf32, #tpu.memory_space<vmem>>, vector<128x128xf32>
    tpu.vector_store %arg2[%swap3A_868, %swap3A_869], %transpose3A_867 {strides = array<i32>} : memref<16384x128xf32, #tpu.memory_space<vmem>>, vector<128x128xf32>,
    %slice3A_871 = vector.extract_strided_slice %get3A_1 {offsets = [0, 49664], sizes = [32, 128], strides = [1, 1]} : vector<32x65536xf32> to vector<32x128xf32>
    %slice3A_872 = vector.extract_strided_slice %get3A_1 {offsets = [0, 49792], sizes = [32, 128], strides = [1, 1]} : vector<32x65536xf32> to vector<32x128xf32>
    %slice3A_873 = vector.extract_strided_slice %get3A_1 {offsets = [0, 49920], sizes = [32, 128], strides = [1, 1]} : vector<32x65536xf32> to vector<32x128xf32>
    %slice3A_874 = vector.extract_strided_slice %get3A_1 {offsets = [0, 50048], sizes = [32, 128], strides = [1, 1]} : vector<32x65536xf32> to vector<32x128xf32>
    %concatenate3A_875 = tpu.concatenate %slice3A_871, %slice3A_872, %slice3A_873, %slice3A_874 in 0 : vector<32x128xf32>, vector<32x128xf32>, vector<32x128xf32>, vector<32x128xf32> -> vector<128x128xf32>
    %transpose3A_876 = tpu.transpose %concatenate3A_875, [1, 0] : vector<128x128xf32> -> vector<128x128xf32>
    %swap3A_877 = arith.constant 12416 : index
    %swap3A_878 = arith.constant 0 : index
    %swap3A_879 = vector.load %arg2[%swap3A_877, %swap3A_878] : memref<16384x128xf32, #tpu.memory_space<vmem>>, vector<128x128xf32>
    tpu.vector_store %arg2[%swap3A_877, %swap3A_878], %transpose3A_876 {strides = array<i32>} : memref<16384x128xf32, #tpu.memory_space<vmem>>, vector<128x128xf32>,
    %slice3A_880 = vector.extract_strided_slice %get3A_1 {offsets = [0, 50176], sizes = [32, 128], strides = [1, 1]} : vector<32x65536xf32> to vector<32x128xf32>
    %slice3A_881 = vector.extract_strided_slice %get3A_1 {offsets = [0, 50304], sizes = [32, 128], strides = [1, 1]} : vector<32x65536xf32> to vector<32x128xf32>
    %slice3A_882 = vector.extract_strided_slice %get3A_1 {offsets = [0, 50432], sizes = [32, 128], strides = [1, 1]} : vector<32x65536xf32> to vector<32x128xf32>
    %slice3A_883 = vector.extract_strided_slice %get3A_1 {offsets = [0, 50560], sizes = [32, 128], strides = [1, 1]} : vector<32x65536xf32> to vector<32x128xf32>
    %concatenate3A_884 = tpu.concatenate %slice3A_880, %slice3A_881, %slice3A_882, %slice3A_883 in 0 : vector<32x128xf32>, vector<32x128xf32>, vector<32x128xf32>, vector<32x128xf32> -> vector<128x128xf32>
    %transpose3A_885 = tpu.transpose %concatenate3A_884, [1, 0] : vector<128x128xf32> -> vector<128x128xf32>
    %swap3A_886 = arith.constant 12544 : index
    %swap3A_887 = arith.constant 0 : index
    %swap3A_888 = vector.load %arg2[%swap3A_886, %swap3A_887] : memref<16384x128xf32, #tpu.memory_space<vmem>>, vector<128x128xf32>
    tpu.vector_store %arg2[%swap3A_886, %swap3A_887], %transpose3A_885 {strides = array<i32>} : memref<16384x128xf32, #tpu.memory_space<vmem>>, vector<128x128xf32>,
    %slice3A_889 = vector.extract_strided_slice %get3A_1 {offsets = [0, 50688], sizes = [32, 128], strides = [1, 1]} : vector<32x65536xf32> to vector<32x128xf32>
    %slice3A_890 = vector.extract_strided_slice %get3A_1 {offsets = [0, 50816], sizes = [32, 128], strides = [1, 1]} : vector<32x65536xf32> to vector<32x128xf32>
    %slice3A_891 = vector.extract_strided_slice %get3A_1 {offsets = [0, 50944], sizes = [32, 128], strides = [1, 1]} : vector<32x65536xf32> to vector<32x128xf32>
    %slice3A_892 = vector.extract_strided_slice %get3A_1 {offsets = [0, 51072], sizes = [32, 128], strides = [1, 1]} : vector<32x65536xf32> to vector<32x128xf32>
    %concatenate3A_893 = tpu.concatenate %slice3A_889, %slice3A_890, %slice3A_891, %slice3A_892 in 0 : vector<32x128xf32>, vector<32x128xf32>, vector<32x128xf32>, vector<32x128xf32> -> vector<128x128xf32>
    %transpose3A_894 = tpu.transpose %concatenate3A_893, [1, 0] : vector<128x128xf32> -> vector<128x128xf32>
    %swap3A_895 = arith.constant 12672 : index
    %swap3A_896 = arith.constant 0 : index
    %swap3A_897 = vector.load %arg2[%swap3A_895, %swap3A_896] : memref<16384x128xf32, #tpu.memory_space<vmem>>, vector<128x128xf32>
    tpu.vector_store %arg2[%swap3A_895, %swap3A_896], %transpose3A_894 {strides = array<i32>} : memref<16384x128xf32, #tpu.memory_space<vmem>>, vector<128x128xf32>,
    %slice3A_898 = vector.extract_strided_slice %get3A_1 {offsets = [0, 51200], sizes = [32, 128], strides = [1, 1]} : vector<32x65536xf32> to vector<32x128xf32>
    %slice3A_899 = vector.extract_strided_slice %get3A_1 {offsets = [0, 51328], sizes = [32, 128], strides = [1, 1]} : vector<32x65536xf32> to vector<32x128xf32>
    %slice3A_900 = vector.extract_strided_slice %get3A_1 {offsets = [0, 51456], sizes = [32, 128], strides = [1, 1]} : vector<32x65536xf32> to vector<32x128xf32>
    %slice3A_901 = vector.extract_strided_slice %get3A_1 {offsets = [0, 51584], sizes = [32, 128], strides = [1, 1]} : vector<32x65536xf32> to vector<32x128xf32>
    %concatenate3A_902 = tpu.concatenate %slice3A_898, %slice3A_899, %slice3A_900, %slice3A_901 in 0 : vector<32x128xf32>, vector<32x128xf32>, vector<32x128xf32>, vector<32x128xf32> -> vector<128x128xf32>
    %transpose3A_903 = tpu.transpose %concatenate3A_902, [1, 0] : vector<128x128xf32> -> vector<128x128xf32>
    %swap3A_904 = arith.constant 12800 : index
    %swap3A_905 = arith.constant 0 : index
    %swap3A_906 = vector.load %arg2[%swap3A_904, %swap3A_905] : memref<16384x128xf32, #tpu.memory_space<vmem>>, vector<128x128xf32>
    tpu.vector_store %arg2[%swap3A_904, %swap3A_905], %transpose3A_903 {strides = array<i32>} : memref<16384x128xf32, #tpu.memory_space<vmem>>, vector<128x128xf32>,
    %slice3A_907 = vector.extract_strided_slice %get3A_1 {offsets = [0, 51712], sizes = [32, 128], strides = [1, 1]} : vector<32x65536xf32> to vector<32x128xf32>
    %slice3A_908 = vector.extract_strided_slice %get3A_1 {offsets = [0, 51840], sizes = [32, 128], strides = [1, 1]} : vector<32x65536xf32> to vector<32x128xf32>
    %slice3A_909 = vector.extract_strided_slice %get3A_1 {offsets = [0, 51968], sizes = [32, 128], strides = [1, 1]} : vector<32x65536xf32> to vector<32x128xf32>
    %slice3A_910 = vector.extract_strided_slice %get3A_1 {offsets = [0, 52096], sizes = [32, 128], strides = [1, 1]} : vector<32x65536xf32> to vector<32x128xf32>
    %concatenate3A_911 = tpu.concatenate %slice3A_907, %slice3A_908, %slice3A_909, %slice3A_910 in 0 : vector<32x128xf32>, vector<32x128xf32>, vector<32x128xf32>, vector<32x128xf32> -> vector<128x128xf32>
    %transpose3A_912 = tpu.transpose %concatenate3A_911, [1, 0] : vector<128x128xf32> -> vector<128x128xf32>
    %swap3A_913 = arith.constant 12928 : index
    %swap3A_914 = arith.constant 0 : index
    %swap3A_915 = vector.load %arg2[%swap3A_913, %swap3A_914] : memref<16384x128xf32, #tpu.memory_space<vmem>>, vector<128x128xf32>
    tpu.vector_store %arg2[%swap3A_913, %swap3A_914], %transpose3A_912 {strides = array<i32>} : memref<16384x128xf32, #tpu.memory_space<vmem>>, vector<128x128xf32>,
    %slice3A_916 = vector.extract_strided_slice %get3A_1 {offsets = [0, 52224], sizes = [32, 128], strides = [1, 1]} : vector<32x65536xf32> to vector<32x128xf32>
    %slice3A_917 = vector.extract_strided_slice %get3A_1 {offsets = [0, 52352], sizes = [32, 128], strides = [1, 1]} : vector<32x65536xf32> to vector<32x128xf32>
    %slice3A_918 = vector.extract_strided_slice %get3A_1 {offsets = [0, 52480], sizes = [32, 128], strides = [1, 1]} : vector<32x65536xf32> to vector<32x128xf32>
    %slice3A_919 = vector.extract_strided_slice %get3A_1 {offsets = [0, 52608], sizes = [32, 128], strides = [1, 1]} : vector<32x65536xf32> to vector<32x128xf32>
    %concatenate3A_920 = tpu.concatenate %slice3A_916, %slice3A_917, %slice3A_918, %slice3A_919 in 0 : vector<32x128xf32>, vector<32x128xf32>, vector<32x128xf32>, vector<32x128xf32> -> vector<128x128xf32>
    %transpose3A_921 = tpu.transpose %concatenate3A_920, [1, 0] : vector<128x128xf32> -> vector<128x128xf32>
    %swap3A_922 = arith.constant 13056 : index
    %swap3A_923 = arith.constant 0 : index
    %swap3A_924 = vector.load %arg2[%swap3A_922, %swap3A_923] : memref<16384x128xf32, #tpu.memory_space<vmem>>, vector<128x128xf32>
    tpu.vector_store %arg2[%swap3A_922, %swap3A_923], %transpose3A_921 {strides = array<i32>} : memref<16384x128xf32, #tpu.memory_space<vmem>>, vector<128x128xf32>,
    %slice3A_925 = vector.extract_strided_slice %get3A_1 {offsets = [0, 52736], sizes = [32, 128], strides = [1, 1]} : vector<32x65536xf32> to vector<32x128xf32>
    %slice3A_926 = vector.extract_strided_slice %get3A_1 {offsets = [0, 52864], sizes = [32, 128], strides = [1, 1]} : vector<32x65536xf32> to vector<32x128xf32>
    %slice3A_927 = vector.extract_strided_slice %get3A_1 {offsets = [0, 52992], sizes = [32, 128], strides = [1, 1]} : vector<32x65536xf32> to vector<32x128xf32>
    %slice3A_928 = vector.extract_strided_slice %get3A_1 {offsets = [0, 53120], sizes = [32, 128], strides = [1, 1]} : vector<32x65536xf32> to vector<32x128xf32>
    %concatenate3A_929 = tpu.concatenate %slice3A_925, %slice3A_926, %slice3A_927, %slice3A_928 in 0 : vector<32x128xf32>, vector<32x128xf32>, vector<32x128xf32>, vector<32x128xf32> -> vector<128x128xf32>
    %transpose3A_930 = tpu.transpose %concatenate3A_929, [1, 0] : vector<128x128xf32> -> vector<128x128xf32>
    %swap3A_931 = arith.constant 13184 : index
    %swap3A_932 = arith.constant 0 : index
    %swap3A_933 = vector.load %arg2[%swap3A_931, %swap3A_932] : memref<16384x128xf32, #tpu.memory_space<vmem>>, vector<128x128xf32>
    tpu.vector_store %arg2[%swap3A_931, %swap3A_932], %transpose3A_930 {strides = array<i32>} : memref<16384x128xf32, #tpu.memory_space<vmem>>, vector<128x128xf32>,
    %slice3A_934 = vector.extract_strided_slice %get3A_1 {offsets = [0, 53248], sizes = [32, 128], strides = [1, 1]} : vector<32x65536xf32> to vector<32x128xf32>
    %slice3A_935 = vector.extract_strided_slice %get3A_1 {offsets = [0, 53376], sizes = [32, 128], strides = [1, 1]} : vector<32x65536xf32> to vector<32x128xf32>
    %slice3A_936 = vector.extract_strided_slice %get3A_1 {offsets = [0, 53504], sizes = [32, 128], strides = [1, 1]} : vector<32x65536xf32> to vector<32x128xf32>
    %slice3A_937 = vector.extract_strided_slice %get3A_1 {offsets = [0, 53632], sizes = [32, 128], strides = [1, 1]} : vector<32x65536xf32> to vector<32x128xf32>
    %concatenate3A_938 = tpu.concatenate %slice3A_934, %slice3A_935, %slice3A_936, %slice3A_937 in 0 : vector<32x128xf32>, vector<32x128xf32>, vector<32x128xf32>, vector<32x128xf32> -> vector<128x128xf32>
    %transpose3A_939 = tpu.transpose %concatenate3A_938, [1, 0] : vector<128x128xf32> -> vector<128x128xf32>
    %swap3A_940 = arith.constant 13312 : index
    %swap3A_941 = arith.constant 0 : index
    %swap3A_942 = vector.load %arg2[%swap3A_940, %swap3A_941] : memref<16384x128xf32, #tpu.memory_space<vmem>>, vector<128x128xf32>
    tpu.vector_store %arg2[%swap3A_940, %swap3A_941], %transpose3A_939 {strides = array<i32>} : memref<16384x128xf32, #tpu.memory_space<vmem>>, vector<128x128xf32>,
    %slice3A_943 = vector.extract_strided_slice %get3A_1 {offsets = [0, 53760], sizes = [32, 128], strides = [1, 1]} : vector<32x65536xf32> to vector<32x128xf32>
    %slice3A_944 = vector.extract_strided_slice %get3A_1 {offsets = [0, 53888], sizes = [32, 128], strides = [1, 1]} : vector<32x65536xf32> to vector<32x128xf32>
    %slice3A_945 = vector.extract_strided_slice %get3A_1 {offsets = [0, 54016], sizes = [32, 128], strides = [1, 1]} : vector<32x65536xf32> to vector<32x128xf32>
    %slice3A_946 = vector.extract_strided_slice %get3A_1 {offsets = [0, 54144], sizes = [32, 128], strides = [1, 1]} : vector<32x65536xf32> to vector<32x128xf32>
    %concatenate3A_947 = tpu.concatenate %slice3A_943, %slice3A_944, %slice3A_945, %slice3A_946 in 0 : vector<32x128xf32>, vector<32x128xf32>, vector<32x128xf32>, vector<32x128xf32> -> vector<128x128xf32>
    %transpose3A_948 = tpu.transpose %concatenate3A_947, [1, 0] : vector<128x128xf32> -> vector<128x128xf32>
    %swap3A_949 = arith.constant 13440 : index
    %swap3A_950 = arith.constant 0 : index
    %swap3A_951 = vector.load %arg2[%swap3A_949, %swap3A_950] : memref<16384x128xf32, #tpu.memory_space<vmem>>, vector<128x128xf32>
    tpu.vector_store %arg2[%swap3A_949, %swap3A_950], %transpose3A_948 {strides = array<i32>} : memref<16384x128xf32, #tpu.memory_space<vmem>>, vector<128x128xf32>,
    %slice3A_952 = vector.extract_strided_slice %get3A_1 {offsets = [0, 54272], sizes = [32, 128], strides = [1, 1]} : vector<32x65536xf32> to vector<32x128xf32>
    %slice3A_953 = vector.extract_strided_slice %get3A_1 {offsets = [0, 54400], sizes = [32, 128], strides = [1, 1]} : vector<32x65536xf32> to vector<32x128xf32>
    %slice3A_954 = vector.extract_strided_slice %get3A_1 {offsets = [0, 54528], sizes = [32, 128], strides = [1, 1]} : vector<32x65536xf32> to vector<32x128xf32>
    %slice3A_955 = vector.extract_strided_slice %get3A_1 {offsets = [0, 54656], sizes = [32, 128], strides = [1, 1]} : vector<32x65536xf32> to vector<32x128xf32>
    %concatenate3A_956 = tpu.concatenate %slice3A_952, %slice3A_953, %slice3A_954, %slice3A_955 in 0 : vector<32x128xf32>, vector<32x128xf32>, vector<32x128xf32>, vector<32x128xf32> -> vector<128x128xf32>
    %transpose3A_957 = tpu.transpose %concatenate3A_956, [1, 0] : vector<128x128xf32> -> vector<128x128xf32>
    %swap3A_958 = arith.constant 13568 : index
    %swap3A_959 = arith.constant 0 : index
    %swap3A_960 = vector.load %arg2[%swap3A_958, %swap3A_959] : memref<16384x128xf32, #tpu.memory_space<vmem>>, vector<128x128xf32>
    tpu.vector_store %arg2[%swap3A_958, %swap3A_959], %transpose3A_957 {strides = array<i32>} : memref<16384x128xf32, #tpu.memory_space<vmem>>, vector<128x128xf32>,
    %slice3A_961 = vector.extract_strided_slice %get3A_1 {offsets = [0, 54784], sizes = [32, 128], strides = [1, 1]} : vector<32x65536xf32> to vector<32x128xf32>
    %slice3A_962 = vector.extract_strided_slice %get3A_1 {offsets = [0, 54912], sizes = [32, 128], strides = [1, 1]} : vector<32x65536xf32> to vector<32x128xf32>
    %slice3A_963 = vector.extract_strided_slice %get3A_1 {offsets = [0, 55040], sizes = [32, 128], strides = [1, 1]} : vector<32x65536xf32> to vector<32x128xf32>
    %slice3A_964 = vector.extract_strided_slice %get3A_1 {offsets = [0, 55168], sizes = [32, 128], strides = [1, 1]} : vector<32x65536xf32> to vector<32x128xf32>
    %concatenate3A_965 = tpu.concatenate %slice3A_961, %slice3A_962, %slice3A_963, %slice3A_964 in 0 : vector<32x128xf32>, vector<32x128xf32>, vector<32x128xf32>, vector<32x128xf32> -> vector<128x128xf32>
    %transpose3A_966 = tpu.transpose %concatenate3A_965, [1, 0] : vector<128x128xf32> -> vector<128x128xf32>
    %swap3A_967 = arith.constant 13696 : index
    %swap3A_968 = arith.constant 0 : index
    %swap3A_969 = vector.load %arg2[%swap3A_967, %swap3A_968] : memref<16384x128xf32, #tpu.memory_space<vmem>>, vector<128x128xf32>
    tpu.vector_store %arg2[%swap3A_967, %swap3A_968], %transpose3A_966 {strides = array<i32>} : memref<16384x128xf32, #tpu.memory_space<vmem>>, vector<128x128xf32>,
    %slice3A_970 = vector.extract_strided_slice %get3A_1 {offsets = [0, 55296], sizes = [32, 128], strides = [1, 1]} : vector<32x65536xf32> to vector<32x128xf32>
    %slice3A_971 = vector.extract_strided_slice %get3A_1 {offsets = [0, 55424], sizes = [32, 128], strides = [1, 1]} : vector<32x65536xf32> to vector<32x128xf32>
    %slice3A_972 = vector.extract_strided_slice %get3A_1 {offsets = [0, 55552], sizes = [32, 128], strides = [1, 1]} : vector<32x65536xf32> to vector<32x128xf32>
    %slice3A_973 = vector.extract_strided_slice %get3A_1 {offsets = [0, 55680], sizes = [32, 128], strides = [1, 1]} : vector<32x65536xf32> to vector<32x128xf32>
    %concatenate3A_974 = tpu.concatenate %slice3A_970, %slice3A_971, %slice3A_972, %slice3A_973 in 0 : vector<32x128xf32>, vector<32x128xf32>, vector<32x128xf32>, vector<32x128xf32> -> vector<128x128xf32>
    %transpose3A_975 = tpu.transpose %concatenate3A_974, [1, 0] : vector<128x128xf32> -> vector<128x128xf32>
    %swap3A_976 = arith.constant 13824 : index
    %swap3A_977 = arith.constant 0 : index
    %swap3A_978 = vector.load %arg2[%swap3A_976, %swap3A_977] : memref<16384x128xf32, #tpu.memory_space<vmem>>, vector<128x128xf32>
    tpu.vector_store %arg2[%swap3A_976, %swap3A_977], %transpose3A_975 {strides = array<i32>} : memref<16384x128xf32, #tpu.memory_space<vmem>>, vector<128x128xf32>,
    %slice3A_979 = vector.extract_strided_slice %get3A_1 {offsets = [0, 55808], sizes = [32, 128], strides = [1, 1]} : vector<32x65536xf32> to vector<32x128xf32>
    %slice3A_980 = vector.extract_strided_slice %get3A_1 {offsets = [0, 55936], sizes = [32, 128], strides = [1, 1]} : vector<32x65536xf32> to vector<32x128xf32>
    %slice3A_981 = vector.extract_strided_slice %get3A_1 {offsets = [0, 56064], sizes = [32, 128], strides = [1, 1]} : vector<32x65536xf32> to vector<32x128xf32>
    %slice3A_982 = vector.extract_strided_slice %get3A_1 {offsets = [0, 56192], sizes = [32, 128], strides = [1, 1]} : vector<32x65536xf32> to vector<32x128xf32>
    %concatenate3A_983 = tpu.concatenate %slice3A_979, %slice3A_980, %slice3A_981, %slice3A_982 in 0 : vector<32x128xf32>, vector<32x128xf32>, vector<32x128xf32>, vector<32x128xf32> -> vector<128x128xf32>
    %transpose3A_984 = tpu.transpose %concatenate3A_983, [1, 0] : vector<128x128xf32> -> vector<128x128xf32>
    %swap3A_985 = arith.constant 13952 : index
    %swap3A_986 = arith.constant 0 : index
    %swap3A_987 = vector.load %arg2[%swap3A_985, %swap3A_986] : memref<16384x128xf32, #tpu.memory_space<vmem>>, vector<128x128xf32>
    tpu.vector_store %arg2[%swap3A_985, %swap3A_986], %transpose3A_984 {strides = array<i32>} : memref<16384x128xf32, #tpu.memory_space<vmem>>, vector<128x128xf32>,
    %slice3A_988 = vector.extract_strided_slice %get3A_1 {offsets = [0, 56320], sizes = [32, 128], strides = [1, 1]} : vector<32x65536xf32> to vector<32x128xf32>
    %slice3A_989 = vector.extract_strided_slice %get3A_1 {offsets = [0, 56448], sizes = [32, 128], strides = [1, 1]} : vector<32x65536xf32> to vector<32x128xf32>
    %slice3A_990 = vector.extract_strided_slice %get3A_1 {offsets = [0, 56576], sizes = [32, 128], strides = [1, 1]} : vector<32x65536xf32> to vector<32x128xf32>
    %slice3A_991 = vector.extract_strided_slice %get3A_1 {offsets = [0, 56704], sizes = [32, 128], strides = [1, 1]} : vector<32x65536xf32> to vector<32x128xf32>
    %concatenate3A_992 = tpu.concatenate %slice3A_988, %slice3A_989, %slice3A_990, %slice3A_991 in 0 : vector<32x128xf32>, vector<32x128xf32>, vector<32x128xf32>, vector<32x128xf32> -> vector<128x128xf32>
    %transpose3A_993 = tpu.transpose %concatenate3A_992, [1, 0] : vector<128x128xf32> -> vector<128x128xf32>
    %swap3A_994 = arith.constant 14080 : index
    %swap3A_995 = arith.constant 0 : index
    %swap3A_996 = vector.load %arg2[%swap3A_994, %swap3A_995] : memref<16384x128xf32, #tpu.memory_space<vmem>>, vector<128x128xf32>
    tpu.vector_store %arg2[%swap3A_994, %swap3A_995], %transpose3A_993 {strides = array<i32>} : memref<16384x128xf32, #tpu.memory_space<vmem>>, vector<128x128xf32>,
    %slice3A_997 = vector.extract_strided_slice %get3A_1 {offsets = [0, 56832], sizes = [32, 128], strides = [1, 1]} : vector<32x65536xf32> to vector<32x128xf32>
    %slice3A_998 = vector.extract_strided_slice %get3A_1 {offsets = [0, 56960], sizes = [32, 128], strides = [1, 1]} : vector<32x65536xf32> to vector<32x128xf32>
    %slice3A_999 = vector.extract_strided_slice %get3A_1 {offsets = [0, 57088], sizes = [32, 128], strides = [1, 1]} : vector<32x65536xf32> to vector<32x128xf32>
    %slice3A_1000 = vector.extract_strided_slice %get3A_1 {offsets = [0, 57216], sizes = [32, 128], strides = [1, 1]} : vector<32x65536xf32> to vector<32x128xf32>
    %concatenate3A_1001 = tpu.concatenate %slice3A_997, %slice3A_998, %slice3A_999, %slice3A_1000 in 0 : vector<32x128xf32>, vector<32x128xf32>, vector<32x128xf32>, vector<32x128xf32> -> vector<128x128xf32>
    %transpose3A_1002 = tpu.transpose %concatenate3A_1001, [1, 0] : vector<128x128xf32> -> vector<128x128xf32>
    %swap3A_1003 = arith.constant 14208 : index
    %swap3A_1004 = arith.constant 0 : index
    %swap3A_1005 = vector.load %arg2[%swap3A_1003, %swap3A_1004] : memref<16384x128xf32, #tpu.memory_space<vmem>>, vector<128x128xf32>
    tpu.vector_store %arg2[%swap3A_1003, %swap3A_1004], %transpose3A_1002 {strides = array<i32>} : memref<16384x128xf32, #tpu.memory_space<vmem>>, vector<128x128xf32>,
    %slice3A_1006 = vector.extract_strided_slice %get3A_1 {offsets = [0, 57344], sizes = [32, 128], strides = [1, 1]} : vector<32x65536xf32> to vector<32x128xf32>
    %slice3A_1007 = vector.extract_strided_slice %get3A_1 {offsets = [0, 57472], sizes = [32, 128], strides = [1, 1]} : vector<32x65536xf32> to vector<32x128xf32>
    %slice3A_1008 = vector.extract_strided_slice %get3A_1 {offsets = [0, 57600], sizes = [32, 128], strides = [1, 1]} : vector<32x65536xf32> to vector<32x128xf32>
    %slice3A_1009 = vector.extract_strided_slice %get3A_1 {offsets = [0, 57728], sizes = [32, 128], strides = [1, 1]} : vector<32x65536xf32> to vector<32x128xf32>
    %concatenate3A_1010 = tpu.concatenate %slice3A_1006, %slice3A_1007, %slice3A_1008, %slice3A_1009 in 0 : vector<32x128xf32>, vector<32x128xf32>, vector<32x128xf32>, vector<32x128xf32> -> vector<128x128xf32>
    %transpose3A_1011 = tpu.transpose %concatenate3A_1010, [1, 0] : vector<128x128xf32> -> vector<128x128xf32>
    %swap3A_1012 = arith.constant 14336 : index
    %swap3A_1013 = arith.constant 0 : index
    %swap3A_1014 = vector.load %arg2[%swap3A_1012, %swap3A_1013] : memref<16384x128xf32, #tpu.memory_space<vmem>>, vector<128x128xf32>
    tpu.vector_store %arg2[%swap3A_1012, %swap3A_1013], %transpose3A_1011 {strides = array<i32>} : memref<16384x128xf32, #tpu.memory_space<vmem>>, vector<128x128xf32>,
    %slice3A_1015 = vector.extract_strided_slice %get3A_1 {offsets = [0, 57856], sizes = [32, 128], strides = [1, 1]} : vector<32x65536xf32> to vector<32x128xf32>
    %slice3A_1016 = vector.extract_strided_slice %get3A_1 {offsets = [0, 57984], sizes = [32, 128], strides = [1, 1]} : vector<32x65536xf32> to vector<32x128xf32>
    %slice3A_1017 = vector.extract_strided_slice %get3A_1 {offsets = [0, 58112], sizes = [32, 128], strides = [1, 1]} : vector<32x65536xf32> to vector<32x128xf32>
    %slice3A_1018 = vector.extract_strided_slice %get3A_1 {offsets = [0, 58240], sizes = [32, 128], strides = [1, 1]} : vector<32x65536xf32> to vector<32x128xf32>
    %concatenate3A_1019 = tpu.concatenate %slice3A_1015, %slice3A_1016, %slice3A_1017, %slice3A_1018 in 0 : vector<32x128xf32>, vector<32x128xf32>, vector<32x128xf32>, vector<32x128xf32> -> vector<128x128xf32>
    %transpose3A_1020 = tpu.transpose %concatenate3A_1019, [1, 0] : vector<128x128xf32> -> vector<128x128xf32>
    %swap3A_1021 = arith.constant 14464 : index
    %swap3A_1022 = arith.constant 0 : index
    %swap3A_1023 = vector.load %arg2[%swap3A_1021, %swap3A_1022] : memref<16384x128xf32, #tpu.memory_space<vmem>>, vector<128x128xf32>
    tpu.vector_store %arg2[%swap3A_1021, %swap3A_1022], %transpose3A_1020 {strides = array<i32>} : memref<16384x128xf32, #tpu.memory_space<vmem>>, vector<128x128xf32>,
    %slice3A_1024 = vector.extract_strided_slice %get3A_1 {offsets = [0, 58368], sizes = [32, 128], strides = [1, 1]} : vector<32x65536xf32> to vector<32x128xf32>
    %slice3A_1025 = vector.extract_strided_slice %get3A_1 {offsets = [0, 58496], sizes = [32, 128], strides = [1, 1]} : vector<32x65536xf32> to vector<32x128xf32>
    %slice3A_1026 = vector.extract_strided_slice %get3A_1 {offsets = [0, 58624], sizes = [32, 128], strides = [1, 1]} : vector<32x65536xf32> to vector<32x128xf32>
    %slice3A_1027 = vector.extract_strided_slice %get3A_1 {offsets = [0, 58752], sizes = [32, 128], strides = [1, 1]} : vector<32x65536xf32> to vector<32x128xf32>
    %concatenate3A_1028 = tpu.concatenate %slice3A_1024, %slice3A_1025, %slice3A_1026, %slice3A_1027 in 0 : vector<32x128xf32>, vector<32x128xf32>, vector<32x128xf32>, vector<32x128xf32> -> vector<128x128xf32>
    %transpose3A_1029 = tpu.transpose %concatenate3A_1028, [1, 0] : vector<128x128xf32> -> vector<128x128xf32>
    %swap3A_1030 = arith.constant 14592 : index
    %swap3A_1031 = arith.constant 0 : index
    %swap3A_1032 = vector.load %arg2[%swap3A_1030, %swap3A_1031] : memref<16384x128xf32, #tpu.memory_space<vmem>>, vector<128x128xf32>
    tpu.vector_store %arg2[%swap3A_1030, %swap3A_1031], %transpose3A_1029 {strides = array<i32>} : memref<16384x128xf32, #tpu.memory_space<vmem>>, vector<128x128xf32>,
    %slice3A_1033 = vector.extract_strided_slice %get3A_1 {offsets = [0, 58880], sizes = [32, 128], strides = [1, 1]} : vector<32x65536xf32> to vector<32x128xf32>
    %slice3A_1034 = vector.extract_strided_slice %get3A_1 {offsets = [0, 59008], sizes = [32, 128], strides = [1, 1]} : vector<32x65536xf32> to vector<32x128xf32>
    %slice3A_1035 = vector.extract_strided_slice %get3A_1 {offsets = [0, 59136], sizes = [32, 128], strides = [1, 1]} : vector<32x65536xf32> to vector<32x128xf32>
    %slice3A_1036 = vector.extract_strided_slice %get3A_1 {offsets = [0, 59264], sizes = [32, 128], strides = [1, 1]} : vector<32x65536xf32> to vector<32x128xf32>
    %concatenate3A_1037 = tpu.concatenate %slice3A_1033, %slice3A_1034, %slice3A_1035, %slice3A_1036 in 0 : vector<32x128xf32>, vector<32x128xf32>, vector<32x128xf32>, vector<32x128xf32> -> vector<128x128xf32>
    %transpose3A_1038 = tpu.transpose %concatenate3A_1037, [1, 0] : vector<128x128xf32> -> vector<128x128xf32>
    %swap3A_1039 = arith.constant 14720 : index
    %swap3A_1040 = arith.constant 0 : index
    %swap3A_1041 = vector.load %arg2[%swap3A_1039, %swap3A_1040] : memref<16384x128xf32, #tpu.memory_space<vmem>>, vector<128x128xf32>
    tpu.vector_store %arg2[%swap3A_1039, %swap3A_1040], %transpose3A_1038 {strides = array<i32>} : memref<16384x128xf32, #tpu.memory_space<vmem>>, vector<128x128xf32>,
    %slice3A_1042 = vector.extract_strided_slice %get3A_1 {offsets = [0, 59392], sizes = [32, 128], strides = [1, 1]} : vector<32x65536xf32> to vector<32x128xf32>
    %slice3A_1043 = vector.extract_strided_slice %get3A_1 {offsets = [0, 59520], sizes = [32, 128], strides = [1, 1]} : vector<32x65536xf32> to vector<32x128xf32>
    %slice3A_1044 = vector.extract_strided_slice %get3A_1 {offsets = [0, 59648], sizes = [32, 128], strides = [1, 1]} : vector<32x65536xf32> to vector<32x128xf32>
    %slice3A_1045 = vector.extract_strided_slice %get3A_1 {offsets = [0, 59776], sizes = [32, 128], strides = [1, 1]} : vector<32x65536xf32> to vector<32x128xf32>
    %concatenate3A_1046 = tpu.concatenate %slice3A_1042, %slice3A_1043, %slice3A_1044, %slice3A_1045 in 0 : vector<32x128xf32>, vector<32x128xf32>, vector<32x128xf32>, vector<32x128xf32> -> vector<128x128xf32>
    %transpose3A_1047 = tpu.transpose %concatenate3A_1046, [1, 0] : vector<128x128xf32> -> vector<128x128xf32>
    %swap3A_1048 = arith.constant 14848 : index
    %swap3A_1049 = arith.constant 0 : index
    %swap3A_1050 = vector.load %arg2[%swap3A_1048, %swap3A_1049] : memref<16384x128xf32, #tpu.memory_space<vmem>>, vector<128x128xf32>
    tpu.vector_store %arg2[%swap3A_1048, %swap3A_1049], %transpose3A_1047 {strides = array<i32>} : memref<16384x128xf32, #tpu.memory_space<vmem>>, vector<128x128xf32>,
    %slice3A_1051 = vector.extract_strided_slice %get3A_1 {offsets = [0, 59904], sizes = [32, 128], strides = [1, 1]} : vector<32x65536xf32> to vector<32x128xf32>
    %slice3A_1052 = vector.extract_strided_slice %get3A_1 {offsets = [0, 60032], sizes = [32, 128], strides = [1, 1]} : vector<32x65536xf32> to vector<32x128xf32>
    %slice3A_1053 = vector.extract_strided_slice %get3A_1 {offsets = [0, 60160], sizes = [32, 128], strides = [1, 1]} : vector<32x65536xf32> to vector<32x128xf32>
    %slice3A_1054 = vector.extract_strided_slice %get3A_1 {offsets = [0, 60288], sizes = [32, 128], strides = [1, 1]} : vector<32x65536xf32> to vector<32x128xf32>
    %concatenate3A_1055 = tpu.concatenate %slice3A_1051, %slice3A_1052, %slice3A_1053, %slice3A_1054 in 0 : vector<32x128xf32>, vector<32x128xf32>, vector<32x128xf32>, vector<32x128xf32> -> vector<128x128xf32>
    %transpose3A_1056 = tpu.transpose %concatenate3A_1055, [1, 0] : vector<128x128xf32> -> vector<128x128xf32>
    %swap3A_1057 = arith.constant 14976 : index
    %swap3A_1058 = arith.constant 0 : index
    %swap3A_1059 = vector.load %arg2[%swap3A_1057, %swap3A_1058] : memref<16384x128xf32, #tpu.memory_space<vmem>>, vector<128x128xf32>
    tpu.vector_store %arg2[%swap3A_1057, %swap3A_1058], %transpose3A_1056 {strides = array<i32>} : memref<16384x128xf32, #tpu.memory_space<vmem>>, vector<128x128xf32>,
    %slice3A_1060 = vector.extract_strided_slice %get3A_1 {offsets = [0, 60416], sizes = [32, 128], strides = [1, 1]} : vector<32x65536xf32> to vector<32x128xf32>
    %slice3A_1061 = vector.extract_strided_slice %get3A_1 {offsets = [0, 60544], sizes = [32, 128], strides = [1, 1]} : vector<32x65536xf32> to vector<32x128xf32>
    %slice3A_1062 = vector.extract_strided_slice %get3A_1 {offsets = [0, 60672], sizes = [32, 128], strides = [1, 1]} : vector<32x65536xf32> to vector<32x128xf32>
    %slice3A_1063 = vector.extract_strided_slice %get3A_1 {offsets = [0, 60800], sizes = [32, 128], strides = [1, 1]} : vector<32x65536xf32> to vector<32x128xf32>
    %concatenate3A_1064 = tpu.concatenate %slice3A_1060, %slice3A_1061, %slice3A_1062, %slice3A_1063 in 0 : vector<32x128xf32>, vector<32x128xf32>, vector<32x128xf32>, vector<32x128xf32> -> vector<128x128xf32>
    %transpose3A_1065 = tpu.transpose %concatenate3A_1064, [1, 0] : vector<128x128xf32> -> vector<128x128xf32>
    %swap3A_1066 = arith.constant 15104 : index
    %swap3A_1067 = arith.constant 0 : index
    %swap3A_1068 = vector.load %arg2[%swap3A_1066, %swap3A_1067] : memref<16384x128xf32, #tpu.memory_space<vmem>>, vector<128x128xf32>
    tpu.vector_store %arg2[%swap3A_1066, %swap3A_1067], %transpose3A_1065 {strides = array<i32>} : memref<16384x128xf32, #tpu.memory_space<vmem>>, vector<128x128xf32>,
    %slice3A_1069 = vector.extract_strided_slice %get3A_1 {offsets = [0, 60928], sizes = [32, 128], strides = [1, 1]} : vector<32x65536xf32> to vector<32x128xf32>
    %slice3A_1070 = vector.extract_strided_slice %get3A_1 {offsets = [0, 61056], sizes = [32, 128], strides = [1, 1]} : vector<32x65536xf32> to vector<32x128xf32>
    %slice3A_1071 = vector.extract_strided_slice %get3A_1 {offsets = [0, 61184], sizes = [32, 128], strides = [1, 1]} : vector<32x65536xf32> to vector<32x128xf32>
    %slice3A_1072 = vector.extract_strided_slice %get3A_1 {offsets = [0, 61312], sizes = [32, 128], strides = [1, 1]} : vector<32x65536xf32> to vector<32x128xf32>
    %concatenate3A_1073 = tpu.concatenate %slice3A_1069, %slice3A_1070, %slice3A_1071, %slice3A_1072 in 0 : vector<32x128xf32>, vector<32x128xf32>, vector<32x128xf32>, vector<32x128xf32> -> vector<128x128xf32>
    %transpose3A_1074 = tpu.transpose %concatenate3A_1073, [1, 0] : vector<128x128xf32> -> vector<128x128xf32>
    %swap3A_1075 = arith.constant 15232 : index
    %swap3A_1076 = arith.constant 0 : index
    %swap3A_1077 = vector.load %arg2[%swap3A_1075, %swap3A_1076] : memref<16384x128xf32, #tpu.memory_space<vmem>>, vector<128x128xf32>
    tpu.vector_store %arg2[%swap3A_1075, %swap3A_1076], %transpose3A_1074 {strides = array<i32>} : memref<16384x128xf32, #tpu.memory_space<vmem>>, vector<128x128xf32>,
    %slice3A_1078 = vector.extract_strided_slice %get3A_1 {offsets = [0, 61440], sizes = [32, 128], strides = [1, 1]} : vector<32x65536xf32> to vector<32x128xf32>
    %slice3A_1079 = vector.extract_strided_slice %get3A_1 {offsets = [0, 61568], sizes = [32, 128], strides = [1, 1]} : vector<32x65536xf32> to vector<32x128xf32>
    %slice3A_1080 = vector.extract_strided_slice %get3A_1 {offsets = [0, 61696], sizes = [32, 128], strides = [1, 1]} : vector<32x65536xf32> to vector<32x128xf32>
    %slice3A_1081 = vector.extract_strided_slice %get3A_1 {offsets = [0, 61824], sizes = [32, 128], strides = [1, 1]} : vector<32x65536xf32> to vector<32x128xf32>
    %concatenate3A_1082 = tpu.concatenate %slice3A_1078, %slice3A_1079, %slice3A_1080, %slice3A_1081 in 0 : vector<32x128xf32>, vector<32x128xf32>, vector<32x128xf32>, vector<32x128xf32> -> vector<128x128xf32>
    %transpose3A_1083 = tpu.transpose %concatenate3A_1082, [1, 0] : vector<128x128xf32> -> vector<128x128xf32>
    %swap3A_1084 = arith.constant 15360 : index
    %swap3A_1085 = arith.constant 0 : index
    %swap3A_1086 = vector.load %arg2[%swap3A_1084, %swap3A_1085] : memref<16384x128xf32, #tpu.memory_space<vmem>>, vector<128x128xf32>
    tpu.vector_store %arg2[%swap3A_1084, %swap3A_1085], %transpose3A_1083 {strides = array<i32>} : memref<16384x128xf32, #tpu.memory_space<vmem>>, vector<128x128xf32>,
    %slice3A_1087 = vector.extract_strided_slice %get3A_1 {offsets = [0, 61952], sizes = [32, 128], strides = [1, 1]} : vector<32x65536xf32> to vector<32x128xf32>
    %slice3A_1088 = vector.extract_strided_slice %get3A_1 {offsets = [0, 62080], sizes = [32, 128], strides = [1, 1]} : vector<32x65536xf32> to vector<32x128xf32>
    %slice3A_1089 = vector.extract_strided_slice %get3A_1 {offsets = [0, 62208], sizes = [32, 128], strides = [1, 1]} : vector<32x65536xf32> to vector<32x128xf32>
    %slice3A_1090 = vector.extract_strided_slice %get3A_1 {offsets = [0, 62336], sizes = [32, 128], strides = [1, 1]} : vector<32x65536xf32> to vector<32x128xf32>
    %concatenate3A_1091 = tpu.concatenate %slice3A_1087, %slice3A_1088, %slice3A_1089, %slice3A_1090 in 0 : vector<32x128xf32>, vector<32x128xf32>, vector<32x128xf32>, vector<32x128xf32> -> vector<128x128xf32>
    %transpose3A_1092 = tpu.transpose %concatenate3A_1091, [1, 0] : vector<128x128xf32> -> vector<128x128xf32>
    %swap3A_1093 = arith.constant 15488 : index
    %swap3A_1094 = arith.constant 0 : index
    %swap3A_1095 = vector.load %arg2[%swap3A_1093, %swap3A_1094] : memref<16384x128xf32, #tpu.memory_space<vmem>>, vector<128x128xf32>
    tpu.vector_store %arg2[%swap3A_1093, %swap3A_1094], %transpose3A_1092 {strides = array<i32>} : memref<16384x128xf32, #tpu.memory_space<vmem>>, vector<128x128xf32>,
    %slice3A_1096 = vector.extract_strided_slice %get3A_1 {offsets = [0, 62464], sizes = [32, 128], strides = [1, 1]} : vector<32x65536xf32> to vector<32x128xf32>
    %slice3A_1097 = vector.extract_strided_slice %get3A_1 {offsets = [0, 62592], sizes = [32, 128], strides = [1, 1]} : vector<32x65536xf32> to vector<32x128xf32>
    %slice3A_1098 = vector.extract_strided_slice %get3A_1 {offsets = [0, 62720], sizes = [32, 128], strides = [1, 1]} : vector<32x65536xf32> to vector<32x128xf32>
    %slice3A_1099 = vector.extract_strided_slice %get3A_1 {offsets = [0, 62848], sizes = [32, 128], strides = [1, 1]} : vector<32x65536xf32> to vector<32x128xf32>
    %concatenate3A_1100 = tpu.concatenate %slice3A_1096, %slice3A_1097, %slice3A_1098, %slice3A_1099 in 0 : vector<32x128xf32>, vector<32x128xf32>, vector<32x128xf32>, vector<32x128xf32> -> vector<128x128xf32>
    %transpose3A_1101 = tpu.transpose %concatenate3A_1100, [1, 0] : vector<128x128xf32> -> vector<128x128xf32>
    %swap3A_1102 = arith.constant 15616 : index
    %swap3A_1103 = arith.constant 0 : index
    %swap3A_1104 = vector.load %arg2[%swap3A_1102, %swap3A_1103] : memref<16384x128xf32, #tpu.memory_space<vmem>>, vector<128x128xf32>
    tpu.vector_store %arg2[%swap3A_1102, %swap3A_1103], %transpose3A_1101 {strides = array<i32>} : memref<16384x128xf32, #tpu.memory_space<vmem>>, vector<128x128xf32>,
    %slice3A_1105 = vector.extract_strided_slice %get3A_1 {offsets = [0, 62976], sizes = [32, 128], strides = [1, 1]} : vector<32x65536xf32> to vector<32x128xf32>
    %slice3A_1106 = vector.extract_strided_slice %get3A_1 {offsets = [0, 63104], sizes = [32, 128], strides = [1, 1]} : vector<32x65536xf32> to vector<32x128xf32>
    %slice3A_1107 = vector.extract_strided_slice %get3A_1 {offsets = [0, 63232], sizes = [32, 128], strides = [1, 1]} : vector<32x65536xf32> to vector<32x128xf32>
    %slice3A_1108 = vector.extract_strided_slice %get3A_1 {offsets = [0, 63360], sizes = [32, 128], strides = [1, 1]} : vector<32x65536xf32> to vector<32x128xf32>
    %concatenate3A_1109 = tpu.concatenate %slice3A_1105, %slice3A_1106, %slice3A_1107, %slice3A_1108 in 0 : vector<32x128xf32>, vector<32x128xf32>, vector<32x128xf32>, vector<32x128xf32> -> vector<128x128xf32>
    %transpose3A_1110 = tpu.transpose %concatenate3A_1109, [1, 0] : vector<128x128xf32> -> vector<128x128xf32>
    %swap3A_1111 = arith.constant 15744 : index
    %swap3A_1112 = arith.constant 0 : index
    %swap3A_1113 = vector.load %arg2[%swap3A_1111, %swap3A_1112] : memref<16384x128xf32, #tpu.memory_space<vmem>>, vector<128x128xf32>
    tpu.vector_store %arg2[%swap3A_1111, %swap3A_1112], %transpose3A_1110 {strides = array<i32>} : memref<16384x128xf32, #tpu.memory_space<vmem>>, vector<128x128xf32>,
    %slice3A_1114 = vector.extract_strided_slice %get3A_1 {offsets = [0, 63488], sizes = [32, 128], strides = [1, 1]} : vector<32x65536xf32> to vector<32x128xf32>
    %slice3A_1115 = vector.extract_strided_slice %get3A_1 {offsets = [0, 63616], sizes = [32, 128], strides = [1, 1]} : vector<32x65536xf32> to vector<32x128xf32>
    %slice3A_1116 = vector.extract_strided_slice %get3A_1 {offsets = [0, 63744], sizes = [32, 128], strides = [1, 1]} : vector<32x65536xf32> to vector<32x128xf32>
    %slice3A_1117 = vector.extract_strided_slice %get3A_1 {offsets = [0, 63872], sizes = [32, 128], strides = [1, 1]} : vector<32x65536xf32> to vector<32x128xf32>
    %concatenate3A_1118 = tpu.concatenate %slice3A_1114, %slice3A_1115, %slice3A_1116, %slice3A_1117 in 0 : vector<32x128xf32>, vector<32x128xf32>, vector<32x128xf32>, vector<32x128xf32> -> vector<128x128xf32>
    %transpose3A_1119 = tpu.transpose %concatenate3A_1118, [1, 0] : vector<128x128xf32> -> vector<128x128xf32>
    %swap3A_1120 = arith.constant 15872 : index
    %swap3A_1121 = arith.constant 0 : index
    %swap3A_1122 = vector.load %arg2[%swap3A_1120, %swap3A_1121] : memref<16384x128xf32, #tpu.memory_space<vmem>>, vector<128x128xf32>
    tpu.vector_store %arg2[%swap3A_1120, %swap3A_1121], %transpose3A_1119 {strides = array<i32>} : memref<16384x128xf32, #tpu.memory_space<vmem>>, vector<128x128xf32>,
    %slice3A_1123 = vector.extract_strided_slice %get3A_1 {offsets = [0, 64000], sizes = [32, 128], strides = [1, 1]} : vector<32x65536xf32> to vector<32x128xf32>
    %slice3A_1124 = vector.extract_strided_slice %get3A_1 {offsets = [0, 64128], sizes = [32, 128], strides = [1, 1]} : vector<32x65536xf32> to vector<32x128xf32>
    %slice3A_1125 = vector.extract_strided_slice %get3A_1 {offsets = [0, 64256], sizes = [32, 128], strides = [1, 1]} : vector<32x65536xf32> to vector<32x128xf32>
    %slice3A_1126 = vector.extract_strided_slice %get3A_1 {offsets = [0, 64384], sizes = [32, 128], strides = [1, 1]} : vector<32x65536xf32> to vector<32x128xf32>
    %concatenate3A_1127 = tpu.concatenate %slice3A_1123, %slice3A_1124, %slice3A_1125, %slice3A_1126 in 0 : vector<32x128xf32>, vector<32x128xf32>, vector<32x128xf32>, vector<32x128xf32> -> vector<128x128xf32>
    %transpose3A_1128 = tpu.transpose %concatenate3A_1127, [1, 0] : vector<128x128xf32> -> vector<128x128xf32>
    %swap3A_1129 = arith.constant 16000 : index
    %swap3A_1130 = arith.constant 0 : index
    %swap3A_1131 = vector.load %arg2[%swap3A_1129, %swap3A_1130] : memref<16384x128xf32, #tpu.memory_space<vmem>>, vector<128x128xf32>
    tpu.vector_store %arg2[%swap3A_1129, %swap3A_1130], %transpose3A_1128 {strides = array<i32>} : memref<16384x128xf32, #tpu.memory_space<vmem>>, vector<128x128xf32>,
    %slice3A_1132 = vector.extract_strided_slice %get3A_1 {offsets = [0, 64512], sizes = [32, 128], strides = [1, 1]} : vector<32x65536xf32> to vector<32x128xf32>
    %slice3A_1133 = vector.extract_strided_slice %get3A_1 {offsets = [0, 64640], sizes = [32, 128], strides = [1, 1]} : vector<32x65536xf32> to vector<32x128xf32>
    %slice3A_1134 = vector.extract_strided_slice %get3A_1 {offsets = [0, 64768], sizes = [32, 128], strides = [1, 1]} : vector<32x65536xf32> to vector<32x128xf32>
    %slice3A_1135 = vector.extract_strided_slice %get3A_1 {offsets = [0, 64896], sizes = [32, 128], strides = [1, 1]} : vector<32x65536xf32> to vector<32x128xf32>
    %concatenate3A_1136 = tpu.concatenate %slice3A_1132, %slice3A_1133, %slice3A_1134, %slice3A_1135 in 0 : vector<32x128xf32>, vector<32x128xf32>, vector<32x128xf32>, vector<32x128xf32> -> vector<128x128xf32>
    %transpose3A_1137 = tpu.transpose %concatenate3A_1136, [1, 0] : vector<128x128xf32> -> vector<128x128xf32>
    %swap3A_1138 = arith.constant 16128 : index
    %swap3A_1139 = arith.constant 0 : index
    %swap3A_1140 = vector.load %arg2[%swap3A_1138, %swap3A_1139] : memref<16384x128xf32, #tpu.memory_space<vmem>>, vector<128x128xf32>
    tpu.vector_store %arg2[%swap3A_1138, %swap3A_1139], %transpose3A_1137 {strides = array<i32>} : memref<16384x128xf32, #tpu.memory_space<vmem>>, vector<128x128xf32>,
    %slice3A_1141 = vector.extract_strided_slice %get3A_1 {offsets = [0, 65024], sizes = [32, 128], strides = [1, 1]} : vector<32x65536xf32> to vector<32x128xf32>
    %slice3A_1142 = vector.extract_strided_slice %get3A_1 {offsets = [0, 65152], sizes = [32, 128], strides = [1, 1]} : vector<32x65536xf32> to vector<32x128xf32>
    %slice3A_1143 = vector.extract_strided_slice %get3A_1 {offsets = [0, 65280], sizes = [32, 128], strides = [1, 1]} : vector<32x65536xf32> to vector<32x128xf32>
    %slice3A_1144 = vector.extract_strided_slice %get3A_1 {offsets = [0, 65408], sizes = [32, 128], strides = [1, 1]} : vector<32x65536xf32> to vector<32x128xf32>
    %concatenate3A_1145 = tpu.concatenate %slice3A_1141, %slice3A_1142, %slice3A_1143, %slice3A_1144 in 0 : vector<32x128xf32>, vector<32x128xf32>, vector<32x128xf32>, vector<32x128xf32> -> vector<128x128xf32>
    %transpose3A_1146 = tpu.transpose %concatenate3A_1145, [1, 0] : vector<128x128xf32> -> vector<128x128xf32>
    %swap3A_1147 = arith.constant 16256 : index
    %swap3A_1148 = arith.constant 0 : index
    %swap3A_1149 = vector.load %arg2[%swap3A_1147, %swap3A_1148] : memref<16384x128xf32, #tpu.memory_space<vmem>>, vector<128x128xf32>
    tpu.vector_store %arg2[%swap3A_1147, %swap3A_1148], %transpose3A_1146 {strides = array<i32>} : memref<16384x128xf32, #tpu.memory_space<vmem>>, vector<128x128xf32>,
    return
  }
  func.func @transform_0(%arg0: i32) -> (i32, i32) {
    %c0_i32 = arith.constant 0 : i32
    %c0_i32_0 = arith.constant 0 : i32
    return %c0_i32, %arg0 : i32, i32
  }
  func.func @transform_1(%arg0: i32) -> (i32, i32) {
    %c0_i32 = arith.constant 0 : i32
    %c0_i32_0 = arith.constant 0 : i32
    return %arg0, %c0_i32 : i32, i32
  }
}

</mosaic_0001>

<sc_bundles>
// kernel: _mf.5.cloned.1.call-start
scs
__scs_entry_jumppad:
0x0: {  	(pc) =	sbr.rel $0x88, $3  }
0x1: {  	(tag) =	ssettag $0x0;
	lr =	simm.s32 $0x1  }
0x2: {  	[smem:$0x3F9D] =	sst lr;
	_ =	strace $0xD0000000  }
0x3: {  	_ = 	snop  }
0x4: {  	_ = 	snop  }
0x5: {  	_ = 	snop  }
0x6: {  	_ = 	snop  }
0x7: {  	_ = 	snop  }
__scs_overlays_trampoline_lowered:
0x8: {  	[smem:$0x3FAC] =	sst s0  }
0x9: {  	[smem:$0x3FAD] =	sst s1  }
0xa: {  	[smem:$0x3FAE] =	sst s2  }
0xb: {  	[smem:$0x3FAF] =	sst s3  }
0xc: {  	[smem:$0x3FB0] =	sst s4  }
0xd: {  	[smem:$0x3FB1] =	sst s5  }
0xe: {  	[smem:$0x3FB2] =	sst s6  }
0xf: {  	[smem:$0x3FB3] =	sst s7  }
0x10: {  	[smem:$0x3FB4] =	sst s8  }
0x11: {  	[smem:$0x3FB5] =	sst s9;
	s0 =	simm.s32 @!p0 $0x0  }
0x12: {  	s1 =	sld [smem:$0x3F9B];
	s0 =	simm.s32 @p0 $0x1  }
0x13: {  	[smem:$0x3FB6] =	sst s0;
	s0 =	simm.s32 @!p1 $0x0  }
0x14: {  	s2 =	sld [smem:$0x3F9A];
	s0 =	simm.s32 @p1 $0x1  }
0x15: {  	[smem:$0x3FB7] =	sst s0;
	s0 =	simm.s32 @!p2 $0x0  }
0x16: {  	s3 =	sld [smem:$0x3FDB];
	s0 =	simm.s32 @p2 $0x1  }
0x17: {  	s4 =	simm.s32 $0x1BF5;
	[smem:$0x3FB9] =	sst s0  }
0x18: {  	s0 =	sld [smem:$0x3F9C];
	_ =	swait.ge [sflag:s4], $0x0  }
0x19: {  	s7 =	sld [smem:$0x3F9D]  }
0x1a: {  	s8 =	sadd.s32 $0xFFFFE003, lr  }
0x1b: {  	s9 =	sadd.s32 $0xFFFFFEF7, lr;
	s5 =	simm.s32 $0xFFFFFFFF;
	p2 =	slt.u32 s8, $0xFFFFF086  }
0x1c: {  	p1 =	slt.u32 s9, $0xF7A;
	s5 =	simm.s32 @!p2 $0x0  }
0x1d: {  	s5 =	simm.s32 @p1 $0x1;
	p0 =	seq.s32 s7, s2  }
0x1e: {  	s7 =	smul.u32 @!p0 $0xF7A, s2;
	p2 =	seq.s32 @!p0 s5, $0x0  }
0x1f: {  	s9 =	smul.u32 $0xF7A, s1;
	s8 =	simm.s32 @!p0 $0x1BF5;
	p2 =	por !p2, p0  }
0x20: {  	[sflag:s8] =	ssyncset.s32 @!p0 $0xFFFFF086;
	s6 =	sadd.s32 @!p0 s3, s7;
	s7 =	simm.s32 @!p0 $0x108  }
0x21: {  	s3 =	sadd.s32 s3, s9;
	s6 =	sadd.s32 @!p0 $0x88, s6;
	s7 =	simm.s32 @p2 $0x1082  }
0x22: {  	[simem:s7], [sflag:s8] =	dma.local @!p0 [hbm:s6], $0xF7A  }
0x23: {  	s9 =	sor.u32 $0xD0000000, s2;
	s6 =	simm.s32 $0x108;
	_ =	swait.ge @!p0 [sflag:s8], $0x0  }
0x24: {  	s3 =	sadd.s32 $0x88, s3;
	s6 =	simm.s32 @!p1 $0x1082;
	[sflag:s4] =	ssyncset.s32 $0xFFFFF086  }
0x25: {  	[simem:s6], [sflag:s4] =	dma.local [hbm:s3], $0xF7A  }
0x26: {  	[smem:$0x3F9D] =	sst s1;
	(tag) =	ssettag s2;
	_ =	strace s9  }
0x27: {  	s1 =	sld [smem:$0x3FAD]  }
0x28: {  	s2 =	sld [smem:$0x3FAE]  }
0x29: {  	s4 =	sld [smem:$0x3FB0]  }
0x2a: {  	p0 =	seq.s32 s5, $0x0;
	s5 =	sld [smem:$0x3FB1]  }
0x2b: {  	s6 =	sld [smem:$0x3FB2]  }
0x2c: {  	s7 =	sld [smem:$0x3FB3]  }
0x2d: {  	s3 =	simm.s32 $0x108;
	s8 =	sld [smem:$0x3FB4]  }
0x2e: {  	s3 =	simm.s32 @!p0 $0x1082;
	s9 =	sld [smem:$0x3FB5]  }
0x2f: {  	lr =	sadd.s32 s0, s3;
	s0 =	sld [smem:$0x3FAC]  }
0x30: {  	s3 =	sld [smem:$0x3FAF]  }
0x31: {  	[smem:$0x3FB8] =	sst s10  }
0x32: {  	s10 =	sld [smem:$0x3FB6];
	_ =	sdelay $0x3  }
0x33: {  	p0 =	seq.s32 s10, $0x1;
	s10 =	sld [smem:$0x3FB8];
	_ =	sdelay $0x3  }
0x34: {  	[smem:$0x3FB8] =	sst s10  }
0x35: {  	s10 =	sld [smem:$0x3FB7];
	_ =	sdelay $0x3  }
0x36: {  	p1 =	seq.s32 s10, $0x1;
	s10 =	sld [smem:$0x3FB8];
	_ =	sdelay $0x3  }
0x37: {  	[smem:$0x3FB8] =	sst s10  }
0x38: {  	s10 =	sld [smem:$0x3FB9]  }
0x39: {  	_ = 	snop;
	(pc) =	sbr.ind lr, $3  }
0x3a: {  	_ = 	snop  }
0x3b: {  	_ = 	snop  }
0x3c: {  	p2 =	seq.s32 s10, $0x1;
	s10 =	sld [smem:$0x3FB8]  }
0x3d: {  	_ =	shalt  }
0x3e: {  	_ =	shalt  }
0x3f: {  	_ =	shalt  }
0x40: {  	_ =	shalt  }
0x41: {  	_ =	shalt  }
0x42: {  	_ =	shalt  }
0x43: {  	_ =	shalt  }
0x44: {  	_ =	shalt  }
0x45: {  	_ =	shalt  }
0x46: {  	_ =	shalt  }
0x47: {  	_ =	shalt  }
0x48: {  	_ =	shalt  }
0x49: {  	_ =	shalt  }
0x4a: {  	_ =	shalt  }
0x4b: {  	_ =	shalt  }
0x4c: {  	_ =	shalt  }
0x4d: {  	_ =	shalt  }
0x4e: {  	_ =	shalt  }
0x4f: {  	_ =	shalt  }
0x50: {  	_ =	shalt  }
0x51: {  	_ =	shalt  }
0x52: {  	_ =	shalt  }
0x53: {  	_ =	shalt  }
0x54: {  	_ =	shalt  }
0x55: {  	_ =	shalt  }
0x56: {  	_ =	shalt  }
0x57: {  	_ =	shalt  }
0x58: {  	_ =	shalt  }
0x59: {  	_ =	shalt  }
0x5a: {  	_ =	shalt  }
0x5b: {  	_ =	shalt  }
0x5c: {  	_ =	shalt  }
0x5d: {  	_ =	shalt  }
0x5e: {  	_ =	shalt  }
0x5f: {  	_ =	shalt  }
0x60: {  	_ =	shalt  }
0x61: {  	_ =	shalt  }
0x62: {  	_ =	shalt  }
0x63: {  	_ =	shalt  }
0x64: {  	_ =	shalt  }
0x65: {  	_ =	shalt  }
0x66: {  	_ =	shalt  }
0x67: {  	_ =	shalt  }
0x68: {  	_ =	shalt  }
0x69: {  	_ =	shalt  }
0x6a: {  	_ =	shalt  }
0x6b: {  	_ =	shalt  }
0x6c: {  	_ =	shalt  }
0x6d: {  	_ =	shalt  }
0x6e: {  	_ =	shalt  }
0x6f: {  	_ =	shalt  }
0x70: {  	_ =	shalt  }
0x71: {  	_ =	shalt  }
0x72: {  	_ =	shalt  }
0x73: {  	_ =	shalt  }
0x74: {  	_ =	shalt  }
0x75: {  	_ =	shalt  }
0x76: {  	_ =	shalt  }
0x77: {  	_ =	shalt  }
0x78: {  	_ =	shalt  }
0x79: {  	_ =	shalt  }
0x7a: {  	_ =	shalt  }
0x7b: {  	_ =	shalt  }
0x7c: {  	_ =	shalt  }
0x7d: {  	_ =	shalt  }
0x7e: {  	_ =	shalt  }
0x7f: {  	_ =	shalt  }
0x80: {  	_ =	shalt  }
0x81: {  	_ =	shalt  }
0x82: {  	_ =	shalt  }
0x83: {  	_ =	shalt  }
0x84: {  	_ =	shalt  }
0x85: {  	_ =	shalt  }
0x86: {  	_ =	shalt  }
0x87: {  	_ =	shalt  }
.Lfunc_end0:
.L_simem_size_0:
called_computation_lowered:
.L_overlay_start_0:
0x88: {  	s2 =	sld [smem:$0x3FD9]  }
0x89: {  	s3 =	sld [smem:$0x3FFE];
	_ =	sdelay $0x1  }
0x8a: {  	s1 =	srdreg.scid  }
0x8b: {  	s0 =	sand.u32 $0x1, s1  }
0x8c: {  	s17 =	sshll.u32 s0, $0xA;
	s2 =	sadd.s32 s3, s2  }
0x8d: {  	s2 =	sadd.s32 s2, s17  }
0x8e: {  	[smem:$0x3FC4] =	sst s2  }
0x8f: {  	_ = 	snop  }
0x90: {  	s2 =	sld [smem:$0x3FC9]  }
0x91: {  	s18 =	sld [smem:$0x3FC8]  }
0x92: {  	s4 =	sld [smem:$0x3FD0];
	(tm) =	ssettm $0x1  }
0x93: {  	s5 =	sld [smem:$0x3FFB];
	_ =	sdelay $0x3  }
0x94: {  	_ =	strace s5  }
0x95: {  	s5 =	sld [smem:$0x3FFC];
	_ =	sdelay $0x3  }
0x96: {  	_ =	strace s5  }
0x97: {  	s5 =	sld [smem:$0x3FFD];
	_ =	sdelay $0x3  }
0x98: {  	_ =	strace s5  }
0x99: {  	_ =	strace $0x8FFFFFFF  }
0x9a: {  	s19 =	sld [smem:$0x3FDB];
	_ =	sdelay $0x1  }
0x9b: {  	s6 =	simm.s32 $_scs_section_size  }
0x9c: {  	s7 =	simm.s32 $_size__tile_overlayer_lowered;
	s8 =	simm.s32 $_tile_overlayer_lowered  }
0x9d: {  	s22 =	simm.s32 $0x1BFF;
	s21 =	sshll.u32 s8, $0x1;
	s5 =	sadd.s32 s6, s19  }
0x9e: {  	s9 =	simm.s32 $0x0;
	s20 =	sshll.u32 s7, $0x1;
	s7 =	sadd.s32 s21, s5  }
0x9f: {  	[timem:s9], [sflag:s22] =	dma.local [hbm:s7], s20  }
0xa0: {  	_ =	swait.ge [sflag:s22], s20  }
0xa1: {  	s6 =	ssub.s32 $0x0, s20;
	[sflag:s22] =	ssyncset.done $0x0  }
0xa2: {  	[sflag:s22] =	ssyncadd.s32 s6;
	_ =	sdelay $0x1  }
0xa3: {  	s23 =	simm.s32 $0x1B8B  }
0xa4: {  	_ =	swait.ge [sflag:s23], $0x1  }
0xa5: {  	[sflag:s23] =	ssyncset.done $0x0  }
0xa6: {  	s25 =	simm.s32 $0x1B8E;
	s24 =	sld [smem:$0x3FFE];
	[sflag:s23] =	ssyncadd.s32 $0xFFFFFFFF  }
0xa7: {  	s26 =	simm.s32 $execute0_lowered;
	[smem:$0x3FD2] =	sst s25  }
0xa8: {  	s7 =	sshll.u32 s26, $0x1;
	_ =	strace $0x80000046;
	[dreg:$0x1] =	wrdreg $0xFFFFFFFF  }
0xa9: {  	s28 =	simm.s32 $_size_execute0_lowered;
	s5 =	sadd.s32 s5, s7;
	[dreg:$0x0] =	wrdreg $0x0  }
0xaa: {  	s7 =	sshll.u32 s28, $0x1;
	[dreg:$0x2] =	wrdreg s5  }
0xab: {  	[dreg:$0x3] =	wrdreg s7  }
0xac: {  	[dreg:$0x4] =	wrdreg $0xC0  }
0xad: {  	_ =	task [dreg:s9], $0x5FFFF  }
0xae: {  	[dreg:$0x1] =	wrdreg $0xFFFFFFFF  }
0xaf: {  	[dreg:$0x0] =	wrdreg $0x60  }
0xb0: {  	[dreg:$0x2] =	wrdreg s2  }
0xb1: {  	[dreg:$0x3] =	wrdreg s18  }
0xb2: {  	[dreg:$0x4] =	wrdreg s24  }
0xb3: {  	[dreg:$0x5] =	wrdreg s4  }
0xb4: {  	[dreg:$0x6] =	wrdreg $0x9  }
0xb5: {  	_ =	task.clear_ibuf [dreg:s9], $0x7FFFF;
	_ =	strace $0x90000046  }
0xb6: {  	s29 =	simm.s32 $0x9;
	_ =	strace $0x80000048  }
0xb7: {  	_ =	swait.ge [sflag:s29], $0x1  }
0xb8: {  	[sflag:s29] =	ssyncadd.s32 $0xFFFFFFFF  }
0xb9: {  	_ =	strace $0x90000048  }
0xba: {  	_ =	sfence  }
0xbb: {  	s30 =	sld [smem:$0x0];
	_ =	sdelay $0x2  }
0xbc: {  	s31 =	sshll.u32 s1, $0xD;
	s1 =	sshrl.u32 s1, $0x2  }
0xbd: {  	s3 =	sand.u32 $0x4000, s31;
	s1 =	sadd.s32 s1, s30  }
0xbe: {  	s0 =	sor.u32 s3, s0;
	s1 =	sshll.u32 s1, $0x11  }
0xbf: {  	s0 =	sor.u32 s1, s0  }
0xc0: {  	s0 =	sadd.s32 $0x8F2B, s0  }
0xc1: {  	[sflag:s0] =	ssyncadd.remote.s32 $0x1  }
0xc2: {  	_ =	sfence.sel $0xFFFF  }
0xc3: {  	[dreg:$0x0] =	wrdreg $0xFFFFFFFF;
	(pc) =	sbr.abs _section_cstart, $3  }
0xc4: {  	[dreg:$0x1] =	wrdreg $0xFFFFFFFF  }
0xc5: {  	_ =	task.clear_ibuf [dreg:s9], $0x2FFFF;
	_ =	strace $0x9FFFFFFF  }
0xc6: {  	(tm) =	ssettm $0x7FFFFFFF  }
0xc7: {  	_ =	shalt  }
tec
execute0_lowered:
.L_overlay_start_1:
0x0: {  	(tag) =	ssettag $0x1  }
0x1: {  	s5 =	rddreg [dreg:$0x0]  }
0x2: {  	s6 =	rddreg [dreg:$0x1]  }
0x3: {  	s4 =	rddreg [dreg:$0x2]  }
0x4: {  	s7 =	rddreg [dreg:$0x3]  }
0x5: {  	s0 =	rddreg [dreg:$0x4];
	s1 =	simm.s32 $0x0;
	s2 =	srdreg.scid  }
0x6: {  	s12 =	simm.s32 $0x800;
	s13 =	simm.s32 $0x8800;
	s14 =	simm.s32 $0x4800  }
0x7: {  	s15 =	simm.s32 $0xC800;
	s16 =	simm.s32 $0x1;
	s17 =	simm.s32 $0x2  }
0x8: {  	s18 =	simm.s32 $0xFFFFFFFF;
	s19 =	simm.s32 $0x0;
	[smem:$0x7FF] =	sst s1  }
0x9: {  	s8 =	sand.u32 $0x1, s2;
	s3 =	sadd.s32 $0x80600, s4;
	s2 =	stileid.u32  }
0xa: {  	vm0 =	vmmov $0x1;
	s4 =	sadd.s32 $0x600, s4;
	_ =	strace $0x80000047;
	s9 =	ssub.s32 $0x2, s8  }
0xb: {  	vm1 =	vcmask $0x704;
	vm2 =	vcmask $0xB08;
	vm3 =	vcmask $0xF0C;
	s11 =	sshll.u32 s2, $0x7;
	s8 =	sshll.u32 s8, $0x6;
	[dreg:$0x6] =	wrdreg s18  }
0xc: {  	vm4 =	vcmask $0x1310;
	vm5 =	vcmask $0x1714;
	vm6 =	vcmask $0x1B18;
	s18 =	simm.s32 $0x10800;
	s10 =	sshrl.u32 s9, $0x1;
	s31 =	sor.u32 s8, s11  }
0xd: {  	vm7 =	vcmask $0x1F1C;
	vm8 =	vcmask $0x2320;
	vm9 =	vcmask $0x2724;
	s7 =	sadd.s32 s7, s8;
	s9 =	ssub.s32 s9, s10;
	s5 =	sadd.s32 s5, s31  }
0xe: {  	vm10 =	vcmask $0x2B28;
	vm11 =	vcmask $0x2F2C;
	vm12 =	vcmask $0x3330;
	s6 =	sadd.s32 s6, s31;
	s7 =	sadd.s32 s11, s7;
	s10 =	simm.s32 $0x200  }
0xf: {  	vm13 =	vcmask $0x3734;
	vm14 =	vcmask $0x3B38;
	vm15 =	vmmov $0x7fff;
	s11 =	simm.s32 $0x80;
	s8 =	smax.u32 s9, $0x1;
	s9 =	simm.s32 $0x3  }
.LBB2_1:
0x10: {  	[tilespmem:s1], [sflag:$0x3] =	stream.linear.gather [hbm4b:s5+s1], $0x200, $0x38;
	[tilespmem:$0x10A00] =	vst v63  }
0x11: {  	_ =	swait.ge [sflag:s9], $0x200  }
0x12: {  	[sflag:s9] =	ssyncset.done $0x0  }
0x13: {  	[sflag:s9] =	ssyncadd.s32 $0xFFFFFE00  }
0x14: {  	[tilespmem:s10], [sflag:$0x3] =	stream.linear.gather [hbm4b:s6+s1], $0x200, $0x38;
	[tilespmem:$0x10A00] =	vst v63  }
0x15: {  	_ =	swait.ge [sflag:s9], $0x200  }
0x16: {  	[sflag:s9] =	ssyncset.done $0x0  }
0x17: {  	s20 =	simm.s32 $0x0;
	[sflag:s9] =	ssyncadd.s32 $0xFFFFFE00  }
0x18: {  	v0 =	vld [tilespmem:s20+$0x270]  }
0x19: {  	v1 =	vld [tilespmem:s20+$0x0]  }
0x1a: {  	v5 =	vld [tilespmem:s20+$0x10]  }
0x1b: {  	v9 =	vld [tilespmem:s20+$0x20]  }
0x1c: {  	v11 =	vld [tilespmem:s20+$0x220]  }
0x1d: {  	v12 =	vld [tilespmem:s20+$0x30]  }
0x1e: {  	v14 =	vld [tilespmem:s20+$0x230]  }
0x1f: {  	v17 =	vld [tilespmem:s20+$0x40]  }
0x20: {  	v19 =	vld [tilespmem:s20+$0x240]  }
0x21: {  	v21 =	vld [tilespmem:s20+$0x50]  }
0x22: {  	v23 =	vld [tilespmem:s20+$0x250]  }
0x23: {  	v25 =	vld [tilespmem:s20+$0x60]  }
0x24: {  	v27 =	vld [tilespmem:s20+$0x260]  }
0x25: {  	v29 =	vld [tilespmem:s20+$0x70];
	v2 =	vshra.s32 v0, $0x2  }
0x26: {  	v3 =	vld [tilespmem:s20+$0x200];
	v4 =	vshra.s32 v1, $0x2;
	v6 =	vand.u32 $0x7F, v0;
	v8 =	vshra.s32 v5, $0x2  }
0x27: {  	v10 =	vshra.s32 v9, $0x2;
	v13 =	vshra.s32 v11, $0x2;
	v15 =	vshra.s32 v12, $0x2  }
0x28: {  	v7 =	vld [tilespmem:s20+$0x210];
	v16 =	vshra.s32 v14, $0x2;
	v18 =	vshra.s32 v17, $0x2;
	v20 =	vshra.s32 v19, $0x2  }
0x29: {  	v22 =	vshra.s32 v21, $0x2;
	v24 =	vshra.s32 v23, $0x2;
	v26 =	vshra.s32 v25, $0x2  }
0x2a: {  	v25 =	vand.u32 $0x7F, v25;
	v30 =	vshra.s32 v29, $0x2;
	v28 =	vand.u32 $0x7F, v27  }
0x2b: {  	v2 =	vand.u32 $0xFFFFFF80, v2;
	v0 =	vand.u32 $0xFFFFFF80, v4;
	v4 =	vshra.s32 v3, $0x2  }
0x2c: {  	v6 =	vor.u32 v6, v2;
	v2 =	vand.u32 $0x7F, v1;
	v1 =	vand.u32 $0xFFFFFF80, v4  }
0x2d: {  	v4 =	vand.u32 $0x7F, v3;
	v3 =	vand.u32 $0xFFFFFF80, v8;
	v8 =	vshra.s32 v7, $0x2  }
0x2e: {  	[tilespmem:s20+$0x670] =	vst v6;
	v6 =	vand.u32 $0x7F, v5;
	v5 =	vand.u32 $0xFFFFFF80, v8;
	v8 =	vand.u32 $0x7F, v7  }
0x2f: {  	v7 =	vand.u32 $0xFFFFFF80, v10;
	v10 =	vand.u32 $0x7F, v9;
	v9 =	vand.u32 $0xFFFFFF80, v13  }
0x30: {  	v13 =	vand.u32 $0x7F, v11;
	v11 =	vand.u32 $0xFFFFFF80, v15;
	v15 =	vand.u32 $0x7F, v12  }
0x31: {  	v12 =	vand.u32 $0xFFFFFF80, v16;
	v16 =	vand.u32 $0x7F, v14;
	v14 =	vand.u32 $0xFFFFFF80, v18  }
0x32: {  	v18 =	vand.u32 $0x7F, v17;
	v17 =	vand.u32 $0xFFFFFF80, v20;
	v20 =	vand.u32 $0x7F, v19  }
0x33: {  	v19 =	vand.u32 $0xFFFFFF80, v22;
	v22 =	vand.u32 $0x7F, v21;
	v21 =	vand.u32 $0xFFFFFF80, v24  }
0x34: {  	v24 =	vand.u32 $0x7F, v23;
	v23 =	vand.u32 $0xFFFFFF80, v26;
	v26 =	vshra.s32 v27, $0x2  }
0x35: {  	s21 =	simm.s32 $0x80;
	s22 =	simm.s32 $0x400;
	v29 =	vand.u32 $0x7F, v29;
	v27 =	vand.u32 $0xFFFFFF80, v30;
	v26 =	vand.u32 $0xFFFFFF80, v26  }
.LBB2_2:
0x36: {  	p0 =	sne.s32 s22, $0x600;
	v30 =	vld [tilespmem:s21+$0x270];
	v0 =	vor.u32 v2, v0;
	v1 =	vor.u32 v4, v1;
	v2 =	vor.u32 v6, v3  }
0x37: {  	v4 =	vor.u32 v10, v7;
	v3 =	vld [tilespmem:s21+$0x0];
	[tilespmem:s20+$0x400] =	vst v0;
	v0 =	vor.u32 v8, v5;
	v5 =	vor.u32 v13, v9  }
0x38: {  	v7 =	vor.u32 v16, v12;
	v8 =	vor.u32 v18, v14;
	v6 =	vld [tilespmem:s21+$0x200];
	[tilespmem:s20+$0x600] =	vst v1;
	v1 =	vor.u32 v15, v11  }
0x39: {  	v10 =	vor.u32 v20, v17;
	v12 =	vor.u32 v24, v21;
	v11 =	vor.u32 v22, v19;
	v9 =	vld [tilespmem:s21+$0x10];
	[tilespmem:s20+$0x410] =	vst v2  }
0x3a: {  	v17 =	vor.u32 v28, v26;
	v14 =	vor.u32 v25, v23;
	v19 =	vor.u32 v29, v27;
	v13 =	vld [tilespmem:s21+$0x210];
	[tilespmem:s20+$0x610] =	vst v0  }
0x3b: {  	v15 =	vld [tilespmem:s21+$0x20];
	v0 =	vshra.s32 v30, $0x2;
	[tilespmem:s20+$0x420] =	vst v4  }
0x3c: {  	v18 =	vand.u32 $0x7F, v30;
	v2 =	vshra.s32 v3, $0x2;
	v16 =	vld [tilespmem:s21+$0x220];
	v4 =	vand.u32 $0xFFFFFF80, v0;
	[tilespmem:s20+$0x620] =	vst v5  }
0x3d: {  	v0 =	vand.u32 $0xFFFFFF80, v2;
	v5 =	vshra.s32 v6, $0x2;
	v20 =	vld [tilespmem:s21+$0x30];
	v4 =	vor.u32 v18, v4;
	[tilespmem:s20+$0x430] =	vst v1  }
0x3e: {  	v2 =	vand.u32 $0x7F, v3;
	v1 =	vand.u32 $0xFFFFFF80, v5;
	v3 =	vshra.s32 v9, $0x2;
	v18 =	vld [tilespmem:s21+$0x230];
	[tilespmem:s21+$0x670] =	vst v4  }
0x3f: {  	v4 =	vand.u32 $0x7F, v6;
	v3 =	vand.u32 $0xFFFFFF80, v3;
	v5 =	vshra.s32 v13, $0x2;
	v21 =	vld [tilespmem:s21+$0x40];
	[tilespmem:s20+$0x630] =	vst v7  }
0x40: {  	v6 =	vand.u32 $0x7F, v9;
	v5 =	vand.u32 $0xFFFFFF80, v5;
	v7 =	vshra.s32 v15, $0x2;
	v22 =	vld [tilespmem:s21+$0x240];
	[tilespmem:s20+$0x440] =	vst v8  }
0x41: {  	v8 =	vand.u32 $0x7F, v13;
	v7 =	vand.u32 $0xFFFFFF80, v7;
	v9 =	vshra.s32 v16, $0x2;
	v23 =	vld [tilespmem:s21+$0x50];
	[tilespmem:s20+$0x640] =	vst v10  }
0x42: {  	v10 =	vand.u32 $0x7F, v15;
	v9 =	vand.u32 $0xFFFFFF80, v9;
	v15 =	vshra.s32 v20, $0x2;
	v24 =	vld [tilespmem:s21+$0x250];
	[tilespmem:s20+$0x450] =	vst v11  }
0x43: {  	v13 =	vand.u32 $0x7F, v16;
	v11 =	vand.u32 $0xFFFFFF80, v15;
	v16 =	vshra.s32 v18, $0x2;
	v25 =	vld [tilespmem:s21+$0x60];
	[tilespmem:s20+$0x650] =	vst v12  }
0x44: {  	v15 =	vand.u32 $0x7F, v20;
	v12 =	vand.u32 $0xFFFFFF80, v16;
	v20 =	vshra.s32 v21, $0x2;
	v27 =	vld [tilespmem:s21+$0x260];
	[tilespmem:s20+$0x460] =	vst v14  }
0x45: {  	v16 =	vand.u32 $0x7F, v18;
	v14 =	vand.u32 $0xFFFFFF80, v20;
	v20 =	vshra.s32 v22, $0x2;
	v29 =	vld [tilespmem:s21+$0x70];
	[tilespmem:s20+$0x660] =	vst v17  }
0x46: {  	v18 =	vand.u32 $0x7F, v21;
	v17 =	vand.u32 $0xFFFFFF80, v20;
	v21 =	vshra.s32 v23, $0x2;
	[tilespmem:s20+$0x470] =	vst v19;
	s20 =	smov.u32 s21  }
.Ltmp0:
0x47: {  	v20 =	vand.u32 $0x7F, v22;
	v19 =	vand.u32 $0xFFFFFF80, v21;
	v21 =	vshra.s32 v24, $0x2;
	(pc) =	sbr.rel @p0 .LBB2_2-.Ltmp0, $4  }
0x48: {  	v22 =	vand.u32 $0x7F, v23;
	v21 =	vand.u32 $0xFFFFFF80, v21;
	v23 =	vshra.s32 v25, $0x2  }
0x49: {  	v24 =	vand.u32 $0x7F, v24;
	v23 =	vand.u32 $0xFFFFFF80, v23;
	v26 =	vshra.s32 v27, $0x2  }
0x4a: {  	v25 =	vand.u32 $0x7F, v25;
	v26 =	vand.u32 $0xFFFFFF80, v26;
	v30 =	vshra.s32 v29, $0x2  }
0x4b: {  	s21 =	sshra.s32 s22, $0x2;
	s22 =	sadd.s32 $0x200, s22;
	v28 =	vand.u32 $0x7F, v27;
	v29 =	vand.u32 $0x7F, v29;
	v27 =	vand.u32 $0xFFFFFF80, v30  }
0x4c: {  	v30 =	vld [tilespmem:s21+$0x270];
	v0 =	vor.u32 v2, v0  }
0x4d: {  	v39 =	vld [tilespmem:s21+$0x0];
	v40 =	vor.u32 v4, v1;
	[tilespmem:s20+$0x400] =	vst v0  }
0x4e: {  	v42 =	vor.u32 v6, v3;
	v41 =	vld [tilespmem:s21+$0x200];
	[tilespmem:s20+$0x600] =	vst v40  }
0x4f: {  	v44 =	vor.u32 v8, v5;
	v43 =	vld [tilespmem:s21+$0x10];
	[tilespmem:s20+$0x410] =	vst v42  }
0x50: {  	v46 =	vor.u32 v10, v7;
	v45 =	vld [tilespmem:s21+$0x210];
	[tilespmem:s20+$0x610] =	vst v44  }
0x51: {  	v48 =	vor.u32 v13, v9;
	v47 =	vld [tilespmem:s21+$0x20];
	[tilespmem:s20+$0x420] =	vst v46;
	v51 =	vshra.s32 v30, $0x2  }
0x52: {  	v50 =	vor.u32 v15, v11;
	v53 =	vand.u32 $0x7F, v30;
	v49 =	vld [tilespmem:s21+$0x220];
	[tilespmem:s20+$0x620] =	vst v48;
	v7 =	vand.u32 $0xFFFFFF80, v51  }
0x53: {  	v56 =	vor.u32 v16, v12;
	v52 =	vld [tilespmem:s21+$0x30];
	[tilespmem:s20+$0x430] =	vst v50;
	v54 =	vor.u32 v53, v7  }
0x54: {  	v58 =	vor.u32 v18, v14;
	v60 =	vor.u32 v20, v17;
	v62 =	vor.u32 v22, v19;
	v55 =	vld [tilespmem:s21+$0x230];
	[tilespmem:s21+$0x670] =	vst v54  }
0x55: {  	v24 =	vor.u32 v24, v21;
	v25 =	vor.u32 v25, v23;
	v28 =	vor.u32 v28, v26;
	v57 =	vld [tilespmem:s21+$0x40];
	[tilespmem:s20+$0x630] =	vst v56  }
0x56: {  	v29 =	vor.u32 v29, v27;
	v30 =	vshra.s32 v39, $0x2;
	v2 =	vand.u32 $0x7F, v39;
	v59 =	vld [tilespmem:s21+$0x240];
	[tilespmem:s20+$0x440] =	vst v58  }
0x57: {  	v16 =	vand.u32 $0xFFFFFF80, v30;
	v31 =	vshra.s32 v41, $0x2;
	v1 =	vand.u32 $0x7F, v41;
	v61 =	vld [tilespmem:s21+$0x50];
	[tilespmem:s20+$0x640] =	vst v60  }
0x58: {  	v40 =	vor.u32 v2, v16;
	v17 =	vand.u32 $0xFFFFFF80, v31;
	v33 =	vshra.s32 v43, $0x2;
	v63 =	vld [tilespmem:s21+$0x250];
	[tilespmem:s20+$0x450] =	vst v62  }
0x59: {  	v3 =	vand.u32 $0x7F, v43;
	v34 =	vshra.s32 v45, $0x2;
	v13 =	vand.u32 $0xFFFFFF80, v33;
	v32 =	vld [tilespmem:s21+$0x60];
	[tilespmem:s20+$0x650] =	vst v24  }
0x5a: {  	v4 =	vand.u32 $0x7F, v45;
	v1 =	vor.u32 v1, v17;
	v19 =	vand.u32 $0xFFFFFF80, v34;
	v35 =	vld [tilespmem:s21+$0x260];
	[tilespmem:s20+$0x460] =	vst v25  }
0x5b: {  	v36 =	vshra.s32 v47, $0x2;
	v5 =	vand.u32 $0x7F, v47;
	v3 =	vor.u32 v3, v13;
	v38 =	vld [tilespmem:s21+$0x70];
	[tilespmem:s20+$0x660] =	vst v28  }
0x5c: {  	v37 =	vshra.s32 v49, $0x2;
	v14 =	vand.u32 $0xFFFFFF80, v36;
	v6 =	vand.u32 $0x7F, v49;
	[tilespmem:s20+$0x470] =	vst v29  }
0x5d: {  	v4 =	vor.u32 v4, v19;
	v21 =	vand.u32 $0xFFFFFF80, v37;
	v39 =	vshra.s32 v52, $0x2;
	[tilespmem:s21+$0x400] =	vst v40  }
0x5e: {  	v43 =	vand.u32 $0x7F, v52;
	v5 =	vor.u32 v5, v14;
	v41 =	vand.u32 $0xFFFFFF80, v39;
	[tilespmem:s21+$0x600] =	vst v1  }
0x5f: {  	v42 =	vshra.s32 v55, $0x2;
	v45 =	vshra.s32 v57, $0x2;
	v7 =	vand.u32 $0x7F, v55;
	[tilespmem:s21+$0x410] =	vst v3  }
0x60: {  	v47 =	vand.u32 $0x7F, v57;
	v6 =	vor.u32 v6, v21;
	v44 =	vand.u32 $0xFFFFFF80, v42;
	[tilespmem:s21+$0x610] =	vst v4  }
0x61: {  	v0 =	vor.u32 v43, v41;
	v46 =	vshra.s32 v59, $0x2;
	v49 =	vand.u32 $0x7F, v59;
	[tilespmem:s21+$0x420] =	vst v5  }
0x62: {  	v52 =	vor.u32 v7, v44;
	v1 =	vand.u32 $0xFFFFFF80, v45;
	v48 =	vshra.s32 v61, $0x2;
	[tilespmem:s21+$0x620] =	vst v6  }
0x63: {  	v3 =	vand.u32 $0xFFFFFF80, v46;
	[tilespmem:s21+$0x430] =	vst v0;
	v53 =	vand.u32 $0x7F, v61;
	v50 =	vand.u32 $0xFFFFFF80, v48  }
0x64: {  	[tilespmem:s21+$0x630] =	vst v52;
	v51 =	vshra.s32 v63, $0x2;
	v1 =	vor.u32 v47, v1;
	v55 =	vand.u32 $0x7F, v63  }
0x65: {  	v3 =	vor.u32 v49, v3;
	v5 =	vand.u32 $0xFFFFFF80, v51;
	v54 =	vshra.s32 v32, $0x2;
	[tilespmem:s21+$0x440] =	vst v1  }
0x66: {  	v0 =	vor.u32 v53, v50;
	[tilespmem:s21+$0x640] =	vst v3;
	v58 =	vand.u32 $0x7F, v32;
	v56 =	vand.u32 $0xFFFFFF80, v54  }
0x67: {  	v57 =	vshra.s32 v35, $0x2;
	v60 =	vor.u32 v55, v5;
	[tilespmem:s21+$0x450] =	vst v0;
	v62 =	vand.u32 $0x7F, v35  }
0x68: {  	v59 =	vand.u32 $0xFFFFFF80, v57;
	v61 =	vshra.s32 v38, $0x2;
	v1 =	vor.u32 v58, v56;
	[tilespmem:s21+$0x650] =	vst v60  }
0x69: {  	v63 =	vand.u32 $0x7F, v38;
	v0 =	vand.u32 $0xFFFFFF80, v61;
	v3 =	vor.u32 v62, v59;
	[tilespmem:s21+$0x460] =	vst v1  }
0x6a: {  	v0 =	vor.u32 v63, v0;
	[tilespmem:s21+$0x660] =	vst v3  }
0x6b: {  	p1 =	por $0x1, $0x1;
	s23 =	simm.s32 $0x0;
	s20 =	simm.s32 $0x0;
	[tilespmem:s21+$0x470] =	vst v0  }
.LBB2_4:
0x6c: {  	s21 =	sadd.s32 $0x400, s23  }
0x6d: {  	[tilespmem:s12], [sflag:$0x1] =	stream.indirect.gather [hbm4b:s3+s11], $0x80, s21, s11, $0xb8;
	[tilespmem:$0x10A00] =	vst v63  }
0x6e: {  	s28 =	sadd.s32 $0x600, s23  }
0x6f: {  	[tilespmem:s13], [sflag:$0x2] =	stream.indirect.gather [hbm4b:s4+s11], $0x80, s28, s11, $0xb8;
	[tilespmem:$0x10A00] =	vst v63  }
0x70: {  	s29 =	sadd.s32 $0x480, s23  }
0x71: {  	[tilespmem:s14], [sflag:$0x1] =	stream.indirect.gather [hbm4b:s3+s11], $0x80, s29, s11, $0xb8;
	[tilespmem:$0x10A00] =	vst v63  }
0x72: {  	s30 =	sadd.s32 $0x680, s23  }
0x73: {  	[tilespmem:s15], [sflag:$0x2] =	stream.indirect.gather [hbm4b:s4+s11], $0x80, s30, s11, $0xb8;
	[tilespmem:$0x10A00] =	vst v63  }
0x74: {  	_ =	swait.ge [sflag:s16], $0x8000  }
0x75: {  	[sflag:s16] =	ssyncset.done $0x0  }
0x76: {  	s31 =	sshll.u32 s23, $0x9;
	[sflag:s16] =	ssyncadd.s32 $0xFFFF8000  }
0x77: {  	_ =	swait.ge [sflag:s17], $0x8000;
	[dreg:$0x5] =	wrdreg s31  }
0x78: {  	s21 =	rddreg [dreg:$0x5]  }
0x79: {  	s22 =	sadd.s32 $0x0, s21;
	s21 =	sand.u32 $0x70, s20  }
0x7a: {  	p0 =	seq.s32 s22, $0x0;
	p2 =	sne.s32 s21, $0x0  }
0x7b: {  	p0 =	por !p0, !p2  }
0x7c: {  	s24 =	rddreg [dreg:$0x6];
	p0 =	por !p0, !p0  }
0x7d: {  	s24 =	simm.s32 @!p0 $0x0  }
0x7e: {  	s22 =	sadd.s32 $0x0, s23;
	s24 =	sshll.u32 s24, $0x7  }
0x7f: {  	s24 =	sadd.s32 s24, s22  }
0x80: {  	[sflag:s17] =	ssyncset.done $0x0;
	s24 =	sand.u32 $0xFFFFFF80, s24  }
0x81: {  	[sflag:s17] =	ssyncadd.s32 $0xFFFF8000;
	s24 =	sor.u32 s21, s24  }
0x82: {  	v0 =	vld [tilespmem:s24+$0x0];
	_ =	sdelay $0x4  }
0x83: {  	v1 =	vshrl.u32 v0, $0x2;
	v0 =	vld [tilespmem:s24+$0x200]  }
0x84: {  	(v2sf) =	vpush v1, $0xD  }
0x85: {  	(v2sf) =	vpush v1, $0xB  }
0x86: {  	(v2sf) =	vpush v1, $0x9  }
0x87: {  	(v2sf) =	vpush v1, $0x7  }
0x88: {  	v0 =	vshrl.u32 v0, $0x2;
	(v2sf) =	vpush v1, $0x5  }
0x89: {  	s25 =	simm.s32 $0x2000;
	(v2sf) =	vpush v0, $0xD  }
0x8a: {  	s26 =	simm.s32 $0x0;
	p0 =	por p1, p1;
	s24 =	simm.s32 $0x0;
	(v2sf) =	vpush v0, $0xB  }
.LBB2_5:
0x8b: {  	_ =	sdelay $0x6  }
0x8c: {  	(v2sf) =	vpush v1, $0x3  }
0x8d: {  	s29 =	spop (v2sf)  }
0x8e: {  	s28 =	sshra.s32 s24, $0x2;
	(v2sf) =	vpush v0, $0x9;
	s29 =	sand.u32 $0x60, s29  }
0x8f: {  	s30 =	spop (v2sf);
	s29 =	sadd.s32 s28, s29  }
0x90: {  	(v2sf) =	vpush v0, $0x7;
	s30 =	sand.u32 $0x60, s30;
	v2 =	vld [tilespmem:s29+$0xE80]  }
0x91: {  	s31 =	spop (v2sf);
	s30 =	sadd.s32 s28, s30;
	v3 =	vld [tilespmem:s29+$0xE90]  }
0x92: {  	(v2sf) =	vpush v1, $0x1;
	s29 =	sand.u32 $0x60, s31;
	v4 =	vld [tilespmem:s30+$0xD80]  }
0x93: {  	s31 =	spop (v2sf);
	s29 =	sadd.s32 s28, s29;
	v5 =	vld [tilespmem:s30+$0xD90]  }
0x94: {  	(v2sf) =	vpush v0, $0x5;
	s30 =	sand.u32 $0x60, s31;
	v6 =	vld [tilespmem:s29+$0xC80]  }
0x95: {  	s31 =	spop (v2sf);
	s30 =	sadd.s32 s28, s30;
	v7 =	vld [tilespmem:s29+$0xC90]  }
0x96: {  	(v2sf) =	vpush v0, $0x3;
	s29 =	sand.u32 $0x60, s31;
	v8 =	vld [tilespmem:s30+$0xB80]  }
0x97: {  	s31 =	spop (v2sf);
	s29 =	sadd.s32 s28, s29;
	v9 =	vld [tilespmem:s30+$0xB90]  }
0x98: {  	(v2sf) =	vpush v1, $0x0;
	s31 =	sand.u32 $0x60, s31;
	v10 =	vld [tilespmem:s29+$0xA80]  }
0x99: {  	(v2sf) =	vpush v0, $0x1;
	s30 =	sadd.s32 s28, s31;
	s31 =	spop (v2sf);
	v13 =	vld [tilespmem:s29+$0xA90]  }
0x9a: {  	v11 =	vld [tilespmem:s30+$0x8E80];
	s31 =	sand.u32 $0x60, s31  }
0x9b: {  	v12 =	vld [tilespmem:s30+$0x8E90];
	s29 =	sadd.s32 s28, s31;
	s31 =	spop (v2sf)  }
0x9c: {  	(v2sf) =	vpush v0, $0x0;
	s30 =	sand.u32 $0x60, s31;
	v14 =	vld [tilespmem:s29+$0x8D80]  }
0x9d: {  	s31 =	spop (v2sf);
	v15 =	vld [tilespmem:s29+$0x8D90];
	s30 =	sadd.s32 s28, s30  }
0x9e: {  	(v2sf) =	vpush v1, $0x2;
	s31 =	sand.u32 $0x60, s31;
	v16 =	vld [tilespmem:s30+$0x980]  }
0x9f: {  	s29 =	sadd.s32 s28, s31;
	v34 =	vld [tilespmem:s30+$0x990];
	s31 =	spop (v2sf)  }
0xa0: {  	v17 =	vld [tilespmem:s29+$0x8C80];
	v2 =	vmul.f32 v11, v2;
	v3 =	vmul.f32 v12, v3;
	(v2sf) =	vpush v0, $0x2;
	s31 =	sand.u32 $0x60, s31  }
0xa1: {  	v33 =	vld [tilespmem:s29+$0x8C90];
	s29 =	sadd.s32 s28, s31;
	s31 =	spop (v2sf)  }
0xa2: {  	v2 =	vadd.f32 v3, v2;
	(v2sf) =	vpush v1, $0x4;
	s30 =	sand.u32 $0x60, s31;
	v3 =	vld [tilespmem:s29+$0x8B80]  }
0xa3: {  	s31 =	spop (v2sf);
	v35 =	vld [tilespmem:s29+$0x8B90];
	s30 =	sadd.s32 s28, s30  }
0xa4: {  	(v2sf) =	vpush v0, $0x4;
	s31 =	sand.u32 $0x60, s31;
	v36 =	vld [tilespmem:s30+$0x880]  }
0xa5: {  	v4 =	vmul.f32 v14, v4;
	v5 =	vmul.f32 v15, v5;
	s29 =	sadd.s32 s28, s31;
	s31 =	spop (v2sf);
	v41 =	vld [tilespmem:s30+$0x890]  }
0xa6: {  	(v2sf) =	vpush v1, $0x6;
	v37 =	vld [tilespmem:s29+$0x8A80];
	s31 =	sand.u32 $0x60, s31  }
0xa7: {  	(xrf2) =	vadd.scan.msk.f32 $0xffff, v2;
	v2 =	vadd.f32 v5, v4;
	v38 =	vmul.f32 v17, v6;
	v39 =	vmul.f32 v33, v7;
	v40 =	vld [tilespmem:s29+$0x8A90];
	s29 =	sadd.s32 s28, s31;
	s31 =	spop (v2sf)  }
0xa8: {  	s30 =	sand.u32 $0x60, s31;
	v42 =	vld [tilespmem:s29+$0x8980];
	s31 =	spop (v2sf);
	(v2sf) =	vpush v0, $0x6  }
0xa9: {  	(xrf2) =	vadd.scan.msk.f32 $0xffff, v2;
	v2 =	vadd.f32 v39, v38;
	v44 =	vld [tilespmem:s29+$0x8990];
	s30 =	sadd.s32 s28, s30;
	s31 =	sand.u32 $0x60, s31  }
0xaa: {  	v3 =	vmul.f32 v3, v8;
	v43 =	vmul.f32 v35, v9;
	(v2sf) =	vpush v1, $0x8;
	v45 =	vld [tilespmem:s30+$0x800];
	s29 =	sadd.s32 s28, s31  }
0xab: {  	s31 =	spop (v2sf);
	v46 =	vld [tilespmem:s29+$0x8880]  }
0xac: {  	(xrf2) =	vadd.scan.msk.f32 $0xffff, v2;
	v14 =	vadd.f32 v43, v3;
	(v2sf) =	vpush v0, $0x8;
	s31 =	sand.u32 $0x60, s31;
	v48 =	vld [tilespmem:s29+$0x8890]  }
0xad: {  	v49 =	vld [tilespmem:s30+$0x810];
	v3 =	vmul.f32 v37, v10;
	v47 =	vmul.f32 v40, v13;
	s29 =	sadd.s32 s28, s31;
	s31 =	spop (v2sf)  }
0xae: {  	(xrf2) =	vadd.scan.msk.f32 $0xffff, v14;
	(v2sf) =	vpush v1, $0xA;
	v51 =	vld [tilespmem:s29+$0x8800];
	s30 =	sand.u32 $0x60, s31  }
0xaf: {  	v50 =	vadd.f32 v47, v3;
	v54 =	vld [tilespmem:s29+$0x8810];
	s29 =	sadd.s32 s28, s30;
	s31 =	spop (v2sf)  }
0xb0: {  	v52 =	vmul.f32 v42, v16;
	v53 =	vmul.f32 v44, v34;
	v55 =	vld [tilespmem:s29+$0x900];
	(v2sf) =	vpush v0, $0xA;
	s30 =	sand.u32 $0x60, s31  }
0xb1: {  	v59 =	vld [tilespmem:s29+$0x910];
	v57 =	vmul.f32 v46, v36;
	v58 =	vmul.f32 v48, v41;
	s29 =	sadd.s32 s28, s30;
	s31 =	spop (v2sf)  }
0xb2: {  	v2, _, _ =	vpop (xrf2);
	(xrf2) =	vadd.scan.msk.f32 $0xffff, v50;
	(v2sf) =	vpush v1, $0xC;
	v60 =	vld [tilespmem:s29+$0x8900];
	s30 =	sand.u32 $0x60, s31  }
0xb3: {  	v56 =	vadd.f32 v53, v52;
	v61 =	vadd.f32 v58, v57;
	v62 =	vld [tilespmem:s29+$0x8910];
	s31 =	spop (v2sf);
	s29 =	sadd.s32 s28, s30  }
0xb4: {  	v9 =	vmul.f32 v51, v45;
	v8 =	vmul.f32 v54, v49;
	(v2sf) =	vpush v0, $0xC;
	s30 =	sand.u32 $0x60, s31;
	v18 =	vld [tilespmem:s29+$0xA00]  }
0xb5: {  	v3, _, _ =	vpop (xrf2);
	(xrf2) =	vadd.scan.msk.f32 $0xffff, v56;
	v19 =	vld [tilespmem:s29+$0xA10];
	s29 =	sadd.s32 s28, s30;
	s31 =	spop (v2sf)  }
0xb6: {  	v63, _, _ =	vpop (xrf2);
	(xrf2) =	vadd.scan.msk.f32 $0xffff, v61;
	v8 =	vadd.f32 v8, v9;
	(v2sf) =	vpush v1, $0xE;
	v20 =	vld [tilespmem:s29+$0x8A00];
	s30 =	sand.u32 $0x60, s31  }
0xb7: {  	v22 =	vld [tilespmem:s29+$0x8A10];
	s29 =	sadd.s32 s28, s30;
	s31 =	spop (v2sf)  }
0xb8: {  	v21, _, _ =	vpop (xrf2);
	(xrf2) =	vadd.scan.msk.f32 $0xffff, v8;
	v11 =	vmul.f32 v60, v55;
	v6 =	vmul.f32 v62, v59;
	v23 =	vld [tilespmem:s29+$0xB00];
	(v2sf) =	vpush v0, $0xE;
	s30 =	sand.u32 $0x60, s31  }
0xb9: {  	v24 =	vld [tilespmem:s29+$0xB10];
	s31 =	spop (v2sf);
	s29 =	sadd.s32 s28, s30  }
0xba: {  	(v2sf) =	vpush v1, $0xF;
	v26 =	vadd.f32 v6, v11;
	s30 =	sand.u32 $0x60, s31;
	v27 =	vld [tilespmem:s29+$0x8B00]  }
0xbb: {  	s31 =	spop (v2sf);
	v1 =	vld [tilespmem:s29+$0x8B10];
	s29 =	sadd.s32 s28, s30  }
0xbc: {  	v25, _, _ =	vpop (xrf2);
	(v2sf) =	vpush v0, $0xF;
	v9 =	vmul.f32 v20, v18;
	v28 =	vmul.f32 v22, v19;
	s30 =	sand.u32 $0x60, s31;
	v29 =	vld [tilespmem:s29+$0xC00];
	(xrf2) =	vadd.scan.msk.f32 $0xffff, v26  }
0xbd: {  	v0 =	vld [tilespmem:s29+$0xC10];
	s29 =	sadd.s32 s28, s30;
	s31 =	spop (v2sf)  }
0xbe: {  	v9 =	vadd.f32 v28, v9;
	v31 =	vld [tilespmem:s29+$0x8C00];
	s30 =	sand.u32 $0x60, s31  }
0xbf: {  	v30, _, _ =	vpop (xrf2);
	v32 =	vld [tilespmem:s29+$0x8C10];
	s29 =	sadd.s32 s28, s30;
	s31 =	spop (v2sf)  }
0xc0: {  	v33, _, _ =	vpop (xrf2);
	v34 =	vld [tilespmem:s29+$0xD00];
	(xrf2) =	vadd.scan.msk.f32 $0xffff, v9;
	v7 =	vmul.f32 v27, v23;
	v1 =	vmul.f32 v1, v24;
	s30 =	sand.u32 $0x60, s31  }
0xc1: {  	v35 =	vld [tilespmem:s29+$0xD10];
	s29 =	sadd.s32 s28, s30;
	s31 =	spop (v2sf)  }
0xc2: {  	v37, _, _ =	vpop (xrf2);
	v1 =	vadd.f32 v1, v7;
	v36 =	vld [tilespmem:s29+$0x8D00];
	s30 =	sand.u32 $0x60, s31  }
0xc3: {  	v11 =	vbroadcast v37, $0xF;
	v38 =	vld [tilespmem:s29+$0x8D10];
	s31 =	spop (v2sf);
	s29 =	sadd.s32 s28, s30  }
0xc4: {  	v10 =	vmul.f32 v31, v29;
	v0 =	vmul.f32 v32, v0;
	s30 =	sand.u32 $0x60, s31;
	v39 =	vld [tilespmem:s29+$0xE00];
	(xrf2) =	vadd.scan.msk.f32 $0xffff, v1  }
0xc5: {  	v40 =	vbroadcast v33, $0xF;
	v1 =	vnsel vm0, $0x0, v11;
	v41 =	vld [tilespmem:s29+$0xE10];
	s29 =	sadd.s32 s28, s30;
	s31 =	spop (v2sf)  }
0xc6: {  	v0 =	vadd.f32 v0, v10;
	v1 =	vadd.f32 $0.0e+00, v1;
	v42 =	vld [tilespmem:s29+$0x8E00];
	s30 =	sand.u32 $0x60, s31;
	v43, _, _ =	vpop (xrf2)  }
0xc7: {  	v11 =	vnsel vm1, $0x0, v40;
	v44 =	vld [tilespmem:s29+$0x8E10];
	s29 =	sadd.s32 s28, s30;
	v15 =	vbroadcast v43, $0xF;
	s31 =	spop (v2sf)  }
0xc8: {  	(xrf2) =	vadd.scan.msk.f32 $0xffff, v0;
	v1 =	vadd.f32 v11, v1;
	v7 =	vmul.f32 v36, v34;
	v16 =	vmul.f32 v38, v35;
	v45 =	vld [tilespmem:s29+$0xF00];
	s30 =	sand.u32 $0x60, s31  }
0xc9: {  	v6 =	vbroadcast v30, $0xF;
	v46 =	vld [tilespmem:s29+$0xF10];
	s31 =	spop (v2sf);
	v0 =	vnsel vm2, $0x0, v15;
	s29 =	sadd.s32 s28, s30  }
0xca: {  	s30 =	sand.u32 $0x60, s31;
	v48, _, _ =	vpop (xrf2);
	v0 =	vadd.f32 v0, v1;
	v1 =	vadd.f32 v16, v7;
	v47 =	vld [tilespmem:s29+$0x8F00]  }
0xcb: {  	v6 =	vnsel vm3, $0x0, v6;
	s31 =	spop (v2sf);
	v8 =	vbroadcast v48, $0xF;
	v49 =	vld [tilespmem:s29+$0x8F10];
	s29 =	sadd.s32 s28, s30  }
0xcc: {  	v50 =	vmul.f32 v42, v39;
	v14 =	vmul.f32 v44, v41;
	s30 =	sand.u32 $0x60, s31;
	v51 =	vld [tilespmem:s29+$0xF80];
	v0 =	vadd.f32 v6, v0;
	(xrf2) =	vadd.scan.msk.f32 $0xffff, v1  }
0xcd: {  	v52 =	vbroadcast v25, $0xF;
	v53 =	vld [tilespmem:s29+$0xF90];
	s28 =	sadd.s32 s28, s30;
	v1 =	vnsel vm4, $0x0, v8  }
0xce: {  	v54 =	vld [tilespmem:s28+$0x8F80];
	v0 =	vadd.f32 v1, v0;
	v1 =	vadd.f32 v14, v50;
	v55, _, _ =	vpop (xrf2)  }
0xcf: {  	v8 =	vnsel vm5, $0x0, v52;
	v56 =	vld [tilespmem:s28+$0x8F90];
	v10 =	vbroadcast v55, $0xF  }
0xd0: {  	v9 =	vmul.f32 v47, v45;
	v57 =	vmul.f32 v49, v46;
	v0 =	vadd.f32 v8, v0;
	(xrf2) =	vadd.scan.msk.f32 $0xffff, v1  }
0xd1: {  	v5 =	vbroadcast v21, $0xF;
	v1 =	vnsel vm6, $0x0, v10  }
0xd2: {  	v58, _, _ =	vpop (xrf2);
	v0 =	vadd.f32 v1, v0;
	v1 =	vadd.f32 v57, v9  }
0xd3: {  	v5 =	vnsel vm7, $0x0, v5;
	v7 =	vbroadcast v58, $0xF  }
0xd4: {  	v59 =	vmul.f32 v54, v51;
	v60 =	vmul.f32 v56, v53;
	v0 =	vadd.f32 v5, v0;
	(xrf2) =	vadd.scan.msk.f32 $0xffff, v1  }
0xd5: {  	v4 =	vbroadcast v63, $0xF;
	v1 =	vnsel vm8, $0x0, v7  }
0xd6: {  	v0 =	vadd.f32 v1, v0;
	v1 =	vadd.f32 v60, v59;
	v61, _, _ =	vpop (xrf2)  }
0xd7: {  	v4 =	vnsel vm9, $0x0, v4;
	v5 =	vbroadcast v61, $0xF  }
0xd8: {  	v0 =	vadd.f32 v4, v0;
	(xrf2) =	vadd.scan.msk.f32 $0xffff, v1  }
0xd9: {  	v3 =	vbroadcast v3, $0xF;
	v62 =	vnsel vm10, $0x0, v5  }
0xda: {  	v0 =	vadd.f32 v62, v0;
	v1, _, _ =	vpop (xrf2)  }
0xdb: {  	v3 =	vnsel vm11, $0x0, v3;
	v63 =	vbroadcast v1, $0xF  }
0xdc: {  	v0 =	vadd.f32 v3, v0  }
0xdd: {  	s26 =	sadd.s32 $0x10, s26;
	v2 =	vbroadcast v2, $0xF;
	s30 =	rddreg [dreg:$0x5];
	v3 =	vnsel vm12, $0x0, v63  }
0xde: {  	s29 =	sand.u32 $0x70, s26;
	s28 =	sadd.s32 s25, s30;
	v0 =	vadd.f32 v3, v0;
	v1, _, _ =	vpop (xrf2)  }
0xdf: {  	v2 =	vnsel vm13, $0x0, v2;
	p3 =	sne.s32 s29, $0x0;
	p2 =	seq.s32 s28, $0x0;
	v3 =	vbroadcast v1, $0xF  }
0xe0: {  	p2 =	por !p2, !p3;
	v0 =	vadd.f32 v2, v0  }
0xe1: {  	s28 =	rddreg [dreg:$0x6];
	p2 =	por !p2, !p2;
	v2 =	vnsel vm14, $0x0, v3  }
0xe2: {  	s28 =	simm.s32 @!p2 $0x0;
	v0 =	vadd.f32 v2, v0;
	v1, _, _ =	vpop (xrf2)  }
0xe3: {  	s30 =	sadd.s32 s26, s23;
	s28 =	sshll.u32 s28, $0x7;
	v1 =	vsel vm15, $0x0, v1  }
0xe4: {  	s31 =	sand.u32 $0x180, s22;
	s28 =	sadd.s32 s28, s30;
	v0 =	vadd.f32 v1, v0  }
0xe5: {  	s31 =	sor.u32 s21, s31;
	s21 =	smov.u32 s29;
	s28 =	sand.u32 $0xFFFFFF80, s28  }
0xe6: {  	s28 =	sor.u32 s21, s28;
	[tilespmem:s31+$0x10800] =	vst v0  }
0xe7: {  	v0 =	vld [tilespmem:s28+$0x0];
	_ =	sdelay $0x4  }
0xe8: {  	v1 =	vshrl.u32 v0, $0x2;
	v0 =	vld [tilespmem:s28+$0x200]  }
0xe9: {  	(v2sf) =	vpush v1, $0xD  }
0xea: {  	p1 =	sne.s32 s25, $0x1E000;
	(v2sf) =	vpush v1, $0xB  }
.Ltmp1:
0xeb: {  	(v2sf) =	vpush v1, $0x9;
	(pc) =	sbr.rel @p1 .LBB2_5-.Ltmp1, $4  }
0xec: {  	(v2sf) =	vpush v1, $0x7  }
0xed: {  	v0 =	vshrl.u32 v0, $0x2;
	(v2sf) =	vpush v1, $0x5  }
0xee: {  	(v2sf) =	vpush v0, $0xD  }
0xef: {  	s24 =	smov.u32 s25;
	s25 =	sadd.s32 $0x2000, s25;
	s22 =	smov.u32 s30;
	(v2sf) =	vpush v0, $0xB  }
0xf0: {  	_ =	sdelay $0x6  }
0xf1: {  	(v2sf) =	vpush v1, $0x3  }
0xf2: {  	s25 =	spop (v2sf)  }
0xf3: {  	s23 =	sshra.s32 s24, $0x2;
	(v2sf) =	vpush v0, $0x9;
	s29 =	sand.u32 $0x60, s25  }
0xf4: {  	s30 =	spop (v2sf);
	s24 =	sadd.s32 s23, s29  }
0xf5: {  	(v2sf) =	vpush v0, $0x7;
	s25 =	sand.u32 $0x60, s30;
	v2 =	vld [tilespmem:s24+$0xE80]  }
0xf6: {  	s31 =	spop (v2sf);
	s25 =	sadd.s32 s23, s25;
	v3 =	vld [tilespmem:s24+$0xE90]  }
0xf7: {  	(v2sf) =	vpush v1, $0x1;
	s24 =	sand.u32 $0x60, s31;
	v4 =	vld [tilespmem:s25+$0xD80]  }
0xf8: {  	s26 =	spop (v2sf);
	s24 =	sadd.s32 s23, s24;
	v5 =	vld [tilespmem:s25+$0xD90]  }
0xf9: {  	(v2sf) =	vpush v0, $0x5;
	s25 =	sand.u32 $0x60, s26;
	v6 =	vld [tilespmem:s24+$0xC80]  }
0xfa: {  	s28 =	spop (v2sf);
	s25 =	sadd.s32 s23, s25;
	v7 =	vld [tilespmem:s24+$0xC90]  }
0xfb: {  	(v2sf) =	vpush v0, $0x3;
	s24 =	sand.u32 $0x60, s28;
	v8 =	vld [tilespmem:s25+$0xB80]  }
0xfc: {  	s26 =	spop (v2sf);
	s24 =	sadd.s32 s23, s24;
	v9 =	vld [tilespmem:s25+$0xB90]  }
0xfd: {  	(v2sf) =	vpush v1, $0x0;
	s29 =	sand.u32 $0x60, s26;
	v10 =	vld [tilespmem:s24+$0xA80]  }
0xfe: {  	s30 =	spop (v2sf);
	s25 =	sadd.s32 s23, s29;
	v13 =	vld [tilespmem:s24+$0xA90]  }
0xff: {  	(v2sf) =	vpush v0, $0x1;
	s26 =	sand.u32 $0x60, s30;
	v11 =	vld [tilespmem:s25+$0x8E80]  }
0x100: {  	s28 =	spop (v2sf);
	v12 =	vld [tilespmem:s25+$0x8E90];
	s31 =	sadd.s32 s23, s26  }
0x101: {  	(v2sf) =	vpush v0, $0x0;
	s25 =	sand.u32 $0x60, s28;
	v14 =	vld [tilespmem:s31+$0x8D80]  }
0x102: {  	s29 =	spop (v2sf);
	s25 =	sadd.s32 s23, s25;
	v15 =	vld [tilespmem:s31+$0x8D90]  }
0x103: {  	(v2sf) =	vpush v1, $0x2;
	s26 =	sand.u32 $0x60, s29;
	v16 =	vld [tilespmem:s25+$0x980]  }
0x104: {  	s30 =	sadd.s32 s23, s26;
	v19 =	vld [tilespmem:s25+$0x990];
	s31 =	spop (v2sf)  }
0x105: {  	v17 =	vld [tilespmem:s30+$0x8C80];
	(v2sf) =	vpush v0, $0x2;
	s26 =	sand.u32 $0x60, s31  }
0x106: {  	v18 =	vld [tilespmem:s30+$0x8C90];
	s29 =	spop (v2sf);
	s28 =	sadd.s32 s23, s26  }
0x107: {  	(v2sf) =	vpush v1, $0x4;
	s25 =	sand.u32 $0x60, s29;
	v20 =	vld [tilespmem:s28+$0x8B80]  }
0x108: {  	s30 =	spop (v2sf);
	s25 =	sadd.s32 s23, s25;
	v21 =	vld [tilespmem:s28+$0x8B90]  }
0x109: {  	(v2sf) =	vpush v0, $0x4;
	s26 =	sand.u32 $0x60, s30;
	v22 =	vld [tilespmem:s25+$0x880]  }
0x10a: {  	s28 =	spop (v2sf);
	s31 =	sadd.s32 s23, s26;
	v25 =	vld [tilespmem:s25+$0x890]  }
0x10b: {  	(v2sf) =	vpush v1, $0x6;
	s26 =	sand.u32 $0x60, s28;
	v23 =	vld [tilespmem:s31+$0x8A80]  }
0x10c: {  	s30 =	spop (v2sf);
	v24 =	vld [tilespmem:s31+$0x8A90];
	s29 =	sadd.s32 s23, s26  }
0x10d: {  	(v2sf) =	vpush v0, $0x6;
	s25 =	sand.u32 $0x60, s30;
	v26 =	vld [tilespmem:s29+$0x8980]  }
0x10e: {  	s31 =	spop (v2sf);
	s25 =	sadd.s32 s23, s25;
	v27 =	vld [tilespmem:s29+$0x8990]  }
0x10f: {  	(v2sf) =	vpush v1, $0x8;
	s26 =	sand.u32 $0x60, s31;
	v28 =	vld [tilespmem:s25+$0x800]  }
0x110: {  	v2 =	vmul.f32 v11, v2;
	v3 =	vmul.f32 v12, v3;
	s29 =	spop (v2sf);
	s28 =	sadd.s32 s23, s26;
	v63 =	vld [tilespmem:s25+$0x810]  }
0x111: {  	v4 =	vmul.f32 v14, v4;
	v5 =	vmul.f32 v15, v5;
	(v2sf) =	vpush v0, $0x8;
	s26 =	sand.u32 $0x60, s29;
	v59 =	vld [tilespmem:s28+$0x8880]  }
0x112: {  	v2 =	vadd.f32 v3, v2;
	v61 =	vmul.f32 v17, v6;
	v62 =	vmul.f32 v18, v7;
	s31 =	spop (v2sf);
	v60 =	vld [tilespmem:s28+$0x8890];
	s30 =	sadd.s32 s23, s26  }
0x113: {  	v4 =	vadd.f32 v5, v4;
	(v2sf) =	vpush v1, $0xA;
	s25 =	sand.u32 $0x60, s31;
	v18 =	vld [tilespmem:s30+$0x8800]  }
0x114: {  	v3 =	vadd.f32 v62, v61;
	v20 =	vmul.f32 v20, v8;
	v29 =	vmul.f32 v21, v9;
	v30 =	vld [tilespmem:s30+$0x8810];
	s26 =	sadd.s32 s23, s25;
	s28 =	spop (v2sf)  }
0x115: {  	v10 =	vmul.f32 v23, v10;
	v13 =	vmul.f32 v24, v13;
	v31 =	vld [tilespmem:s26+$0x900];
	(v2sf) =	vpush v0, $0xA;
	s25 =	sand.u32 $0x60, s28  }
0x116: {  	(xrf2) =	vadd.scan.msk.f32 $0xffff, v2;
	v32 =	vadd.f32 v29, v20;
	v35 =	vld [tilespmem:s26+$0x910];
	v33 =	vmul.f32 v26, v16;
	v34 =	vmul.f32 v27, v19;
	s30 =	spop (v2sf);
	s29 =	sadd.s32 s23, s25  }
0x117: {  	(xrf2) =	vadd.scan.msk.f32 $0xffff, v4;
	v36 =	vadd.f32 v13, v10;
	(v2sf) =	vpush v1, $0xC;
	s25 =	sand.u32 $0x60, s30;
	v37 =	vld [tilespmem:s29+$0x8900]  }
0x118: {  	(xrf2) =	vadd.scan.msk.f32 $0xffff, v3;
	v38 =	vadd.f32 v34, v33;
	v39 =	vmul.f32 v59, v22;
	v40 =	vmul.f32 v60, v25;
	s26 =	spop (v2sf);
	v41 =	vld [tilespmem:s29+$0x8910];
	s31 =	sadd.s32 s23, s25  }
0x119: {  	(xrf2) =	vadd.scan.msk.f32 $0xffff, v32;
	v42 =	vmul.f32 v18, v28;
	v43 =	vmul.f32 v30, v63;
	(v2sf) =	vpush v0, $0xC;
	s25 =	sand.u32 $0x60, s26;
	v44 =	vld [tilespmem:s31+$0xA00]  }
0x11a: {  	(xrf2) =	vadd.scan.msk.f32 $0xffff, v36;
	v45 =	vadd.f32 v40, v39;
	s29 =	spop (v2sf);
	v46 =	vld [tilespmem:s31+$0xA10];
	s28 =	sadd.s32 s23, s25  }
0x11b: {  	(xrf2) =	vadd.scan.msk.f32 $0xffff, v38;
	v2 =	vadd.f32 v43, v42;
	(v2sf) =	vpush v1, $0xE;
	s25 =	sand.u32 $0x60, s29;
	v47 =	vld [tilespmem:s28+$0x8A00]  }
0x11c: {  	(xrf2) =	vadd.scan.msk.f32 $0xffff, v45;
	s31 =	spop (v2sf);
	v48 =	vld [tilespmem:s28+$0x8A10];
	s30 =	sadd.s32 s23, s25  }
0x11d: {  	(xrf2) =	vadd.scan.msk.f32 $0xffff, v2;
	(v2sf) =	vpush v0, $0xE;
	s25 =	sand.u32 $0x60, s31;
	v51 =	vld [tilespmem:s30+$0xB00];
	v49 =	vmul.f32 v37, v31;
	v50 =	vmul.f32 v41, v35  }
0x11e: {  	s28 =	spop (v2sf);
	v52 =	vld [tilespmem:s30+$0xB10];
	s26 =	sadd.s32 s23, s25  }
0x11f: {  	(v2sf) =	vpush v1, $0xF;
	s25 =	sand.u32 $0x60, s28;
	v53 =	vld [tilespmem:s26+$0x8B00];
	v5 =	vadd.f32 v50, v49  }
0x120: {  	v1, _, _ =	vpop (xrf2);
	s30 =	spop (v2sf);
	v54 =	vld [tilespmem:s26+$0x8B10];
	s29 =	sadd.s32 s23, s25  }
0x121: {  	v11, _, _ =	vpop (xrf2);
	(v2sf) =	vpush v0, $0xF;
	s25 =	sand.u32 $0x60, s30;
	v55 =	vld [tilespmem:s29+$0xC00];
	v3 =	vmul.f32 v47, v44;
	v4 =	vmul.f32 v48, v46;
	(xrf2) =	vadd.scan.msk.f32 $0xffff, v5  }
0x122: {  	v56, _, _ =	vpop (xrf2);
	s26 =	spop (v2sf);
	v57 =	vld [tilespmem:s29+$0xC10];
	s31 =	sadd.s32 s23, s25  }
0x123: {  	v58, _, _ =	vpop (xrf2);
	s25 =	sand.u32 $0x60, s26;
	v59 =	vld [tilespmem:s31+$0x8C00];
	v3 =	vadd.f32 v4, v3  }
0x124: {  	v60, _, _ =	vpop (xrf2);
	v61 =	vld [tilespmem:s31+$0x8C10];
	s28 =	sadd.s32 s23, s25;
	s29 =	spop (v2sf)  }
0x125: {  	v62, _, _ =	vpop (xrf2);
	v63 =	vld [tilespmem:s28+$0xD00];
	v8 =	vmul.f32 v53, v51;
	v2 =	vmul.f32 v54, v52;
	(xrf2) =	vadd.scan.msk.f32 $0xffff, v3;
	s25 =	sand.u32 $0x60, s29  }
0x126: {  	v21 =	vld [tilespmem:s28+$0xD10];
	v20, _, _ =	vpop (xrf2);
	s31 =	spop (v2sf);
	s30 =	sadd.s32 s23, s25  }
0x127: {  	v23, _, _ =	vpop (xrf2);
	v2 =	vadd.f32 v2, v8;
	s25 =	sand.u32 $0x60, s31;
	v22 =	vld [tilespmem:s30+$0x8D00]  }
0x128: {  	v15 =	vbroadcast v23, $0xF;
	s28 =	spop (v2sf);
	v24 =	vld [tilespmem:s30+$0x8D10];
	s26 =	sadd.s32 s23, s25  }
0x129: {  	v4 =	vmul.f32 v59, v55;
	v5 =	vmul.f32 v61, v57;
	(xrf2) =	vadd.scan.msk.f32 $0xffff, v2;
	s25 =	sand.u32 $0x60, s28;
	v25 =	vld [tilespmem:s26+$0xE00]  }
0x12a: {  	v3 =	vbroadcast v20, $0xF;
	v26 =	vnsel vm0, $0x0, v15;
	s30 =	spop (v2sf);
	v27 =	vld [tilespmem:s26+$0xE10];
	s29 =	sadd.s32 s23, s25  }
0x12b: {  	v4 =	vadd.f32 v5, v4;
	v2 =	vadd.f32 $0.0e+00, v26;
	s25 =	sand.u32 $0x60, s30;
	v28 =	vld [tilespmem:s29+$0x8E00];
	v29, _, _ =	vpop (xrf2)  }
0x12c: {  	v3 =	vnsel vm1, $0x0, v3;
	s26 =	spop (v2sf);
	v30 =	vld [tilespmem:s29+$0x8E10];
	s31 =	sadd.s32 s23, s25;
	v15 =	vbroadcast v29, $0xF  }
0x12d: {  	v2 =	vadd.f32 v3, v2;
	s25 =	sand.u32 $0x60, s26;
	v33 =	vld [tilespmem:s31+$0xF00];
	(xrf2) =	vadd.scan.msk.f32 $0xffff, v4;
	v31 =	vmul.f32 v22, v63;
	v32 =	vmul.f32 v24, v21  }
0x12e: {  	v35 =	vbroadcast v62, $0xF;
	s29 =	spop (v2sf);
	v36 =	vld [tilespmem:s31+$0xF10];
	s28 =	sadd.s32 s23, s25;
	v34 =	vnsel vm2, $0x0, v15  }
0x12f: {  	s25 =	sand.u32 $0x60, s29;
	v37 =	vld [tilespmem:s28+$0x8F00];
	v38, _, _ =	vpop (xrf2);
	v3 =	vadd.f32 v32, v31;
	v2 =	vadd.f32 v34, v2  }
0x130: {  	v10 =	vnsel vm3, $0x0, v35;
	s31 =	spop (v2sf);
	v39 =	vld [tilespmem:s28+$0x8F10];
	s30 =	sadd.s32 s23, s25;
	v8 =	vbroadcast v38, $0xF  }
0x131: {  	s25 =	sand.u32 $0x60, s31;
	v41 =	vld [tilespmem:s30+$0xF80];
	v5 =	vmul.f32 v28, v25;
	v40 =	vmul.f32 v30, v27;
	(xrf2) =	vadd.scan.msk.f32 $0xffff, v3;
	v2 =	vadd.f32 v10, v2  }
0x132: {  	v43 =	vbroadcast v60, $0xF;
	v44 =	vld [tilespmem:s30+$0xF90];
	s23 =	sadd.s32 s23, s25;
	v42 =	vnsel vm4, $0x0, v8  }
0x133: {  	v46 =	vld [tilespmem:s23+$0x8F80];
	v47, _, _ =	vpop (xrf2);
	v45 =	vadd.f32 v40, v5;
	v2 =	vadd.f32 v42, v2  }
0x134: {  	v48 =	vld [tilespmem:s23+$0x8F90];
	v8 =	vnsel vm5, $0x0, v43;
	v6 =	vbroadcast v47, $0xF  }
0x135: {  	v4 =	vmul.f32 v37, v33;
	v49 =	vmul.f32 v39, v36;
	(xrf2) =	vadd.scan.msk.f32 $0xffff, v45;
	v2 =	vadd.f32 v8, v2  }
0x136: {  	v51 =	vbroadcast v58, $0xF;
	v50 =	vnsel vm6, $0x0, v6  }
0x137: {  	v52 =	vadd.f32 v49, v4;
	v53, _, _ =	vpop (xrf2);
	v2 =	vadd.f32 v50, v2  }
0x138: {  	v6 =	vnsel vm7, $0x0, v51;
	v4 =	vbroadcast v53, $0xF  }
0x139: {  	v5 =	vmul.f32 v46, v41;
	v54 =	vmul.f32 v48, v44;
	(xrf2) =	vadd.scan.msk.f32 $0xffff, v52;
	v2 =	vadd.f32 v6, v2  }
0x13a: {  	v0 =	vbroadcast v56, $0xF;
	v55 =	vnsel vm8, $0x0, v4  }
0x13b: {  	v56 =	vadd.f32 v54, v5;
	v57, _, _ =	vpop (xrf2);
	v2 =	vadd.f32 v55, v2  }
0x13c: {  	v0 =	vnsel vm9, $0x0, v0;
	v4 =	vbroadcast v57, $0xF  }
0x13d: {  	(xrf2) =	vadd.scan.msk.f32 $0xffff, v56;
	v0 =	vadd.f32 v0, v2  }
0x13e: {  	v59 =	vbroadcast v11, $0xF;
	v58 =	vnsel vm10, $0x0, v4  }
0x13f: {  	v60, _, _ =	vpop (xrf2);
	v0 =	vadd.f32 v58, v0  }
0x140: {  	v3 =	vnsel vm11, $0x0, v59;
	v2 =	vbroadcast v60, $0xF  }
0x141: {  	v0 =	vadd.f32 v3, v0  }
0x142: {  	v1 =	vbroadcast v1, $0xF;
	v2 =	vnsel vm12, $0x0, v2  }
0x143: {  	v61, _, _ =	vpop (xrf2);
	v0 =	vadd.f32 v2, v0  }
0x144: {  	v1 =	vnsel vm13, $0x0, v1;
	v2 =	vbroadcast v61, $0xF  }
0x145: {  	v0 =	vadd.f32 v1, v0  }
0x146: {  	v62 =	vnsel vm14, $0x0, v2  }
.Ltmp2:
0x147: {  	v63, _, _ =	vpop (xrf2);
	v0 =	vadd.f32 v62, v0;
	(pc) =	sbr.rel @p0 .LBB2_4-.Ltmp2, $4  }
0x148: {  	v1 =	vsel vm15, $0x0, v63  }
0x149: {  	s22 =	sand.u32 $0x180, s22;
	v0 =	vadd.f32 v1, v0  }
0x14a: {  	s21 =	sor.u32 s21, s22  }
0x14b: {  	p1 =	por $0x0, $0x0;
	s23 =	simm.s32 $0x100;
	[tilespmem:s21+$0x10800] =	vst v0  }
0x14c: {  	s19 =	sadd.s32 $0x1, s19  }
0x14d: {  	p0 =	sne.s32 s19, s8  }
.Ltmp3:
0x14e: {  	_ = 	snop;
	(pc) =	sbr.rel @p0 .LBB2_1-.Ltmp3, $4  }
0x14f: {  	[hbm4b:s7+s1] =	stream.linear.scatter [tilespmem:s18], [sflag:$0x3], $0x200, $0x38;
	[tilespmem:$0x10A00] =	vst v63  }
0x150: {  	_ =	swait.ge [sflag:s9], $0x200  }
0x151: {  	[sflag:s9] =	ssyncset.done $0x0  }
0x152: {  	[sflag:s9] =	ssyncadd.s32 $0xFFFFFE00  }
0x153: {  	_ =	sfence.sel $0x180000  }
0x154: {  	[bflag:$0x0] =	sbarrier.arrive $0xFFFF  }
0x155: {  	p0 =	sne.s32 s2, $0x0;
	_ =	strace $0x90000047  }
0x156: {  	s0 =	sadd.s32 @!p0 $0x100000, s0;
	[bflag:$0x2] =	sbarrier.arrive $0xFFFF  }
0x157: {  	[sflag:s0] =	ssyncadd.tile.s32 @!p0 $0x1;
	_ =	shalt  }
.Lfunc_end2:
_tile_overlayer_lowered:
.L_overlay_start_2:
0x158: {  	(tag) =	ssettag $0x2  }
0x159: {  	s0 =	rddreg [dreg:$0x0];
	s2 =	stileid.u32  }
0x15a: {  	s1 =	rddreg [dreg:$0x1];
	p0 =	sne.s32 s2, $0x0  }
0x15b: {  	s3 =	rddreg [dreg:$0x2];
	[bflag:$0x3] =	sbarrier.arrive $0xFFFF;
	s2 =	simm.s32 @!p0 $0x1C03  }
0x15c: {  	[timem:s3], [sflag:s2] =	dma.local @!p0 [hbm:s0], s1  }
0x15d: {  	s0 =	simm.s32 @!p0 $0x3  }
0x15e: {  	_ =	swait.ge @!p0 [sflag:s0], s1  }
0x15f: {  	s1 =	ssub.s32 @!p0 $0x0, s1;
	[sflag:s0] =	ssyncset.done @!p0 $0x0  }
0x160: {  	[sflag:s0] =	ssyncadd.s32 @!p0 s1  }
0x161: {  	[bflag:$0x3] =	sbarrier.arrive $0xFFFF  }
0x162: {  	_ =	shalt  }

</sc_bundles>
